<compile_context>
chip_gen: v7x
topology: tpu7x:2x2x1
jax: 0.10.2.dev20260603
libtpu: 0.0.44.dev20260713+nightly
codegen_flags: <defaults>
</compile_context>

<pallas_src>
import dataclasses
import functools

import jax
import jax.numpy as jnp
from jax import lax
from jax.experimental import pallas as pl
from jax.experimental.pallas import tpu as pltpu
from jax.experimental.pallas import tpu_sc as plsc

_L = 16
_D = 128
_DW = 64
_CH = 80
_NSC = 32


def _normalize_body(z_ref, o_ref):
    x = z_ref[...]
    n = jnp.sqrt(jnp.sum(x * x, axis=1, keepdims=True))
    o_ref[...] = (x / jnp.maximum(n, 1e-12)).astype(jnp.bfloat16)


def _normalize_pack(z):
    zn16 = pl.pallas_call(
        _normalize_body,
        out_shape=jax.ShapeDtypeStruct(z.shape, jnp.bfloat16),
    )(z)
    pairs = zn16.reshape(z.shape[0], z.shape[1] // 2, 2)
    return lax.bitcast_convert_type(pairs, jnp.int32)


def _edge_dot(znw, src, dst):
    n_edges = src.shape[0]
    epw = n_edges // _NSC
    nch = epw // _CH
    mesh = plsc.VectorSubcoreMesh(core_axis_name="core",
                                  subcore_axis_name="subcore")
    cp = pltpu.CompilerParams()
    if "needs_layout_passes" in pltpu.CompilerParams.__dataclass_fields__:
        cp = dataclasses.replace(cp, needs_layout_passes=False)
    if "use_tc_tiling_on_sc" in pltpu.CompilerParams.__dataclass_fields__:
        cp = dataclasses.replace(cp, use_tc_tiling_on_sc=False)

    n_nodes = znw.shape[0]

    @functools.partial(
        pl.kernel,
        out_type=jax.ShapeDtypeStruct((n_edges,), jnp.float32),
        mesh=mesh,
        compiler_params=cp,
        scratch_types=[
            pltpu.VMEM_SHARED((n_nodes, _DW), jnp.int32),
            pltpu.VMEM((epw,), jnp.int32),
            pltpu.VMEM((epw,), jnp.int32),
            pltpu.VMEM((_CH, _DW), jnp.int32),
            pltpu.VMEM((_CH, _DW), jnp.int32),
            pltpu.VMEM((_CH, _DW), jnp.int32),
            pltpu.VMEM((_CH, _DW), jnp.int32),
            pltpu.VMEM((_CH, _DW), jnp.int32),
            pltpu.VMEM((_CH, _DW), jnp.int32),
            pltpu.VMEM((_CH, _DW), jnp.int32),
            pltpu.VMEM((_CH, _DW), jnp.int32),
            pltpu.VMEM((epw,), jnp.float32),
            pltpu.SemaphoreType.DMA,
            pltpu.SemaphoreType.DMA,
            pltpu.SemaphoreType.DMA,
            pltpu.SemaphoreType.DMA,
        ],
    )
    def k(zn_hbm, src_hbm, dst_hbm, out_hbm, table, sidx, didx,
          xb0, xb1, xb2, xb3, yb0, yb1, yb2, yb3, out_v,
          sem0, sem1, sem2, sem3):
        wid = lax.axis_index("subcore") * 2 + lax.axis_index("core")
        base = wid * epw

        @pl.when(lax.axis_index("subcore") == 0)
        def _():
            pltpu.sync_copy(zn_hbm, table)

        pltpu.sync_copy(src_hbm.at[pl.ds(base, epw)], sidx)
        pltpu.sync_copy(dst_hbm.at[pl.ds(base, epw)], didx)
        plsc.subcore_barrier()

        xbufs = (xb0, xb1, xb2, xb3)
        ybufs = (yb0, yb1, yb2, yb3)
        sems = (sem0, sem1, sem2, sem3)
        nbuf = 4

        def start(c, b):
            pltpu.async_copy(table.at[sidx.at[pl.ds(c * _CH, _CH)]],
                             xbufs[b], sems[b])
            pltpu.async_copy(table.at[didx.at[pl.ds(c * _CH, _CH)]],
                             ybufs[b], sems[b])

        def drain(b):
            dummy = zn_hbm.at[pl.ds(0, _CH)]
            pltpu.make_async_copy(dummy, xbufs[b], sems[b]).wait()
            pltpu.make_async_copy(dummy, ybufs[b], sems[b]).wait()

        lanes = lax.iota(jnp.int32, _L)

        lanes_x = [lax.bitwise_xor(lanes, k) for k in range(4)]

        def compute(c, b):
            xbuf, ybuf = xbufs[b], ybufs[b]
            for g in range(_CH // _L):
                rows = lanes + (g * _L)
                zero = jnp.zeros((_L,), jnp.float32)

                def col4(jj, carry):
                    acc_e, acc_o, jv = carry
                    psum = None
                    for k in range(4):
                        cols = lax.bitwise_xor(jv, lanes_x[k])
                        xw = plsc.load_gather(xbuf, [rows, cols])
                        yw = plsc.load_gather(ybuf, [rows, cols])
                        prod = (plsc.bitcast(xw, jnp.bfloat16) *
                                plsc.bitcast(yw, jnp.bfloat16))
                        psum = prod if psum is None else psum + prod
                    pe, po = plsc.unpack(
                        psum, format=plsc.PackFormat.INTERLEAVED)
                    return acc_e + pe, acc_o + po, jv + 4

                acc_e, acc_o, _ = lax.fori_loop(
                    0, _DW // 4, col4,
                    (zero, zero, jnp.zeros((_L,), jnp.int32)))
                acc = acc_e + acc_o
                s = 1.0 / (1.0 + jnp.exp(-acc))
                out_v[pl.ds(c * _CH + g * _L, _L)] = s

        for b in range(nbuf):
            start(b, b)

        nch_main = (nch // nbuf) * nbuf

        @pl.loop(0, nch_main, step=nbuf)
        def _(c0):
            for b in range(nbuf):
                c = c0 + b
                drain(b)
                compute(c, b)

                @pl.when(c + nbuf < nch)
                def _():
                    start(c + nbuf, b)

        for r in range(nch - nch_main):
            c = nch_main + r
            drain(c % nbuf)
            compute(c, c % nbuf)

        pltpu.sync_copy(out_v, out_hbm.at[pl.ds(base, epw)])

    return k(znw, src, dst)


def kernel(z, edge):
    znw = _normalize_pack(z)
    return _edge_dot(znw, edge[0], edge[1])

# --- scband reference (transcript-rebuilt; emitter-appended) ---
"""Pipeline reference for scband-dot-edge-decoder-79637283603150 (READ-ONLY COPY).

The authoritative reference and input builder live on the scoring server;
editing this copy changes nothing except your own understanding.
"""

import jax, jax.numpy as jnp
import numpy as np


def _l2_normalize(x, eps=1e-12):
    # Matches torch.nn.functional.normalize(p=2, dim=-1): x / max(||x||_2, eps)
    norm = jnp.sqrt(jnp.sum(x * x, axis=-1, keepdims=True))
    return x / jnp.maximum(norm, eps)


def setup_inputs(seed: int = 0) -> dict:
    key = jax.random.key(seed)
    k_z, k_e = jax.random.split(key)
    z = jax.random.normal(k_z, (10000, 128), dtype=jnp.float32)
    edge = jax.random.randint(k_e, (2, 320000), 0, 10000, dtype=jnp.int64 if jax.config.jax_enable_x64 else jnp.int32).astype(jnp.int32)
    return {"z": z, "edge": edge}


def reference(z, edge):
    # gather source / destination node embeddings (SparseCore-style gather)
    x = jnp.take(z, edge[0], axis=0)
    y = jnp.take(z, edge[1], axis=0)
    x = _l2_normalize(x)
    y = _l2_normalize(y)
    ret = jnp.sum(x * y, axis=-1)
    return jax.nn.sigmoid(ret)

if __name__ == "__main__":
    import jax
    _d = setup_inputs()
    print(jax.jit(kernel)(*tuple(_d.values())))

</pallas_src>

<mosaic_0001>
#map = affine_map<(d0, d1) -> (0, 0)>
#map1 = affine_map<(d0, d1) -> (0)>
module attributes {stable_mosaic.version = 14 : i64} {
  func.func @k(%arg0: i32, %arg1: i32, %arg2: memref<10000x64xi32, #tpu.memory_space<hbm>>, %arg3: memref<320000xi32, #tpu.memory_space<hbm>>, %arg4: memref<320000xi32, #tpu.memory_space<hbm>>, %arg5: memref<320000xf32, #tpu.memory_space<hbm>>, %arg6: memref<10000x64xi32, #tpu.memory_space<vmem_shared>>, %arg7: memref<10000xi32, #tpu.memory_space<vmem>>, %arg8: memref<10000xi32, #tpu.memory_space<vmem>>, %arg9: memref<80x64xi32, #tpu.memory_space<vmem>>, %arg10: memref<80x64xi32, #tpu.memory_space<vmem>>, %arg11: memref<80x64xi32, #tpu.memory_space<vmem>>, %arg12: memref<80x64xi32, #tpu.memory_space<vmem>>, %arg13: memref<80x64xi32, #tpu.memory_space<vmem>>, %arg14: memref<80x64xi32, #tpu.memory_space<vmem>>, %arg15: memref<80x64xi32, #tpu.memory_space<vmem>>, %arg16: memref<80x64xi32, #tpu.memory_space<vmem>>, %arg17: memref<10000xf32, #tpu.memory_space<vmem>>, %arg18: memref<!tpu.dma_semaphore, #tpu.memory_space<semaphore_mem>>, %arg19: memref<!tpu.dma_semaphore, #tpu.memory_space<semaphore_mem>>, %arg20: memref<!tpu.dma_semaphore, #tpu.memory_space<semaphore_mem>>, %arg21: memref<!tpu.dma_semaphore, #tpu.memory_space<semaphore_mem>>) attributes {dimension_semantics = [#tpu.dimension_semantics<core_parallel>, #tpu.dimension_semantics<subcore_parallel>], iteration_bounds = array<i64: 2, 16>, scalar_prefetch = 0 : i64, scratch_operands = 16 : i64, tpu.core_type = #tpu.core_type<sc_vector_subcore>, window_params = [{transform_indices = #map}, {transform_indices = #map1}, {transform_indices = #map1}, {transform_indices = #map1}]} {
    %mul3A = arith.constant 2 : i32
    %mul3A_0 = arith.muli %arg1, %mul3A : i32
    %add3A = arith.addi %mul3A_0, %arg0 : i32
    %mul3A_1 = arith.constant 10000 : i32
    %mul3A_2 = arith.muli %add3A, %mul3A_1 : i32
    %eq3A = arith.constant 0 : i32
    %eq3A_3 = arith.cmpi eq, %arg1, %eq3A : i32
    %convert_element_type3A = arith.extui %eq3A_3 : i1 to i32
    %cond3A = arith.constant 0 : i32
    %cond3A_4 = arith.cmpi ne, %convert_element_type3A, %cond3A : i32
    scf.if %cond3A_4 {
      "tpu.region"() ({
        %run_scoped3A = tpu.sem_alloc : memref<!tpu.dma_semaphore, #tpu.memory_space<semaphore_mem>>
        tpu.enqueue_dma source(%arg2 : memref<10000x64xi32, #tpu.memory_space<hbm>>) target(%arg6 : memref<10000x64xi32, #tpu.memory_space<vmem_shared>>) target_semaphore(%run_scoped3A : memref<!tpu.dma_semaphore, #tpu.memory_space<semaphore_mem>>)
        tpu.wait_dma2 semaphore(%run_scoped3A : memref<!tpu.dma_semaphore, #tpu.memory_space<semaphore_mem>>) src(%arg2 : memref<10000x64xi32, #tpu.memory_space<hbm>>) dst(%arg6 : memref<10000x64xi32, #tpu.memory_space<vmem_shared>>)
        tpu.yield
      }) : () -> ()
    } else {
    }
    "tpu.region"() ({
      %run_scoped3A = tpu.sem_alloc : memref<!tpu.dma_semaphore, #tpu.memory_space<semaphore_mem>>
      %dma_start3A_195 = tpu.memref_slice %arg3[%mul3A_2] : memref<320000xi32, #tpu.memory_space<hbm>> -> memref<10000xi32, #tpu.memory_space<hbm>>
      %dma_start3A_196 = tpu.memref_slice %arg3[%mul3A_2] : memref<320000xi32, #tpu.memory_space<hbm>> -> memref<10000xi32, #tpu.memory_space<hbm>>
      tpu.enqueue_dma source(%dma_start3A_196 : memref<10000xi32, #tpu.memory_space<hbm>>) target(%arg7 : memref<10000xi32, #tpu.memory_space<vmem>>) target_semaphore(%run_scoped3A : memref<!tpu.dma_semaphore, #tpu.memory_space<semaphore_mem>>)
      %dma_wait3A_197 = tpu.memref_slice %arg3[%mul3A_2] : memref<320000xi32, #tpu.memory_space<hbm>> -> memref<10000xi32, #tpu.memory_space<hbm>>
      %dma_wait3A_198 = tpu.memref_slice %arg3[%mul3A_2] : memref<320000xi32, #tpu.memory_space<hbm>> -> memref<10000xi32, #tpu.memory_space<hbm>>
      tpu.wait_dma2 semaphore(%run_scoped3A : memref<!tpu.dma_semaphore, #tpu.memory_space<semaphore_mem>>) src(%dma_wait3A_198 : memref<10000xi32, #tpu.memory_space<hbm>>) dst(%arg7 : memref<10000xi32, #tpu.memory_space<vmem>>)
      tpu.yield
    }) : () -> ()
    "tpu.region"() ({
      %run_scoped3A = tpu.sem_alloc : memref<!tpu.dma_semaphore, #tpu.memory_space<semaphore_mem>>
      %dma_start3A_195 = tpu.memref_slice %arg4[%mul3A_2] : memref<320000xi32, #tpu.memory_space<hbm>> -> memref<10000xi32, #tpu.memory_space<hbm>>
      %dma_start3A_196 = tpu.memref_slice %arg4[%mul3A_2] : memref<320000xi32, #tpu.memory_space<hbm>> -> memref<10000xi32, #tpu.memory_space<hbm>>
      tpu.enqueue_dma source(%dma_start3A_196 : memref<10000xi32, #tpu.memory_space<hbm>>) target(%arg8 : memref<10000xi32, #tpu.memory_space<vmem>>) target_semaphore(%run_scoped3A : memref<!tpu.dma_semaphore, #tpu.memory_space<semaphore_mem>>)
      %dma_wait3A_197 = tpu.memref_slice %arg4[%mul3A_2] : memref<320000xi32, #tpu.memory_space<hbm>> -> memref<10000xi32, #tpu.memory_space<hbm>>
      %dma_wait3A_198 = tpu.memref_slice %arg4[%mul3A_2] : memref<320000xi32, #tpu.memory_space<hbm>> -> memref<10000xi32, #tpu.memory_space<hbm>>
      tpu.wait_dma2 semaphore(%run_scoped3A : memref<!tpu.dma_semaphore, #tpu.memory_space<semaphore_mem>>) src(%dma_wait3A_198 : memref<10000xi32, #tpu.memory_space<hbm>>) dst(%arg8 : memref<10000xi32, #tpu.memory_space<vmem>>)
      tpu.yield
    }) : () -> ()
    %barrier3A = arith.constant 0 : index
    tpu.barrier barrier_id(%barrier3A)
    %iota3A = tpu.iota {dimensions = array<i32: 0>} : vector<16xi32>
    %xor3A = arith.constant 0 : i32
    %xor3A_5 = vector.broadcast %xor3A : i32 to vector<16xi32>
    %xor3A_6 = arith.xori %iota3A, %xor3A_5 : vector<16xi32>
    %xor3A_7 = arith.constant 1 : i32
    %xor3A_8 = vector.broadcast %xor3A_7 : i32 to vector<16xi32>
    %xor3A_9 = arith.xori %iota3A, %xor3A_8 : vector<16xi32>
    %xor3A_10 = arith.constant 2 : i32
    %xor3A_11 = vector.broadcast %xor3A_10 : i32 to vector<16xi32>
    %xor3A_12 = arith.xori %iota3A, %xor3A_11 : vector<16xi32>
    %xor3A_13 = arith.constant 3 : i32
    %xor3A_14 = vector.broadcast %xor3A_13 : i32 to vector<16xi32>
    %xor3A_15 = arith.xori %iota3A, %xor3A_14 : vector<16xi32>
    %dma_start3A = arith.constant 0 : i32
    %dma_start3A_16 = tpu.memref_slice %arg7[%dma_start3A] : memref<10000xi32, #tpu.memory_space<vmem>> -> memref<80xi32, #tpu.memory_space<vmem>>
    %dma_start3A_17 = arith.constant 0 : i32
    %dma_start3A_18 = arith.constant 0 : i32
    %dma_start3A_19 = tpu.memref_slice %arg6[%dma_start3A_17, %dma_start3A_18] : memref<10000x64xi32, #tpu.memory_space<vmem_shared>> -> memref<10000x64xi32, #tpu.memory_space<vmem_shared>>
    tpu.enqueue_indirect_dma source(%dma_start3A_19 : memref<10000x64xi32, #tpu.memory_space<vmem_shared>>) target(%arg9 : memref<80x64xi32, #tpu.memory_space<vmem>>) offsets(%dma_start3A_16 : memref<80xi32, #tpu.memory_space<vmem>>) semaphore(%arg18 : memref<!tpu.dma_semaphore, #tpu.memory_space<semaphore_mem>>)
    %dma_start3A_20 = arith.constant 0 : i32
    %dma_start3A_21 = tpu.memref_slice %arg8[%dma_start3A_20] : memref<10000xi32, #tpu.memory_space<vmem>> -> memref<80xi32, #tpu.memory_space<vmem>>
    %dma_start3A_22 = arith.constant 0 : i32
    %dma_start3A_23 = arith.constant 0 : i32
    %dma_start3A_24 = tpu.memref_slice %arg6[%dma_start3A_22, %dma_start3A_23] : memref<10000x64xi32, #tpu.memory_space<vmem_shared>> -> memref<10000x64xi32, #tpu.memory_space<vmem_shared>>
    tpu.enqueue_indirect_dma source(%dma_start3A_24 : memref<10000x64xi32, #tpu.memory_space<vmem_shared>>) target(%arg13 : memref<80x64xi32, #tpu.memory_space<vmem>>) offsets(%dma_start3A_21 : memref<80xi32, #tpu.memory_space<vmem>>) semaphore(%arg18 : memref<!tpu.dma_semaphore, #tpu.memory_space<semaphore_mem>>)
    %dma_start3A_25 = arith.constant 80 : i32
    %dma_start3A_26 = tpu.memref_slice %arg7[%dma_start3A_25] : memref<10000xi32, #tpu.memory_space<vmem>> -> memref<80xi32, #tpu.memory_space<vmem>>
    %dma_start3A_27 = arith.constant 0 : i32
    %dma_start3A_28 = arith.constant 0 : i32
    %dma_start3A_29 = tpu.memref_slice %arg6[%dma_start3A_27, %dma_start3A_28] : memref<10000x64xi32, #tpu.memory_space<vmem_shared>> -> memref<10000x64xi32, #tpu.memory_space<vmem_shared>>
    tpu.enqueue_indirect_dma source(%dma_start3A_29 : memref<10000x64xi32, #tpu.memory_space<vmem_shared>>) target(%arg10 : memref<80x64xi32, #tpu.memory_space<vmem>>) offsets(%dma_start3A_26 : memref<80xi32, #tpu.memory_space<vmem>>) semaphore(%arg19 : memref<!tpu.dma_semaphore, #tpu.memory_space<semaphore_mem>>)
    %dma_start3A_30 = arith.constant 80 : i32
    %dma_start3A_31 = tpu.memref_slice %arg8[%dma_start3A_30] : memref<10000xi32, #tpu.memory_space<vmem>> -> memref<80xi32, #tpu.memory_space<vmem>>
    %dma_start3A_32 = arith.constant 0 : i32
    %dma_start3A_33 = arith.constant 0 : i32
    %dma_start3A_34 = tpu.memref_slice %arg6[%dma_start3A_32, %dma_start3A_33] : memref<10000x64xi32, #tpu.memory_space<vmem_shared>> -> memref<10000x64xi32, #tpu.memory_space<vmem_shared>>
    tpu.enqueue_indirect_dma source(%dma_start3A_34 : memref<10000x64xi32, #tpu.memory_space<vmem_shared>>) target(%arg14 : memref<80x64xi32, #tpu.memory_space<vmem>>) offsets(%dma_start3A_31 : memref<80xi32, #tpu.memory_space<vmem>>) semaphore(%arg19 : memref<!tpu.dma_semaphore, #tpu.memory_space<semaphore_mem>>)
    %dma_start3A_35 = arith.constant 160 : i32
    %dma_start3A_36 = tpu.memref_slice %arg7[%dma_start3A_35] : memref<10000xi32, #tpu.memory_space<vmem>> -> memref<80xi32, #tpu.memory_space<vmem>>
    %dma_start3A_37 = arith.constant 0 : i32
    %dma_start3A_38 = arith.constant 0 : i32
    %dma_start3A_39 = tpu.memref_slice %arg6[%dma_start3A_37, %dma_start3A_38] : memref<10000x64xi32, #tpu.memory_space<vmem_shared>> -> memref<10000x64xi32, #tpu.memory_space<vmem_shared>>
    tpu.enqueue_indirect_dma source(%dma_start3A_39 : memref<10000x64xi32, #tpu.memory_space<vmem_shared>>) target(%arg11 : memref<80x64xi32, #tpu.memory_space<vmem>>) offsets(%dma_start3A_36 : memref<80xi32, #tpu.memory_space<vmem>>) semaphore(%arg20 : memref<!tpu.dma_semaphore, #tpu.memory_space<semaphore_mem>>)
    %dma_start3A_40 = arith.constant 160 : i32
    %dma_start3A_41 = tpu.memref_slice %arg8[%dma_start3A_40] : memref<10000xi32, #tpu.memory_space<vmem>> -> memref<80xi32, #tpu.memory_space<vmem>>
    %dma_start3A_42 = arith.constant 0 : i32
    %dma_start3A_43 = arith.constant 0 : i32
    %dma_start3A_44 = tpu.memref_slice %arg6[%dma_start3A_42, %dma_start3A_43] : memref<10000x64xi32, #tpu.memory_space<vmem_shared>> -> memref<10000x64xi32, #tpu.memory_space<vmem_shared>>
    tpu.enqueue_indirect_dma source(%dma_start3A_44 : memref<10000x64xi32, #tpu.memory_space<vmem_shared>>) target(%arg15 : memref<80x64xi32, #tpu.memory_space<vmem>>) offsets(%dma_start3A_41 : memref<80xi32, #tpu.memory_space<vmem>>) semaphore(%arg20 : memref<!tpu.dma_semaphore, #tpu.memory_space<semaphore_mem>>)
    %dma_start3A_45 = arith.constant 240 : i32
    %dma_start3A_46 = tpu.memref_slice %arg7[%dma_start3A_45] : memref<10000xi32, #tpu.memory_space<vmem>> -> memref<80xi32, #tpu.memory_space<vmem>>
    %dma_start3A_47 = arith.constant 0 : i32
    %dma_start3A_48 = arith.constant 0 : i32
    %dma_start3A_49 = tpu.memref_slice %arg6[%dma_start3A_47, %dma_start3A_48] : memref<10000x64xi32, #tpu.memory_space<vmem_shared>> -> memref<10000x64xi32, #tpu.memory_space<vmem_shared>>
    tpu.enqueue_indirect_dma source(%dma_start3A_49 : memref<10000x64xi32, #tpu.memory_space<vmem_shared>>) target(%arg12 : memref<80x64xi32, #tpu.memory_space<vmem>>) offsets(%dma_start3A_46 : memref<80xi32, #tpu.memory_space<vmem>>) semaphore(%arg21 : memref<!tpu.dma_semaphore, #tpu.memory_space<semaphore_mem>>)
    %dma_start3A_50 = arith.constant 240 : i32
    %dma_start3A_51 = tpu.memref_slice %arg8[%dma_start3A_50] : memref<10000xi32, #tpu.memory_space<vmem>> -> memref<80xi32, #tpu.memory_space<vmem>>
    %dma_start3A_52 = arith.constant 0 : i32
    %dma_start3A_53 = arith.constant 0 : i32
    %dma_start3A_54 = tpu.memref_slice %arg6[%dma_start3A_52, %dma_start3A_53] : memref<10000x64xi32, #tpu.memory_space<vmem_shared>> -> memref<10000x64xi32, #tpu.memory_space<vmem_shared>>
    tpu.enqueue_indirect_dma source(%dma_start3A_54 : memref<10000x64xi32, #tpu.memory_space<vmem_shared>>) target(%arg16 : memref<80x64xi32, #tpu.memory_space<vmem>>) offsets(%dma_start3A_51 : memref<80xi32, #tpu.memory_space<vmem>>) semaphore(%arg21 : memref<!tpu.dma_semaphore, #tpu.memory_space<semaphore_mem>>)
    %scan3A = arith.constant 0 : i32
    %scan3A_55 = arith.constant 31 : i32
    %scan3A_56 = arith.addi %scan3A, %scan3A_55 : i32
    %scan3A_57 = arith.constant 1 : i32
    scf.for %scan3A_195 = %scan3A to %scan3A_56 step %scan3A_57  : i32 {
      %mul3A_196 = arith.constant 4 : i32
      %mul3A_197 = arith.muli %scan3A_195, %mul3A_196 : i32
      %add3A_198 = arith.constant 0 : i32
      %add3A_199 = arith.addi %add3A_198, %mul3A_197 : i32
      %add3A_200 = arith.constant 0 : i32
      %add3A_201 = arith.addi %add3A_199, %add3A_200 : i32
      %dma_wait3A_202 = arith.constant 0 : i32
      %dma_wait3A_203 = arith.constant 0 : i32
      %dma_wait3A_204 = tpu.memref_slice %arg2[%dma_wait3A_202, %dma_wait3A_203] : memref<10000x64xi32, #tpu.memory_space<hbm>> -> memref<80x64xi32, #tpu.memory_space<hbm>>
      %dma_wait3A_205 = arith.constant 0 : i32
      %dma_wait3A_206 = arith.constant 0 : i32
      %dma_wait3A_207 = tpu.memref_slice %arg2[%dma_wait3A_205, %dma_wait3A_206] : memref<10000x64xi32, #tpu.memory_space<hbm>> -> memref<80x64xi32, #tpu.memory_space<hbm>>
      tpu.wait_dma2 semaphore(%arg18 : memref<!tpu.dma_semaphore, #tpu.memory_space<semaphore_mem>>) src(%dma_wait3A_207 : memref<80x64xi32, #tpu.memory_space<hbm>>) dst(%arg9 : memref<80x64xi32, #tpu.memory_space<vmem>>)
      %dma_wait3A_208 = arith.constant 0 : i32
      %dma_wait3A_209 = arith.constant 0 : i32
      %dma_wait3A_210 = tpu.memref_slice %arg2[%dma_wait3A_208, %dma_wait3A_209] : memref<10000x64xi32, #tpu.memory_space<hbm>> -> memref<80x64xi32, #tpu.memory_space<hbm>>
      %dma_wait3A_211 = arith.constant 0 : i32
      %dma_wait3A_212 = arith.constant 0 : i32
      %dma_wait3A_213 = tpu.memref_slice %arg2[%dma_wait3A_211, %dma_wait3A_212] : memref<10000x64xi32, #tpu.memory_space<hbm>> -> memref<80x64xi32, #tpu.memory_space<hbm>>
      tpu.wait_dma2 semaphore(%arg18 : memref<!tpu.dma_semaphore, #tpu.memory_space<semaphore_mem>>) src(%dma_wait3A_213 : memref<80x64xi32, #tpu.memory_space<hbm>>) dst(%arg13 : memref<80x64xi32, #tpu.memory_space<vmem>>)
      %add3A_214 = arith.constant 0 : i32
      %add3A_215 = vector.broadcast %add3A_214 : i32 to vector<16xi32>
      %add3A_216 = arith.addi %iota3A, %add3A_215 : vector<16xi32>
      %broadcast_in_dim3A_217 = arith.constant 0.000000e+00 : f32
      %broadcast_in_dim3A_218 = vector.broadcast %broadcast_in_dim3A_217 : f32 to vector<16xf32>
      %broadcast_in_dim3A_219 = arith.constant 0 : i32
      %broadcast_in_dim3A_220 = vector.broadcast %broadcast_in_dim3A_219 : i32 to vector<16xi32>
      %scan3A_221 = arith.constant 0 : i32
      %scan3A_222 = arith.constant 16 : i32
      %scan3A_223 = arith.addi %scan3A_221, %scan3A_222 : i32
      %scan3A_224 = arith.constant 1 : i32
      %scan3A_225:3 = scf.for %scan3A_883 = %scan3A_221 to %scan3A_223 step %scan3A_224 iter_args(%scan3A_884 = %broadcast_in_dim3A_218, %scan3A_885 = %broadcast_in_dim3A_218, %scan3A_886 = %broadcast_in_dim3A_220) -> (vector<16xf32>, vector<16xf32>, vector<16xi32>)  : i32 {
        %xor3A_887 = arith.xori %scan3A_886, %xor3A_6 : vector<16xi32>
        %gather3A = tpu.vector_load_idx %arg9[%add3A_216, %xor3A_887] : memref<80x64xi32, #tpu.memory_space<vmem>>[vector<16xi32>, vector<16xi32>], vector<16xi32>,
        %gather3A_888 = tpu.vector_load_idx %arg13[%add3A_216, %xor3A_887] : memref<80x64xi32, #tpu.memory_space<vmem>>[vector<16xi32>, vector<16xi32>], vector<16xi32>,
        %bitcast3A = vector.bitcast %gather3A : vector<16xi32> to vector<32xbf16>
        %bitcast3A_889 = vector.bitcast %gather3A_888 : vector<16xi32> to vector<32xbf16>
        %mul3A_890 = arith.mulf %bitcast3A, %bitcast3A_889 : vector<32xbf16>
        %xor3A_891 = arith.xori %scan3A_886, %xor3A_9 : vector<16xi32>
        %gather3A_892 = tpu.vector_load_idx %arg9[%add3A_216, %xor3A_891] : memref<80x64xi32, #tpu.memory_space<vmem>>[vector<16xi32>, vector<16xi32>], vector<16xi32>,
        %gather3A_893 = tpu.vector_load_idx %arg13[%add3A_216, %xor3A_891] : memref<80x64xi32, #tpu.memory_space<vmem>>[vector<16xi32>, vector<16xi32>], vector<16xi32>,
        %bitcast3A_894 = vector.bitcast %gather3A_892 : vector<16xi32> to vector<32xbf16>
        %bitcast3A_895 = vector.bitcast %gather3A_893 : vector<16xi32> to vector<32xbf16>
        %mul3A_896 = arith.mulf %bitcast3A_894, %bitcast3A_895 : vector<32xbf16>
        %add3A_897 = arith.addf %mul3A_890, %mul3A_896 : vector<32xbf16>
        %xor3A_898 = arith.xori %scan3A_886, %xor3A_12 : vector<16xi32>
        %gather3A_899 = tpu.vector_load_idx %arg9[%add3A_216, %xor3A_898] : memref<80x64xi32, #tpu.memory_space<vmem>>[vector<16xi32>, vector<16xi32>], vector<16xi32>,
        %gather3A_900 = tpu.vector_load_idx %arg13[%add3A_216, %xor3A_898] : memref<80x64xi32, #tpu.memory_space<vmem>>[vector<16xi32>, vector<16xi32>], vector<16xi32>,
        %bitcast3A_901 = vector.bitcast %gather3A_899 : vector<16xi32> to vector<32xbf16>
        %bitcast3A_902 = vector.bitcast %gather3A_900 : vector<16xi32> to vector<32xbf16>
        %mul3A_903 = arith.mulf %bitcast3A_901, %bitcast3A_902 : vector<32xbf16>
        %add3A_904 = arith.addf %add3A_897, %mul3A_903 : vector<32xbf16>
        %xor3A_905 = arith.xori %scan3A_886, %xor3A_15 : vector<16xi32>
        %gather3A_906 = tpu.vector_load_idx %arg9[%add3A_216, %xor3A_905] : memref<80x64xi32, #tpu.memory_space<vmem>>[vector<16xi32>, vector<16xi32>], vector<16xi32>,
        %gather3A_907 = tpu.vector_load_idx %arg13[%add3A_216, %xor3A_905] : memref<80x64xi32, #tpu.memory_space<vmem>>[vector<16xi32>, vector<16xi32>], vector<16xi32>,
        %bitcast3A_908 = vector.bitcast %gather3A_906 : vector<16xi32> to vector<32xbf16>
        %bitcast3A_909 = vector.bitcast %gather3A_907 : vector<16xi32> to vector<32xbf16>
        %mul3A_910 = arith.mulf %bitcast3A_908, %bitcast3A_909 : vector<32xbf16>
        %add3A_911 = arith.addf %add3A_904, %mul3A_910 : vector<32xbf16>
        %unpack3A = tpu.unpack_subelements %add3A_911, 0 {pack_format = #tpu.pack_format<interleaved>} : vector<32xbf16> -> vector<16xf32>
        %unpack3A_912 = tpu.unpack_subelements %add3A_911, 1 {pack_format = #tpu.pack_format<interleaved>} : vector<32xbf16> -> vector<16xf32>
        %add3A_913 = arith.addf %scan3A_884, %unpack3A : vector<16xf32>
        %add3A_914 = arith.addf %scan3A_885, %unpack3A_912 : vector<16xf32>
        %add3A_915 = arith.constant 4 : i32
        %add3A_916 = vector.broadcast %add3A_915 : i32 to vector<16xi32>
        %add3A_917 = arith.addi %scan3A_886, %add3A_916 : vector<16xi32>
        scf.yield %add3A_913, %add3A_914, %add3A_917 : vector<16xf32>, vector<16xf32>, vector<16xi32>
      }
      %scan3A_226 = arith.constant 16 : i32
      %add3A_227 = arith.addf %scan3A_225#0, %scan3A_225#1 : vector<16xf32>
      %neg3A_228 = arith.constant 0.000000e+00 : f32
      %neg3A_229 = vector.broadcast %neg3A_228 : f32 to vector<16xf32>
      %neg3A_230 = arith.subf %neg3A_229, %add3A_227 : vector<16xf32>
      %exp3A_231 = math.exp %neg3A_230 : vector<16xf32>
      %add3A_232 = arith.constant 1.000000e+00 : f32
      %add3A_233 = vector.broadcast %add3A_232 : f32 to vector<16xf32>
      %add3A_234 = arith.addf %add3A_233, %exp3A_231 : vector<16xf32>
      %div3A_235 = arith.constant 1.000000e+00 : f32
      %div3A_236 = vector.broadcast %div3A_235 : f32 to vector<16xf32>
      %div3A_237 = arith.divf %div3A_236, %add3A_234 : vector<16xf32>
      %mul3A_238 = arith.constant 80 : i32
      %mul3A_239 = arith.muli %add3A_201, %mul3A_238 : i32
      %add3A_240 = arith.constant 0 : i32
      %add3A_241 = arith.addi %mul3A_239, %add3A_240 : i32
      %swap3A_242 = arith.index_cast %add3A_241 : i32 to index
      %swap3A_243 = tpu.vector_load %arg17[%swap3A_242] {strides = array<i32>} : memref<10000xf32, #tpu.memory_space<vmem>>, vector<16xf32>,
      tpu.vector_store %arg17[%swap3A_242], %div3A_237 {strides = array<i32>} : memref<10000xf32, #tpu.memory_space<vmem>>, vector<16xf32>,
      %add3A_244 = arith.constant 16 : i32
      %add3A_245 = vector.broadcast %add3A_244 : i32 to vector<16xi32>
      %add3A_246 = arith.addi %iota3A, %add3A_245 : vector<16xi32>
      %broadcast_in_dim3A_247 = arith.constant 0.000000e+00 : f32
      %broadcast_in_dim3A_248 = vector.broadcast %broadcast_in_dim3A_247 : f32 to vector<16xf32>
      %broadcast_in_dim3A_249 = arith.constant 0 : i32
      %broadcast_in_dim3A_250 = vector.broadcast %broadcast_in_dim3A_249 : i32 to vector<16xi32>
      %scan3A_251 = arith.constant 0 : i32
      %scan3A_252 = arith.constant 16 : i32
      %scan3A_253 = arith.addi %scan3A_251, %scan3A_252 : i32
      %scan3A_254 = arith.constant 1 : i32
      %scan3A_255:3 = scf.for %scan3A_883 = %scan3A_251 to %scan3A_253 step %scan3A_254 iter_args(%scan3A_884 = %broadcast_in_dim3A_248, %scan3A_885 = %broadcast_in_dim3A_248, %scan3A_886 = %broadcast_in_dim3A_250) -> (vector<16xf32>, vector<16xf32>, vector<16xi32>)  : i32 {
        %xor3A_887 = arith.xori %scan3A_886, %xor3A_6 : vector<16xi32>
        %gather3A = tpu.vector_load_idx %arg9[%add3A_246, %xor3A_887] : memref<80x64xi32, #tpu.memory_space<vmem>>[vector<16xi32>, vector<16xi32>], vector<16xi32>,
        %gather3A_888 = tpu.vector_load_idx %arg13[%add3A_246, %xor3A_887] : memref<80x64xi32, #tpu.memory_space<vmem>>[vector<16xi32>, vector<16xi32>], vector<16xi32>,
        %bitcast3A = vector.bitcast %gather3A : vector<16xi32> to vector<32xbf16>
        %bitcast3A_889 = vector.bitcast %gather3A_888 : vector<16xi32> to vector<32xbf16>
        %mul3A_890 = arith.mulf %bitcast3A, %bitcast3A_889 : vector<32xbf16>
        %xor3A_891 = arith.xori %scan3A_886, %xor3A_9 : vector<16xi32>
        %gather3A_892 = tpu.vector_load_idx %arg9[%add3A_246, %xor3A_891] : memref<80x64xi32, #tpu.memory_space<vmem>>[vector<16xi32>, vector<16xi32>], vector<16xi32>,
        %gather3A_893 = tpu.vector_load_idx %arg13[%add3A_246, %xor3A_891] : memref<80x64xi32, #tpu.memory_space<vmem>>[vector<16xi32>, vector<16xi32>], vector<16xi32>,
        %bitcast3A_894 = vector.bitcast %gather3A_892 : vector<16xi32> to vector<32xbf16>
        %bitcast3A_895 = vector.bitcast %gather3A_893 : vector<16xi32> to vector<32xbf16>
        %mul3A_896 = arith.mulf %bitcast3A_894, %bitcast3A_895 : vector<32xbf16>
        %add3A_897 = arith.addf %mul3A_890, %mul3A_896 : vector<32xbf16>
        %xor3A_898 = arith.xori %scan3A_886, %xor3A_12 : vector<16xi32>
        %gather3A_899 = tpu.vector_load_idx %arg9[%add3A_246, %xor3A_898] : memref<80x64xi32, #tpu.memory_space<vmem>>[vector<16xi32>, vector<16xi32>], vector<16xi32>,
        %gather3A_900 = tpu.vector_load_idx %arg13[%add3A_246, %xor3A_898] : memref<80x64xi32, #tpu.memory_space<vmem>>[vector<16xi32>, vector<16xi32>], vector<16xi32>,
        %bitcast3A_901 = vector.bitcast %gather3A_899 : vector<16xi32> to vector<32xbf16>
        %bitcast3A_902 = vector.bitcast %gather3A_900 : vector<16xi32> to vector<32xbf16>
        %mul3A_903 = arith.mulf %bitcast3A_901, %bitcast3A_902 : vector<32xbf16>
        %add3A_904 = arith.addf %add3A_897, %mul3A_903 : vector<32xbf16>
        %xor3A_905 = arith.xori %scan3A_886, %xor3A_15 : vector<16xi32>
        %gather3A_906 = tpu.vector_load_idx %arg9[%add3A_246, %xor3A_905] : memref<80x64xi32, #tpu.memory_space<vmem>>[vector<16xi32>, vector<16xi32>], vector<16xi32>,
        %gather3A_907 = tpu.vector_load_idx %arg13[%add3A_246, %xor3A_905] : memref<80x64xi32, #tpu.memory_space<vmem>>[vector<16xi32>, vector<16xi32>], vector<16xi32>,
        %bitcast3A_908 = vector.bitcast %gather3A_906 : vector<16xi32> to vector<32xbf16>
        %bitcast3A_909 = vector.bitcast %gather3A_907 : vector<16xi32> to vector<32xbf16>
        %mul3A_910 = arith.mulf %bitcast3A_908, %bitcast3A_909 : vector<32xbf16>
        %add3A_911 = arith.addf %add3A_904, %mul3A_910 : vector<32xbf16>
        %unpack3A = tpu.unpack_subelements %add3A_911, 0 {pack_format = #tpu.pack_format<interleaved>} : vector<32xbf16> -> vector<16xf32>
        %unpack3A_912 = tpu.unpack_subelements %add3A_911, 1 {pack_format = #tpu.pack_format<interleaved>} : vector<32xbf16> -> vector<16xf32>
        %add3A_913 = arith.addf %scan3A_884, %unpack3A : vector<16xf32>
        %add3A_914 = arith.addf %scan3A_885, %unpack3A_912 : vector<16xf32>
        %add3A_915 = arith.constant 4 : i32
        %add3A_916 = vector.broadcast %add3A_915 : i32 to vector<16xi32>
        %add3A_917 = arith.addi %scan3A_886, %add3A_916 : vector<16xi32>
        scf.yield %add3A_913, %add3A_914, %add3A_917 : vector<16xf32>, vector<16xf32>, vector<16xi32>
      }
      %scan3A_256 = arith.constant 16 : i32
      %add3A_257 = arith.addf %scan3A_255#0, %scan3A_255#1 : vector<16xf32>
      %neg3A_258 = arith.constant 0.000000e+00 : f32
      %neg3A_259 = vector.broadcast %neg3A_258 : f32 to vector<16xf32>
      %neg3A_260 = arith.subf %neg3A_259, %add3A_257 : vector<16xf32>
      %exp3A_261 = math.exp %neg3A_260 : vector<16xf32>
      %add3A_262 = arith.constant 1.000000e+00 : f32
      %add3A_263 = vector.broadcast %add3A_262 : f32 to vector<16xf32>
      %add3A_264 = arith.addf %add3A_263, %exp3A_261 : vector<16xf32>
      %div3A_265 = arith.constant 1.000000e+00 : f32
      %div3A_266 = vector.broadcast %div3A_265 : f32 to vector<16xf32>
      %div3A_267 = arith.divf %div3A_266, %add3A_264 : vector<16xf32>
      %mul3A_268 = arith.constant 80 : i32
      %mul3A_269 = arith.muli %add3A_201, %mul3A_268 : i32
      %add3A_270 = arith.constant 16 : i32
      %add3A_271 = arith.addi %mul3A_269, %add3A_270 : i32
      %swap3A_272 = arith.index_cast %add3A_271 : i32 to index
      %swap3A_273 = tpu.vector_load %arg17[%swap3A_272] {strides = array<i32>} : memref<10000xf32, #tpu.memory_space<vmem>>, vector<16xf32>,
      tpu.vector_store %arg17[%swap3A_272], %div3A_267 {strides = array<i32>} : memref<10000xf32, #tpu.memory_space<vmem>>, vector<16xf32>,
      %add3A_274 = arith.constant 32 : i32
      %add3A_275 = vector.broadcast %add3A_274 : i32 to vector<16xi32>
      %add3A_276 = arith.addi %iota3A, %add3A_275 : vector<16xi32>
      %broadcast_in_dim3A_277 = arith.constant 0.000000e+00 : f32
      %broadcast_in_dim3A_278 = vector.broadcast %broadcast_in_dim3A_277 : f32 to vector<16xf32>
      %broadcast_in_dim3A_279 = arith.constant 0 : i32
      %broadcast_in_dim3A_280 = vector.broadcast %broadcast_in_dim3A_279 : i32 to vector<16xi32>
      %scan3A_281 = arith.constant 0 : i32
      %scan3A_282 = arith.constant 16 : i32
      %scan3A_283 = arith.addi %scan3A_281, %scan3A_282 : i32
      %scan3A_284 = arith.constant 1 : i32
      %scan3A_285:3 = scf.for %scan3A_883 = %scan3A_281 to %scan3A_283 step %scan3A_284 iter_args(%scan3A_884 = %broadcast_in_dim3A_278, %scan3A_885 = %broadcast_in_dim3A_278, %scan3A_886 = %broadcast_in_dim3A_280) -> (vector<16xf32>, vector<16xf32>, vector<16xi32>)  : i32 {
        %xor3A_887 = arith.xori %scan3A_886, %xor3A_6 : vector<16xi32>
        %gather3A = tpu.vector_load_idx %arg9[%add3A_276, %xor3A_887] : memref<80x64xi32, #tpu.memory_space<vmem>>[vector<16xi32>, vector<16xi32>], vector<16xi32>,
        %gather3A_888 = tpu.vector_load_idx %arg13[%add3A_276, %xor3A_887] : memref<80x64xi32, #tpu.memory_space<vmem>>[vector<16xi32>, vector<16xi32>], vector<16xi32>,
        %bitcast3A = vector.bitcast %gather3A : vector<16xi32> to vector<32xbf16>
        %bitcast3A_889 = vector.bitcast %gather3A_888 : vector<16xi32> to vector<32xbf16>
        %mul3A_890 = arith.mulf %bitcast3A, %bitcast3A_889 : vector<32xbf16>
        %xor3A_891 = arith.xori %scan3A_886, %xor3A_9 : vector<16xi32>
        %gather3A_892 = tpu.vector_load_idx %arg9[%add3A_276, %xor3A_891] : memref<80x64xi32, #tpu.memory_space<vmem>>[vector<16xi32>, vector<16xi32>], vector<16xi32>,
        %gather3A_893 = tpu.vector_load_idx %arg13[%add3A_276, %xor3A_891] : memref<80x64xi32, #tpu.memory_space<vmem>>[vector<16xi32>, vector<16xi32>], vector<16xi32>,
        %bitcast3A_894 = vector.bitcast %gather3A_892 : vector<16xi32> to vector<32xbf16>
        %bitcast3A_895 = vector.bitcast %gather3A_893 : vector<16xi32> to vector<32xbf16>
        %mul3A_896 = arith.mulf %bitcast3A_894, %bitcast3A_895 : vector<32xbf16>
        %add3A_897 = arith.addf %mul3A_890, %mul3A_896 : vector<32xbf16>
        %xor3A_898 = arith.xori %scan3A_886, %xor3A_12 : vector<16xi32>
        %gather3A_899 = tpu.vector_load_idx %arg9[%add3A_276, %xor3A_898] : memref<80x64xi32, #tpu.memory_space<vmem>>[vector<16xi32>, vector<16xi32>], vector<16xi32>,
        %gather3A_900 = tpu.vector_load_idx %arg13[%add3A_276, %xor3A_898] : memref<80x64xi32, #tpu.memory_space<vmem>>[vector<16xi32>, vector<16xi32>], vector<16xi32>,
        %bitcast3A_901 = vector.bitcast %gather3A_899 : vector<16xi32> to vector<32xbf16>
        %bitcast3A_902 = vector.bitcast %gather3A_900 : vector<16xi32> to vector<32xbf16>
        %mul3A_903 = arith.mulf %bitcast3A_901, %bitcast3A_902 : vector<32xbf16>
        %add3A_904 = arith.addf %add3A_897, %mul3A_903 : vector<32xbf16>
        %xor3A_905 = arith.xori %scan3A_886, %xor3A_15 : vector<16xi32>
        %gather3A_906 = tpu.vector_load_idx %arg9[%add3A_276, %xor3A_905] : memref<80x64xi32, #tpu.memory_space<vmem>>[vector<16xi32>, vector<16xi32>], vector<16xi32>,
        %gather3A_907 = tpu.vector_load_idx %arg13[%add3A_276, %xor3A_905] : memref<80x64xi32, #tpu.memory_space<vmem>>[vector<16xi32>, vector<16xi32>], vector<16xi32>,
        %bitcast3A_908 = vector.bitcast %gather3A_906 : vector<16xi32> to vector<32xbf16>
        %bitcast3A_909 = vector.bitcast %gather3A_907 : vector<16xi32> to vector<32xbf16>
        %mul3A_910 = arith.mulf %bitcast3A_908, %bitcast3A_909 : vector<32xbf16>
        %add3A_911 = arith.addf %add3A_904, %mul3A_910 : vector<32xbf16>
        %unpack3A = tpu.unpack_subelements %add3A_911, 0 {pack_format = #tpu.pack_format<interleaved>} : vector<32xbf16> -> vector<16xf32>
        %unpack3A_912 = tpu.unpack_subelements %add3A_911, 1 {pack_format = #tpu.pack_format<interleaved>} : vector<32xbf16> -> vector<16xf32>
        %add3A_913 = arith.addf %scan3A_884, %unpack3A : vector<16xf32>
        %add3A_914 = arith.addf %scan3A_885, %unpack3A_912 : vector<16xf32>
        %add3A_915 = arith.constant 4 : i32
        %add3A_916 = vector.broadcast %add3A_915 : i32 to vector<16xi32>
        %add3A_917 = arith.addi %scan3A_886, %add3A_916 : vector<16xi32>
        scf.yield %add3A_913, %add3A_914, %add3A_917 : vector<16xf32>, vector<16xf32>, vector<16xi32>
      }
      %scan3A_286 = arith.constant 16 : i32
      %add3A_287 = arith.addf %scan3A_285#0, %scan3A_285#1 : vector<16xf32>
      %neg3A_288 = arith.constant 0.000000e+00 : f32
      %neg3A_289 = vector.broadcast %neg3A_288 : f32 to vector<16xf32>
      %neg3A_290 = arith.subf %neg3A_289, %add3A_287 : vector<16xf32>
      %exp3A_291 = math.exp %neg3A_290 : vector<16xf32>
      %add3A_292 = arith.constant 1.000000e+00 : f32
      %add3A_293 = vector.broadcast %add3A_292 : f32 to vector<16xf32>
      %add3A_294 = arith.addf %add3A_293, %exp3A_291 : vector<16xf32>
      %div3A_295 = arith.constant 1.000000e+00 : f32
      %div3A_296 = vector.broadcast %div3A_295 : f32 to vector<16xf32>
      %div3A_297 = arith.divf %div3A_296, %add3A_294 : vector<16xf32>
      %mul3A_298 = arith.constant 80 : i32
      %mul3A_299 = arith.muli %add3A_201, %mul3A_298 : i32
      %add3A_300 = arith.constant 32 : i32
      %add3A_301 = arith.addi %mul3A_299, %add3A_300 : i32
      %swap3A_302 = arith.index_cast %add3A_301 : i32 to index
      %swap3A_303 = tpu.vector_load %arg17[%swap3A_302] {strides = array<i32>} : memref<10000xf32, #tpu.memory_space<vmem>>, vector<16xf32>,
      tpu.vector_store %arg17[%swap3A_302], %div3A_297 {strides = array<i32>} : memref<10000xf32, #tpu.memory_space<vmem>>, vector<16xf32>,
      %add3A_304 = arith.constant 48 : i32
      %add3A_305 = vector.broadcast %add3A_304 : i32 to vector<16xi32>
      %add3A_306 = arith.addi %iota3A, %add3A_305 : vector<16xi32>
      %broadcast_in_dim3A_307 = arith.constant 0.000000e+00 : f32
      %broadcast_in_dim3A_308 = vector.broadcast %broadcast_in_dim3A_307 : f32 to vector<16xf32>
      %broadcast_in_dim3A_309 = arith.constant 0 : i32
      %broadcast_in_dim3A_310 = vector.broadcast %broadcast_in_dim3A_309 : i32 to vector<16xi32>
      %scan3A_311 = arith.constant 0 : i32
      %scan3A_312 = arith.constant 16 : i32
      %scan3A_313 = arith.addi %scan3A_311, %scan3A_312 : i32
      %scan3A_314 = arith.constant 1 : i32
      %scan3A_315:3 = scf.for %scan3A_883 = %scan3A_311 to %scan3A_313 step %scan3A_314 iter_args(%scan3A_884 = %broadcast_in_dim3A_308, %scan3A_885 = %broadcast_in_dim3A_308, %scan3A_886 = %broadcast_in_dim3A_310) -> (vector<16xf32>, vector<16xf32>, vector<16xi32>)  : i32 {
        %xor3A_887 = arith.xori %scan3A_886, %xor3A_6 : vector<16xi32>
        %gather3A = tpu.vector_load_idx %arg9[%add3A_306, %xor3A_887] : memref<80x64xi32, #tpu.memory_space<vmem>>[vector<16xi32>, vector<16xi32>], vector<16xi32>,
        %gather3A_888 = tpu.vector_load_idx %arg13[%add3A_306, %xor3A_887] : memref<80x64xi32, #tpu.memory_space<vmem>>[vector<16xi32>, vector<16xi32>], vector<16xi32>,
        %bitcast3A = vector.bitcast %gather3A : vector<16xi32> to vector<32xbf16>
        %bitcast3A_889 = vector.bitcast %gather3A_888 : vector<16xi32> to vector<32xbf16>
        %mul3A_890 = arith.mulf %bitcast3A, %bitcast3A_889 : vector<32xbf16>
        %xor3A_891 = arith.xori %scan3A_886, %xor3A_9 : vector<16xi32>
        %gather3A_892 = tpu.vector_load_idx %arg9[%add3A_306, %xor3A_891] : memref<80x64xi32, #tpu.memory_space<vmem>>[vector<16xi32>, vector<16xi32>], vector<16xi32>,
        %gather3A_893 = tpu.vector_load_idx %arg13[%add3A_306, %xor3A_891] : memref<80x64xi32, #tpu.memory_space<vmem>>[vector<16xi32>, vector<16xi32>], vector<16xi32>,
        %bitcast3A_894 = vector.bitcast %gather3A_892 : vector<16xi32> to vector<32xbf16>
        %bitcast3A_895 = vector.bitcast %gather3A_893 : vector<16xi32> to vector<32xbf16>
        %mul3A_896 = arith.mulf %bitcast3A_894, %bitcast3A_895 : vector<32xbf16>
        %add3A_897 = arith.addf %mul3A_890, %mul3A_896 : vector<32xbf16>
        %xor3A_898 = arith.xori %scan3A_886, %xor3A_12 : vector<16xi32>
        %gather3A_899 = tpu.vector_load_idx %arg9[%add3A_306, %xor3A_898] : memref<80x64xi32, #tpu.memory_space<vmem>>[vector<16xi32>, vector<16xi32>], vector<16xi32>,
        %gather3A_900 = tpu.vector_load_idx %arg13[%add3A_306, %xor3A_898] : memref<80x64xi32, #tpu.memory_space<vmem>>[vector<16xi32>, vector<16xi32>], vector<16xi32>,
        %bitcast3A_901 = vector.bitcast %gather3A_899 : vector<16xi32> to vector<32xbf16>
        %bitcast3A_902 = vector.bitcast %gather3A_900 : vector<16xi32> to vector<32xbf16>
        %mul3A_903 = arith.mulf %bitcast3A_901, %bitcast3A_902 : vector<32xbf16>
        %add3A_904 = arith.addf %add3A_897, %mul3A_903 : vector<32xbf16>
        %xor3A_905 = arith.xori %scan3A_886, %xor3A_15 : vector<16xi32>
        %gather3A_906 = tpu.vector_load_idx %arg9[%add3A_306, %xor3A_905] : memref<80x64xi32, #tpu.memory_space<vmem>>[vector<16xi32>, vector<16xi32>], vector<16xi32>,
        %gather3A_907 = tpu.vector_load_idx %arg13[%add3A_306, %xor3A_905] : memref<80x64xi32, #tpu.memory_space<vmem>>[vector<16xi32>, vector<16xi32>], vector<16xi32>,
        %bitcast3A_908 = vector.bitcast %gather3A_906 : vector<16xi32> to vector<32xbf16>
        %bitcast3A_909 = vector.bitcast %gather3A_907 : vector<16xi32> to vector<32xbf16>
        %mul3A_910 = arith.mulf %bitcast3A_908, %bitcast3A_909 : vector<32xbf16>
        %add3A_911 = arith.addf %add3A_904, %mul3A_910 : vector<32xbf16>
        %unpack3A = tpu.unpack_subelements %add3A_911, 0 {pack_format = #tpu.pack_format<interleaved>} : vector<32xbf16> -> vector<16xf32>
        %unpack3A_912 = tpu.unpack_subelements %add3A_911, 1 {pack_format = #tpu.pack_format<interleaved>} : vector<32xbf16> -> vector<16xf32>
        %add3A_913 = arith.addf %scan3A_884, %unpack3A : vector<16xf32>
        %add3A_914 = arith.addf %scan3A_885, %unpack3A_912 : vector<16xf32>
        %add3A_915 = arith.constant 4 : i32
        %add3A_916 = vector.broadcast %add3A_915 : i32 to vector<16xi32>
        %add3A_917 = arith.addi %scan3A_886, %add3A_916 : vector<16xi32>
        scf.yield %add3A_913, %add3A_914, %add3A_917 : vector<16xf32>, vector<16xf32>, vector<16xi32>
      }
      %scan3A_316 = arith.constant 16 : i32
      %add3A_317 = arith.addf %scan3A_315#0, %scan3A_315#1 : vector<16xf32>
      %neg3A_318 = arith.constant 0.000000e+00 : f32
      %neg3A_319 = vector.broadcast %neg3A_318 : f32 to vector<16xf32>
      %neg3A_320 = arith.subf %neg3A_319, %add3A_317 : vector<16xf32>
      %exp3A_321 = math.exp %neg3A_320 : vector<16xf32>
      %add3A_322 = arith.constant 1.000000e+00 : f32
      %add3A_323 = vector.broadcast %add3A_322 : f32 to vector<16xf32>
      %add3A_324 = arith.addf %add3A_323, %exp3A_321 : vector<16xf32>
      %div3A_325 = arith.constant 1.000000e+00 : f32
      %div3A_326 = vector.broadcast %div3A_325 : f32 to vector<16xf32>
      %div3A_327 = arith.divf %div3A_326, %add3A_324 : vector<16xf32>
      %mul3A_328 = arith.constant 80 : i32
      %mul3A_329 = arith.muli %add3A_201, %mul3A_328 : i32
      %add3A_330 = arith.constant 48 : i32
      %add3A_331 = arith.addi %mul3A_329, %add3A_330 : i32
      %swap3A_332 = arith.index_cast %add3A_331 : i32 to index
      %swap3A_333 = tpu.vector_load %arg17[%swap3A_332] {strides = array<i32>} : memref<10000xf32, #tpu.memory_space<vmem>>, vector<16xf32>,
      tpu.vector_store %arg17[%swap3A_332], %div3A_327 {strides = array<i32>} : memref<10000xf32, #tpu.memory_space<vmem>>, vector<16xf32>,
      %add3A_334 = arith.constant 64 : i32
      %add3A_335 = vector.broadcast %add3A_334 : i32 to vector<16xi32>
      %add3A_336 = arith.addi %iota3A, %add3A_335 : vector<16xi32>
      %broadcast_in_dim3A_337 = arith.constant 0.000000e+00 : f32
      %broadcast_in_dim3A_338 = vector.broadcast %broadcast_in_dim3A_337 : f32 to vector<16xf32>
      %broadcast_in_dim3A_339 = arith.constant 0 : i32
      %broadcast_in_dim3A_340 = vector.broadcast %broadcast_in_dim3A_339 : i32 to vector<16xi32>
      %scan3A_341 = arith.constant 0 : i32
      %scan3A_342 = arith.constant 16 : i32
      %scan3A_343 = arith.addi %scan3A_341, %scan3A_342 : i32
      %scan3A_344 = arith.constant 1 : i32
      %scan3A_345:3 = scf.for %scan3A_883 = %scan3A_341 to %scan3A_343 step %scan3A_344 iter_args(%scan3A_884 = %broadcast_in_dim3A_338, %scan3A_885 = %broadcast_in_dim3A_338, %scan3A_886 = %broadcast_in_dim3A_340) -> (vector<16xf32>, vector<16xf32>, vector<16xi32>)  : i32 {
        %xor3A_887 = arith.xori %scan3A_886, %xor3A_6 : vector<16xi32>
        %gather3A = tpu.vector_load_idx %arg9[%add3A_336, %xor3A_887] : memref<80x64xi32, #tpu.memory_space<vmem>>[vector<16xi32>, vector<16xi32>], vector<16xi32>,
        %gather3A_888 = tpu.vector_load_idx %arg13[%add3A_336, %xor3A_887] : memref<80x64xi32, #tpu.memory_space<vmem>>[vector<16xi32>, vector<16xi32>], vector<16xi32>,
        %bitcast3A = vector.bitcast %gather3A : vector<16xi32> to vector<32xbf16>
        %bitcast3A_889 = vector.bitcast %gather3A_888 : vector<16xi32> to vector<32xbf16>
        %mul3A_890 = arith.mulf %bitcast3A, %bitcast3A_889 : vector<32xbf16>
        %xor3A_891 = arith.xori %scan3A_886, %xor3A_9 : vector<16xi32>
        %gather3A_892 = tpu.vector_load_idx %arg9[%add3A_336, %xor3A_891] : memref<80x64xi32, #tpu.memory_space<vmem>>[vector<16xi32>, vector<16xi32>], vector<16xi32>,
        %gather3A_893 = tpu.vector_load_idx %arg13[%add3A_336, %xor3A_891] : memref<80x64xi32, #tpu.memory_space<vmem>>[vector<16xi32>, vector<16xi32>], vector<16xi32>,
        %bitcast3A_894 = vector.bitcast %gather3A_892 : vector<16xi32> to vector<32xbf16>
        %bitcast3A_895 = vector.bitcast %gather3A_893 : vector<16xi32> to vector<32xbf16>
        %mul3A_896 = arith.mulf %bitcast3A_894, %bitcast3A_895 : vector<32xbf16>
        %add3A_897 = arith.addf %mul3A_890, %mul3A_896 : vector<32xbf16>
        %xor3A_898 = arith.xori %scan3A_886, %xor3A_12 : vector<16xi32>
        %gather3A_899 = tpu.vector_load_idx %arg9[%add3A_336, %xor3A_898] : memref<80x64xi32, #tpu.memory_space<vmem>>[vector<16xi32>, vector<16xi32>], vector<16xi32>,
        %gather3A_900 = tpu.vector_load_idx %arg13[%add3A_336, %xor3A_898] : memref<80x64xi32, #tpu.memory_space<vmem>>[vector<16xi32>, vector<16xi32>], vector<16xi32>,
        %bitcast3A_901 = vector.bitcast %gather3A_899 : vector<16xi32> to vector<32xbf16>
        %bitcast3A_902 = vector.bitcast %gather3A_900 : vector<16xi32> to vector<32xbf16>
        %mul3A_903 = arith.mulf %bitcast3A_901, %bitcast3A_902 : vector<32xbf16>
        %add3A_904 = arith.addf %add3A_897, %mul3A_903 : vector<32xbf16>
        %xor3A_905 = arith.xori %scan3A_886, %xor3A_15 : vector<16xi32>
        %gather3A_906 = tpu.vector_load_idx %arg9[%add3A_336, %xor3A_905] : memref<80x64xi32, #tpu.memory_space<vmem>>[vector<16xi32>, vector<16xi32>], vector<16xi32>,
        %gather3A_907 = tpu.vector_load_idx %arg13[%add3A_336, %xor3A_905] : memref<80x64xi32, #tpu.memory_space<vmem>>[vector<16xi32>, vector<16xi32>], vector<16xi32>,
        %bitcast3A_908 = vector.bitcast %gather3A_906 : vector<16xi32> to vector<32xbf16>
        %bitcast3A_909 = vector.bitcast %gather3A_907 : vector<16xi32> to vector<32xbf16>
        %mul3A_910 = arith.mulf %bitcast3A_908, %bitcast3A_909 : vector<32xbf16>
        %add3A_911 = arith.addf %add3A_904, %mul3A_910 : vector<32xbf16>
        %unpack3A = tpu.unpack_subelements %add3A_911, 0 {pack_format = #tpu.pack_format<interleaved>} : vector<32xbf16> -> vector<16xf32>
        %unpack3A_912 = tpu.unpack_subelements %add3A_911, 1 {pack_format = #tpu.pack_format<interleaved>} : vector<32xbf16> -> vector<16xf32>
        %add3A_913 = arith.addf %scan3A_884, %unpack3A : vector<16xf32>
        %add3A_914 = arith.addf %scan3A_885, %unpack3A_912 : vector<16xf32>
        %add3A_915 = arith.constant 4 : i32
        %add3A_916 = vector.broadcast %add3A_915 : i32 to vector<16xi32>
        %add3A_917 = arith.addi %scan3A_886, %add3A_916 : vector<16xi32>
        scf.yield %add3A_913, %add3A_914, %add3A_917 : vector<16xf32>, vector<16xf32>, vector<16xi32>
      }
      %scan3A_346 = arith.constant 16 : i32
      %add3A_347 = arith.addf %scan3A_345#0, %scan3A_345#1 : vector<16xf32>
      %neg3A_348 = arith.constant 0.000000e+00 : f32
      %neg3A_349 = vector.broadcast %neg3A_348 : f32 to vector<16xf32>
      %neg3A_350 = arith.subf %neg3A_349, %add3A_347 : vector<16xf32>
      %exp3A_351 = math.exp %neg3A_350 : vector<16xf32>
      %add3A_352 = arith.constant 1.000000e+00 : f32
      %add3A_353 = vector.broadcast %add3A_352 : f32 to vector<16xf32>
      %add3A_354 = arith.addf %add3A_353, %exp3A_351 : vector<16xf32>
      %div3A_355 = arith.constant 1.000000e+00 : f32
      %div3A_356 = vector.broadcast %div3A_355 : f32 to vector<16xf32>
      %div3A_357 = arith.divf %div3A_356, %add3A_354 : vector<16xf32>
      %mul3A_358 = arith.constant 80 : i32
      %mul3A_359 = arith.muli %add3A_201, %mul3A_358 : i32
      %add3A_360 = arith.constant 64 : i32
      %add3A_361 = arith.addi %mul3A_359, %add3A_360 : i32
      %swap3A_362 = arith.index_cast %add3A_361 : i32 to index
      %swap3A_363 = tpu.vector_load %arg17[%swap3A_362] {strides = array<i32>} : memref<10000xf32, #tpu.memory_space<vmem>>, vector<16xf32>,
      tpu.vector_store %arg17[%swap3A_362], %div3A_357 {strides = array<i32>} : memref<10000xf32, #tpu.memory_space<vmem>>, vector<16xf32>,
      %add3A_364 = arith.constant 4 : i32
      %add3A_365 = arith.addi %add3A_201, %add3A_364 : i32
      %lt3A = arith.constant 125 : i32
      %lt3A_366 = arith.cmpi slt, %add3A_365, %lt3A : i32
      %convert_element_type3A_367 = arith.extui %lt3A_366 : i1 to i32
      %cond3A_368 = arith.constant 0 : i32
      %cond3A_369 = arith.cmpi ne, %convert_element_type3A_367, %cond3A_368 : i32
      scf.if %cond3A_369 {
        %add3A_883 = arith.constant 4 : i32
        %add3A_884 = arith.addi %add3A_201, %add3A_883 : i32
        %mul3A_885 = arith.constant 80 : i32
        %mul3A_886 = arith.muli %add3A_884, %mul3A_885 : i32
        %dma_start3A_887 = tpu.memref_slice %arg7[%mul3A_886] : memref<10000xi32, #tpu.memory_space<vmem>> -> memref<80xi32, #tpu.memory_space<vmem>>
        %dma_start3A_888 = arith.constant 0 : i32
        %dma_start3A_889 = arith.constant 0 : i32
        %dma_start3A_890 = tpu.memref_slice %arg6[%dma_start3A_888, %dma_start3A_889] : memref<10000x64xi32, #tpu.memory_space<vmem_shared>> -> memref<10000x64xi32, #tpu.memory_space<vmem_shared>>
        tpu.enqueue_indirect_dma source(%dma_start3A_890 : memref<10000x64xi32, #tpu.memory_space<vmem_shared>>) target(%arg9 : memref<80x64xi32, #tpu.memory_space<vmem>>) offsets(%dma_start3A_887 : memref<80xi32, #tpu.memory_space<vmem>>) semaphore(%arg18 : memref<!tpu.dma_semaphore, #tpu.memory_space<semaphore_mem>>)
        %mul3A_891 = arith.constant 80 : i32
        %mul3A_892 = arith.muli %add3A_884, %mul3A_891 : i32
        %dma_start3A_893 = tpu.memref_slice %arg8[%mul3A_892] : memref<10000xi32, #tpu.memory_space<vmem>> -> memref<80xi32, #tpu.memory_space<vmem>>
        %dma_start3A_894 = arith.constant 0 : i32
        %dma_start3A_895 = arith.constant 0 : i32
        %dma_start3A_896 = tpu.memref_slice %arg6[%dma_start3A_894, %dma_start3A_895] : memref<10000x64xi32, #tpu.memory_space<vmem_shared>> -> memref<10000x64xi32, #tpu.memory_space<vmem_shared>>
        tpu.enqueue_indirect_dma source(%dma_start3A_896 : memref<10000x64xi32, #tpu.memory_space<vmem_shared>>) target(%arg13 : memref<80x64xi32, #tpu.memory_space<vmem>>) offsets(%dma_start3A_893 : memref<80xi32, #tpu.memory_space<vmem>>) semaphore(%arg18 : memref<!tpu.dma_semaphore, #tpu.memory_space<semaphore_mem>>)
      } else {
      }
      %add3A_370 = arith.constant 1 : i32
      %add3A_371 = arith.addi %add3A_199, %add3A_370 : i32
      %dma_wait3A_372 = arith.constant 0 : i32
      %dma_wait3A_373 = arith.constant 0 : i32
      %dma_wait3A_374 = tpu.memref_slice %arg2[%dma_wait3A_372, %dma_wait3A_373] : memref<10000x64xi32, #tpu.memory_space<hbm>> -> memref<80x64xi32, #tpu.memory_space<hbm>>
      %dma_wait3A_375 = arith.constant 0 : i32
      %dma_wait3A_376 = arith.constant 0 : i32
      %dma_wait3A_377 = tpu.memref_slice %arg2[%dma_wait3A_375, %dma_wait3A_376] : memref<10000x64xi32, #tpu.memory_space<hbm>> -> memref<80x64xi32, #tpu.memory_space<hbm>>
      tpu.wait_dma2 semaphore(%arg19 : memref<!tpu.dma_semaphore, #tpu.memory_space<semaphore_mem>>) src(%dma_wait3A_377 : memref<80x64xi32, #tpu.memory_space<hbm>>) dst(%arg10 : memref<80x64xi32, #tpu.memory_space<vmem>>)
      %dma_wait3A_378 = arith.constant 0 : i32
      %dma_wait3A_379 = arith.constant 0 : i32
      %dma_wait3A_380 = tpu.memref_slice %arg2[%dma_wait3A_378, %dma_wait3A_379] : memref<10000x64xi32, #tpu.memory_space<hbm>> -> memref<80x64xi32, #tpu.memory_space<hbm>>
      %dma_wait3A_381 = arith.constant 0 : i32
      %dma_wait3A_382 = arith.constant 0 : i32
      %dma_wait3A_383 = tpu.memref_slice %arg2[%dma_wait3A_381, %dma_wait3A_382] : memref<10000x64xi32, #tpu.memory_space<hbm>> -> memref<80x64xi32, #tpu.memory_space<hbm>>
      tpu.wait_dma2 semaphore(%arg19 : memref<!tpu.dma_semaphore, #tpu.memory_space<semaphore_mem>>) src(%dma_wait3A_383 : memref<80x64xi32, #tpu.memory_space<hbm>>) dst(%arg14 : memref<80x64xi32, #tpu.memory_space<vmem>>)
      %add3A_384 = arith.constant 0 : i32
      %add3A_385 = vector.broadcast %add3A_384 : i32 to vector<16xi32>
      %add3A_386 = arith.addi %iota3A, %add3A_385 : vector<16xi32>
      %broadcast_in_dim3A_387 = arith.constant 0.000000e+00 : f32
      %broadcast_in_dim3A_388 = vector.broadcast %broadcast_in_dim3A_387 : f32 to vector<16xf32>
      %broadcast_in_dim3A_389 = arith.constant 0 : i32
      %broadcast_in_dim3A_390 = vector.broadcast %broadcast_in_dim3A_389 : i32 to vector<16xi32>
      %scan3A_391 = arith.constant 0 : i32
      %scan3A_392 = arith.constant 16 : i32
      %scan3A_393 = arith.addi %scan3A_391, %scan3A_392 : i32
      %scan3A_394 = arith.constant 1 : i32
      %scan3A_395:3 = scf.for %scan3A_883 = %scan3A_391 to %scan3A_393 step %scan3A_394 iter_args(%scan3A_884 = %broadcast_in_dim3A_388, %scan3A_885 = %broadcast_in_dim3A_388, %scan3A_886 = %broadcast_in_dim3A_390) -> (vector<16xf32>, vector<16xf32>, vector<16xi32>)  : i32 {
        %xor3A_887 = arith.xori %scan3A_886, %xor3A_6 : vector<16xi32>
        %gather3A = tpu.vector_load_idx %arg10[%add3A_386, %xor3A_887] : memref<80x64xi32, #tpu.memory_space<vmem>>[vector<16xi32>, vector<16xi32>], vector<16xi32>,
        %gather3A_888 = tpu.vector_load_idx %arg14[%add3A_386, %xor3A_887] : memref<80x64xi32, #tpu.memory_space<vmem>>[vector<16xi32>, vector<16xi32>], vector<16xi32>,
        %bitcast3A = vector.bitcast %gather3A : vector<16xi32> to vector<32xbf16>
        %bitcast3A_889 = vector.bitcast %gather3A_888 : vector<16xi32> to vector<32xbf16>
        %mul3A_890 = arith.mulf %bitcast3A, %bitcast3A_889 : vector<32xbf16>
        %xor3A_891 = arith.xori %scan3A_886, %xor3A_9 : vector<16xi32>
        %gather3A_892 = tpu.vector_load_idx %arg10[%add3A_386, %xor3A_891] : memref<80x64xi32, #tpu.memory_space<vmem>>[vector<16xi32>, vector<16xi32>], vector<16xi32>,
        %gather3A_893 = tpu.vector_load_idx %arg14[%add3A_386, %xor3A_891] : memref<80x64xi32, #tpu.memory_space<vmem>>[vector<16xi32>, vector<16xi32>], vector<16xi32>,
        %bitcast3A_894 = vector.bitcast %gather3A_892 : vector<16xi32> to vector<32xbf16>
        %bitcast3A_895 = vector.bitcast %gather3A_893 : vector<16xi32> to vector<32xbf16>
        %mul3A_896 = arith.mulf %bitcast3A_894, %bitcast3A_895 : vector<32xbf16>
        %add3A_897 = arith.addf %mul3A_890, %mul3A_896 : vector<32xbf16>
        %xor3A_898 = arith.xori %scan3A_886, %xor3A_12 : vector<16xi32>
        %gather3A_899 = tpu.vector_load_idx %arg10[%add3A_386, %xor3A_898] : memref<80x64xi32, #tpu.memory_space<vmem>>[vector<16xi32>, vector<16xi32>], vector<16xi32>,
        %gather3A_900 = tpu.vector_load_idx %arg14[%add3A_386, %xor3A_898] : memref<80x64xi32, #tpu.memory_space<vmem>>[vector<16xi32>, vector<16xi32>], vector<16xi32>,
        %bitcast3A_901 = vector.bitcast %gather3A_899 : vector<16xi32> to vector<32xbf16>
        %bitcast3A_902 = vector.bitcast %gather3A_900 : vector<16xi32> to vector<32xbf16>
        %mul3A_903 = arith.mulf %bitcast3A_901, %bitcast3A_902 : vector<32xbf16>
        %add3A_904 = arith.addf %add3A_897, %mul3A_903 : vector<32xbf16>
        %xor3A_905 = arith.xori %scan3A_886, %xor3A_15 : vector<16xi32>
        %gather3A_906 = tpu.vector_load_idx %arg10[%add3A_386, %xor3A_905] : memref<80x64xi32, #tpu.memory_space<vmem>>[vector<16xi32>, vector<16xi32>], vector<16xi32>,
        %gather3A_907 = tpu.vector_load_idx %arg14[%add3A_386, %xor3A_905] : memref<80x64xi32, #tpu.memory_space<vmem>>[vector<16xi32>, vector<16xi32>], vector<16xi32>,
        %bitcast3A_908 = vector.bitcast %gather3A_906 : vector<16xi32> to vector<32xbf16>
        %bitcast3A_909 = vector.bitcast %gather3A_907 : vector<16xi32> to vector<32xbf16>
        %mul3A_910 = arith.mulf %bitcast3A_908, %bitcast3A_909 : vector<32xbf16>
        %add3A_911 = arith.addf %add3A_904, %mul3A_910 : vector<32xbf16>
        %unpack3A = tpu.unpack_subelements %add3A_911, 0 {pack_format = #tpu.pack_format<interleaved>} : vector<32xbf16> -> vector<16xf32>
        %unpack3A_912 = tpu.unpack_subelements %add3A_911, 1 {pack_format = #tpu.pack_format<interleaved>} : vector<32xbf16> -> vector<16xf32>
        %add3A_913 = arith.addf %scan3A_884, %unpack3A : vector<16xf32>
        %add3A_914 = arith.addf %scan3A_885, %unpack3A_912 : vector<16xf32>
        %add3A_915 = arith.constant 4 : i32
        %add3A_916 = vector.broadcast %add3A_915 : i32 to vector<16xi32>
        %add3A_917 = arith.addi %scan3A_886, %add3A_916 : vector<16xi32>
        scf.yield %add3A_913, %add3A_914, %add3A_917 : vector<16xf32>, vector<16xf32>, vector<16xi32>
      }
      %scan3A_396 = arith.constant 16 : i32
      %add3A_397 = arith.addf %scan3A_395#0, %scan3A_395#1 : vector<16xf32>
      %neg3A_398 = arith.constant 0.000000e+00 : f32
      %neg3A_399 = vector.broadcast %neg3A_398 : f32 to vector<16xf32>
      %neg3A_400 = arith.subf %neg3A_399, %add3A_397 : vector<16xf32>
      %exp3A_401 = math.exp %neg3A_400 : vector<16xf32>
      %add3A_402 = arith.constant 1.000000e+00 : f32
      %add3A_403 = vector.broadcast %add3A_402 : f32 to vector<16xf32>
      %add3A_404 = arith.addf %add3A_403, %exp3A_401 : vector<16xf32>
      %div3A_405 = arith.constant 1.000000e+00 : f32
      %div3A_406 = vector.broadcast %div3A_405 : f32 to vector<16xf32>
      %div3A_407 = arith.divf %div3A_406, %add3A_404 : vector<16xf32>
      %mul3A_408 = arith.constant 80 : i32
      %mul3A_409 = arith.muli %add3A_371, %mul3A_408 : i32
      %add3A_410 = arith.constant 0 : i32
      %add3A_411 = arith.addi %mul3A_409, %add3A_410 : i32
      %swap3A_412 = arith.index_cast %add3A_411 : i32 to index
      %swap3A_413 = tpu.vector_load %arg17[%swap3A_412] {strides = array<i32>} : memref<10000xf32, #tpu.memory_space<vmem>>, vector<16xf32>,
      tpu.vector_store %arg17[%swap3A_412], %div3A_407 {strides = array<i32>} : memref<10000xf32, #tpu.memory_space<vmem>>, vector<16xf32>,
      %add3A_414 = arith.constant 16 : i32
      %add3A_415 = vector.broadcast %add3A_414 : i32 to vector<16xi32>
      %add3A_416 = arith.addi %iota3A, %add3A_415 : vector<16xi32>
      %broadcast_in_dim3A_417 = arith.constant 0.000000e+00 : f32
      %broadcast_in_dim3A_418 = vector.broadcast %broadcast_in_dim3A_417 : f32 to vector<16xf32>
      %broadcast_in_dim3A_419 = arith.constant 0 : i32
      %broadcast_in_dim3A_420 = vector.broadcast %broadcast_in_dim3A_419 : i32 to vector<16xi32>
      %scan3A_421 = arith.constant 0 : i32
      %scan3A_422 = arith.constant 16 : i32
      %scan3A_423 = arith.addi %scan3A_421, %scan3A_422 : i32
      %scan3A_424 = arith.constant 1 : i32
      %scan3A_425:3 = scf.for %scan3A_883 = %scan3A_421 to %scan3A_423 step %scan3A_424 iter_args(%scan3A_884 = %broadcast_in_dim3A_418, %scan3A_885 = %broadcast_in_dim3A_418, %scan3A_886 = %broadcast_in_dim3A_420) -> (vector<16xf32>, vector<16xf32>, vector<16xi32>)  : i32 {
        %xor3A_887 = arith.xori %scan3A_886, %xor3A_6 : vector<16xi32>
        %gather3A = tpu.vector_load_idx %arg10[%add3A_416, %xor3A_887] : memref<80x64xi32, #tpu.memory_space<vmem>>[vector<16xi32>, vector<16xi32>], vector<16xi32>,
        %gather3A_888 = tpu.vector_load_idx %arg14[%add3A_416, %xor3A_887] : memref<80x64xi32, #tpu.memory_space<vmem>>[vector<16xi32>, vector<16xi32>], vector<16xi32>,
        %bitcast3A = vector.bitcast %gather3A : vector<16xi32> to vector<32xbf16>
        %bitcast3A_889 = vector.bitcast %gather3A_888 : vector<16xi32> to vector<32xbf16>
        %mul3A_890 = arith.mulf %bitcast3A, %bitcast3A_889 : vector<32xbf16>
        %xor3A_891 = arith.xori %scan3A_886, %xor3A_9 : vector<16xi32>
        %gather3A_892 = tpu.vector_load_idx %arg10[%add3A_416, %xor3A_891] : memref<80x64xi32, #tpu.memory_space<vmem>>[vector<16xi32>, vector<16xi32>], vector<16xi32>,
        %gather3A_893 = tpu.vector_load_idx %arg14[%add3A_416, %xor3A_891] : memref<80x64xi32, #tpu.memory_space<vmem>>[vector<16xi32>, vector<16xi32>], vector<16xi32>,
        %bitcast3A_894 = vector.bitcast %gather3A_892 : vector<16xi32> to vector<32xbf16>
        %bitcast3A_895 = vector.bitcast %gather3A_893 : vector<16xi32> to vector<32xbf16>
        %mul3A_896 = arith.mulf %bitcast3A_894, %bitcast3A_895 : vector<32xbf16>
        %add3A_897 = arith.addf %mul3A_890, %mul3A_896 : vector<32xbf16>
        %xor3A_898 = arith.xori %scan3A_886, %xor3A_12 : vector<16xi32>
        %gather3A_899 = tpu.vector_load_idx %arg10[%add3A_416, %xor3A_898] : memref<80x64xi32, #tpu.memory_space<vmem>>[vector<16xi32>, vector<16xi32>], vector<16xi32>,
        %gather3A_900 = tpu.vector_load_idx %arg14[%add3A_416, %xor3A_898] : memref<80x64xi32, #tpu.memory_space<vmem>>[vector<16xi32>, vector<16xi32>], vector<16xi32>,
        %bitcast3A_901 = vector.bitcast %gather3A_899 : vector<16xi32> to vector<32xbf16>
        %bitcast3A_902 = vector.bitcast %gather3A_900 : vector<16xi32> to vector<32xbf16>
        %mul3A_903 = arith.mulf %bitcast3A_901, %bitcast3A_902 : vector<32xbf16>
        %add3A_904 = arith.addf %add3A_897, %mul3A_903 : vector<32xbf16>
        %xor3A_905 = arith.xori %scan3A_886, %xor3A_15 : vector<16xi32>
        %gather3A_906 = tpu.vector_load_idx %arg10[%add3A_416, %xor3A_905] : memref<80x64xi32, #tpu.memory_space<vmem>>[vector<16xi32>, vector<16xi32>], vector<16xi32>,
        %gather3A_907 = tpu.vector_load_idx %arg14[%add3A_416, %xor3A_905] : memref<80x64xi32, #tpu.memory_space<vmem>>[vector<16xi32>, vector<16xi32>], vector<16xi32>,
        %bitcast3A_908 = vector.bitcast %gather3A_906 : vector<16xi32> to vector<32xbf16>
        %bitcast3A_909 = vector.bitcast %gather3A_907 : vector<16xi32> to vector<32xbf16>
        %mul3A_910 = arith.mulf %bitcast3A_908, %bitcast3A_909 : vector<32xbf16>
        %add3A_911 = arith.addf %add3A_904, %mul3A_910 : vector<32xbf16>
        %unpack3A = tpu.unpack_subelements %add3A_911, 0 {pack_format = #tpu.pack_format<interleaved>} : vector<32xbf16> -> vector<16xf32>
        %unpack3A_912 = tpu.unpack_subelements %add3A_911, 1 {pack_format = #tpu.pack_format<interleaved>} : vector<32xbf16> -> vector<16xf32>
        %add3A_913 = arith.addf %scan3A_884, %unpack3A : vector<16xf32>
        %add3A_914 = arith.addf %scan3A_885, %unpack3A_912 : vector<16xf32>
        %add3A_915 = arith.constant 4 : i32
        %add3A_916 = vector.broadcast %add3A_915 : i32 to vector<16xi32>
        %add3A_917 = arith.addi %scan3A_886, %add3A_916 : vector<16xi32>
        scf.yield %add3A_913, %add3A_914, %add3A_917 : vector<16xf32>, vector<16xf32>, vector<16xi32>
      }
      %scan3A_426 = arith.constant 16 : i32
      %add3A_427 = arith.addf %scan3A_425#0, %scan3A_425#1 : vector<16xf32>
      %neg3A_428 = arith.constant 0.000000e+00 : f32
      %neg3A_429 = vector.broadcast %neg3A_428 : f32 to vector<16xf32>
      %neg3A_430 = arith.subf %neg3A_429, %add3A_427 : vector<16xf32>
      %exp3A_431 = math.exp %neg3A_430 : vector<16xf32>
      %add3A_432 = arith.constant 1.000000e+00 : f32
      %add3A_433 = vector.broadcast %add3A_432 : f32 to vector<16xf32>
      %add3A_434 = arith.addf %add3A_433, %exp3A_431 : vector<16xf32>
      %div3A_435 = arith.constant 1.000000e+00 : f32
      %div3A_436 = vector.broadcast %div3A_435 : f32 to vector<16xf32>
      %div3A_437 = arith.divf %div3A_436, %add3A_434 : vector<16xf32>
      %mul3A_438 = arith.constant 80 : i32
      %mul3A_439 = arith.muli %add3A_371, %mul3A_438 : i32
      %add3A_440 = arith.constant 16 : i32
      %add3A_441 = arith.addi %mul3A_439, %add3A_440 : i32
      %swap3A_442 = arith.index_cast %add3A_441 : i32 to index
      %swap3A_443 = tpu.vector_load %arg17[%swap3A_442] {strides = array<i32>} : memref<10000xf32, #tpu.memory_space<vmem>>, vector<16xf32>,
      tpu.vector_store %arg17[%swap3A_442], %div3A_437 {strides = array<i32>} : memref<10000xf32, #tpu.memory_space<vmem>>, vector<16xf32>,
      %add3A_444 = arith.constant 32 : i32
      %add3A_445 = vector.broadcast %add3A_444 : i32 to vector<16xi32>
      %add3A_446 = arith.addi %iota3A, %add3A_445 : vector<16xi32>
      %broadcast_in_dim3A_447 = arith.constant 0.000000e+00 : f32
      %broadcast_in_dim3A_448 = vector.broadcast %broadcast_in_dim3A_447 : f32 to vector<16xf32>
      %broadcast_in_dim3A_449 = arith.constant 0 : i32
      %broadcast_in_dim3A_450 = vector.broadcast %broadcast_in_dim3A_449 : i32 to vector<16xi32>
      %scan3A_451 = arith.constant 0 : i32
      %scan3A_452 = arith.constant 16 : i32
      %scan3A_453 = arith.addi %scan3A_451, %scan3A_452 : i32
      %scan3A_454 = arith.constant 1 : i32
      %scan3A_455:3 = scf.for %scan3A_883 = %scan3A_451 to %scan3A_453 step %scan3A_454 iter_args(%scan3A_884 = %broadcast_in_dim3A_448, %scan3A_885 = %broadcast_in_dim3A_448, %scan3A_886 = %broadcast_in_dim3A_450) -> (vector<16xf32>, vector<16xf32>, vector<16xi32>)  : i32 {
        %xor3A_887 = arith.xori %scan3A_886, %xor3A_6 : vector<16xi32>
        %gather3A = tpu.vector_load_idx %arg10[%add3A_446, %xor3A_887] : memref<80x64xi32, #tpu.memory_space<vmem>>[vector<16xi32>, vector<16xi32>], vector<16xi32>,
        %gather3A_888 = tpu.vector_load_idx %arg14[%add3A_446, %xor3A_887] : memref<80x64xi32, #tpu.memory_space<vmem>>[vector<16xi32>, vector<16xi32>], vector<16xi32>,
        %bitcast3A = vector.bitcast %gather3A : vector<16xi32> to vector<32xbf16>
        %bitcast3A_889 = vector.bitcast %gather3A_888 : vector<16xi32> to vector<32xbf16>
        %mul3A_890 = arith.mulf %bitcast3A, %bitcast3A_889 : vector<32xbf16>
        %xor3A_891 = arith.xori %scan3A_886, %xor3A_9 : vector<16xi32>
        %gather3A_892 = tpu.vector_load_idx %arg10[%add3A_446, %xor3A_891] : memref<80x64xi32, #tpu.memory_space<vmem>>[vector<16xi32>, vector<16xi32>], vector<16xi32>,
        %gather3A_893 = tpu.vector_load_idx %arg14[%add3A_446, %xor3A_891] : memref<80x64xi32, #tpu.memory_space<vmem>>[vector<16xi32>, vector<16xi32>], vector<16xi32>,
        %bitcast3A_894 = vector.bitcast %gather3A_892 : vector<16xi32> to vector<32xbf16>
        %bitcast3A_895 = vector.bitcast %gather3A_893 : vector<16xi32> to vector<32xbf16>
        %mul3A_896 = arith.mulf %bitcast3A_894, %bitcast3A_895 : vector<32xbf16>
        %add3A_897 = arith.addf %mul3A_890, %mul3A_896 : vector<32xbf16>
        %xor3A_898 = arith.xori %scan3A_886, %xor3A_12 : vector<16xi32>
        %gather3A_899 = tpu.vector_load_idx %arg10[%add3A_446, %xor3A_898] : memref<80x64xi32, #tpu.memory_space<vmem>>[vector<16xi32>, vector<16xi32>], vector<16xi32>,
        %gather3A_900 = tpu.vector_load_idx %arg14[%add3A_446, %xor3A_898] : memref<80x64xi32, #tpu.memory_space<vmem>>[vector<16xi32>, vector<16xi32>], vector<16xi32>,
        %bitcast3A_901 = vector.bitcast %gather3A_899 : vector<16xi32> to vector<32xbf16>
        %bitcast3A_902 = vector.bitcast %gather3A_900 : vector<16xi32> to vector<32xbf16>
        %mul3A_903 = arith.mulf %bitcast3A_901, %bitcast3A_902 : vector<32xbf16>
        %add3A_904 = arith.addf %add3A_897, %mul3A_903 : vector<32xbf16>
        %xor3A_905 = arith.xori %scan3A_886, %xor3A_15 : vector<16xi32>
        %gather3A_906 = tpu.vector_load_idx %arg10[%add3A_446, %xor3A_905] : memref<80x64xi32, #tpu.memory_space<vmem>>[vector<16xi32>, vector<16xi32>], vector<16xi32>,
        %gather3A_907 = tpu.vector_load_idx %arg14[%add3A_446, %xor3A_905] : memref<80x64xi32, #tpu.memory_space<vmem>>[vector<16xi32>, vector<16xi32>], vector<16xi32>,
        %bitcast3A_908 = vector.bitcast %gather3A_906 : vector<16xi32> to vector<32xbf16>
        %bitcast3A_909 = vector.bitcast %gather3A_907 : vector<16xi32> to vector<32xbf16>
        %mul3A_910 = arith.mulf %bitcast3A_908, %bitcast3A_909 : vector<32xbf16>
        %add3A_911 = arith.addf %add3A_904, %mul3A_910 : vector<32xbf16>
        %unpack3A = tpu.unpack_subelements %add3A_911, 0 {pack_format = #tpu.pack_format<interleaved>} : vector<32xbf16> -> vector<16xf32>
        %unpack3A_912 = tpu.unpack_subelements %add3A_911, 1 {pack_format = #tpu.pack_format<interleaved>} : vector<32xbf16> -> vector<16xf32>
        %add3A_913 = arith.addf %scan3A_884, %unpack3A : vector<16xf32>
        %add3A_914 = arith.addf %scan3A_885, %unpack3A_912 : vector<16xf32>
        %add3A_915 = arith.constant 4 : i32
        %add3A_916 = vector.broadcast %add3A_915 : i32 to vector<16xi32>
        %add3A_917 = arith.addi %scan3A_886, %add3A_916 : vector<16xi32>
        scf.yield %add3A_913, %add3A_914, %add3A_917 : vector<16xf32>, vector<16xf32>, vector<16xi32>
      }
      %scan3A_456 = arith.constant 16 : i32
      %add3A_457 = arith.addf %scan3A_455#0, %scan3A_455#1 : vector<16xf32>
      %neg3A_458 = arith.constant 0.000000e+00 : f32
      %neg3A_459 = vector.broadcast %neg3A_458 : f32 to vector<16xf32>
      %neg3A_460 = arith.subf %neg3A_459, %add3A_457 : vector<16xf32>
      %exp3A_461 = math.exp %neg3A_460 : vector<16xf32>
      %add3A_462 = arith.constant 1.000000e+00 : f32
      %add3A_463 = vector.broadcast %add3A_462 : f32 to vector<16xf32>
      %add3A_464 = arith.addf %add3A_463, %exp3A_461 : vector<16xf32>
      %div3A_465 = arith.constant 1.000000e+00 : f32
      %div3A_466 = vector.broadcast %div3A_465 : f32 to vector<16xf32>
      %div3A_467 = arith.divf %div3A_466, %add3A_464 : vector<16xf32>
      %mul3A_468 = arith.constant 80 : i32
      %mul3A_469 = arith.muli %add3A_371, %mul3A_468 : i32
      %add3A_470 = arith.constant 32 : i32
      %add3A_471 = arith.addi %mul3A_469, %add3A_470 : i32
      %swap3A_472 = arith.index_cast %add3A_471 : i32 to index
      %swap3A_473 = tpu.vector_load %arg17[%swap3A_472] {strides = array<i32>} : memref<10000xf32, #tpu.memory_space<vmem>>, vector<16xf32>,
      tpu.vector_store %arg17[%swap3A_472], %div3A_467 {strides = array<i32>} : memref<10000xf32, #tpu.memory_space<vmem>>, vector<16xf32>,
      %add3A_474 = arith.constant 48 : i32
      %add3A_475 = vector.broadcast %add3A_474 : i32 to vector<16xi32>
      %add3A_476 = arith.addi %iota3A, %add3A_475 : vector<16xi32>
      %broadcast_in_dim3A_477 = arith.constant 0.000000e+00 : f32
      %broadcast_in_dim3A_478 = vector.broadcast %broadcast_in_dim3A_477 : f32 to vector<16xf32>
      %broadcast_in_dim3A_479 = arith.constant 0 : i32
      %broadcast_in_dim3A_480 = vector.broadcast %broadcast_in_dim3A_479 : i32 to vector<16xi32>
      %scan3A_481 = arith.constant 0 : i32
      %scan3A_482 = arith.constant 16 : i32
      %scan3A_483 = arith.addi %scan3A_481, %scan3A_482 : i32
      %scan3A_484 = arith.constant 1 : i32
      %scan3A_485:3 = scf.for %scan3A_883 = %scan3A_481 to %scan3A_483 step %scan3A_484 iter_args(%scan3A_884 = %broadcast_in_dim3A_478, %scan3A_885 = %broadcast_in_dim3A_478, %scan3A_886 = %broadcast_in_dim3A_480) -> (vector<16xf32>, vector<16xf32>, vector<16xi32>)  : i32 {
        %xor3A_887 = arith.xori %scan3A_886, %xor3A_6 : vector<16xi32>
        %gather3A = tpu.vector_load_idx %arg10[%add3A_476, %xor3A_887] : memref<80x64xi32, #tpu.memory_space<vmem>>[vector<16xi32>, vector<16xi32>], vector<16xi32>,
        %gather3A_888 = tpu.vector_load_idx %arg14[%add3A_476, %xor3A_887] : memref<80x64xi32, #tpu.memory_space<vmem>>[vector<16xi32>, vector<16xi32>], vector<16xi32>,
        %bitcast3A = vector.bitcast %gather3A : vector<16xi32> to vector<32xbf16>
        %bitcast3A_889 = vector.bitcast %gather3A_888 : vector<16xi32> to vector<32xbf16>
        %mul3A_890 = arith.mulf %bitcast3A, %bitcast3A_889 : vector<32xbf16>
        %xor3A_891 = arith.xori %scan3A_886, %xor3A_9 : vector<16xi32>
        %gather3A_892 = tpu.vector_load_idx %arg10[%add3A_476, %xor3A_891] : memref<80x64xi32, #tpu.memory_space<vmem>>[vector<16xi32>, vector<16xi32>], vector<16xi32>,
        %gather3A_893 = tpu.vector_load_idx %arg14[%add3A_476, %xor3A_891] : memref<80x64xi32, #tpu.memory_space<vmem>>[vector<16xi32>, vector<16xi32>], vector<16xi32>,
        %bitcast3A_894 = vector.bitcast %gather3A_892 : vector<16xi32> to vector<32xbf16>
        %bitcast3A_895 = vector.bitcast %gather3A_893 : vector<16xi32> to vector<32xbf16>
        %mul3A_896 = arith.mulf %bitcast3A_894, %bitcast3A_895 : vector<32xbf16>
        %add3A_897 = arith.addf %mul3A_890, %mul3A_896 : vector<32xbf16>
        %xor3A_898 = arith.xori %scan3A_886, %xor3A_12 : vector<16xi32>
        %gather3A_899 = tpu.vector_load_idx %arg10[%add3A_476, %xor3A_898] : memref<80x64xi32, #tpu.memory_space<vmem>>[vector<16xi32>, vector<16xi32>], vector<16xi32>,
        %gather3A_900 = tpu.vector_load_idx %arg14[%add3A_476, %xor3A_898] : memref<80x64xi32, #tpu.memory_space<vmem>>[vector<16xi32>, vector<16xi32>], vector<16xi32>,
        %bitcast3A_901 = vector.bitcast %gather3A_899 : vector<16xi32> to vector<32xbf16>
        %bitcast3A_902 = vector.bitcast %gather3A_900 : vector<16xi32> to vector<32xbf16>
        %mul3A_903 = arith.mulf %bitcast3A_901, %bitcast3A_902 : vector<32xbf16>
        %add3A_904 = arith.addf %add3A_897, %mul3A_903 : vector<32xbf16>
        %xor3A_905 = arith.xori %scan3A_886, %xor3A_15 : vector<16xi32>
        %gather3A_906 = tpu.vector_load_idx %arg10[%add3A_476, %xor3A_905] : memref<80x64xi32, #tpu.memory_space<vmem>>[vector<16xi32>, vector<16xi32>], vector<16xi32>,
        %gather3A_907 = tpu.vector_load_idx %arg14[%add3A_476, %xor3A_905] : memref<80x64xi32, #tpu.memory_space<vmem>>[vector<16xi32>, vector<16xi32>], vector<16xi32>,
        %bitcast3A_908 = vector.bitcast %gather3A_906 : vector<16xi32> to vector<32xbf16>
        %bitcast3A_909 = vector.bitcast %gather3A_907 : vector<16xi32> to vector<32xbf16>
        %mul3A_910 = arith.mulf %bitcast3A_908, %bitcast3A_909 : vector<32xbf16>
        %add3A_911 = arith.addf %add3A_904, %mul3A_910 : vector<32xbf16>
        %unpack3A = tpu.unpack_subelements %add3A_911, 0 {pack_format = #tpu.pack_format<interleaved>} : vector<32xbf16> -> vector<16xf32>
        %unpack3A_912 = tpu.unpack_subelements %add3A_911, 1 {pack_format = #tpu.pack_format<interleaved>} : vector<32xbf16> -> vector<16xf32>
        %add3A_913 = arith.addf %scan3A_884, %unpack3A : vector<16xf32>
        %add3A_914 = arith.addf %scan3A_885, %unpack3A_912 : vector<16xf32>
        %add3A_915 = arith.constant 4 : i32
        %add3A_916 = vector.broadcast %add3A_915 : i32 to vector<16xi32>
        %add3A_917 = arith.addi %scan3A_886, %add3A_916 : vector<16xi32>
        scf.yield %add3A_913, %add3A_914, %add3A_917 : vector<16xf32>, vector<16xf32>, vector<16xi32>
      }
      %scan3A_486 = arith.constant 16 : i32
      %add3A_487 = arith.addf %scan3A_485#0, %scan3A_485#1 : vector<16xf32>
      %neg3A_488 = arith.constant 0.000000e+00 : f32
      %neg3A_489 = vector.broadcast %neg3A_488 : f32 to vector<16xf32>
      %neg3A_490 = arith.subf %neg3A_489, %add3A_487 : vector<16xf32>
      %exp3A_491 = math.exp %neg3A_490 : vector<16xf32>
      %add3A_492 = arith.constant 1.000000e+00 : f32
      %add3A_493 = vector.broadcast %add3A_492 : f32 to vector<16xf32>
      %add3A_494 = arith.addf %add3A_493, %exp3A_491 : vector<16xf32>
      %div3A_495 = arith.constant 1.000000e+00 : f32
      %div3A_496 = vector.broadcast %div3A_495 : f32 to vector<16xf32>
      %div3A_497 = arith.divf %div3A_496, %add3A_494 : vector<16xf32>
      %mul3A_498 = arith.constant 80 : i32
      %mul3A_499 = arith.muli %add3A_371, %mul3A_498 : i32
      %add3A_500 = arith.constant 48 : i32
      %add3A_501 = arith.addi %mul3A_499, %add3A_500 : i32
      %swap3A_502 = arith.index_cast %add3A_501 : i32 to index
      %swap3A_503 = tpu.vector_load %arg17[%swap3A_502] {strides = array<i32>} : memref<10000xf32, #tpu.memory_space<vmem>>, vector<16xf32>,
      tpu.vector_store %arg17[%swap3A_502], %div3A_497 {strides = array<i32>} : memref<10000xf32, #tpu.memory_space<vmem>>, vector<16xf32>,
      %add3A_504 = arith.constant 64 : i32
      %add3A_505 = vector.broadcast %add3A_504 : i32 to vector<16xi32>
      %add3A_506 = arith.addi %iota3A, %add3A_505 : vector<16xi32>
      %broadcast_in_dim3A_507 = arith.constant 0.000000e+00 : f32
      %broadcast_in_dim3A_508 = vector.broadcast %broadcast_in_dim3A_507 : f32 to vector<16xf32>
      %broadcast_in_dim3A_509 = arith.constant 0 : i32
      %broadcast_in_dim3A_510 = vector.broadcast %broadcast_in_dim3A_509 : i32 to vector<16xi32>
      %scan3A_511 = arith.constant 0 : i32
      %scan3A_512 = arith.constant 16 : i32
      %scan3A_513 = arith.addi %scan3A_511, %scan3A_512 : i32
      %scan3A_514 = arith.constant 1 : i32
      %scan3A_515:3 = scf.for %scan3A_883 = %scan3A_511 to %scan3A_513 step %scan3A_514 iter_args(%scan3A_884 = %broadcast_in_dim3A_508, %scan3A_885 = %broadcast_in_dim3A_508, %scan3A_886 = %broadcast_in_dim3A_510) -> (vector<16xf32>, vector<16xf32>, vector<16xi32>)  : i32 {
        %xor3A_887 = arith.xori %scan3A_886, %xor3A_6 : vector<16xi32>
        %gather3A = tpu.vector_load_idx %arg10[%add3A_506, %xor3A_887] : memref<80x64xi32, #tpu.memory_space<vmem>>[vector<16xi32>, vector<16xi32>], vector<16xi32>,
        %gather3A_888 = tpu.vector_load_idx %arg14[%add3A_506, %xor3A_887] : memref<80x64xi32, #tpu.memory_space<vmem>>[vector<16xi32>, vector<16xi32>], vector<16xi32>,
        %bitcast3A = vector.bitcast %gather3A : vector<16xi32> to vector<32xbf16>
        %bitcast3A_889 = vector.bitcast %gather3A_888 : vector<16xi32> to vector<32xbf16>
        %mul3A_890 = arith.mulf %bitcast3A, %bitcast3A_889 : vector<32xbf16>
        %xor3A_891 = arith.xori %scan3A_886, %xor3A_9 : vector<16xi32>
        %gather3A_892 = tpu.vector_load_idx %arg10[%add3A_506, %xor3A_891] : memref<80x64xi32, #tpu.memory_space<vmem>>[vector<16xi32>, vector<16xi32>], vector<16xi32>,
        %gather3A_893 = tpu.vector_load_idx %arg14[%add3A_506, %xor3A_891] : memref<80x64xi32, #tpu.memory_space<vmem>>[vector<16xi32>, vector<16xi32>], vector<16xi32>,
        %bitcast3A_894 = vector.bitcast %gather3A_892 : vector<16xi32> to vector<32xbf16>
        %bitcast3A_895 = vector.bitcast %gather3A_893 : vector<16xi32> to vector<32xbf16>
        %mul3A_896 = arith.mulf %bitcast3A_894, %bitcast3A_895 : vector<32xbf16>
        %add3A_897 = arith.addf %mul3A_890, %mul3A_896 : vector<32xbf16>
        %xor3A_898 = arith.xori %scan3A_886, %xor3A_12 : vector<16xi32>
        %gather3A_899 = tpu.vector_load_idx %arg10[%add3A_506, %xor3A_898] : memref<80x64xi32, #tpu.memory_space<vmem>>[vector<16xi32>, vector<16xi32>], vector<16xi32>,
        %gather3A_900 = tpu.vector_load_idx %arg14[%add3A_506, %xor3A_898] : memref<80x64xi32, #tpu.memory_space<vmem>>[vector<16xi32>, vector<16xi32>], vector<16xi32>,
        %bitcast3A_901 = vector.bitcast %gather3A_899 : vector<16xi32> to vector<32xbf16>
        %bitcast3A_902 = vector.bitcast %gather3A_900 : vector<16xi32> to vector<32xbf16>
        %mul3A_903 = arith.mulf %bitcast3A_901, %bitcast3A_902 : vector<32xbf16>
        %add3A_904 = arith.addf %add3A_897, %mul3A_903 : vector<32xbf16>
        %xor3A_905 = arith.xori %scan3A_886, %xor3A_15 : vector<16xi32>
        %gather3A_906 = tpu.vector_load_idx %arg10[%add3A_506, %xor3A_905] : memref<80x64xi32, #tpu.memory_space<vmem>>[vector<16xi32>, vector<16xi32>], vector<16xi32>,
        %gather3A_907 = tpu.vector_load_idx %arg14[%add3A_506, %xor3A_905] : memref<80x64xi32, #tpu.memory_space<vmem>>[vector<16xi32>, vector<16xi32>], vector<16xi32>,
        %bitcast3A_908 = vector.bitcast %gather3A_906 : vector<16xi32> to vector<32xbf16>
        %bitcast3A_909 = vector.bitcast %gather3A_907 : vector<16xi32> to vector<32xbf16>
        %mul3A_910 = arith.mulf %bitcast3A_908, %bitcast3A_909 : vector<32xbf16>
        %add3A_911 = arith.addf %add3A_904, %mul3A_910 : vector<32xbf16>
        %unpack3A = tpu.unpack_subelements %add3A_911, 0 {pack_format = #tpu.pack_format<interleaved>} : vector<32xbf16> -> vector<16xf32>
        %unpack3A_912 = tpu.unpack_subelements %add3A_911, 1 {pack_format = #tpu.pack_format<interleaved>} : vector<32xbf16> -> vector<16xf32>
        %add3A_913 = arith.addf %scan3A_884, %unpack3A : vector<16xf32>
        %add3A_914 = arith.addf %scan3A_885, %unpack3A_912 : vector<16xf32>
        %add3A_915 = arith.constant 4 : i32
        %add3A_916 = vector.broadcast %add3A_915 : i32 to vector<16xi32>
        %add3A_917 = arith.addi %scan3A_886, %add3A_916 : vector<16xi32>
        scf.yield %add3A_913, %add3A_914, %add3A_917 : vector<16xf32>, vector<16xf32>, vector<16xi32>
      }
      %scan3A_516 = arith.constant 16 : i32
      %add3A_517 = arith.addf %scan3A_515#0, %scan3A_515#1 : vector<16xf32>
      %neg3A_518 = arith.constant 0.000000e+00 : f32
      %neg3A_519 = vector.broadcast %neg3A_518 : f32 to vector<16xf32>
      %neg3A_520 = arith.subf %neg3A_519, %add3A_517 : vector<16xf32>
      %exp3A_521 = math.exp %neg3A_520 : vector<16xf32>
      %add3A_522 = arith.constant 1.000000e+00 : f32
      %add3A_523 = vector.broadcast %add3A_522 : f32 to vector<16xf32>
      %add3A_524 = arith.addf %add3A_523, %exp3A_521 : vector<16xf32>
      %div3A_525 = arith.constant 1.000000e+00 : f32
      %div3A_526 = vector.broadcast %div3A_525 : f32 to vector<16xf32>
      %div3A_527 = arith.divf %div3A_526, %add3A_524 : vector<16xf32>
      %mul3A_528 = arith.constant 80 : i32
      %mul3A_529 = arith.muli %add3A_371, %mul3A_528 : i32
      %add3A_530 = arith.constant 64 : i32
      %add3A_531 = arith.addi %mul3A_529, %add3A_530 : i32
      %swap3A_532 = arith.index_cast %add3A_531 : i32 to index
      %swap3A_533 = tpu.vector_load %arg17[%swap3A_532] {strides = array<i32>} : memref<10000xf32, #tpu.memory_space<vmem>>, vector<16xf32>,
      tpu.vector_store %arg17[%swap3A_532], %div3A_527 {strides = array<i32>} : memref<10000xf32, #tpu.memory_space<vmem>>, vector<16xf32>,
      %add3A_534 = arith.constant 4 : i32
      %add3A_535 = arith.addi %add3A_371, %add3A_534 : i32
      %lt3A_536 = arith.constant 125 : i32
      %lt3A_537 = arith.cmpi slt, %add3A_535, %lt3A_536 : i32
      %convert_element_type3A_538 = arith.extui %lt3A_537 : i1 to i32
      %cond3A_539 = arith.constant 0 : i32
      %cond3A_540 = arith.cmpi ne, %convert_element_type3A_538, %cond3A_539 : i32
      scf.if %cond3A_540 {
        %add3A_883 = arith.constant 4 : i32
        %add3A_884 = arith.addi %add3A_371, %add3A_883 : i32
        %mul3A_885 = arith.constant 80 : i32
        %mul3A_886 = arith.muli %add3A_884, %mul3A_885 : i32
        %dma_start3A_887 = tpu.memref_slice %arg7[%mul3A_886] : memref<10000xi32, #tpu.memory_space<vmem>> -> memref<80xi32, #tpu.memory_space<vmem>>
        %dma_start3A_888 = arith.constant 0 : i32
        %dma_start3A_889 = arith.constant 0 : i32
        %dma_start3A_890 = tpu.memref_slice %arg6[%dma_start3A_888, %dma_start3A_889] : memref<10000x64xi32, #tpu.memory_space<vmem_shared>> -> memref<10000x64xi32, #tpu.memory_space<vmem_shared>>
        tpu.enqueue_indirect_dma source(%dma_start3A_890 : memref<10000x64xi32, #tpu.memory_space<vmem_shared>>) target(%arg10 : memref<80x64xi32, #tpu.memory_space<vmem>>) offsets(%dma_start3A_887 : memref<80xi32, #tpu.memory_space<vmem>>) semaphore(%arg19 : memref<!tpu.dma_semaphore, #tpu.memory_space<semaphore_mem>>)
        %mul3A_891 = arith.constant 80 : i32
        %mul3A_892 = arith.muli %add3A_884, %mul3A_891 : i32
        %dma_start3A_893 = tpu.memref_slice %arg8[%mul3A_892] : memref<10000xi32, #tpu.memory_space<vmem>> -> memref<80xi32, #tpu.memory_space<vmem>>
        %dma_start3A_894 = arith.constant 0 : i32
        %dma_start3A_895 = arith.constant 0 : i32
        %dma_start3A_896 = tpu.memref_slice %arg6[%dma_start3A_894, %dma_start3A_895] : memref<10000x64xi32, #tpu.memory_space<vmem_shared>> -> memref<10000x64xi32, #tpu.memory_space<vmem_shared>>
        tpu.enqueue_indirect_dma source(%dma_start3A_896 : memref<10000x64xi32, #tpu.memory_space<vmem_shared>>) target(%arg14 : memref<80x64xi32, #tpu.memory_space<vmem>>) offsets(%dma_start3A_893 : memref<80xi32, #tpu.memory_space<vmem>>) semaphore(%arg19 : memref<!tpu.dma_semaphore, #tpu.memory_space<semaphore_mem>>)
      } else {
      }
      %add3A_541 = arith.constant 2 : i32
      %add3A_542 = arith.addi %add3A_199, %add3A_541 : i32
      %dma_wait3A_543 = arith.constant 0 : i32
      %dma_wait3A_544 = arith.constant 0 : i32
      %dma_wait3A_545 = tpu.memref_slice %arg2[%dma_wait3A_543, %dma_wait3A_544] : memref<10000x64xi32, #tpu.memory_space<hbm>> -> memref<80x64xi32, #tpu.memory_space<hbm>>
      %dma_wait3A_546 = arith.constant 0 : i32
      %dma_wait3A_547 = arith.constant 0 : i32
      %dma_wait3A_548 = tpu.memref_slice %arg2[%dma_wait3A_546, %dma_wait3A_547] : memref<10000x64xi32, #tpu.memory_space<hbm>> -> memref<80x64xi32, #tpu.memory_space<hbm>>
      tpu.wait_dma2 semaphore(%arg20 : memref<!tpu.dma_semaphore, #tpu.memory_space<semaphore_mem>>) src(%dma_wait3A_548 : memref<80x64xi32, #tpu.memory_space<hbm>>) dst(%arg11 : memref<80x64xi32, #tpu.memory_space<vmem>>)
      %dma_wait3A_549 = arith.constant 0 : i32
      %dma_wait3A_550 = arith.constant 0 : i32
      %dma_wait3A_551 = tpu.memref_slice %arg2[%dma_wait3A_549, %dma_wait3A_550] : memref<10000x64xi32, #tpu.memory_space<hbm>> -> memref<80x64xi32, #tpu.memory_space<hbm>>
      %dma_wait3A_552 = arith.constant 0 : i32
      %dma_wait3A_553 = arith.constant 0 : i32
      %dma_wait3A_554 = tpu.memref_slice %arg2[%dma_wait3A_552, %dma_wait3A_553] : memref<10000x64xi32, #tpu.memory_space<hbm>> -> memref<80x64xi32, #tpu.memory_space<hbm>>
      tpu.wait_dma2 semaphore(%arg20 : memref<!tpu.dma_semaphore, #tpu.memory_space<semaphore_mem>>) src(%dma_wait3A_554 : memref<80x64xi32, #tpu.memory_space<hbm>>) dst(%arg15 : memref<80x64xi32, #tpu.memory_space<vmem>>)
      %add3A_555 = arith.constant 0 : i32
      %add3A_556 = vector.broadcast %add3A_555 : i32 to vector<16xi32>
      %add3A_557 = arith.addi %iota3A, %add3A_556 : vector<16xi32>
      %broadcast_in_dim3A_558 = arith.constant 0.000000e+00 : f32
      %broadcast_in_dim3A_559 = vector.broadcast %broadcast_in_dim3A_558 : f32 to vector<16xf32>
      %broadcast_in_dim3A_560 = arith.constant 0 : i32
      %broadcast_in_dim3A_561 = vector.broadcast %broadcast_in_dim3A_560 : i32 to vector<16xi32>
      %scan3A_562 = arith.constant 0 : i32
      %scan3A_563 = arith.constant 16 : i32
      %scan3A_564 = arith.addi %scan3A_562, %scan3A_563 : i32
      %scan3A_565 = arith.constant 1 : i32
      %scan3A_566:3 = scf.for %scan3A_883 = %scan3A_562 to %scan3A_564 step %scan3A_565 iter_args(%scan3A_884 = %broadcast_in_dim3A_559, %scan3A_885 = %broadcast_in_dim3A_559, %scan3A_886 = %broadcast_in_dim3A_561) -> (vector<16xf32>, vector<16xf32>, vector<16xi32>)  : i32 {
        %xor3A_887 = arith.xori %scan3A_886, %xor3A_6 : vector<16xi32>
        %gather3A = tpu.vector_load_idx %arg11[%add3A_557, %xor3A_887] : memref<80x64xi32, #tpu.memory_space<vmem>>[vector<16xi32>, vector<16xi32>], vector<16xi32>,
        %gather3A_888 = tpu.vector_load_idx %arg15[%add3A_557, %xor3A_887] : memref<80x64xi32, #tpu.memory_space<vmem>>[vector<16xi32>, vector<16xi32>], vector<16xi32>,
        %bitcast3A = vector.bitcast %gather3A : vector<16xi32> to vector<32xbf16>
        %bitcast3A_889 = vector.bitcast %gather3A_888 : vector<16xi32> to vector<32xbf16>
        %mul3A_890 = arith.mulf %bitcast3A, %bitcast3A_889 : vector<32xbf16>
        %xor3A_891 = arith.xori %scan3A_886, %xor3A_9 : vector<16xi32>
        %gather3A_892 = tpu.vector_load_idx %arg11[%add3A_557, %xor3A_891] : memref<80x64xi32, #tpu.memory_space<vmem>>[vector<16xi32>, vector<16xi32>], vector<16xi32>,
        %gather3A_893 = tpu.vector_load_idx %arg15[%add3A_557, %xor3A_891] : memref<80x64xi32, #tpu.memory_space<vmem>>[vector<16xi32>, vector<16xi32>], vector<16xi32>,
        %bitcast3A_894 = vector.bitcast %gather3A_892 : vector<16xi32> to vector<32xbf16>
        %bitcast3A_895 = vector.bitcast %gather3A_893 : vector<16xi32> to vector<32xbf16>
        %mul3A_896 = arith.mulf %bitcast3A_894, %bitcast3A_895 : vector<32xbf16>
        %add3A_897 = arith.addf %mul3A_890, %mul3A_896 : vector<32xbf16>
        %xor3A_898 = arith.xori %scan3A_886, %xor3A_12 : vector<16xi32>
        %gather3A_899 = tpu.vector_load_idx %arg11[%add3A_557, %xor3A_898] : memref<80x64xi32, #tpu.memory_space<vmem>>[vector<16xi32>, vector<16xi32>], vector<16xi32>,
        %gather3A_900 = tpu.vector_load_idx %arg15[%add3A_557, %xor3A_898] : memref<80x64xi32, #tpu.memory_space<vmem>>[vector<16xi32>, vector<16xi32>], vector<16xi32>,
        %bitcast3A_901 = vector.bitcast %gather3A_899 : vector<16xi32> to vector<32xbf16>
        %bitcast3A_902 = vector.bitcast %gather3A_900 : vector<16xi32> to vector<32xbf16>
        %mul3A_903 = arith.mulf %bitcast3A_901, %bitcast3A_902 : vector<32xbf16>
        %add3A_904 = arith.addf %add3A_897, %mul3A_903 : vector<32xbf16>
        %xor3A_905 = arith.xori %scan3A_886, %xor3A_15 : vector<16xi32>
        %gather3A_906 = tpu.vector_load_idx %arg11[%add3A_557, %xor3A_905] : memref<80x64xi32, #tpu.memory_space<vmem>>[vector<16xi32>, vector<16xi32>], vector<16xi32>,
        %gather3A_907 = tpu.vector_load_idx %arg15[%add3A_557, %xor3A_905] : memref<80x64xi32, #tpu.memory_space<vmem>>[vector<16xi32>, vector<16xi32>], vector<16xi32>,
        %bitcast3A_908 = vector.bitcast %gather3A_906 : vector<16xi32> to vector<32xbf16>
        %bitcast3A_909 = vector.bitcast %gather3A_907 : vector<16xi32> to vector<32xbf16>
        %mul3A_910 = arith.mulf %bitcast3A_908, %bitcast3A_909 : vector<32xbf16>
        %add3A_911 = arith.addf %add3A_904, %mul3A_910 : vector<32xbf16>
        %unpack3A = tpu.unpack_subelements %add3A_911, 0 {pack_format = #tpu.pack_format<interleaved>} : vector<32xbf16> -> vector<16xf32>
        %unpack3A_912 = tpu.unpack_subelements %add3A_911, 1 {pack_format = #tpu.pack_format<interleaved>} : vector<32xbf16> -> vector<16xf32>
        %add3A_913 = arith.addf %scan3A_884, %unpack3A : vector<16xf32>
        %add3A_914 = arith.addf %scan3A_885, %unpack3A_912 : vector<16xf32>
        %add3A_915 = arith.constant 4 : i32
        %add3A_916 = vector.broadcast %add3A_915 : i32 to vector<16xi32>
        %add3A_917 = arith.addi %scan3A_886, %add3A_916 : vector<16xi32>
        scf.yield %add3A_913, %add3A_914, %add3A_917 : vector<16xf32>, vector<16xf32>, vector<16xi32>
      }
      %scan3A_567 = arith.constant 16 : i32
      %add3A_568 = arith.addf %scan3A_566#0, %scan3A_566#1 : vector<16xf32>
      %neg3A_569 = arith.constant 0.000000e+00 : f32
      %neg3A_570 = vector.broadcast %neg3A_569 : f32 to vector<16xf32>
      %neg3A_571 = arith.subf %neg3A_570, %add3A_568 : vector<16xf32>
      %exp3A_572 = math.exp %neg3A_571 : vector<16xf32>
      %add3A_573 = arith.constant 1.000000e+00 : f32
      %add3A_574 = vector.broadcast %add3A_573 : f32 to vector<16xf32>
      %add3A_575 = arith.addf %add3A_574, %exp3A_572 : vector<16xf32>
      %div3A_576 = arith.constant 1.000000e+00 : f32
      %div3A_577 = vector.broadcast %div3A_576 : f32 to vector<16xf32>
      %div3A_578 = arith.divf %div3A_577, %add3A_575 : vector<16xf32>
      %mul3A_579 = arith.constant 80 : i32
      %mul3A_580 = arith.muli %add3A_542, %mul3A_579 : i32
      %add3A_581 = arith.constant 0 : i32
      %add3A_582 = arith.addi %mul3A_580, %add3A_581 : i32
      %swap3A_583 = arith.index_cast %add3A_582 : i32 to index
      %swap3A_584 = tpu.vector_load %arg17[%swap3A_583] {strides = array<i32>} : memref<10000xf32, #tpu.memory_space<vmem>>, vector<16xf32>,
      tpu.vector_store %arg17[%swap3A_583], %div3A_578 {strides = array<i32>} : memref<10000xf32, #tpu.memory_space<vmem>>, vector<16xf32>,
      %add3A_585 = arith.constant 16 : i32
      %add3A_586 = vector.broadcast %add3A_585 : i32 to vector<16xi32>
      %add3A_587 = arith.addi %iota3A, %add3A_586 : vector<16xi32>
      %broadcast_in_dim3A_588 = arith.constant 0.000000e+00 : f32
      %broadcast_in_dim3A_589 = vector.broadcast %broadcast_in_dim3A_588 : f32 to vector<16xf32>
      %broadcast_in_dim3A_590 = arith.constant 0 : i32
      %broadcast_in_dim3A_591 = vector.broadcast %broadcast_in_dim3A_590 : i32 to vector<16xi32>
      %scan3A_592 = arith.constant 0 : i32
      %scan3A_593 = arith.constant 16 : i32
      %scan3A_594 = arith.addi %scan3A_592, %scan3A_593 : i32
      %scan3A_595 = arith.constant 1 : i32
      %scan3A_596:3 = scf.for %scan3A_883 = %scan3A_592 to %scan3A_594 step %scan3A_595 iter_args(%scan3A_884 = %broadcast_in_dim3A_589, %scan3A_885 = %broadcast_in_dim3A_589, %scan3A_886 = %broadcast_in_dim3A_591) -> (vector<16xf32>, vector<16xf32>, vector<16xi32>)  : i32 {
        %xor3A_887 = arith.xori %scan3A_886, %xor3A_6 : vector<16xi32>
        %gather3A = tpu.vector_load_idx %arg11[%add3A_587, %xor3A_887] : memref<80x64xi32, #tpu.memory_space<vmem>>[vector<16xi32>, vector<16xi32>], vector<16xi32>,
        %gather3A_888 = tpu.vector_load_idx %arg15[%add3A_587, %xor3A_887] : memref<80x64xi32, #tpu.memory_space<vmem>>[vector<16xi32>, vector<16xi32>], vector<16xi32>,
        %bitcast3A = vector.bitcast %gather3A : vector<16xi32> to vector<32xbf16>
        %bitcast3A_889 = vector.bitcast %gather3A_888 : vector<16xi32> to vector<32xbf16>
        %mul3A_890 = arith.mulf %bitcast3A, %bitcast3A_889 : vector<32xbf16>
        %xor3A_891 = arith.xori %scan3A_886, %xor3A_9 : vector<16xi32>
        %gather3A_892 = tpu.vector_load_idx %arg11[%add3A_587, %xor3A_891] : memref<80x64xi32, #tpu.memory_space<vmem>>[vector<16xi32>, vector<16xi32>], vector<16xi32>,
        %gather3A_893 = tpu.vector_load_idx %arg15[%add3A_587, %xor3A_891] : memref<80x64xi32, #tpu.memory_space<vmem>>[vector<16xi32>, vector<16xi32>], vector<16xi32>,
        %bitcast3A_894 = vector.bitcast %gather3A_892 : vector<16xi32> to vector<32xbf16>
        %bitcast3A_895 = vector.bitcast %gather3A_893 : vector<16xi32> to vector<32xbf16>
        %mul3A_896 = arith.mulf %bitcast3A_894, %bitcast3A_895 : vector<32xbf16>
        %add3A_897 = arith.addf %mul3A_890, %mul3A_896 : vector<32xbf16>
        %xor3A_898 = arith.xori %scan3A_886, %xor3A_12 : vector<16xi32>
        %gather3A_899 = tpu.vector_load_idx %arg11[%add3A_587, %xor3A_898] : memref<80x64xi32, #tpu.memory_space<vmem>>[vector<16xi32>, vector<16xi32>], vector<16xi32>,
        %gather3A_900 = tpu.vector_load_idx %arg15[%add3A_587, %xor3A_898] : memref<80x64xi32, #tpu.memory_space<vmem>>[vector<16xi32>, vector<16xi32>], vector<16xi32>,
        %bitcast3A_901 = vector.bitcast %gather3A_899 : vector<16xi32> to vector<32xbf16>
        %bitcast3A_902 = vector.bitcast %gather3A_900 : vector<16xi32> to vector<32xbf16>
        %mul3A_903 = arith.mulf %bitcast3A_901, %bitcast3A_902 : vector<32xbf16>
        %add3A_904 = arith.addf %add3A_897, %mul3A_903 : vector<32xbf16>
        %xor3A_905 = arith.xori %scan3A_886, %xor3A_15 : vector<16xi32>
        %gather3A_906 = tpu.vector_load_idx %arg11[%add3A_587, %xor3A_905] : memref<80x64xi32, #tpu.memory_space<vmem>>[vector<16xi32>, vector<16xi32>], vector<16xi32>,
        %gather3A_907 = tpu.vector_load_idx %arg15[%add3A_587, %xor3A_905] : memref<80x64xi32, #tpu.memory_space<vmem>>[vector<16xi32>, vector<16xi32>], vector<16xi32>,
        %bitcast3A_908 = vector.bitcast %gather3A_906 : vector<16xi32> to vector<32xbf16>
        %bitcast3A_909 = vector.bitcast %gather3A_907 : vector<16xi32> to vector<32xbf16>
        %mul3A_910 = arith.mulf %bitcast3A_908, %bitcast3A_909 : vector<32xbf16>
        %add3A_911 = arith.addf %add3A_904, %mul3A_910 : vector<32xbf16>
        %unpack3A = tpu.unpack_subelements %add3A_911, 0 {pack_format = #tpu.pack_format<interleaved>} : vector<32xbf16> -> vector<16xf32>
        %unpack3A_912 = tpu.unpack_subelements %add3A_911, 1 {pack_format = #tpu.pack_format<interleaved>} : vector<32xbf16> -> vector<16xf32>
        %add3A_913 = arith.addf %scan3A_884, %unpack3A : vector<16xf32>
        %add3A_914 = arith.addf %scan3A_885, %unpack3A_912 : vector<16xf32>
        %add3A_915 = arith.constant 4 : i32
        %add3A_916 = vector.broadcast %add3A_915 : i32 to vector<16xi32>
        %add3A_917 = arith.addi %scan3A_886, %add3A_916 : vector<16xi32>
        scf.yield %add3A_913, %add3A_914, %add3A_917 : vector<16xf32>, vector<16xf32>, vector<16xi32>
      }
      %scan3A_597 = arith.constant 16 : i32
      %add3A_598 = arith.addf %scan3A_596#0, %scan3A_596#1 : vector<16xf32>
      %neg3A_599 = arith.constant 0.000000e+00 : f32
      %neg3A_600 = vector.broadcast %neg3A_599 : f32 to vector<16xf32>
      %neg3A_601 = arith.subf %neg3A_600, %add3A_598 : vector<16xf32>
      %exp3A_602 = math.exp %neg3A_601 : vector<16xf32>
      %add3A_603 = arith.constant 1.000000e+00 : f32
      %add3A_604 = vector.broadcast %add3A_603 : f32 to vector<16xf32>
      %add3A_605 = arith.addf %add3A_604, %exp3A_602 : vector<16xf32>
      %div3A_606 = arith.constant 1.000000e+00 : f32
      %div3A_607 = vector.broadcast %div3A_606 : f32 to vector<16xf32>
      %div3A_608 = arith.divf %div3A_607, %add3A_605 : vector<16xf32>
      %mul3A_609 = arith.constant 80 : i32
      %mul3A_610 = arith.muli %add3A_542, %mul3A_609 : i32
      %add3A_611 = arith.constant 16 : i32
      %add3A_612 = arith.addi %mul3A_610, %add3A_611 : i32
      %swap3A_613 = arith.index_cast %add3A_612 : i32 to index
      %swap3A_614 = tpu.vector_load %arg17[%swap3A_613] {strides = array<i32>} : memref<10000xf32, #tpu.memory_space<vmem>>, vector<16xf32>,
      tpu.vector_store %arg17[%swap3A_613], %div3A_608 {strides = array<i32>} : memref<10000xf32, #tpu.memory_space<vmem>>, vector<16xf32>,
      %add3A_615 = arith.constant 32 : i32
      %add3A_616 = vector.broadcast %add3A_615 : i32 to vector<16xi32>
      %add3A_617 = arith.addi %iota3A, %add3A_616 : vector<16xi32>
      %broadcast_in_dim3A_618 = arith.constant 0.000000e+00 : f32
      %broadcast_in_dim3A_619 = vector.broadcast %broadcast_in_dim3A_618 : f32 to vector<16xf32>
      %broadcast_in_dim3A_620 = arith.constant 0 : i32
      %broadcast_in_dim3A_621 = vector.broadcast %broadcast_in_dim3A_620 : i32 to vector<16xi32>
      %scan3A_622 = arith.constant 0 : i32
      %scan3A_623 = arith.constant 16 : i32
      %scan3A_624 = arith.addi %scan3A_622, %scan3A_623 : i32
      %scan3A_625 = arith.constant 1 : i32
      %scan3A_626:3 = scf.for %scan3A_883 = %scan3A_622 to %scan3A_624 step %scan3A_625 iter_args(%scan3A_884 = %broadcast_in_dim3A_619, %scan3A_885 = %broadcast_in_dim3A_619, %scan3A_886 = %broadcast_in_dim3A_621) -> (vector<16xf32>, vector<16xf32>, vector<16xi32>)  : i32 {
        %xor3A_887 = arith.xori %scan3A_886, %xor3A_6 : vector<16xi32>
        %gather3A = tpu.vector_load_idx %arg11[%add3A_617, %xor3A_887] : memref<80x64xi32, #tpu.memory_space<vmem>>[vector<16xi32>, vector<16xi32>], vector<16xi32>,
        %gather3A_888 = tpu.vector_load_idx %arg15[%add3A_617, %xor3A_887] : memref<80x64xi32, #tpu.memory_space<vmem>>[vector<16xi32>, vector<16xi32>], vector<16xi32>,
        %bitcast3A = vector.bitcast %gather3A : vector<16xi32> to vector<32xbf16>
        %bitcast3A_889 = vector.bitcast %gather3A_888 : vector<16xi32> to vector<32xbf16>
        %mul3A_890 = arith.mulf %bitcast3A, %bitcast3A_889 : vector<32xbf16>
        %xor3A_891 = arith.xori %scan3A_886, %xor3A_9 : vector<16xi32>
        %gather3A_892 = tpu.vector_load_idx %arg11[%add3A_617, %xor3A_891] : memref<80x64xi32, #tpu.memory_space<vmem>>[vector<16xi32>, vector<16xi32>], vector<16xi32>,
        %gather3A_893 = tpu.vector_load_idx %arg15[%add3A_617, %xor3A_891] : memref<80x64xi32, #tpu.memory_space<vmem>>[vector<16xi32>, vector<16xi32>], vector<16xi32>,
        %bitcast3A_894 = vector.bitcast %gather3A_892 : vector<16xi32> to vector<32xbf16>
        %bitcast3A_895 = vector.bitcast %gather3A_893 : vector<16xi32> to vector<32xbf16>
        %mul3A_896 = arith.mulf %bitcast3A_894, %bitcast3A_895 : vector<32xbf16>
        %add3A_897 = arith.addf %mul3A_890, %mul3A_896 : vector<32xbf16>
        %xor3A_898 = arith.xori %scan3A_886, %xor3A_12 : vector<16xi32>
        %gather3A_899 = tpu.vector_load_idx %arg11[%add3A_617, %xor3A_898] : memref<80x64xi32, #tpu.memory_space<vmem>>[vector<16xi32>, vector<16xi32>], vector<16xi32>,
        %gather3A_900 = tpu.vector_load_idx %arg15[%add3A_617, %xor3A_898] : memref<80x64xi32, #tpu.memory_space<vmem>>[vector<16xi32>, vector<16xi32>], vector<16xi32>,
        %bitcast3A_901 = vector.bitcast %gather3A_899 : vector<16xi32> to vector<32xbf16>
        %bitcast3A_902 = vector.bitcast %gather3A_900 : vector<16xi32> to vector<32xbf16>
        %mul3A_903 = arith.mulf %bitcast3A_901, %bitcast3A_902 : vector<32xbf16>
        %add3A_904 = arith.addf %add3A_897, %mul3A_903 : vector<32xbf16>
        %xor3A_905 = arith.xori %scan3A_886, %xor3A_15 : vector<16xi32>
        %gather3A_906 = tpu.vector_load_idx %arg11[%add3A_617, %xor3A_905] : memref<80x64xi32, #tpu.memory_space<vmem>>[vector<16xi32>, vector<16xi32>], vector<16xi32>,
        %gather3A_907 = tpu.vector_load_idx %arg15[%add3A_617, %xor3A_905] : memref<80x64xi32, #tpu.memory_space<vmem>>[vector<16xi32>, vector<16xi32>], vector<16xi32>,
        %bitcast3A_908 = vector.bitcast %gather3A_906 : vector<16xi32> to vector<32xbf16>
        %bitcast3A_909 = vector.bitcast %gather3A_907 : vector<16xi32> to vector<32xbf16>
        %mul3A_910 = arith.mulf %bitcast3A_908, %bitcast3A_909 : vector<32xbf16>
        %add3A_911 = arith.addf %add3A_904, %mul3A_910 : vector<32xbf16>
        %unpack3A = tpu.unpack_subelements %add3A_911, 0 {pack_format = #tpu.pack_format<interleaved>} : vector<32xbf16> -> vector<16xf32>
        %unpack3A_912 = tpu.unpack_subelements %add3A_911, 1 {pack_format = #tpu.pack_format<interleaved>} : vector<32xbf16> -> vector<16xf32>
        %add3A_913 = arith.addf %scan3A_884, %unpack3A : vector<16xf32>
        %add3A_914 = arith.addf %scan3A_885, %unpack3A_912 : vector<16xf32>
        %add3A_915 = arith.constant 4 : i32
        %add3A_916 = vector.broadcast %add3A_915 : i32 to vector<16xi32>
        %add3A_917 = arith.addi %scan3A_886, %add3A_916 : vector<16xi32>
        scf.yield %add3A_913, %add3A_914, %add3A_917 : vector<16xf32>, vector<16xf32>, vector<16xi32>
      }
      %scan3A_627 = arith.constant 16 : i32
      %add3A_628 = arith.addf %scan3A_626#0, %scan3A_626#1 : vector<16xf32>
      %neg3A_629 = arith.constant 0.000000e+00 : f32
      %neg3A_630 = vector.broadcast %neg3A_629 : f32 to vector<16xf32>
      %neg3A_631 = arith.subf %neg3A_630, %add3A_628 : vector<16xf32>
      %exp3A_632 = math.exp %neg3A_631 : vector<16xf32>
      %add3A_633 = arith.constant 1.000000e+00 : f32
      %add3A_634 = vector.broadcast %add3A_633 : f32 to vector<16xf32>
      %add3A_635 = arith.addf %add3A_634, %exp3A_632 : vector<16xf32>
      %div3A_636 = arith.constant 1.000000e+00 : f32
      %div3A_637 = vector.broadcast %div3A_636 : f32 to vector<16xf32>
      %div3A_638 = arith.divf %div3A_637, %add3A_635 : vector<16xf32>
      %mul3A_639 = arith.constant 80 : i32
      %mul3A_640 = arith.muli %add3A_542, %mul3A_639 : i32
      %add3A_641 = arith.constant 32 : i32
      %add3A_642 = arith.addi %mul3A_640, %add3A_641 : i32
      %swap3A_643 = arith.index_cast %add3A_642 : i32 to index
      %swap3A_644 = tpu.vector_load %arg17[%swap3A_643] {strides = array<i32>} : memref<10000xf32, #tpu.memory_space<vmem>>, vector<16xf32>,
      tpu.vector_store %arg17[%swap3A_643], %div3A_638 {strides = array<i32>} : memref<10000xf32, #tpu.memory_space<vmem>>, vector<16xf32>,
      %add3A_645 = arith.constant 48 : i32
      %add3A_646 = vector.broadcast %add3A_645 : i32 to vector<16xi32>
      %add3A_647 = arith.addi %iota3A, %add3A_646 : vector<16xi32>
      %broadcast_in_dim3A_648 = arith.constant 0.000000e+00 : f32
      %broadcast_in_dim3A_649 = vector.broadcast %broadcast_in_dim3A_648 : f32 to vector<16xf32>
      %broadcast_in_dim3A_650 = arith.constant 0 : i32
      %broadcast_in_dim3A_651 = vector.broadcast %broadcast_in_dim3A_650 : i32 to vector<16xi32>
      %scan3A_652 = arith.constant 0 : i32
      %scan3A_653 = arith.constant 16 : i32
      %scan3A_654 = arith.addi %scan3A_652, %scan3A_653 : i32
      %scan3A_655 = arith.constant 1 : i32
      %scan3A_656:3 = scf.for %scan3A_883 = %scan3A_652 to %scan3A_654 step %scan3A_655 iter_args(%scan3A_884 = %broadcast_in_dim3A_649, %scan3A_885 = %broadcast_in_dim3A_649, %scan3A_886 = %broadcast_in_dim3A_651) -> (vector<16xf32>, vector<16xf32>, vector<16xi32>)  : i32 {
        %xor3A_887 = arith.xori %scan3A_886, %xor3A_6 : vector<16xi32>
        %gather3A = tpu.vector_load_idx %arg11[%add3A_647, %xor3A_887] : memref<80x64xi32, #tpu.memory_space<vmem>>[vector<16xi32>, vector<16xi32>], vector<16xi32>,
        %gather3A_888 = tpu.vector_load_idx %arg15[%add3A_647, %xor3A_887] : memref<80x64xi32, #tpu.memory_space<vmem>>[vector<16xi32>, vector<16xi32>], vector<16xi32>,
        %bitcast3A = vector.bitcast %gather3A : vector<16xi32> to vector<32xbf16>
        %bitcast3A_889 = vector.bitcast %gather3A_888 : vector<16xi32> to vector<32xbf16>
        %mul3A_890 = arith.mulf %bitcast3A, %bitcast3A_889 : vector<32xbf16>
        %xor3A_891 = arith.xori %scan3A_886, %xor3A_9 : vector<16xi32>
        %gather3A_892 = tpu.vector_load_idx %arg11[%add3A_647, %xor3A_891] : memref<80x64xi32, #tpu.memory_space<vmem>>[vector<16xi32>, vector<16xi32>], vector<16xi32>,
        %gather3A_893 = tpu.vector_load_idx %arg15[%add3A_647, %xor3A_891] : memref<80x64xi32, #tpu.memory_space<vmem>>[vector<16xi32>, vector<16xi32>], vector<16xi32>,
        %bitcast3A_894 = vector.bitcast %gather3A_892 : vector<16xi32> to vector<32xbf16>
        %bitcast3A_895 = vector.bitcast %gather3A_893 : vector<16xi32> to vector<32xbf16>
        %mul3A_896 = arith.mulf %bitcast3A_894, %bitcast3A_895 : vector<32xbf16>
        %add3A_897 = arith.addf %mul3A_890, %mul3A_896 : vector<32xbf16>
        %xor3A_898 = arith.xori %scan3A_886, %xor3A_12 : vector<16xi32>
        %gather3A_899 = tpu.vector_load_idx %arg11[%add3A_647, %xor3A_898] : memref<80x64xi32, #tpu.memory_space<vmem>>[vector<16xi32>, vector<16xi32>], vector<16xi32>,
        %gather3A_900 = tpu.vector_load_idx %arg15[%add3A_647, %xor3A_898] : memref<80x64xi32, #tpu.memory_space<vmem>>[vector<16xi32>, vector<16xi32>], vector<16xi32>,
        %bitcast3A_901 = vector.bitcast %gather3A_899 : vector<16xi32> to vector<32xbf16>
        %bitcast3A_902 = vector.bitcast %gather3A_900 : vector<16xi32> to vector<32xbf16>
        %mul3A_903 = arith.mulf %bitcast3A_901, %bitcast3A_902 : vector<32xbf16>
        %add3A_904 = arith.addf %add3A_897, %mul3A_903 : vector<32xbf16>
        %xor3A_905 = arith.xori %scan3A_886, %xor3A_15 : vector<16xi32>
        %gather3A_906 = tpu.vector_load_idx %arg11[%add3A_647, %xor3A_905] : memref<80x64xi32, #tpu.memory_space<vmem>>[vector<16xi32>, vector<16xi32>], vector<16xi32>,
        %gather3A_907 = tpu.vector_load_idx %arg15[%add3A_647, %xor3A_905] : memref<80x64xi32, #tpu.memory_space<vmem>>[vector<16xi32>, vector<16xi32>], vector<16xi32>,
        %bitcast3A_908 = vector.bitcast %gather3A_906 : vector<16xi32> to vector<32xbf16>
        %bitcast3A_909 = vector.bitcast %gather3A_907 : vector<16xi32> to vector<32xbf16>
        %mul3A_910 = arith.mulf %bitcast3A_908, %bitcast3A_909 : vector<32xbf16>
        %add3A_911 = arith.addf %add3A_904, %mul3A_910 : vector<32xbf16>
        %unpack3A = tpu.unpack_subelements %add3A_911, 0 {pack_format = #tpu.pack_format<interleaved>} : vector<32xbf16> -> vector<16xf32>
        %unpack3A_912 = tpu.unpack_subelements %add3A_911, 1 {pack_format = #tpu.pack_format<interleaved>} : vector<32xbf16> -> vector<16xf32>
        %add3A_913 = arith.addf %scan3A_884, %unpack3A : vector<16xf32>
        %add3A_914 = arith.addf %scan3A_885, %unpack3A_912 : vector<16xf32>
        %add3A_915 = arith.constant 4 : i32
        %add3A_916 = vector.broadcast %add3A_915 : i32 to vector<16xi32>
        %add3A_917 = arith.addi %scan3A_886, %add3A_916 : vector<16xi32>
        scf.yield %add3A_913, %add3A_914, %add3A_917 : vector<16xf32>, vector<16xf32>, vector<16xi32>
      }
      %scan3A_657 = arith.constant 16 : i32
      %add3A_658 = arith.addf %scan3A_656#0, %scan3A_656#1 : vector<16xf32>
      %neg3A_659 = arith.constant 0.000000e+00 : f32
      %neg3A_660 = vector.broadcast %neg3A_659 : f32 to vector<16xf32>
      %neg3A_661 = arith.subf %neg3A_660, %add3A_658 : vector<16xf32>
      %exp3A_662 = math.exp %neg3A_661 : vector<16xf32>
      %add3A_663 = arith.constant 1.000000e+00 : f32
      %add3A_664 = vector.broadcast %add3A_663 : f32 to vector<16xf32>
      %add3A_665 = arith.addf %add3A_664, %exp3A_662 : vector<16xf32>
      %div3A_666 = arith.constant 1.000000e+00 : f32
      %div3A_667 = vector.broadcast %div3A_666 : f32 to vector<16xf32>
      %div3A_668 = arith.divf %div3A_667, %add3A_665 : vector<16xf32>
      %mul3A_669 = arith.constant 80 : i32
      %mul3A_670 = arith.muli %add3A_542, %mul3A_669 : i32
      %add3A_671 = arith.constant 48 : i32
      %add3A_672 = arith.addi %mul3A_670, %add3A_671 : i32
      %swap3A_673 = arith.index_cast %add3A_672 : i32 to index
      %swap3A_674 = tpu.vector_load %arg17[%swap3A_673] {strides = array<i32>} : memref<10000xf32, #tpu.memory_space<vmem>>, vector<16xf32>,
      tpu.vector_store %arg17[%swap3A_673], %div3A_668 {strides = array<i32>} : memref<10000xf32, #tpu.memory_space<vmem>>, vector<16xf32>,
      %add3A_675 = arith.constant 64 : i32
      %add3A_676 = vector.broadcast %add3A_675 : i32 to vector<16xi32>
      %add3A_677 = arith.addi %iota3A, %add3A_676 : vector<16xi32>
      %broadcast_in_dim3A_678 = arith.constant 0.000000e+00 : f32
      %broadcast_in_dim3A_679 = vector.broadcast %broadcast_in_dim3A_678 : f32 to vector<16xf32>
      %broadcast_in_dim3A_680 = arith.constant 0 : i32
      %broadcast_in_dim3A_681 = vector.broadcast %broadcast_in_dim3A_680 : i32 to vector<16xi32>
      %scan3A_682 = arith.constant 0 : i32
      %scan3A_683 = arith.constant 16 : i32
      %scan3A_684 = arith.addi %scan3A_682, %scan3A_683 : i32
      %scan3A_685 = arith.constant 1 : i32
      %scan3A_686:3 = scf.for %scan3A_883 = %scan3A_682 to %scan3A_684 step %scan3A_685 iter_args(%scan3A_884 = %broadcast_in_dim3A_679, %scan3A_885 = %broadcast_in_dim3A_679, %scan3A_886 = %broadcast_in_dim3A_681) -> (vector<16xf32>, vector<16xf32>, vector<16xi32>)  : i32 {
        %xor3A_887 = arith.xori %scan3A_886, %xor3A_6 : vector<16xi32>
        %gather3A = tpu.vector_load_idx %arg11[%add3A_677, %xor3A_887] : memref<80x64xi32, #tpu.memory_space<vmem>>[vector<16xi32>, vector<16xi32>], vector<16xi32>,
        %gather3A_888 = tpu.vector_load_idx %arg15[%add3A_677, %xor3A_887] : memref<80x64xi32, #tpu.memory_space<vmem>>[vector<16xi32>, vector<16xi32>], vector<16xi32>,
        %bitcast3A = vector.bitcast %gather3A : vector<16xi32> to vector<32xbf16>
        %bitcast3A_889 = vector.bitcast %gather3A_888 : vector<16xi32> to vector<32xbf16>
        %mul3A_890 = arith.mulf %bitcast3A, %bitcast3A_889 : vector<32xbf16>
        %xor3A_891 = arith.xori %scan3A_886, %xor3A_9 : vector<16xi32>
        %gather3A_892 = tpu.vector_load_idx %arg11[%add3A_677, %xor3A_891] : memref<80x64xi32, #tpu.memory_space<vmem>>[vector<16xi32>, vector<16xi32>], vector<16xi32>,
        %gather3A_893 = tpu.vector_load_idx %arg15[%add3A_677, %xor3A_891] : memref<80x64xi32, #tpu.memory_space<vmem>>[vector<16xi32>, vector<16xi32>], vector<16xi32>,
        %bitcast3A_894 = vector.bitcast %gather3A_892 : vector<16xi32> to vector<32xbf16>
        %bitcast3A_895 = vector.bitcast %gather3A_893 : vector<16xi32> to vector<32xbf16>
        %mul3A_896 = arith.mulf %bitcast3A_894, %bitcast3A_895 : vector<32xbf16>
        %add3A_897 = arith.addf %mul3A_890, %mul3A_896 : vector<32xbf16>
        %xor3A_898 = arith.xori %scan3A_886, %xor3A_12 : vector<16xi32>
        %gather3A_899 = tpu.vector_load_idx %arg11[%add3A_677, %xor3A_898] : memref<80x64xi32, #tpu.memory_space<vmem>>[vector<16xi32>, vector<16xi32>], vector<16xi32>,
        %gather3A_900 = tpu.vector_load_idx %arg15[%add3A_677, %xor3A_898] : memref<80x64xi32, #tpu.memory_space<vmem>>[vector<16xi32>, vector<16xi32>], vector<16xi32>,
        %bitcast3A_901 = vector.bitcast %gather3A_899 : vector<16xi32> to vector<32xbf16>
        %bitcast3A_902 = vector.bitcast %gather3A_900 : vector<16xi32> to vector<32xbf16>
        %mul3A_903 = arith.mulf %bitcast3A_901, %bitcast3A_902 : vector<32xbf16>
        %add3A_904 = arith.addf %add3A_897, %mul3A_903 : vector<32xbf16>
        %xor3A_905 = arith.xori %scan3A_886, %xor3A_15 : vector<16xi32>
        %gather3A_906 = tpu.vector_load_idx %arg11[%add3A_677, %xor3A_905] : memref<80x64xi32, #tpu.memory_space<vmem>>[vector<16xi32>, vector<16xi32>], vector<16xi32>,
        %gather3A_907 = tpu.vector_load_idx %arg15[%add3A_677, %xor3A_905] : memref<80x64xi32, #tpu.memory_space<vmem>>[vector<16xi32>, vector<16xi32>], vector<16xi32>,
        %bitcast3A_908 = vector.bitcast %gather3A_906 : vector<16xi32> to vector<32xbf16>
        %bitcast3A_909 = vector.bitcast %gather3A_907 : vector<16xi32> to vector<32xbf16>
        %mul3A_910 = arith.mulf %bitcast3A_908, %bitcast3A_909 : vector<32xbf16>
        %add3A_911 = arith.addf %add3A_904, %mul3A_910 : vector<32xbf16>
        %unpack3A = tpu.unpack_subelements %add3A_911, 0 {pack_format = #tpu.pack_format<interleaved>} : vector<32xbf16> -> vector<16xf32>
        %unpack3A_912 = tpu.unpack_subelements %add3A_911, 1 {pack_format = #tpu.pack_format<interleaved>} : vector<32xbf16> -> vector<16xf32>
        %add3A_913 = arith.addf %scan3A_884, %unpack3A : vector<16xf32>
        %add3A_914 = arith.addf %scan3A_885, %unpack3A_912 : vector<16xf32>
        %add3A_915 = arith.constant 4 : i32
        %add3A_916 = vector.broadcast %add3A_915 : i32 to vector<16xi32>
        %add3A_917 = arith.addi %scan3A_886, %add3A_916 : vector<16xi32>
        scf.yield %add3A_913, %add3A_914, %add3A_917 : vector<16xf32>, vector<16xf32>, vector<16xi32>
      }
      %scan3A_687 = arith.constant 16 : i32
      %add3A_688 = arith.addf %scan3A_686#0, %scan3A_686#1 : vector<16xf32>
      %neg3A_689 = arith.constant 0.000000e+00 : f32
      %neg3A_690 = vector.broadcast %neg3A_689 : f32 to vector<16xf32>
      %neg3A_691 = arith.subf %neg3A_690, %add3A_688 : vector<16xf32>
      %exp3A_692 = math.exp %neg3A_691 : vector<16xf32>
      %add3A_693 = arith.constant 1.000000e+00 : f32
      %add3A_694 = vector.broadcast %add3A_693 : f32 to vector<16xf32>
      %add3A_695 = arith.addf %add3A_694, %exp3A_692 : vector<16xf32>
      %div3A_696 = arith.constant 1.000000e+00 : f32
      %div3A_697 = vector.broadcast %div3A_696 : f32 to vector<16xf32>
      %div3A_698 = arith.divf %div3A_697, %add3A_695 : vector<16xf32>
      %mul3A_699 = arith.constant 80 : i32
      %mul3A_700 = arith.muli %add3A_542, %mul3A_699 : i32
      %add3A_701 = arith.constant 64 : i32
      %add3A_702 = arith.addi %mul3A_700, %add3A_701 : i32
      %swap3A_703 = arith.index_cast %add3A_702 : i32 to index
      %swap3A_704 = tpu.vector_load %arg17[%swap3A_703] {strides = array<i32>} : memref<10000xf32, #tpu.memory_space<vmem>>, vector<16xf32>,
      tpu.vector_store %arg17[%swap3A_703], %div3A_698 {strides = array<i32>} : memref<10000xf32, #tpu.memory_space<vmem>>, vector<16xf32>,
      %add3A_705 = arith.constant 4 : i32
      %add3A_706 = arith.addi %add3A_542, %add3A_705 : i32
      %lt3A_707 = arith.constant 125 : i32
      %lt3A_708 = arith.cmpi slt, %add3A_706, %lt3A_707 : i32
      %convert_element_type3A_709 = arith.extui %lt3A_708 : i1 to i32
      %cond3A_710 = arith.constant 0 : i32
      %cond3A_711 = arith.cmpi ne, %convert_element_type3A_709, %cond3A_710 : i32
      scf.if %cond3A_711 {
        %add3A_883 = arith.constant 4 : i32
        %add3A_884 = arith.addi %add3A_542, %add3A_883 : i32
        %mul3A_885 = arith.constant 80 : i32
        %mul3A_886 = arith.muli %add3A_884, %mul3A_885 : i32
        %dma_start3A_887 = tpu.memref_slice %arg7[%mul3A_886] : memref<10000xi32, #tpu.memory_space<vmem>> -> memref<80xi32, #tpu.memory_space<vmem>>
        %dma_start3A_888 = arith.constant 0 : i32
        %dma_start3A_889 = arith.constant 0 : i32
        %dma_start3A_890 = tpu.memref_slice %arg6[%dma_start3A_888, %dma_start3A_889] : memref<10000x64xi32, #tpu.memory_space<vmem_shared>> -> memref<10000x64xi32, #tpu.memory_space<vmem_shared>>
        tpu.enqueue_indirect_dma source(%dma_start3A_890 : memref<10000x64xi32, #tpu.memory_space<vmem_shared>>) target(%arg11 : memref<80x64xi32, #tpu.memory_space<vmem>>) offsets(%dma_start3A_887 : memref<80xi32, #tpu.memory_space<vmem>>) semaphore(%arg20 : memref<!tpu.dma_semaphore, #tpu.memory_space<semaphore_mem>>)
        %mul3A_891 = arith.constant 80 : i32
        %mul3A_892 = arith.muli %add3A_884, %mul3A_891 : i32
        %dma_start3A_893 = tpu.memref_slice %arg8[%mul3A_892] : memref<10000xi32, #tpu.memory_space<vmem>> -> memref<80xi32, #tpu.memory_space<vmem>>
        %dma_start3A_894 = arith.constant 0 : i32
        %dma_start3A_895 = arith.constant 0 : i32
        %dma_start3A_896 = tpu.memref_slice %arg6[%dma_start3A_894, %dma_start3A_895] : memref<10000x64xi32, #tpu.memory_space<vmem_shared>> -> memref<10000x64xi32, #tpu.memory_space<vmem_shared>>
        tpu.enqueue_indirect_dma source(%dma_start3A_896 : memref<10000x64xi32, #tpu.memory_space<vmem_shared>>) target(%arg15 : memref<80x64xi32, #tpu.memory_space<vmem>>) offsets(%dma_start3A_893 : memref<80xi32, #tpu.memory_space<vmem>>) semaphore(%arg20 : memref<!tpu.dma_semaphore, #tpu.memory_space<semaphore_mem>>)
      } else {
      }
      %add3A_712 = arith.constant 3 : i32
      %add3A_713 = arith.addi %add3A_199, %add3A_712 : i32
      %dma_wait3A_714 = arith.constant 0 : i32
      %dma_wait3A_715 = arith.constant 0 : i32
      %dma_wait3A_716 = tpu.memref_slice %arg2[%dma_wait3A_714, %dma_wait3A_715] : memref<10000x64xi32, #tpu.memory_space<hbm>> -> memref<80x64xi32, #tpu.memory_space<hbm>>
      %dma_wait3A_717 = arith.constant 0 : i32
      %dma_wait3A_718 = arith.constant 0 : i32
      %dma_wait3A_719 = tpu.memref_slice %arg2[%dma_wait3A_717, %dma_wait3A_718] : memref<10000x64xi32, #tpu.memory_space<hbm>> -> memref<80x64xi32, #tpu.memory_space<hbm>>
      tpu.wait_dma2 semaphore(%arg21 : memref<!tpu.dma_semaphore, #tpu.memory_space<semaphore_mem>>) src(%dma_wait3A_719 : memref<80x64xi32, #tpu.memory_space<hbm>>) dst(%arg12 : memref<80x64xi32, #tpu.memory_space<vmem>>)
      %dma_wait3A_720 = arith.constant 0 : i32
      %dma_wait3A_721 = arith.constant 0 : i32
      %dma_wait3A_722 = tpu.memref_slice %arg2[%dma_wait3A_720, %dma_wait3A_721] : memref<10000x64xi32, #tpu.memory_space<hbm>> -> memref<80x64xi32, #tpu.memory_space<hbm>>
      %dma_wait3A_723 = arith.constant 0 : i32
      %dma_wait3A_724 = arith.constant 0 : i32
      %dma_wait3A_725 = tpu.memref_slice %arg2[%dma_wait3A_723, %dma_wait3A_724] : memref<10000x64xi32, #tpu.memory_space<hbm>> -> memref<80x64xi32, #tpu.memory_space<hbm>>
      tpu.wait_dma2 semaphore(%arg21 : memref<!tpu.dma_semaphore, #tpu.memory_space<semaphore_mem>>) src(%dma_wait3A_725 : memref<80x64xi32, #tpu.memory_space<hbm>>) dst(%arg16 : memref<80x64xi32, #tpu.memory_space<vmem>>)
      %add3A_726 = arith.constant 0 : i32
      %add3A_727 = vector.broadcast %add3A_726 : i32 to vector<16xi32>
      %add3A_728 = arith.addi %iota3A, %add3A_727 : vector<16xi32>
      %broadcast_in_dim3A_729 = arith.constant 0.000000e+00 : f32
      %broadcast_in_dim3A_730 = vector.broadcast %broadcast_in_dim3A_729 : f32 to vector<16xf32>
      %broadcast_in_dim3A_731 = arith.constant 0 : i32
      %broadcast_in_dim3A_732 = vector.broadcast %broadcast_in_dim3A_731 : i32 to vector<16xi32>
      %scan3A_733 = arith.constant 0 : i32
      %scan3A_734 = arith.constant 16 : i32
      %scan3A_735 = arith.addi %scan3A_733, %scan3A_734 : i32
      %scan3A_736 = arith.constant 1 : i32
      %scan3A_737:3 = scf.for %scan3A_883 = %scan3A_733 to %scan3A_735 step %scan3A_736 iter_args(%scan3A_884 = %broadcast_in_dim3A_730, %scan3A_885 = %broadcast_in_dim3A_730, %scan3A_886 = %broadcast_in_dim3A_732) -> (vector<16xf32>, vector<16xf32>, vector<16xi32>)  : i32 {
        %xor3A_887 = arith.xori %scan3A_886, %xor3A_6 : vector<16xi32>
        %gather3A = tpu.vector_load_idx %arg12[%add3A_728, %xor3A_887] : memref<80x64xi32, #tpu.memory_space<vmem>>[vector<16xi32>, vector<16xi32>], vector<16xi32>,
        %gather3A_888 = tpu.vector_load_idx %arg16[%add3A_728, %xor3A_887] : memref<80x64xi32, #tpu.memory_space<vmem>>[vector<16xi32>, vector<16xi32>], vector<16xi32>,
        %bitcast3A = vector.bitcast %gather3A : vector<16xi32> to vector<32xbf16>
        %bitcast3A_889 = vector.bitcast %gather3A_888 : vector<16xi32> to vector<32xbf16>
        %mul3A_890 = arith.mulf %bitcast3A, %bitcast3A_889 : vector<32xbf16>
        %xor3A_891 = arith.xori %scan3A_886, %xor3A_9 : vector<16xi32>
        %gather3A_892 = tpu.vector_load_idx %arg12[%add3A_728, %xor3A_891] : memref<80x64xi32, #tpu.memory_space<vmem>>[vector<16xi32>, vector<16xi32>], vector<16xi32>,
        %gather3A_893 = tpu.vector_load_idx %arg16[%add3A_728, %xor3A_891] : memref<80x64xi32, #tpu.memory_space<vmem>>[vector<16xi32>, vector<16xi32>], vector<16xi32>,
        %bitcast3A_894 = vector.bitcast %gather3A_892 : vector<16xi32> to vector<32xbf16>
        %bitcast3A_895 = vector.bitcast %gather3A_893 : vector<16xi32> to vector<32xbf16>
        %mul3A_896 = arith.mulf %bitcast3A_894, %bitcast3A_895 : vector<32xbf16>
        %add3A_897 = arith.addf %mul3A_890, %mul3A_896 : vector<32xbf16>
        %xor3A_898 = arith.xori %scan3A_886, %xor3A_12 : vector<16xi32>
        %gather3A_899 = tpu.vector_load_idx %arg12[%add3A_728, %xor3A_898] : memref<80x64xi32, #tpu.memory_space<vmem>>[vector<16xi32>, vector<16xi32>], vector<16xi32>,
        %gather3A_900 = tpu.vector_load_idx %arg16[%add3A_728, %xor3A_898] : memref<80x64xi32, #tpu.memory_space<vmem>>[vector<16xi32>, vector<16xi32>], vector<16xi32>,
        %bitcast3A_901 = vector.bitcast %gather3A_899 : vector<16xi32> to vector<32xbf16>
        %bitcast3A_902 = vector.bitcast %gather3A_900 : vector<16xi32> to vector<32xbf16>
        %mul3A_903 = arith.mulf %bitcast3A_901, %bitcast3A_902 : vector<32xbf16>
        %add3A_904 = arith.addf %add3A_897, %mul3A_903 : vector<32xbf16>
        %xor3A_905 = arith.xori %scan3A_886, %xor3A_15 : vector<16xi32>
        %gather3A_906 = tpu.vector_load_idx %arg12[%add3A_728, %xor3A_905] : memref<80x64xi32, #tpu.memory_space<vmem>>[vector<16xi32>, vector<16xi32>], vector<16xi32>,
        %gather3A_907 = tpu.vector_load_idx %arg16[%add3A_728, %xor3A_905] : memref<80x64xi32, #tpu.memory_space<vmem>>[vector<16xi32>, vector<16xi32>], vector<16xi32>,
        %bitcast3A_908 = vector.bitcast %gather3A_906 : vector<16xi32> to vector<32xbf16>
        %bitcast3A_909 = vector.bitcast %gather3A_907 : vector<16xi32> to vector<32xbf16>
        %mul3A_910 = arith.mulf %bitcast3A_908, %bitcast3A_909 : vector<32xbf16>
        %add3A_911 = arith.addf %add3A_904, %mul3A_910 : vector<32xbf16>
        %unpack3A = tpu.unpack_subelements %add3A_911, 0 {pack_format = #tpu.pack_format<interleaved>} : vector<32xbf16> -> vector<16xf32>
        %unpack3A_912 = tpu.unpack_subelements %add3A_911, 1 {pack_format = #tpu.pack_format<interleaved>} : vector<32xbf16> -> vector<16xf32>
        %add3A_913 = arith.addf %scan3A_884, %unpack3A : vector<16xf32>
        %add3A_914 = arith.addf %scan3A_885, %unpack3A_912 : vector<16xf32>
        %add3A_915 = arith.constant 4 : i32
        %add3A_916 = vector.broadcast %add3A_915 : i32 to vector<16xi32>
        %add3A_917 = arith.addi %scan3A_886, %add3A_916 : vector<16xi32>
        scf.yield %add3A_913, %add3A_914, %add3A_917 : vector<16xf32>, vector<16xf32>, vector<16xi32>
      }
      %scan3A_738 = arith.constant 16 : i32
      %add3A_739 = arith.addf %scan3A_737#0, %scan3A_737#1 : vector<16xf32>
      %neg3A_740 = arith.constant 0.000000e+00 : f32
      %neg3A_741 = vector.broadcast %neg3A_740 : f32 to vector<16xf32>
      %neg3A_742 = arith.subf %neg3A_741, %add3A_739 : vector<16xf32>
      %exp3A_743 = math.exp %neg3A_742 : vector<16xf32>
      %add3A_744 = arith.constant 1.000000e+00 : f32
      %add3A_745 = vector.broadcast %add3A_744 : f32 to vector<16xf32>
      %add3A_746 = arith.addf %add3A_745, %exp3A_743 : vector<16xf32>
      %div3A_747 = arith.constant 1.000000e+00 : f32
      %div3A_748 = vector.broadcast %div3A_747 : f32 to vector<16xf32>
      %div3A_749 = arith.divf %div3A_748, %add3A_746 : vector<16xf32>
      %mul3A_750 = arith.constant 80 : i32
      %mul3A_751 = arith.muli %add3A_713, %mul3A_750 : i32
      %add3A_752 = arith.constant 0 : i32
      %add3A_753 = arith.addi %mul3A_751, %add3A_752 : i32
      %swap3A_754 = arith.index_cast %add3A_753 : i32 to index
      %swap3A_755 = tpu.vector_load %arg17[%swap3A_754] {strides = array<i32>} : memref<10000xf32, #tpu.memory_space<vmem>>, vector<16xf32>,
      tpu.vector_store %arg17[%swap3A_754], %div3A_749 {strides = array<i32>} : memref<10000xf32, #tpu.memory_space<vmem>>, vector<16xf32>,
      %add3A_756 = arith.constant 16 : i32
      %add3A_757 = vector.broadcast %add3A_756 : i32 to vector<16xi32>
      %add3A_758 = arith.addi %iota3A, %add3A_757 : vector<16xi32>
      %broadcast_in_dim3A_759 = arith.constant 0.000000e+00 : f32
      %broadcast_in_dim3A_760 = vector.broadcast %broadcast_in_dim3A_759 : f32 to vector<16xf32>
      %broadcast_in_dim3A_761 = arith.constant 0 : i32
      %broadcast_in_dim3A_762 = vector.broadcast %broadcast_in_dim3A_761 : i32 to vector<16xi32>
      %scan3A_763 = arith.constant 0 : i32
      %scan3A_764 = arith.constant 16 : i32
      %scan3A_765 = arith.addi %scan3A_763, %scan3A_764 : i32
      %scan3A_766 = arith.constant 1 : i32
      %scan3A_767:3 = scf.for %scan3A_883 = %scan3A_763 to %scan3A_765 step %scan3A_766 iter_args(%scan3A_884 = %broadcast_in_dim3A_760, %scan3A_885 = %broadcast_in_dim3A_760, %scan3A_886 = %broadcast_in_dim3A_762) -> (vector<16xf32>, vector<16xf32>, vector<16xi32>)  : i32 {
        %xor3A_887 = arith.xori %scan3A_886, %xor3A_6 : vector<16xi32>
        %gather3A = tpu.vector_load_idx %arg12[%add3A_758, %xor3A_887] : memref<80x64xi32, #tpu.memory_space<vmem>>[vector<16xi32>, vector<16xi32>], vector<16xi32>,
        %gather3A_888 = tpu.vector_load_idx %arg16[%add3A_758, %xor3A_887] : memref<80x64xi32, #tpu.memory_space<vmem>>[vector<16xi32>, vector<16xi32>], vector<16xi32>,
        %bitcast3A = vector.bitcast %gather3A : vector<16xi32> to vector<32xbf16>
        %bitcast3A_889 = vector.bitcast %gather3A_888 : vector<16xi32> to vector<32xbf16>
        %mul3A_890 = arith.mulf %bitcast3A, %bitcast3A_889 : vector<32xbf16>
        %xor3A_891 = arith.xori %scan3A_886, %xor3A_9 : vector<16xi32>
        %gather3A_892 = tpu.vector_load_idx %arg12[%add3A_758, %xor3A_891] : memref<80x64xi32, #tpu.memory_space<vmem>>[vector<16xi32>, vector<16xi32>], vector<16xi32>,
        %gather3A_893 = tpu.vector_load_idx %arg16[%add3A_758, %xor3A_891] : memref<80x64xi32, #tpu.memory_space<vmem>>[vector<16xi32>, vector<16xi32>], vector<16xi32>,
        %bitcast3A_894 = vector.bitcast %gather3A_892 : vector<16xi32> to vector<32xbf16>
        %bitcast3A_895 = vector.bitcast %gather3A_893 : vector<16xi32> to vector<32xbf16>
        %mul3A_896 = arith.mulf %bitcast3A_894, %bitcast3A_895 : vector<32xbf16>
        %add3A_897 = arith.addf %mul3A_890, %mul3A_896 : vector<32xbf16>
        %xor3A_898 = arith.xori %scan3A_886, %xor3A_12 : vector<16xi32>
        %gather3A_899 = tpu.vector_load_idx %arg12[%add3A_758, %xor3A_898] : memref<80x64xi32, #tpu.memory_space<vmem>>[vector<16xi32>, vector<16xi32>], vector<16xi32>,
        %gather3A_900 = tpu.vector_load_idx %arg16[%add3A_758, %xor3A_898] : memref<80x64xi32, #tpu.memory_space<vmem>>[vector<16xi32>, vector<16xi32>], vector<16xi32>,
        %bitcast3A_901 = vector.bitcast %gather3A_899 : vector<16xi32> to vector<32xbf16>
        %bitcast3A_902 = vector.bitcast %gather3A_900 : vector<16xi32> to vector<32xbf16>
        %mul3A_903 = arith.mulf %bitcast3A_901, %bitcast3A_902 : vector<32xbf16>
        %add3A_904 = arith.addf %add3A_897, %mul3A_903 : vector<32xbf16>
        %xor3A_905 = arith.xori %scan3A_886, %xor3A_15 : vector<16xi32>
        %gather3A_906 = tpu.vector_load_idx %arg12[%add3A_758, %xor3A_905] : memref<80x64xi32, #tpu.memory_space<vmem>>[vector<16xi32>, vector<16xi32>], vector<16xi32>,
        %gather3A_907 = tpu.vector_load_idx %arg16[%add3A_758, %xor3A_905] : memref<80x64xi32, #tpu.memory_space<vmem>>[vector<16xi32>, vector<16xi32>], vector<16xi32>,
        %bitcast3A_908 = vector.bitcast %gather3A_906 : vector<16xi32> to vector<32xbf16>
        %bitcast3A_909 = vector.bitcast %gather3A_907 : vector<16xi32> to vector<32xbf16>
        %mul3A_910 = arith.mulf %bitcast3A_908, %bitcast3A_909 : vector<32xbf16>
        %add3A_911 = arith.addf %add3A_904, %mul3A_910 : vector<32xbf16>
        %unpack3A = tpu.unpack_subelements %add3A_911, 0 {pack_format = #tpu.pack_format<interleaved>} : vector<32xbf16> -> vector<16xf32>
        %unpack3A_912 = tpu.unpack_subelements %add3A_911, 1 {pack_format = #tpu.pack_format<interleaved>} : vector<32xbf16> -> vector<16xf32>
        %add3A_913 = arith.addf %scan3A_884, %unpack3A : vector<16xf32>
        %add3A_914 = arith.addf %scan3A_885, %unpack3A_912 : vector<16xf32>
        %add3A_915 = arith.constant 4 : i32
        %add3A_916 = vector.broadcast %add3A_915 : i32 to vector<16xi32>
        %add3A_917 = arith.addi %scan3A_886, %add3A_916 : vector<16xi32>
        scf.yield %add3A_913, %add3A_914, %add3A_917 : vector<16xf32>, vector<16xf32>, vector<16xi32>
      }
      %scan3A_768 = arith.constant 16 : i32
      %add3A_769 = arith.addf %scan3A_767#0, %scan3A_767#1 : vector<16xf32>
      %neg3A_770 = arith.constant 0.000000e+00 : f32
      %neg3A_771 = vector.broadcast %neg3A_770 : f32 to vector<16xf32>
      %neg3A_772 = arith.subf %neg3A_771, %add3A_769 : vector<16xf32>
      %exp3A_773 = math.exp %neg3A_772 : vector<16xf32>
      %add3A_774 = arith.constant 1.000000e+00 : f32
      %add3A_775 = vector.broadcast %add3A_774 : f32 to vector<16xf32>
      %add3A_776 = arith.addf %add3A_775, %exp3A_773 : vector<16xf32>
      %div3A_777 = arith.constant 1.000000e+00 : f32
      %div3A_778 = vector.broadcast %div3A_777 : f32 to vector<16xf32>
      %div3A_779 = arith.divf %div3A_778, %add3A_776 : vector<16xf32>
      %mul3A_780 = arith.constant 80 : i32
      %mul3A_781 = arith.muli %add3A_713, %mul3A_780 : i32
      %add3A_782 = arith.constant 16 : i32
      %add3A_783 = arith.addi %mul3A_781, %add3A_782 : i32
      %swap3A_784 = arith.index_cast %add3A_783 : i32 to index
      %swap3A_785 = tpu.vector_load %arg17[%swap3A_784] {strides = array<i32>} : memref<10000xf32, #tpu.memory_space<vmem>>, vector<16xf32>,
      tpu.vector_store %arg17[%swap3A_784], %div3A_779 {strides = array<i32>} : memref<10000xf32, #tpu.memory_space<vmem>>, vector<16xf32>,
      %add3A_786 = arith.constant 32 : i32
      %add3A_787 = vector.broadcast %add3A_786 : i32 to vector<16xi32>
      %add3A_788 = arith.addi %iota3A, %add3A_787 : vector<16xi32>
      %broadcast_in_dim3A_789 = arith.constant 0.000000e+00 : f32
      %broadcast_in_dim3A_790 = vector.broadcast %broadcast_in_dim3A_789 : f32 to vector<16xf32>
      %broadcast_in_dim3A_791 = arith.constant 0 : i32
      %broadcast_in_dim3A_792 = vector.broadcast %broadcast_in_dim3A_791 : i32 to vector<16xi32>
      %scan3A_793 = arith.constant 0 : i32
      %scan3A_794 = arith.constant 16 : i32
      %scan3A_795 = arith.addi %scan3A_793, %scan3A_794 : i32
      %scan3A_796 = arith.constant 1 : i32
      %scan3A_797:3 = scf.for %scan3A_883 = %scan3A_793 to %scan3A_795 step %scan3A_796 iter_args(%scan3A_884 = %broadcast_in_dim3A_790, %scan3A_885 = %broadcast_in_dim3A_790, %scan3A_886 = %broadcast_in_dim3A_792) -> (vector<16xf32>, vector<16xf32>, vector<16xi32>)  : i32 {
        %xor3A_887 = arith.xori %scan3A_886, %xor3A_6 : vector<16xi32>
        %gather3A = tpu.vector_load_idx %arg12[%add3A_788, %xor3A_887] : memref<80x64xi32, #tpu.memory_space<vmem>>[vector<16xi32>, vector<16xi32>], vector<16xi32>,
        %gather3A_888 = tpu.vector_load_idx %arg16[%add3A_788, %xor3A_887] : memref<80x64xi32, #tpu.memory_space<vmem>>[vector<16xi32>, vector<16xi32>], vector<16xi32>,
        %bitcast3A = vector.bitcast %gather3A : vector<16xi32> to vector<32xbf16>
        %bitcast3A_889 = vector.bitcast %gather3A_888 : vector<16xi32> to vector<32xbf16>
        %mul3A_890 = arith.mulf %bitcast3A, %bitcast3A_889 : vector<32xbf16>
        %xor3A_891 = arith.xori %scan3A_886, %xor3A_9 : vector<16xi32>
        %gather3A_892 = tpu.vector_load_idx %arg12[%add3A_788, %xor3A_891] : memref<80x64xi32, #tpu.memory_space<vmem>>[vector<16xi32>, vector<16xi32>], vector<16xi32>,
        %gather3A_893 = tpu.vector_load_idx %arg16[%add3A_788, %xor3A_891] : memref<80x64xi32, #tpu.memory_space<vmem>>[vector<16xi32>, vector<16xi32>], vector<16xi32>,
        %bitcast3A_894 = vector.bitcast %gather3A_892 : vector<16xi32> to vector<32xbf16>
        %bitcast3A_895 = vector.bitcast %gather3A_893 : vector<16xi32> to vector<32xbf16>
        %mul3A_896 = arith.mulf %bitcast3A_894, %bitcast3A_895 : vector<32xbf16>
        %add3A_897 = arith.addf %mul3A_890, %mul3A_896 : vector<32xbf16>
        %xor3A_898 = arith.xori %scan3A_886, %xor3A_12 : vector<16xi32>
        %gather3A_899 = tpu.vector_load_idx %arg12[%add3A_788, %xor3A_898] : memref<80x64xi32, #tpu.memory_space<vmem>>[vector<16xi32>, vector<16xi32>], vector<16xi32>,
        %gather3A_900 = tpu.vector_load_idx %arg16[%add3A_788, %xor3A_898] : memref<80x64xi32, #tpu.memory_space<vmem>>[vector<16xi32>, vector<16xi32>], vector<16xi32>,
        %bitcast3A_901 = vector.bitcast %gather3A_899 : vector<16xi32> to vector<32xbf16>
        %bitcast3A_902 = vector.bitcast %gather3A_900 : vector<16xi32> to vector<32xbf16>
        %mul3A_903 = arith.mulf %bitcast3A_901, %bitcast3A_902 : vector<32xbf16>
        %add3A_904 = arith.addf %add3A_897, %mul3A_903 : vector<32xbf16>
        %xor3A_905 = arith.xori %scan3A_886, %xor3A_15 : vector<16xi32>
        %gather3A_906 = tpu.vector_load_idx %arg12[%add3A_788, %xor3A_905] : memref<80x64xi32, #tpu.memory_space<vmem>>[vector<16xi32>, vector<16xi32>], vector<16xi32>,
        %gather3A_907 = tpu.vector_load_idx %arg16[%add3A_788, %xor3A_905] : memref<80x64xi32, #tpu.memory_space<vmem>>[vector<16xi32>, vector<16xi32>], vector<16xi32>,
        %bitcast3A_908 = vector.bitcast %gather3A_906 : vector<16xi32> to vector<32xbf16>
        %bitcast3A_909 = vector.bitcast %gather3A_907 : vector<16xi32> to vector<32xbf16>
        %mul3A_910 = arith.mulf %bitcast3A_908, %bitcast3A_909 : vector<32xbf16>
        %add3A_911 = arith.addf %add3A_904, %mul3A_910 : vector<32xbf16>
        %unpack3A = tpu.unpack_subelements %add3A_911, 0 {pack_format = #tpu.pack_format<interleaved>} : vector<32xbf16> -> vector<16xf32>
        %unpack3A_912 = tpu.unpack_subelements %add3A_911, 1 {pack_format = #tpu.pack_format<interleaved>} : vector<32xbf16> -> vector<16xf32>
        %add3A_913 = arith.addf %scan3A_884, %unpack3A : vector<16xf32>
        %add3A_914 = arith.addf %scan3A_885, %unpack3A_912 : vector<16xf32>
        %add3A_915 = arith.constant 4 : i32
        %add3A_916 = vector.broadcast %add3A_915 : i32 to vector<16xi32>
        %add3A_917 = arith.addi %scan3A_886, %add3A_916 : vector<16xi32>
        scf.yield %add3A_913, %add3A_914, %add3A_917 : vector<16xf32>, vector<16xf32>, vector<16xi32>
      }
      %scan3A_798 = arith.constant 16 : i32
      %add3A_799 = arith.addf %scan3A_797#0, %scan3A_797#1 : vector<16xf32>
      %neg3A_800 = arith.constant 0.000000e+00 : f32
      %neg3A_801 = vector.broadcast %neg3A_800 : f32 to vector<16xf32>
      %neg3A_802 = arith.subf %neg3A_801, %add3A_799 : vector<16xf32>
      %exp3A_803 = math.exp %neg3A_802 : vector<16xf32>
      %add3A_804 = arith.constant 1.000000e+00 : f32
      %add3A_805 = vector.broadcast %add3A_804 : f32 to vector<16xf32>
      %add3A_806 = arith.addf %add3A_805, %exp3A_803 : vector<16xf32>
      %div3A_807 = arith.constant 1.000000e+00 : f32
      %div3A_808 = vector.broadcast %div3A_807 : f32 to vector<16xf32>
      %div3A_809 = arith.divf %div3A_808, %add3A_806 : vector<16xf32>
      %mul3A_810 = arith.constant 80 : i32
      %mul3A_811 = arith.muli %add3A_713, %mul3A_810 : i32
      %add3A_812 = arith.constant 32 : i32
      %add3A_813 = arith.addi %mul3A_811, %add3A_812 : i32
      %swap3A_814 = arith.index_cast %add3A_813 : i32 to index
      %swap3A_815 = tpu.vector_load %arg17[%swap3A_814] {strides = array<i32>} : memref<10000xf32, #tpu.memory_space<vmem>>, vector<16xf32>,
      tpu.vector_store %arg17[%swap3A_814], %div3A_809 {strides = array<i32>} : memref<10000xf32, #tpu.memory_space<vmem>>, vector<16xf32>,
      %add3A_816 = arith.constant 48 : i32
      %add3A_817 = vector.broadcast %add3A_816 : i32 to vector<16xi32>
      %add3A_818 = arith.addi %iota3A, %add3A_817 : vector<16xi32>
      %broadcast_in_dim3A_819 = arith.constant 0.000000e+00 : f32
      %broadcast_in_dim3A_820 = vector.broadcast %broadcast_in_dim3A_819 : f32 to vector<16xf32>
      %broadcast_in_dim3A_821 = arith.constant 0 : i32
      %broadcast_in_dim3A_822 = vector.broadcast %broadcast_in_dim3A_821 : i32 to vector<16xi32>
      %scan3A_823 = arith.constant 0 : i32
      %scan3A_824 = arith.constant 16 : i32
      %scan3A_825 = arith.addi %scan3A_823, %scan3A_824 : i32
      %scan3A_826 = arith.constant 1 : i32
      %scan3A_827:3 = scf.for %scan3A_883 = %scan3A_823 to %scan3A_825 step %scan3A_826 iter_args(%scan3A_884 = %broadcast_in_dim3A_820, %scan3A_885 = %broadcast_in_dim3A_820, %scan3A_886 = %broadcast_in_dim3A_822) -> (vector<16xf32>, vector<16xf32>, vector<16xi32>)  : i32 {
        %xor3A_887 = arith.xori %scan3A_886, %xor3A_6 : vector<16xi32>
        %gather3A = tpu.vector_load_idx %arg12[%add3A_818, %xor3A_887] : memref<80x64xi32, #tpu.memory_space<vmem>>[vector<16xi32>, vector<16xi32>], vector<16xi32>,
        %gather3A_888 = tpu.vector_load_idx %arg16[%add3A_818, %xor3A_887] : memref<80x64xi32, #tpu.memory_space<vmem>>[vector<16xi32>, vector<16xi32>], vector<16xi32>,
        %bitcast3A = vector.bitcast %gather3A : vector<16xi32> to vector<32xbf16>
        %bitcast3A_889 = vector.bitcast %gather3A_888 : vector<16xi32> to vector<32xbf16>
        %mul3A_890 = arith.mulf %bitcast3A, %bitcast3A_889 : vector<32xbf16>
        %xor3A_891 = arith.xori %scan3A_886, %xor3A_9 : vector<16xi32>
        %gather3A_892 = tpu.vector_load_idx %arg12[%add3A_818, %xor3A_891] : memref<80x64xi32, #tpu.memory_space<vmem>>[vector<16xi32>, vector<16xi32>], vector<16xi32>,
        %gather3A_893 = tpu.vector_load_idx %arg16[%add3A_818, %xor3A_891] : memref<80x64xi32, #tpu.memory_space<vmem>>[vector<16xi32>, vector<16xi32>], vector<16xi32>,
        %bitcast3A_894 = vector.bitcast %gather3A_892 : vector<16xi32> to vector<32xbf16>
        %bitcast3A_895 = vector.bitcast %gather3A_893 : vector<16xi32> to vector<32xbf16>
        %mul3A_896 = arith.mulf %bitcast3A_894, %bitcast3A_895 : vector<32xbf16>
        %add3A_897 = arith.addf %mul3A_890, %mul3A_896 : vector<32xbf16>
        %xor3A_898 = arith.xori %scan3A_886, %xor3A_12 : vector<16xi32>
        %gather3A_899 = tpu.vector_load_idx %arg12[%add3A_818, %xor3A_898] : memref<80x64xi32, #tpu.memory_space<vmem>>[vector<16xi32>, vector<16xi32>], vector<16xi32>,
        %gather3A_900 = tpu.vector_load_idx %arg16[%add3A_818, %xor3A_898] : memref<80x64xi32, #tpu.memory_space<vmem>>[vector<16xi32>, vector<16xi32>], vector<16xi32>,
        %bitcast3A_901 = vector.bitcast %gather3A_899 : vector<16xi32> to vector<32xbf16>
        %bitcast3A_902 = vector.bitcast %gather3A_900 : vector<16xi32> to vector<32xbf16>
        %mul3A_903 = arith.mulf %bitcast3A_901, %bitcast3A_902 : vector<32xbf16>
        %add3A_904 = arith.addf %add3A_897, %mul3A_903 : vector<32xbf16>
        %xor3A_905 = arith.xori %scan3A_886, %xor3A_15 : vector<16xi32>
        %gather3A_906 = tpu.vector_load_idx %arg12[%add3A_818, %xor3A_905] : memref<80x64xi32, #tpu.memory_space<vmem>>[vector<16xi32>, vector<16xi32>], vector<16xi32>,
        %gather3A_907 = tpu.vector_load_idx %arg16[%add3A_818, %xor3A_905] : memref<80x64xi32, #tpu.memory_space<vmem>>[vector<16xi32>, vector<16xi32>], vector<16xi32>,
        %bitcast3A_908 = vector.bitcast %gather3A_906 : vector<16xi32> to vector<32xbf16>
        %bitcast3A_909 = vector.bitcast %gather3A_907 : vector<16xi32> to vector<32xbf16>
        %mul3A_910 = arith.mulf %bitcast3A_908, %bitcast3A_909 : vector<32xbf16>
        %add3A_911 = arith.addf %add3A_904, %mul3A_910 : vector<32xbf16>
        %unpack3A = tpu.unpack_subelements %add3A_911, 0 {pack_format = #tpu.pack_format<interleaved>} : vector<32xbf16> -> vector<16xf32>
        %unpack3A_912 = tpu.unpack_subelements %add3A_911, 1 {pack_format = #tpu.pack_format<interleaved>} : vector<32xbf16> -> vector<16xf32>
        %add3A_913 = arith.addf %scan3A_884, %unpack3A : vector<16xf32>
        %add3A_914 = arith.addf %scan3A_885, %unpack3A_912 : vector<16xf32>
        %add3A_915 = arith.constant 4 : i32
        %add3A_916 = vector.broadcast %add3A_915 : i32 to vector<16xi32>
        %add3A_917 = arith.addi %scan3A_886, %add3A_916 : vector<16xi32>
        scf.yield %add3A_913, %add3A_914, %add3A_917 : vector<16xf32>, vector<16xf32>, vector<16xi32>
      }
      %scan3A_828 = arith.constant 16 : i32
      %add3A_829 = arith.addf %scan3A_827#0, %scan3A_827#1 : vector<16xf32>
      %neg3A_830 = arith.constant 0.000000e+00 : f32
      %neg3A_831 = vector.broadcast %neg3A_830 : f32 to vector<16xf32>
      %neg3A_832 = arith.subf %neg3A_831, %add3A_829 : vector<16xf32>
      %exp3A_833 = math.exp %neg3A_832 : vector<16xf32>
      %add3A_834 = arith.constant 1.000000e+00 : f32
      %add3A_835 = vector.broadcast %add3A_834 : f32 to vector<16xf32>
      %add3A_836 = arith.addf %add3A_835, %exp3A_833 : vector<16xf32>
      %div3A_837 = arith.constant 1.000000e+00 : f32
      %div3A_838 = vector.broadcast %div3A_837 : f32 to vector<16xf32>
      %div3A_839 = arith.divf %div3A_838, %add3A_836 : vector<16xf32>
      %mul3A_840 = arith.constant 80 : i32
      %mul3A_841 = arith.muli %add3A_713, %mul3A_840 : i32
      %add3A_842 = arith.constant 48 : i32
      %add3A_843 = arith.addi %mul3A_841, %add3A_842 : i32
      %swap3A_844 = arith.index_cast %add3A_843 : i32 to index
      %swap3A_845 = tpu.vector_load %arg17[%swap3A_844] {strides = array<i32>} : memref<10000xf32, #tpu.memory_space<vmem>>, vector<16xf32>,
      tpu.vector_store %arg17[%swap3A_844], %div3A_839 {strides = array<i32>} : memref<10000xf32, #tpu.memory_space<vmem>>, vector<16xf32>,
      %add3A_846 = arith.constant 64 : i32
      %add3A_847 = vector.broadcast %add3A_846 : i32 to vector<16xi32>
      %add3A_848 = arith.addi %iota3A, %add3A_847 : vector<16xi32>
      %broadcast_in_dim3A_849 = arith.constant 0.000000e+00 : f32
      %broadcast_in_dim3A_850 = vector.broadcast %broadcast_in_dim3A_849 : f32 to vector<16xf32>
      %broadcast_in_dim3A_851 = arith.constant 0 : i32
      %broadcast_in_dim3A_852 = vector.broadcast %broadcast_in_dim3A_851 : i32 to vector<16xi32>
      %scan3A_853 = arith.constant 0 : i32
      %scan3A_854 = arith.constant 16 : i32
      %scan3A_855 = arith.addi %scan3A_853, %scan3A_854 : i32
      %scan3A_856 = arith.constant 1 : i32
      %scan3A_857:3 = scf.for %scan3A_883 = %scan3A_853 to %scan3A_855 step %scan3A_856 iter_args(%scan3A_884 = %broadcast_in_dim3A_850, %scan3A_885 = %broadcast_in_dim3A_850, %scan3A_886 = %broadcast_in_dim3A_852) -> (vector<16xf32>, vector<16xf32>, vector<16xi32>)  : i32 {
        %xor3A_887 = arith.xori %scan3A_886, %xor3A_6 : vector<16xi32>
        %gather3A = tpu.vector_load_idx %arg12[%add3A_848, %xor3A_887] : memref<80x64xi32, #tpu.memory_space<vmem>>[vector<16xi32>, vector<16xi32>], vector<16xi32>,
        %gather3A_888 = tpu.vector_load_idx %arg16[%add3A_848, %xor3A_887] : memref<80x64xi32, #tpu.memory_space<vmem>>[vector<16xi32>, vector<16xi32>], vector<16xi32>,
        %bitcast3A = vector.bitcast %gather3A : vector<16xi32> to vector<32xbf16>
        %bitcast3A_889 = vector.bitcast %gather3A_888 : vector<16xi32> to vector<32xbf16>
        %mul3A_890 = arith.mulf %bitcast3A, %bitcast3A_889 : vector<32xbf16>
        %xor3A_891 = arith.xori %scan3A_886, %xor3A_9 : vector<16xi32>
        %gather3A_892 = tpu.vector_load_idx %arg12[%add3A_848, %xor3A_891] : memref<80x64xi32, #tpu.memory_space<vmem>>[vector<16xi32>, vector<16xi32>], vector<16xi32>,
        %gather3A_893 = tpu.vector_load_idx %arg16[%add3A_848, %xor3A_891] : memref<80x64xi32, #tpu.memory_space<vmem>>[vector<16xi32>, vector<16xi32>], vector<16xi32>,
        %bitcast3A_894 = vector.bitcast %gather3A_892 : vector<16xi32> to vector<32xbf16>
        %bitcast3A_895 = vector.bitcast %gather3A_893 : vector<16xi32> to vector<32xbf16>
        %mul3A_896 = arith.mulf %bitcast3A_894, %bitcast3A_895 : vector<32xbf16>
        %add3A_897 = arith.addf %mul3A_890, %mul3A_896 : vector<32xbf16>
        %xor3A_898 = arith.xori %scan3A_886, %xor3A_12 : vector<16xi32>
        %gather3A_899 = tpu.vector_load_idx %arg12[%add3A_848, %xor3A_898] : memref<80x64xi32, #tpu.memory_space<vmem>>[vector<16xi32>, vector<16xi32>], vector<16xi32>,
        %gather3A_900 = tpu.vector_load_idx %arg16[%add3A_848, %xor3A_898] : memref<80x64xi32, #tpu.memory_space<vmem>>[vector<16xi32>, vector<16xi32>], vector<16xi32>,
        %bitcast3A_901 = vector.bitcast %gather3A_899 : vector<16xi32> to vector<32xbf16>
        %bitcast3A_902 = vector.bitcast %gather3A_900 : vector<16xi32> to vector<32xbf16>
        %mul3A_903 = arith.mulf %bitcast3A_901, %bitcast3A_902 : vector<32xbf16>
        %add3A_904 = arith.addf %add3A_897, %mul3A_903 : vector<32xbf16>
        %xor3A_905 = arith.xori %scan3A_886, %xor3A_15 : vector<16xi32>
        %gather3A_906 = tpu.vector_load_idx %arg12[%add3A_848, %xor3A_905] : memref<80x64xi32, #tpu.memory_space<vmem>>[vector<16xi32>, vector<16xi32>], vector<16xi32>,
        %gather3A_907 = tpu.vector_load_idx %arg16[%add3A_848, %xor3A_905] : memref<80x64xi32, #tpu.memory_space<vmem>>[vector<16xi32>, vector<16xi32>], vector<16xi32>,
        %bitcast3A_908 = vector.bitcast %gather3A_906 : vector<16xi32> to vector<32xbf16>
        %bitcast3A_909 = vector.bitcast %gather3A_907 : vector<16xi32> to vector<32xbf16>
        %mul3A_910 = arith.mulf %bitcast3A_908, %bitcast3A_909 : vector<32xbf16>
        %add3A_911 = arith.addf %add3A_904, %mul3A_910 : vector<32xbf16>
        %unpack3A = tpu.unpack_subelements %add3A_911, 0 {pack_format = #tpu.pack_format<interleaved>} : vector<32xbf16> -> vector<16xf32>
        %unpack3A_912 = tpu.unpack_subelements %add3A_911, 1 {pack_format = #tpu.pack_format<interleaved>} : vector<32xbf16> -> vector<16xf32>
        %add3A_913 = arith.addf %scan3A_884, %unpack3A : vector<16xf32>
        %add3A_914 = arith.addf %scan3A_885, %unpack3A_912 : vector<16xf32>
        %add3A_915 = arith.constant 4 : i32
        %add3A_916 = vector.broadcast %add3A_915 : i32 to vector<16xi32>
        %add3A_917 = arith.addi %scan3A_886, %add3A_916 : vector<16xi32>
        scf.yield %add3A_913, %add3A_914, %add3A_917 : vector<16xf32>, vector<16xf32>, vector<16xi32>
      }
      %scan3A_858 = arith.constant 16 : i32
      %add3A_859 = arith.addf %scan3A_857#0, %scan3A_857#1 : vector<16xf32>
      %neg3A_860 = arith.constant 0.000000e+00 : f32
      %neg3A_861 = vector.broadcast %neg3A_860 : f32 to vector<16xf32>
      %neg3A_862 = arith.subf %neg3A_861, %add3A_859 : vector<16xf32>
      %exp3A_863 = math.exp %neg3A_862 : vector<16xf32>
      %add3A_864 = arith.constant 1.000000e+00 : f32
      %add3A_865 = vector.broadcast %add3A_864 : f32 to vector<16xf32>
      %add3A_866 = arith.addf %add3A_865, %exp3A_863 : vector<16xf32>
      %div3A_867 = arith.constant 1.000000e+00 : f32
      %div3A_868 = vector.broadcast %div3A_867 : f32 to vector<16xf32>
      %div3A_869 = arith.divf %div3A_868, %add3A_866 : vector<16xf32>
      %mul3A_870 = arith.constant 80 : i32
      %mul3A_871 = arith.muli %add3A_713, %mul3A_870 : i32
      %add3A_872 = arith.constant 64 : i32
      %add3A_873 = arith.addi %mul3A_871, %add3A_872 : i32
      %swap3A_874 = arith.index_cast %add3A_873 : i32 to index
      %swap3A_875 = tpu.vector_load %arg17[%swap3A_874] {strides = array<i32>} : memref<10000xf32, #tpu.memory_space<vmem>>, vector<16xf32>,
      tpu.vector_store %arg17[%swap3A_874], %div3A_869 {strides = array<i32>} : memref<10000xf32, #tpu.memory_space<vmem>>, vector<16xf32>,
      %add3A_876 = arith.constant 4 : i32
      %add3A_877 = arith.addi %add3A_713, %add3A_876 : i32
      %lt3A_878 = arith.constant 125 : i32
      %lt3A_879 = arith.cmpi slt, %add3A_877, %lt3A_878 : i32
      %convert_element_type3A_880 = arith.extui %lt3A_879 : i1 to i32
      %cond3A_881 = arith.constant 0 : i32
      %cond3A_882 = arith.cmpi ne, %convert_element_type3A_880, %cond3A_881 : i32
      scf.if %cond3A_882 {
        %add3A_883 = arith.constant 4 : i32
        %add3A_884 = arith.addi %add3A_713, %add3A_883 : i32
        %mul3A_885 = arith.constant 80 : i32
        %mul3A_886 = arith.muli %add3A_884, %mul3A_885 : i32
        %dma_start3A_887 = tpu.memref_slice %arg7[%mul3A_886] : memref<10000xi32, #tpu.memory_space<vmem>> -> memref<80xi32, #tpu.memory_space<vmem>>
        %dma_start3A_888 = arith.constant 0 : i32
        %dma_start3A_889 = arith.constant 0 : i32
        %dma_start3A_890 = tpu.memref_slice %arg6[%dma_start3A_888, %dma_start3A_889] : memref<10000x64xi32, #tpu.memory_space<vmem_shared>> -> memref<10000x64xi32, #tpu.memory_space<vmem_shared>>
        tpu.enqueue_indirect_dma source(%dma_start3A_890 : memref<10000x64xi32, #tpu.memory_space<vmem_shared>>) target(%arg12 : memref<80x64xi32, #tpu.memory_space<vmem>>) offsets(%dma_start3A_887 : memref<80xi32, #tpu.memory_space<vmem>>) semaphore(%arg21 : memref<!tpu.dma_semaphore, #tpu.memory_space<semaphore_mem>>)
        %mul3A_891 = arith.constant 80 : i32
        %mul3A_892 = arith.muli %add3A_884, %mul3A_891 : i32
        %dma_start3A_893 = tpu.memref_slice %arg8[%mul3A_892] : memref<10000xi32, #tpu.memory_space<vmem>> -> memref<80xi32, #tpu.memory_space<vmem>>
        %dma_start3A_894 = arith.constant 0 : i32
        %dma_start3A_895 = arith.constant 0 : i32
        %dma_start3A_896 = tpu.memref_slice %arg6[%dma_start3A_894, %dma_start3A_895] : memref<10000x64xi32, #tpu.memory_space<vmem_shared>> -> memref<10000x64xi32, #tpu.memory_space<vmem_shared>>
        tpu.enqueue_indirect_dma source(%dma_start3A_896 : memref<10000x64xi32, #tpu.memory_space<vmem_shared>>) target(%arg16 : memref<80x64xi32, #tpu.memory_space<vmem>>) offsets(%dma_start3A_893 : memref<80xi32, #tpu.memory_space<vmem>>) semaphore(%arg21 : memref<!tpu.dma_semaphore, #tpu.memory_space<semaphore_mem>>)
      } else {
      }
    }
    %scan3A_58 = arith.constant 31 : i32
    %dma_wait3A = arith.constant 0 : i32
    %dma_wait3A_59 = arith.constant 0 : i32
    %dma_wait3A_60 = tpu.memref_slice %arg2[%dma_wait3A, %dma_wait3A_59] : memref<10000x64xi32, #tpu.memory_space<hbm>> -> memref<80x64xi32, #tpu.memory_space<hbm>>
    %dma_wait3A_61 = arith.constant 0 : i32
    %dma_wait3A_62 = arith.constant 0 : i32
    %dma_wait3A_63 = tpu.memref_slice %arg2[%dma_wait3A_61, %dma_wait3A_62] : memref<10000x64xi32, #tpu.memory_space<hbm>> -> memref<80x64xi32, #tpu.memory_space<hbm>>
    tpu.wait_dma2 semaphore(%arg18 : memref<!tpu.dma_semaphore, #tpu.memory_space<semaphore_mem>>) src(%dma_wait3A_63 : memref<80x64xi32, #tpu.memory_space<hbm>>) dst(%arg9 : memref<80x64xi32, #tpu.memory_space<vmem>>)
    %dma_wait3A_64 = arith.constant 0 : i32
    %dma_wait3A_65 = arith.constant 0 : i32
    %dma_wait3A_66 = tpu.memref_slice %arg2[%dma_wait3A_64, %dma_wait3A_65] : memref<10000x64xi32, #tpu.memory_space<hbm>> -> memref<80x64xi32, #tpu.memory_space<hbm>>
    %dma_wait3A_67 = arith.constant 0 : i32
    %dma_wait3A_68 = arith.constant 0 : i32
    %dma_wait3A_69 = tpu.memref_slice %arg2[%dma_wait3A_67, %dma_wait3A_68] : memref<10000x64xi32, #tpu.memory_space<hbm>> -> memref<80x64xi32, #tpu.memory_space<hbm>>
    tpu.wait_dma2 semaphore(%arg18 : memref<!tpu.dma_semaphore, #tpu.memory_space<semaphore_mem>>) src(%dma_wait3A_69 : memref<80x64xi32, #tpu.memory_space<hbm>>) dst(%arg13 : memref<80x64xi32, #tpu.memory_space<vmem>>)
    %add3A_70 = arith.constant 0 : i32
    %add3A_71 = vector.broadcast %add3A_70 : i32 to vector<16xi32>
    %add3A_72 = arith.addi %iota3A, %add3A_71 : vector<16xi32>
    %broadcast_in_dim3A = arith.constant 0.000000e+00 : f32
    %broadcast_in_dim3A_73 = vector.broadcast %broadcast_in_dim3A : f32 to vector<16xf32>
    %broadcast_in_dim3A_74 = arith.constant 0 : i32
    %broadcast_in_dim3A_75 = vector.broadcast %broadcast_in_dim3A_74 : i32 to vector<16xi32>
    %scan3A_76 = arith.constant 0 : i32
    %scan3A_77 = arith.constant 16 : i32
    %scan3A_78 = arith.addi %scan3A_76, %scan3A_77 : i32
    %scan3A_79 = arith.constant 1 : i32
    %scan3A_80:3 = scf.for %scan3A_195 = %scan3A_76 to %scan3A_78 step %scan3A_79 iter_args(%scan3A_196 = %broadcast_in_dim3A_73, %scan3A_197 = %broadcast_in_dim3A_73, %scan3A_198 = %broadcast_in_dim3A_75) -> (vector<16xf32>, vector<16xf32>, vector<16xi32>)  : i32 {
      %xor3A_199 = arith.xori %scan3A_198, %xor3A_6 : vector<16xi32>
      %gather3A = tpu.vector_load_idx %arg9[%add3A_72, %xor3A_199] : memref<80x64xi32, #tpu.memory_space<vmem>>[vector<16xi32>, vector<16xi32>], vector<16xi32>,
      %gather3A_200 = tpu.vector_load_idx %arg13[%add3A_72, %xor3A_199] : memref<80x64xi32, #tpu.memory_space<vmem>>[vector<16xi32>, vector<16xi32>], vector<16xi32>,
      %bitcast3A = vector.bitcast %gather3A : vector<16xi32> to vector<32xbf16>
      %bitcast3A_201 = vector.bitcast %gather3A_200 : vector<16xi32> to vector<32xbf16>
      %mul3A_202 = arith.mulf %bitcast3A, %bitcast3A_201 : vector<32xbf16>
      %xor3A_203 = arith.xori %scan3A_198, %xor3A_9 : vector<16xi32>
      %gather3A_204 = tpu.vector_load_idx %arg9[%add3A_72, %xor3A_203] : memref<80x64xi32, #tpu.memory_space<vmem>>[vector<16xi32>, vector<16xi32>], vector<16xi32>,
      %gather3A_205 = tpu.vector_load_idx %arg13[%add3A_72, %xor3A_203] : memref<80x64xi32, #tpu.memory_space<vmem>>[vector<16xi32>, vector<16xi32>], vector<16xi32>,
      %bitcast3A_206 = vector.bitcast %gather3A_204 : vector<16xi32> to vector<32xbf16>
      %bitcast3A_207 = vector.bitcast %gather3A_205 : vector<16xi32> to vector<32xbf16>
      %mul3A_208 = arith.mulf %bitcast3A_206, %bitcast3A_207 : vector<32xbf16>
      %add3A_209 = arith.addf %mul3A_202, %mul3A_208 : vector<32xbf16>
      %xor3A_210 = arith.xori %scan3A_198, %xor3A_12 : vector<16xi32>
      %gather3A_211 = tpu.vector_load_idx %arg9[%add3A_72, %xor3A_210] : memref<80x64xi32, #tpu.memory_space<vmem>>[vector<16xi32>, vector<16xi32>], vector<16xi32>,
      %gather3A_212 = tpu.vector_load_idx %arg13[%add3A_72, %xor3A_210] : memref<80x64xi32, #tpu.memory_space<vmem>>[vector<16xi32>, vector<16xi32>], vector<16xi32>,
      %bitcast3A_213 = vector.bitcast %gather3A_211 : vector<16xi32> to vector<32xbf16>
      %bitcast3A_214 = vector.bitcast %gather3A_212 : vector<16xi32> to vector<32xbf16>
      %mul3A_215 = arith.mulf %bitcast3A_213, %bitcast3A_214 : vector<32xbf16>
      %add3A_216 = arith.addf %add3A_209, %mul3A_215 : vector<32xbf16>
      %xor3A_217 = arith.xori %scan3A_198, %xor3A_15 : vector<16xi32>
      %gather3A_218 = tpu.vector_load_idx %arg9[%add3A_72, %xor3A_217] : memref<80x64xi32, #tpu.memory_space<vmem>>[vector<16xi32>, vector<16xi32>], vector<16xi32>,
      %gather3A_219 = tpu.vector_load_idx %arg13[%add3A_72, %xor3A_217] : memref<80x64xi32, #tpu.memory_space<vmem>>[vector<16xi32>, vector<16xi32>], vector<16xi32>,
      %bitcast3A_220 = vector.bitcast %gather3A_218 : vector<16xi32> to vector<32xbf16>
      %bitcast3A_221 = vector.bitcast %gather3A_219 : vector<16xi32> to vector<32xbf16>
      %mul3A_222 = arith.mulf %bitcast3A_220, %bitcast3A_221 : vector<32xbf16>
      %add3A_223 = arith.addf %add3A_216, %mul3A_222 : vector<32xbf16>
      %unpack3A = tpu.unpack_subelements %add3A_223, 0 {pack_format = #tpu.pack_format<interleaved>} : vector<32xbf16> -> vector<16xf32>
      %unpack3A_224 = tpu.unpack_subelements %add3A_223, 1 {pack_format = #tpu.pack_format<interleaved>} : vector<32xbf16> -> vector<16xf32>
      %add3A_225 = arith.addf %scan3A_196, %unpack3A : vector<16xf32>
      %add3A_226 = arith.addf %scan3A_197, %unpack3A_224 : vector<16xf32>
      %add3A_227 = arith.constant 4 : i32
      %add3A_228 = vector.broadcast %add3A_227 : i32 to vector<16xi32>
      %add3A_229 = arith.addi %scan3A_198, %add3A_228 : vector<16xi32>
      scf.yield %add3A_225, %add3A_226, %add3A_229 : vector<16xf32>, vector<16xf32>, vector<16xi32>
    }
    %scan3A_81 = arith.constant 16 : i32
    %add3A_82 = arith.addf %scan3A_80#0, %scan3A_80#1 : vector<16xf32>
    %neg3A = arith.constant 0.000000e+00 : f32
    %neg3A_83 = vector.broadcast %neg3A : f32 to vector<16xf32>
    %neg3A_84 = arith.subf %neg3A_83, %add3A_82 : vector<16xf32>
    %exp3A = math.exp %neg3A_84 : vector<16xf32>
    %add3A_85 = arith.constant 1.000000e+00 : f32
    %add3A_86 = vector.broadcast %add3A_85 : f32 to vector<16xf32>
    %add3A_87 = arith.addf %add3A_86, %exp3A : vector<16xf32>
    %div3A = arith.constant 1.000000e+00 : f32
    %div3A_88 = vector.broadcast %div3A : f32 to vector<16xf32>
    %div3A_89 = arith.divf %div3A_88, %add3A_87 : vector<16xf32>
    %swap3A = arith.constant 9920 : index
    %swap3A_90 = tpu.vector_load %arg17[%swap3A] {strides = array<i32>} : memref<10000xf32, #tpu.memory_space<vmem>>, vector<16xf32>,
    tpu.vector_store %arg17[%swap3A], %div3A_89 {strides = array<i32>} : memref<10000xf32, #tpu.memory_space<vmem>>, vector<16xf32>,
    %add3A_91 = arith.constant 16 : i32
    %add3A_92 = vector.broadcast %add3A_91 : i32 to vector<16xi32>
    %add3A_93 = arith.addi %iota3A, %add3A_92 : vector<16xi32>
    %broadcast_in_dim3A_94 = arith.constant 0.000000e+00 : f32
    %broadcast_in_dim3A_95 = vector.broadcast %broadcast_in_dim3A_94 : f32 to vector<16xf32>
    %broadcast_in_dim3A_96 = arith.constant 0 : i32
    %broadcast_in_dim3A_97 = vector.broadcast %broadcast_in_dim3A_96 : i32 to vector<16xi32>
    %scan3A_98 = arith.constant 0 : i32
    %scan3A_99 = arith.constant 16 : i32
    %scan3A_100 = arith.addi %scan3A_98, %scan3A_99 : i32
    %scan3A_101 = arith.constant 1 : i32
    %scan3A_102:3 = scf.for %scan3A_195 = %scan3A_98 to %scan3A_100 step %scan3A_101 iter_args(%scan3A_196 = %broadcast_in_dim3A_95, %scan3A_197 = %broadcast_in_dim3A_95, %scan3A_198 = %broadcast_in_dim3A_97) -> (vector<16xf32>, vector<16xf32>, vector<16xi32>)  : i32 {
      %xor3A_199 = arith.xori %scan3A_198, %xor3A_6 : vector<16xi32>
      %gather3A = tpu.vector_load_idx %arg9[%add3A_93, %xor3A_199] : memref<80x64xi32, #tpu.memory_space<vmem>>[vector<16xi32>, vector<16xi32>], vector<16xi32>,
      %gather3A_200 = tpu.vector_load_idx %arg13[%add3A_93, %xor3A_199] : memref<80x64xi32, #tpu.memory_space<vmem>>[vector<16xi32>, vector<16xi32>], vector<16xi32>,
      %bitcast3A = vector.bitcast %gather3A : vector<16xi32> to vector<32xbf16>
      %bitcast3A_201 = vector.bitcast %gather3A_200 : vector<16xi32> to vector<32xbf16>
      %mul3A_202 = arith.mulf %bitcast3A, %bitcast3A_201 : vector<32xbf16>
      %xor3A_203 = arith.xori %scan3A_198, %xor3A_9 : vector<16xi32>
      %gather3A_204 = tpu.vector_load_idx %arg9[%add3A_93, %xor3A_203] : memref<80x64xi32, #tpu.memory_space<vmem>>[vector<16xi32>, vector<16xi32>], vector<16xi32>,
      %gather3A_205 = tpu.vector_load_idx %arg13[%add3A_93, %xor3A_203] : memref<80x64xi32, #tpu.memory_space<vmem>>[vector<16xi32>, vector<16xi32>], vector<16xi32>,
      %bitcast3A_206 = vector.bitcast %gather3A_204 : vector<16xi32> to vector<32xbf16>
      %bitcast3A_207 = vector.bitcast %gather3A_205 : vector<16xi32> to vector<32xbf16>
      %mul3A_208 = arith.mulf %bitcast3A_206, %bitcast3A_207 : vector<32xbf16>
      %add3A_209 = arith.addf %mul3A_202, %mul3A_208 : vector<32xbf16>
      %xor3A_210 = arith.xori %scan3A_198, %xor3A_12 : vector<16xi32>
      %gather3A_211 = tpu.vector_load_idx %arg9[%add3A_93, %xor3A_210] : memref<80x64xi32, #tpu.memory_space<vmem>>[vector<16xi32>, vector<16xi32>], vector<16xi32>,
      %gather3A_212 = tpu.vector_load_idx %arg13[%add3A_93, %xor3A_210] : memref<80x64xi32, #tpu.memory_space<vmem>>[vector<16xi32>, vector<16xi32>], vector<16xi32>,
      %bitcast3A_213 = vector.bitcast %gather3A_211 : vector<16xi32> to vector<32xbf16>
      %bitcast3A_214 = vector.bitcast %gather3A_212 : vector<16xi32> to vector<32xbf16>
      %mul3A_215 = arith.mulf %bitcast3A_213, %bitcast3A_214 : vector<32xbf16>
      %add3A_216 = arith.addf %add3A_209, %mul3A_215 : vector<32xbf16>
      %xor3A_217 = arith.xori %scan3A_198, %xor3A_15 : vector<16xi32>
      %gather3A_218 = tpu.vector_load_idx %arg9[%add3A_93, %xor3A_217] : memref<80x64xi32, #tpu.memory_space<vmem>>[vector<16xi32>, vector<16xi32>], vector<16xi32>,
      %gather3A_219 = tpu.vector_load_idx %arg13[%add3A_93, %xor3A_217] : memref<80x64xi32, #tpu.memory_space<vmem>>[vector<16xi32>, vector<16xi32>], vector<16xi32>,
      %bitcast3A_220 = vector.bitcast %gather3A_218 : vector<16xi32> to vector<32xbf16>
      %bitcast3A_221 = vector.bitcast %gather3A_219 : vector<16xi32> to vector<32xbf16>
      %mul3A_222 = arith.mulf %bitcast3A_220, %bitcast3A_221 : vector<32xbf16>
      %add3A_223 = arith.addf %add3A_216, %mul3A_222 : vector<32xbf16>
      %unpack3A = tpu.unpack_subelements %add3A_223, 0 {pack_format = #tpu.pack_format<interleaved>} : vector<32xbf16> -> vector<16xf32>
      %unpack3A_224 = tpu.unpack_subelements %add3A_223, 1 {pack_format = #tpu.pack_format<interleaved>} : vector<32xbf16> -> vector<16xf32>
      %add3A_225 = arith.addf %scan3A_196, %unpack3A : vector<16xf32>
      %add3A_226 = arith.addf %scan3A_197, %unpack3A_224 : vector<16xf32>
      %add3A_227 = arith.constant 4 : i32
      %add3A_228 = vector.broadcast %add3A_227 : i32 to vector<16xi32>
      %add3A_229 = arith.addi %scan3A_198, %add3A_228 : vector<16xi32>
      scf.yield %add3A_225, %add3A_226, %add3A_229 : vector<16xf32>, vector<16xf32>, vector<16xi32>
    }
    %scan3A_103 = arith.constant 16 : i32
    %add3A_104 = arith.addf %scan3A_102#0, %scan3A_102#1 : vector<16xf32>
    %neg3A_105 = arith.constant 0.000000e+00 : f32
    %neg3A_106 = vector.broadcast %neg3A_105 : f32 to vector<16xf32>
    %neg3A_107 = arith.subf %neg3A_106, %add3A_104 : vector<16xf32>
    %exp3A_108 = math.exp %neg3A_107 : vector<16xf32>
    %add3A_109 = arith.constant 1.000000e+00 : f32
    %add3A_110 = vector.broadcast %add3A_109 : f32 to vector<16xf32>
    %add3A_111 = arith.addf %add3A_110, %exp3A_108 : vector<16xf32>
    %div3A_112 = arith.constant 1.000000e+00 : f32
    %div3A_113 = vector.broadcast %div3A_112 : f32 to vector<16xf32>
    %div3A_114 = arith.divf %div3A_113, %add3A_111 : vector<16xf32>
    %swap3A_115 = arith.constant 9936 : index
    %swap3A_116 = tpu.vector_load %arg17[%swap3A_115] {strides = array<i32>} : memref<10000xf32, #tpu.memory_space<vmem>>, vector<16xf32>,
    tpu.vector_store %arg17[%swap3A_115], %div3A_114 {strides = array<i32>} : memref<10000xf32, #tpu.memory_space<vmem>>, vector<16xf32>,
    %add3A_117 = arith.constant 32 : i32
    %add3A_118 = vector.broadcast %add3A_117 : i32 to vector<16xi32>
    %add3A_119 = arith.addi %iota3A, %add3A_118 : vector<16xi32>
    %broadcast_in_dim3A_120 = arith.constant 0.000000e+00 : f32
    %broadcast_in_dim3A_121 = vector.broadcast %broadcast_in_dim3A_120 : f32 to vector<16xf32>
    %broadcast_in_dim3A_122 = arith.constant 0 : i32
    %broadcast_in_dim3A_123 = vector.broadcast %broadcast_in_dim3A_122 : i32 to vector<16xi32>
    %scan3A_124 = arith.constant 0 : i32
    %scan3A_125 = arith.constant 16 : i32
    %scan3A_126 = arith.addi %scan3A_124, %scan3A_125 : i32
    %scan3A_127 = arith.constant 1 : i32
    %scan3A_128:3 = scf.for %scan3A_195 = %scan3A_124 to %scan3A_126 step %scan3A_127 iter_args(%scan3A_196 = %broadcast_in_dim3A_121, %scan3A_197 = %broadcast_in_dim3A_121, %scan3A_198 = %broadcast_in_dim3A_123) -> (vector<16xf32>, vector<16xf32>, vector<16xi32>)  : i32 {
      %xor3A_199 = arith.xori %scan3A_198, %xor3A_6 : vector<16xi32>
      %gather3A = tpu.vector_load_idx %arg9[%add3A_119, %xor3A_199] : memref<80x64xi32, #tpu.memory_space<vmem>>[vector<16xi32>, vector<16xi32>], vector<16xi32>,
      %gather3A_200 = tpu.vector_load_idx %arg13[%add3A_119, %xor3A_199] : memref<80x64xi32, #tpu.memory_space<vmem>>[vector<16xi32>, vector<16xi32>], vector<16xi32>,
      %bitcast3A = vector.bitcast %gather3A : vector<16xi32> to vector<32xbf16>
      %bitcast3A_201 = vector.bitcast %gather3A_200 : vector<16xi32> to vector<32xbf16>
      %mul3A_202 = arith.mulf %bitcast3A, %bitcast3A_201 : vector<32xbf16>
      %xor3A_203 = arith.xori %scan3A_198, %xor3A_9 : vector<16xi32>
      %gather3A_204 = tpu.vector_load_idx %arg9[%add3A_119, %xor3A_203] : memref<80x64xi32, #tpu.memory_space<vmem>>[vector<16xi32>, vector<16xi32>], vector<16xi32>,
      %gather3A_205 = tpu.vector_load_idx %arg13[%add3A_119, %xor3A_203] : memref<80x64xi32, #tpu.memory_space<vmem>>[vector<16xi32>, vector<16xi32>], vector<16xi32>,
      %bitcast3A_206 = vector.bitcast %gather3A_204 : vector<16xi32> to vector<32xbf16>
      %bitcast3A_207 = vector.bitcast %gather3A_205 : vector<16xi32> to vector<32xbf16>
      %mul3A_208 = arith.mulf %bitcast3A_206, %bitcast3A_207 : vector<32xbf16>
      %add3A_209 = arith.addf %mul3A_202, %mul3A_208 : vector<32xbf16>
      %xor3A_210 = arith.xori %scan3A_198, %xor3A_12 : vector<16xi32>
      %gather3A_211 = tpu.vector_load_idx %arg9[%add3A_119, %xor3A_210] : memref<80x64xi32, #tpu.memory_space<vmem>>[vector<16xi32>, vector<16xi32>], vector<16xi32>,
      %gather3A_212 = tpu.vector_load_idx %arg13[%add3A_119, %xor3A_210] : memref<80x64xi32, #tpu.memory_space<vmem>>[vector<16xi32>, vector<16xi32>], vector<16xi32>,
      %bitcast3A_213 = vector.bitcast %gather3A_211 : vector<16xi32> to vector<32xbf16>
      %bitcast3A_214 = vector.bitcast %gather3A_212 : vector<16xi32> to vector<32xbf16>
      %mul3A_215 = arith.mulf %bitcast3A_213, %bitcast3A_214 : vector<32xbf16>
      %add3A_216 = arith.addf %add3A_209, %mul3A_215 : vector<32xbf16>
      %xor3A_217 = arith.xori %scan3A_198, %xor3A_15 : vector<16xi32>
      %gather3A_218 = tpu.vector_load_idx %arg9[%add3A_119, %xor3A_217] : memref<80x64xi32, #tpu.memory_space<vmem>>[vector<16xi32>, vector<16xi32>], vector<16xi32>,
      %gather3A_219 = tpu.vector_load_idx %arg13[%add3A_119, %xor3A_217] : memref<80x64xi32, #tpu.memory_space<vmem>>[vector<16xi32>, vector<16xi32>], vector<16xi32>,
      %bitcast3A_220 = vector.bitcast %gather3A_218 : vector<16xi32> to vector<32xbf16>
      %bitcast3A_221 = vector.bitcast %gather3A_219 : vector<16xi32> to vector<32xbf16>
      %mul3A_222 = arith.mulf %bitcast3A_220, %bitcast3A_221 : vector<32xbf16>
      %add3A_223 = arith.addf %add3A_216, %mul3A_222 : vector<32xbf16>
      %unpack3A = tpu.unpack_subelements %add3A_223, 0 {pack_format = #tpu.pack_format<interleaved>} : vector<32xbf16> -> vector<16xf32>
      %unpack3A_224 = tpu.unpack_subelements %add3A_223, 1 {pack_format = #tpu.pack_format<interleaved>} : vector<32xbf16> -> vector<16xf32>
      %add3A_225 = arith.addf %scan3A_196, %unpack3A : vector<16xf32>
      %add3A_226 = arith.addf %scan3A_197, %unpack3A_224 : vector<16xf32>
      %add3A_227 = arith.constant 4 : i32
      %add3A_228 = vector.broadcast %add3A_227 : i32 to vector<16xi32>
      %add3A_229 = arith.addi %scan3A_198, %add3A_228 : vector<16xi32>
      scf.yield %add3A_225, %add3A_226, %add3A_229 : vector<16xf32>, vector<16xf32>, vector<16xi32>
    }
    %scan3A_129 = arith.constant 16 : i32
    %add3A_130 = arith.addf %scan3A_128#0, %scan3A_128#1 : vector<16xf32>
    %neg3A_131 = arith.constant 0.000000e+00 : f32
    %neg3A_132 = vector.broadcast %neg3A_131 : f32 to vector<16xf32>
    %neg3A_133 = arith.subf %neg3A_132, %add3A_130 : vector<16xf32>
    %exp3A_134 = math.exp %neg3A_133 : vector<16xf32>
    %add3A_135 = arith.constant 1.000000e+00 : f32
    %add3A_136 = vector.broadcast %add3A_135 : f32 to vector<16xf32>
    %add3A_137 = arith.addf %add3A_136, %exp3A_134 : vector<16xf32>
    %div3A_138 = arith.constant 1.000000e+00 : f32
    %div3A_139 = vector.broadcast %div3A_138 : f32 to vector<16xf32>
    %div3A_140 = arith.divf %div3A_139, %add3A_137 : vector<16xf32>
    %swap3A_141 = arith.constant 9952 : index
    %swap3A_142 = tpu.vector_load %arg17[%swap3A_141] {strides = array<i32>} : memref<10000xf32, #tpu.memory_space<vmem>>, vector<16xf32>,
    tpu.vector_store %arg17[%swap3A_141], %div3A_140 {strides = array<i32>} : memref<10000xf32, #tpu.memory_space<vmem>>, vector<16xf32>,
    %add3A_143 = arith.constant 48 : i32
    %add3A_144 = vector.broadcast %add3A_143 : i32 to vector<16xi32>
    %add3A_145 = arith.addi %iota3A, %add3A_144 : vector<16xi32>
    %broadcast_in_dim3A_146 = arith.constant 0.000000e+00 : f32
    %broadcast_in_dim3A_147 = vector.broadcast %broadcast_in_dim3A_146 : f32 to vector<16xf32>
    %broadcast_in_dim3A_148 = arith.constant 0 : i32
    %broadcast_in_dim3A_149 = vector.broadcast %broadcast_in_dim3A_148 : i32 to vector<16xi32>
    %scan3A_150 = arith.constant 0 : i32
    %scan3A_151 = arith.constant 16 : i32
    %scan3A_152 = arith.addi %scan3A_150, %scan3A_151 : i32
    %scan3A_153 = arith.constant 1 : i32
    %scan3A_154:3 = scf.for %scan3A_195 = %scan3A_150 to %scan3A_152 step %scan3A_153 iter_args(%scan3A_196 = %broadcast_in_dim3A_147, %scan3A_197 = %broadcast_in_dim3A_147, %scan3A_198 = %broadcast_in_dim3A_149) -> (vector<16xf32>, vector<16xf32>, vector<16xi32>)  : i32 {
      %xor3A_199 = arith.xori %scan3A_198, %xor3A_6 : vector<16xi32>
      %gather3A = tpu.vector_load_idx %arg9[%add3A_145, %xor3A_199] : memref<80x64xi32, #tpu.memory_space<vmem>>[vector<16xi32>, vector<16xi32>], vector<16xi32>,
      %gather3A_200 = tpu.vector_load_idx %arg13[%add3A_145, %xor3A_199] : memref<80x64xi32, #tpu.memory_space<vmem>>[vector<16xi32>, vector<16xi32>], vector<16xi32>,
      %bitcast3A = vector.bitcast %gather3A : vector<16xi32> to vector<32xbf16>
      %bitcast3A_201 = vector.bitcast %gather3A_200 : vector<16xi32> to vector<32xbf16>
      %mul3A_202 = arith.mulf %bitcast3A, %bitcast3A_201 : vector<32xbf16>
      %xor3A_203 = arith.xori %scan3A_198, %xor3A_9 : vector<16xi32>
      %gather3A_204 = tpu.vector_load_idx %arg9[%add3A_145, %xor3A_203] : memref<80x64xi32, #tpu.memory_space<vmem>>[vector<16xi32>, vector<16xi32>], vector<16xi32>,
      %gather3A_205 = tpu.vector_load_idx %arg13[%add3A_145, %xor3A_203] : memref<80x64xi32, #tpu.memory_space<vmem>>[vector<16xi32>, vector<16xi32>], vector<16xi32>,
      %bitcast3A_206 = vector.bitcast %gather3A_204 : vector<16xi32> to vector<32xbf16>
      %bitcast3A_207 = vector.bitcast %gather3A_205 : vector<16xi32> to vector<32xbf16>
      %mul3A_208 = arith.mulf %bitcast3A_206, %bitcast3A_207 : vector<32xbf16>
      %add3A_209 = arith.addf %mul3A_202, %mul3A_208 : vector<32xbf16>
      %xor3A_210 = arith.xori %scan3A_198, %xor3A_12 : vector<16xi32>
      %gather3A_211 = tpu.vector_load_idx %arg9[%add3A_145, %xor3A_210] : memref<80x64xi32, #tpu.memory_space<vmem>>[vector<16xi32>, vector<16xi32>], vector<16xi32>,
      %gather3A_212 = tpu.vector_load_idx %arg13[%add3A_145, %xor3A_210] : memref<80x64xi32, #tpu.memory_space<vmem>>[vector<16xi32>, vector<16xi32>], vector<16xi32>,
      %bitcast3A_213 = vector.bitcast %gather3A_211 : vector<16xi32> to vector<32xbf16>
      %bitcast3A_214 = vector.bitcast %gather3A_212 : vector<16xi32> to vector<32xbf16>
      %mul3A_215 = arith.mulf %bitcast3A_213, %bitcast3A_214 : vector<32xbf16>
      %add3A_216 = arith.addf %add3A_209, %mul3A_215 : vector<32xbf16>
      %xor3A_217 = arith.xori %scan3A_198, %xor3A_15 : vector<16xi32>
      %gather3A_218 = tpu.vector_load_idx %arg9[%add3A_145, %xor3A_217] : memref<80x64xi32, #tpu.memory_space<vmem>>[vector<16xi32>, vector<16xi32>], vector<16xi32>,
      %gather3A_219 = tpu.vector_load_idx %arg13[%add3A_145, %xor3A_217] : memref<80x64xi32, #tpu.memory_space<vmem>>[vector<16xi32>, vector<16xi32>], vector<16xi32>,
      %bitcast3A_220 = vector.bitcast %gather3A_218 : vector<16xi32> to vector<32xbf16>
      %bitcast3A_221 = vector.bitcast %gather3A_219 : vector<16xi32> to vector<32xbf16>
      %mul3A_222 = arith.mulf %bitcast3A_220, %bitcast3A_221 : vector<32xbf16>
      %add3A_223 = arith.addf %add3A_216, %mul3A_222 : vector<32xbf16>
      %unpack3A = tpu.unpack_subelements %add3A_223, 0 {pack_format = #tpu.pack_format<interleaved>} : vector<32xbf16> -> vector<16xf32>
      %unpack3A_224 = tpu.unpack_subelements %add3A_223, 1 {pack_format = #tpu.pack_format<interleaved>} : vector<32xbf16> -> vector<16xf32>
      %add3A_225 = arith.addf %scan3A_196, %unpack3A : vector<16xf32>
      %add3A_226 = arith.addf %scan3A_197, %unpack3A_224 : vector<16xf32>
      %add3A_227 = arith.constant 4 : i32
      %add3A_228 = vector.broadcast %add3A_227 : i32 to vector<16xi32>
      %add3A_229 = arith.addi %scan3A_198, %add3A_228 : vector<16xi32>
      scf.yield %add3A_225, %add3A_226, %add3A_229 : vector<16xf32>, vector<16xf32>, vector<16xi32>
    }
    %scan3A_155 = arith.constant 16 : i32
    %add3A_156 = arith.addf %scan3A_154#0, %scan3A_154#1 : vector<16xf32>
    %neg3A_157 = arith.constant 0.000000e+00 : f32
    %neg3A_158 = vector.broadcast %neg3A_157 : f32 to vector<16xf32>
    %neg3A_159 = arith.subf %neg3A_158, %add3A_156 : vector<16xf32>
    %exp3A_160 = math.exp %neg3A_159 : vector<16xf32>
    %add3A_161 = arith.constant 1.000000e+00 : f32
    %add3A_162 = vector.broadcast %add3A_161 : f32 to vector<16xf32>
    %add3A_163 = arith.addf %add3A_162, %exp3A_160 : vector<16xf32>
    %div3A_164 = arith.constant 1.000000e+00 : f32
    %div3A_165 = vector.broadcast %div3A_164 : f32 to vector<16xf32>
    %div3A_166 = arith.divf %div3A_165, %add3A_163 : vector<16xf32>
    %swap3A_167 = arith.constant 9968 : index
    %swap3A_168 = tpu.vector_load %arg17[%swap3A_167] {strides = array<i32>} : memref<10000xf32, #tpu.memory_space<vmem>>, vector<16xf32>,
    tpu.vector_store %arg17[%swap3A_167], %div3A_166 {strides = array<i32>} : memref<10000xf32, #tpu.memory_space<vmem>>, vector<16xf32>,
    %add3A_169 = arith.constant 64 : i32
    %add3A_170 = vector.broadcast %add3A_169 : i32 to vector<16xi32>
    %add3A_171 = arith.addi %iota3A, %add3A_170 : vector<16xi32>
    %broadcast_in_dim3A_172 = arith.constant 0.000000e+00 : f32
    %broadcast_in_dim3A_173 = vector.broadcast %broadcast_in_dim3A_172 : f32 to vector<16xf32>
    %broadcast_in_dim3A_174 = arith.constant 0 : i32
    %broadcast_in_dim3A_175 = vector.broadcast %broadcast_in_dim3A_174 : i32 to vector<16xi32>
    %scan3A_176 = arith.constant 0 : i32
    %scan3A_177 = arith.constant 16 : i32
    %scan3A_178 = arith.addi %scan3A_176, %scan3A_177 : i32
    %scan3A_179 = arith.constant 1 : i32
    %scan3A_180:3 = scf.for %scan3A_195 = %scan3A_176 to %scan3A_178 step %scan3A_179 iter_args(%scan3A_196 = %broadcast_in_dim3A_173, %scan3A_197 = %broadcast_in_dim3A_173, %scan3A_198 = %broadcast_in_dim3A_175) -> (vector<16xf32>, vector<16xf32>, vector<16xi32>)  : i32 {
      %xor3A_199 = arith.xori %scan3A_198, %xor3A_6 : vector<16xi32>
      %gather3A = tpu.vector_load_idx %arg9[%add3A_171, %xor3A_199] : memref<80x64xi32, #tpu.memory_space<vmem>>[vector<16xi32>, vector<16xi32>], vector<16xi32>,
      %gather3A_200 = tpu.vector_load_idx %arg13[%add3A_171, %xor3A_199] : memref<80x64xi32, #tpu.memory_space<vmem>>[vector<16xi32>, vector<16xi32>], vector<16xi32>,
      %bitcast3A = vector.bitcast %gather3A : vector<16xi32> to vector<32xbf16>
      %bitcast3A_201 = vector.bitcast %gather3A_200 : vector<16xi32> to vector<32xbf16>
      %mul3A_202 = arith.mulf %bitcast3A, %bitcast3A_201 : vector<32xbf16>
      %xor3A_203 = arith.xori %scan3A_198, %xor3A_9 : vector<16xi32>
      %gather3A_204 = tpu.vector_load_idx %arg9[%add3A_171, %xor3A_203] : memref<80x64xi32, #tpu.memory_space<vmem>>[vector<16xi32>, vector<16xi32>], vector<16xi32>,
      %gather3A_205 = tpu.vector_load_idx %arg13[%add3A_171, %xor3A_203] : memref<80x64xi32, #tpu.memory_space<vmem>>[vector<16xi32>, vector<16xi32>], vector<16xi32>,
      %bitcast3A_206 = vector.bitcast %gather3A_204 : vector<16xi32> to vector<32xbf16>
      %bitcast3A_207 = vector.bitcast %gather3A_205 : vector<16xi32> to vector<32xbf16>
      %mul3A_208 = arith.mulf %bitcast3A_206, %bitcast3A_207 : vector<32xbf16>
      %add3A_209 = arith.addf %mul3A_202, %mul3A_208 : vector<32xbf16>
      %xor3A_210 = arith.xori %scan3A_198, %xor3A_12 : vector<16xi32>
      %gather3A_211 = tpu.vector_load_idx %arg9[%add3A_171, %xor3A_210] : memref<80x64xi32, #tpu.memory_space<vmem>>[vector<16xi32>, vector<16xi32>], vector<16xi32>,
      %gather3A_212 = tpu.vector_load_idx %arg13[%add3A_171, %xor3A_210] : memref<80x64xi32, #tpu.memory_space<vmem>>[vector<16xi32>, vector<16xi32>], vector<16xi32>,
      %bitcast3A_213 = vector.bitcast %gather3A_211 : vector<16xi32> to vector<32xbf16>
      %bitcast3A_214 = vector.bitcast %gather3A_212 : vector<16xi32> to vector<32xbf16>
      %mul3A_215 = arith.mulf %bitcast3A_213, %bitcast3A_214 : vector<32xbf16>
      %add3A_216 = arith.addf %add3A_209, %mul3A_215 : vector<32xbf16>
      %xor3A_217 = arith.xori %scan3A_198, %xor3A_15 : vector<16xi32>
      %gather3A_218 = tpu.vector_load_idx %arg9[%add3A_171, %xor3A_217] : memref<80x64xi32, #tpu.memory_space<vmem>>[vector<16xi32>, vector<16xi32>], vector<16xi32>,
      %gather3A_219 = tpu.vector_load_idx %arg13[%add3A_171, %xor3A_217] : memref<80x64xi32, #tpu.memory_space<vmem>>[vector<16xi32>, vector<16xi32>], vector<16xi32>,
      %bitcast3A_220 = vector.bitcast %gather3A_218 : vector<16xi32> to vector<32xbf16>
      %bitcast3A_221 = vector.bitcast %gather3A_219 : vector<16xi32> to vector<32xbf16>
      %mul3A_222 = arith.mulf %bitcast3A_220, %bitcast3A_221 : vector<32xbf16>
      %add3A_223 = arith.addf %add3A_216, %mul3A_222 : vector<32xbf16>
      %unpack3A = tpu.unpack_subelements %add3A_223, 0 {pack_format = #tpu.pack_format<interleaved>} : vector<32xbf16> -> vector<16xf32>
      %unpack3A_224 = tpu.unpack_subelements %add3A_223, 1 {pack_format = #tpu.pack_format<interleaved>} : vector<32xbf16> -> vector<16xf32>
      %add3A_225 = arith.addf %scan3A_196, %unpack3A : vector<16xf32>
      %add3A_226 = arith.addf %scan3A_197, %unpack3A_224 : vector<16xf32>
      %add3A_227 = arith.constant 4 : i32
      %add3A_228 = vector.broadcast %add3A_227 : i32 to vector<16xi32>
      %add3A_229 = arith.addi %scan3A_198, %add3A_228 : vector<16xi32>
      scf.yield %add3A_225, %add3A_226, %add3A_229 : vector<16xf32>, vector<16xf32>, vector<16xi32>
    }
    %scan3A_181 = arith.constant 16 : i32
    %add3A_182 = arith.addf %scan3A_180#0, %scan3A_180#1 : vector<16xf32>
    %neg3A_183 = arith.constant 0.000000e+00 : f32
    %neg3A_184 = vector.broadcast %neg3A_183 : f32 to vector<16xf32>
    %neg3A_185 = arith.subf %neg3A_184, %add3A_182 : vector<16xf32>
    %exp3A_186 = math.exp %neg3A_185 : vector<16xf32>
    %add3A_187 = arith.constant 1.000000e+00 : f32
    %add3A_188 = vector.broadcast %add3A_187 : f32 to vector<16xf32>
    %add3A_189 = arith.addf %add3A_188, %exp3A_186 : vector<16xf32>
    %div3A_190 = arith.constant 1.000000e+00 : f32
    %div3A_191 = vector.broadcast %div3A_190 : f32 to vector<16xf32>
    %div3A_192 = arith.divf %div3A_191, %add3A_189 : vector<16xf32>
    %swap3A_193 = arith.constant 9984 : index
    %swap3A_194 = tpu.vector_load %arg17[%swap3A_193] {strides = array<i32>} : memref<10000xf32, #tpu.memory_space<vmem>>, vector<16xf32>,
    tpu.vector_store %arg17[%swap3A_193], %div3A_192 {strides = array<i32>} : memref<10000xf32, #tpu.memory_space<vmem>>, vector<16xf32>,
    "tpu.region"() ({
      %run_scoped3A = tpu.sem_alloc : memref<!tpu.dma_semaphore, #tpu.memory_space<semaphore_mem>>
      %dma_start3A_195 = tpu.memref_slice %arg5[%mul3A_2] : memref<320000xf32, #tpu.memory_space<hbm>> -> memref<10000xf32, #tpu.memory_space<hbm>>
      %dma_start3A_196 = tpu.memref_slice %arg5[%mul3A_2] : memref<320000xf32, #tpu.memory_space<hbm>> -> memref<10000xf32, #tpu.memory_space<hbm>>
      tpu.enqueue_dma source(%arg17 : memref<10000xf32, #tpu.memory_space<vmem>>) target(%dma_start3A_196 : memref<10000xf32, #tpu.memory_space<hbm>>) target_semaphore(%run_scoped3A : memref<!tpu.dma_semaphore, #tpu.memory_space<semaphore_mem>>)
      %dma_wait3A_197 = tpu.memref_slice %arg5[%mul3A_2] : memref<320000xf32, #tpu.memory_space<hbm>> -> memref<10000xf32, #tpu.memory_space<hbm>>
      %dma_wait3A_198 = tpu.memref_slice %arg5[%mul3A_2] : memref<320000xf32, #tpu.memory_space<hbm>> -> memref<10000xf32, #tpu.memory_space<hbm>>
      tpu.wait_dma2 semaphore(%run_scoped3A : memref<!tpu.dma_semaphore, #tpu.memory_space<semaphore_mem>>) src(%arg17 : memref<10000xf32, #tpu.memory_space<vmem>>) dst(%dma_wait3A_198 : memref<10000xf32, #tpu.memory_space<hbm>>)
      tpu.yield
    }) : () -> ()
    return
  }
}

module attributes {stable_mosaic.version = 14 : i64} {
  func.func @_normalize_body(%arg0: memref<10000x128xf32, #tpu.memory_space<vmem>>, %arg1: memref<10000x128xbf16, #tpu.memory_space<vmem>>) attributes {dimension_semantics = [], scalar_prefetch = 0 : i64, scratch_operands = 0 : i64, tpu.core_type = #tpu.core_type<tc>} {
    %get3A = arith.constant 0 : index
    %get3A_0 = arith.constant 0 : index
    %get3A_1 = vector.load %arg0[%get3A, %get3A_0] : memref<10000x128xf32, #tpu.memory_space<vmem>>, vector<10000x128xf32>
    %mul3A = arith.mulf %get3A_1, %get3A_1 : vector<10000x128xf32>
    %reduce_sum3A = arith.constant dense<0.000000e+00> : vector<10000xf32>
    %reduce_sum3A_2 = vector.multi_reduction <add>, %mul3A, %reduce_sum3A [1] : vector<10000x128xf32> to vector<10000xf32>
    %broadcast_in_dim3A = vector.shape_cast %reduce_sum3A_2 : vector<10000xf32> to vector<10000x1xf32>
    %sqrt3A = math.sqrt %broadcast_in_dim3A : vector<10000x1xf32>
    %max3A = arith.constant 9.99999996E-13 : f32
    %max3A_3 = vector.broadcast %max3A : f32 to vector<10000x1xf32>
    %max3A_4 = arith.maximumf %sqrt3A, %max3A_3 : vector<10000x1xf32>
    %div3A = vector.broadcast %max3A_4 : vector<10000x1xf32> to vector<10000x128xf32>
    %div3A_5 = arith.divf %get3A_1, %div3A : vector<10000x128xf32>
    %convert_element_type3A = arith.truncf %div3A_5 : vector<10000x128xf32> to vector<10000x128xbf16>
    %swap3A = arith.constant 0 : index
    %swap3A_6 = arith.constant 0 : index
    %swap3A_7 = vector.load %arg1[%swap3A, %swap3A_6] : memref<10000x128xbf16, #tpu.memory_space<vmem>>, vector<10000x128xbf16>
    tpu.vector_store %arg1[%swap3A, %swap3A_6], %convert_element_type3A {strides = array<i32>} : memref<10000x128xbf16, #tpu.memory_space<vmem>>, vector<10000x128xbf16>,
    return
  }
}

</mosaic_0001>

<sc_bundles>
// kernel: kernel.4.cloned.1.call-start
scs
__scs_entry_jumppad:
0x0: {  	(pc) =	sbr.rel $0x88, $3  }
0x1: {  	(tag) =	ssettag $0x0;
	lr =	simm.s32 $0x1  }
0x2: {  	[smem:$0x3F9F] =	sst lr;
	_ =	strace $0xD0000000  }
0x3: {  	_ = 	snop  }
0x4: {  	_ = 	snop  }
0x5: {  	_ = 	snop  }
0x6: {  	_ = 	snop  }
0x7: {  	_ = 	snop  }
__scs_overlays_trampoline_lowered:
0x8: {  	[smem:$0x3FAE] =	sst s0  }
0x9: {  	[smem:$0x3FAF] =	sst s1  }
0xa: {  	[smem:$0x3FB0] =	sst s2  }
0xb: {  	[smem:$0x3FB1] =	sst s3  }
0xc: {  	[smem:$0x3FB2] =	sst s4  }
0xd: {  	[smem:$0x3FB3] =	sst s5  }
0xe: {  	[smem:$0x3FB4] =	sst s6  }
0xf: {  	[smem:$0x3FB5] =	sst s7  }
0x10: {  	[smem:$0x3FB6] =	sst s8  }
0x11: {  	[smem:$0x3FB7] =	sst s9;
	s0 =	simm.s32 @!p0 $0x0  }
0x12: {  	s1 =	sld [smem:$0x3F9D];
	s0 =	simm.s32 @p0 $0x1  }
0x13: {  	[smem:$0x3FB8] =	sst s0;
	s0 =	simm.s32 @!p1 $0x0  }
0x14: {  	s2 =	sld [smem:$0x3F9C];
	s0 =	simm.s32 @p1 $0x1  }
0x15: {  	[smem:$0x3FB9] =	sst s0;
	s0 =	simm.s32 @!p2 $0x0  }
0x16: {  	s3 =	sld [smem:$0x3FDB];
	s0 =	simm.s32 @p2 $0x1  }
0x17: {  	s4 =	simm.s32 $0x1BF5;
	[smem:$0x3FBB] =	sst s0  }
0x18: {  	s0 =	sld [smem:$0x3F9E];
	_ =	swait.ge [sflag:s4], $0x0  }
0x19: {  	s7 =	sld [smem:$0x3F9F]  }
0x1a: {  	s8 =	sadd.s32 $0xFFFFE003, lr  }
0x1b: {  	s9 =	sadd.s32 $0xFFFFFEF7, lr;
	s5 =	simm.s32 $0xFFFFFFFF;
	p2 =	slt.u32 s8, $0xFFFFF086  }
0x1c: {  	p1 =	slt.u32 s9, $0xF7A;
	s5 =	simm.s32 @!p2 $0x0  }
0x1d: {  	s5 =	simm.s32 @p1 $0x1;
	p0 =	seq.s32 s7, s2  }
0x1e: {  	s7 =	smul.u32 @!p0 $0xF7A, s2;
	p2 =	seq.s32 @!p0 s5, $0x0  }
0x1f: {  	s9 =	smul.u32 $0xF7A, s1;
	s8 =	simm.s32 @!p0 $0x1BF5;
	p2 =	por !p2, p0  }
0x20: {  	[sflag:s8] =	ssyncset.s32 @!p0 $0xFFFFF086;
	s6 =	sadd.s32 @!p0 s3, s7;
	s7 =	simm.s32 @!p0 $0x108  }
0x21: {  	s3 =	sadd.s32 s3, s9;
	s6 =	sadd.s32 @!p0 $0x88, s6;
	s7 =	simm.s32 @p2 $0x1082  }
0x22: {  	[simem:s7], [sflag:s8] =	dma.local @!p0 [hbm:s6], $0xF7A  }
0x23: {  	s9 =	sor.u32 $0xD0000000, s2;
	s6 =	simm.s32 $0x108;
	_ =	swait.ge @!p0 [sflag:s8], $0x0  }
0x24: {  	s3 =	sadd.s32 $0x88, s3;
	s6 =	simm.s32 @!p1 $0x1082;
	[sflag:s4] =	ssyncset.s32 $0xFFFFF086  }
0x25: {  	[simem:s6], [sflag:s4] =	dma.local [hbm:s3], $0xF7A  }
0x26: {  	[smem:$0x3F9F] =	sst s1;
	(tag) =	ssettag s2;
	_ =	strace s9  }
0x27: {  	s1 =	sld [smem:$0x3FAF]  }
0x28: {  	s2 =	sld [smem:$0x3FB0]  }
0x29: {  	s4 =	sld [smem:$0x3FB2]  }
0x2a: {  	p0 =	seq.s32 s5, $0x0;
	s5 =	sld [smem:$0x3FB3]  }
0x2b: {  	s6 =	sld [smem:$0x3FB4]  }
0x2c: {  	s7 =	sld [smem:$0x3FB5]  }
0x2d: {  	s3 =	simm.s32 $0x108;
	s8 =	sld [smem:$0x3FB6]  }
0x2e: {  	s3 =	simm.s32 @!p0 $0x1082;
	s9 =	sld [smem:$0x3FB7]  }
0x2f: {  	lr =	sadd.s32 s0, s3;
	s0 =	sld [smem:$0x3FAE]  }
0x30: {  	s3 =	sld [smem:$0x3FB1]  }
0x31: {  	[smem:$0x3FBA] =	sst s10  }
0x32: {  	s10 =	sld [smem:$0x3FB8];
	_ =	sdelay $0x3  }
0x33: {  	p0 =	seq.s32 s10, $0x1;
	s10 =	sld [smem:$0x3FBA];
	_ =	sdelay $0x3  }
0x34: {  	[smem:$0x3FBA] =	sst s10  }
0x35: {  	s10 =	sld [smem:$0x3FB9];
	_ =	sdelay $0x3  }
0x36: {  	p1 =	seq.s32 s10, $0x1;
	s10 =	sld [smem:$0x3FBA];
	_ =	sdelay $0x3  }
0x37: {  	[smem:$0x3FBA] =	sst s10  }
0x38: {  	s10 =	sld [smem:$0x3FBB]  }
0x39: {  	_ = 	snop;
	(pc) =	sbr.ind lr, $3  }
0x3a: {  	_ = 	snop  }
0x3b: {  	_ = 	snop  }
0x3c: {  	p2 =	seq.s32 s10, $0x1;
	s10 =	sld [smem:$0x3FBA]  }
0x3d: {  	_ =	shalt  }
0x3e: {  	_ =	shalt  }
0x3f: {  	_ =	shalt  }
0x40: {  	_ =	shalt  }
0x41: {  	_ =	shalt  }
0x42: {  	_ =	shalt  }
0x43: {  	_ =	shalt  }
0x44: {  	_ =	shalt  }
0x45: {  	_ =	shalt  }
0x46: {  	_ =	shalt  }
0x47: {  	_ =	shalt  }
0x48: {  	_ =	shalt  }
0x49: {  	_ =	shalt  }
0x4a: {  	_ =	shalt  }
0x4b: {  	_ =	shalt  }
0x4c: {  	_ =	shalt  }
0x4d: {  	_ =	shalt  }
0x4e: {  	_ =	shalt  }
0x4f: {  	_ =	shalt  }
0x50: {  	_ =	shalt  }
0x51: {  	_ =	shalt  }
0x52: {  	_ =	shalt  }
0x53: {  	_ =	shalt  }
0x54: {  	_ =	shalt  }
0x55: {  	_ =	shalt  }
0x56: {  	_ =	shalt  }
0x57: {  	_ =	shalt  }
0x58: {  	_ =	shalt  }
0x59: {  	_ =	shalt  }
0x5a: {  	_ =	shalt  }
0x5b: {  	_ =	shalt  }
0x5c: {  	_ =	shalt  }
0x5d: {  	_ =	shalt  }
0x5e: {  	_ =	shalt  }
0x5f: {  	_ =	shalt  }
0x60: {  	_ =	shalt  }
0x61: {  	_ =	shalt  }
0x62: {  	_ =	shalt  }
0x63: {  	_ =	shalt  }
0x64: {  	_ =	shalt  }
0x65: {  	_ =	shalt  }
0x66: {  	_ =	shalt  }
0x67: {  	_ =	shalt  }
0x68: {  	_ =	shalt  }
0x69: {  	_ =	shalt  }
0x6a: {  	_ =	shalt  }
0x6b: {  	_ =	shalt  }
0x6c: {  	_ =	shalt  }
0x6d: {  	_ =	shalt  }
0x6e: {  	_ =	shalt  }
0x6f: {  	_ =	shalt  }
0x70: {  	_ =	shalt  }
0x71: {  	_ =	shalt  }
0x72: {  	_ =	shalt  }
0x73: {  	_ =	shalt  }
0x74: {  	_ =	shalt  }
0x75: {  	_ =	shalt  }
0x76: {  	_ =	shalt  }
0x77: {  	_ =	shalt  }
0x78: {  	_ =	shalt  }
0x79: {  	_ =	shalt  }
0x7a: {  	_ =	shalt  }
0x7b: {  	_ =	shalt  }
0x7c: {  	_ =	shalt  }
0x7d: {  	_ =	shalt  }
0x7e: {  	_ =	shalt  }
0x7f: {  	_ =	shalt  }
0x80: {  	_ =	shalt  }
0x81: {  	_ =	shalt  }
0x82: {  	_ =	shalt  }
0x83: {  	_ =	shalt  }
0x84: {  	_ =	shalt  }
0x85: {  	_ =	shalt  }
0x86: {  	_ =	shalt  }
0x87: {  	_ =	shalt  }
.Lfunc_end0:
.L_simem_size_0:
called_computation_lowered:
.L_overlay_start_0:
0x88: {  	s2 =	sld [smem:$0x3FD9]  }
0x89: {  	s3 =	sld [smem:$0x3FFE];
	_ =	sdelay $0x1  }
0x8a: {  	s1 =	srdreg.scid  }
0x8b: {  	s0 =	sand.u32 $0x1, s1  }
0x8c: {  	s17 =	sshll.u32 s0, $0xA;
	s2 =	sadd.s32 s3, s2  }
0x8d: {  	s2 =	sadd.s32 s2, s17  }
0x8e: {  	[smem:$0x3FC6] =	sst s2  }
0x8f: {  	_ = 	snop  }
0x90: {  	s2 =	sld [smem:$0x3FD0];
	(tm) =	ssettm $0x1  }
0x91: {  	s18 =	sld [smem:$0x3FFB];
	_ =	sdelay $0x3  }
0x92: {  	_ =	strace s18  }
0x93: {  	s3 =	sld [smem:$0x3FFC];
	_ =	sdelay $0x3  }
0x94: {  	_ =	strace s3  }
0x95: {  	s3 =	sld [smem:$0x3FFD];
	_ =	sdelay $0x3  }
0x96: {  	_ =	strace s3  }
0x97: {  	_ =	strace $0x8FFFFFFF  }
0x98: {  	s19 =	sld [smem:$0x3FDB];
	_ =	sdelay $0x1  }
0x99: {  	s4 =	simm.s32 $_scs_section_size  }
0x9a: {  	s5 =	simm.s32 $_size__tile_overlayer_lowered;
	s6 =	simm.s32 $_tile_overlayer_lowered  }
0x9b: {  	s22 =	simm.s32 $0x1BFF;
	s21 =	sshll.u32 s6, $0x1;
	s3 =	sadd.s32 s4, s19  }
0x9c: {  	s7 =	simm.s32 $0x0;
	s20 =	sshll.u32 s5, $0x1;
	s5 =	sadd.s32 s21, s3  }
0x9d: {  	[timem:s7], [sflag:s22] =	dma.local [hbm:s5], s20  }
0x9e: {  	_ =	swait.ge [sflag:s22], s20  }
0x9f: {  	s4 =	ssub.s32 $0x0, s20;
	[sflag:s22] =	ssyncset.done $0x0  }
0xa0: {  	[sflag:s22] =	ssyncadd.s32 s4;
	_ =	sdelay $0x1  }
0xa1: {  	s23 =	simm.s32 $0x1B8B  }
0xa2: {  	_ =	swait.ge [sflag:s23], $0x1  }
0xa3: {  	[sflag:s23] =	ssyncset.done $0x0  }
0xa4: {  	s25 =	simm.s32 $0x1B8E;
	s24 =	sld [smem:$0x3FFE];
	[sflag:s23] =	ssyncadd.s32 $0xFFFFFFFF  }
0xa5: {  	s26 =	simm.s32 $execute0_lowered;
	[smem:$0x3FD2] =	sst s25  }
0xa6: {  	s5 =	sshll.u32 s26, $0x1;
	_ =	strace $0x80000046;
	[dreg:$0x1] =	wrdreg $0xFFFFFFFF  }
0xa7: {  	s28 =	simm.s32 $_size_execute0_lowered;
	s3 =	sadd.s32 s3, s5;
	[dreg:$0x0] =	wrdreg $0x0  }
0xa8: {  	s5 =	sshll.u32 s28, $0x1;
	[dreg:$0x2] =	wrdreg s3  }
0xa9: {  	[dreg:$0x3] =	wrdreg s5  }
0xaa: {  	[dreg:$0x4] =	wrdreg $0xC0  }
0xab: {  	_ =	task [dreg:s7], $0x5FFFF  }
0xac: {  	[dreg:$0x1] =	wrdreg $0xFFFFFFFF  }
0xad: {  	[dreg:$0x0] =	wrdreg $0x60  }
0xae: {  	[dreg:$0x2] =	wrdreg s24  }
0xaf: {  	[dreg:$0x3] =	wrdreg s2  }
0xb0: {  	[dreg:$0x4] =	wrdreg $0x0  }
0xb1: {  	[dreg:$0x5] =	wrdreg $0x9  }
0xb2: {  	_ =	task.clear_ibuf [dreg:s7], $0x6FFFF;
	_ =	strace $0x90000046  }
0xb3: {  	s29 =	simm.s32 $0x9;
	_ =	strace $0x80000048  }
0xb4: {  	_ =	swait.ge [sflag:s29], $0x1  }
0xb5: {  	[sflag:s29] =	ssyncadd.s32 $0xFFFFFFFF  }
0xb6: {  	_ =	strace $0x90000048  }
0xb7: {  	_ =	sfence  }
0xb8: {  	s30 =	sld [smem:$0x0];
	_ =	sdelay $0x2  }
0xb9: {  	s31 =	sshll.u32 s1, $0xD;
	s1 =	sshrl.u32 s1, $0x2  }
0xba: {  	s3 =	sand.u32 $0x4000, s31;
	s1 =	sadd.s32 s1, s30  }
0xbb: {  	s0 =	sor.u32 s3, s0;
	s1 =	sshll.u32 s1, $0x11  }
0xbc: {  	s0 =	sor.u32 s1, s0  }
0xbd: {  	s0 =	sadd.s32 $0x8F2B, s0  }
0xbe: {  	[sflag:s0] =	ssyncadd.remote.s32 $0x1  }
0xbf: {  	_ =	sfence.sel $0xFFFF  }
0xc0: {  	[dreg:$0x0] =	wrdreg $0xFFFFFFFF;
	(pc) =	sbr.abs _section_cstart, $3  }
0xc1: {  	[dreg:$0x1] =	wrdreg $0xFFFFFFFF  }
0xc2: {  	_ =	task.clear_ibuf [dreg:s7], $0x2FFFF;
	_ =	strace $0x9FFFFFFF  }
0xc3: {  	(tm) =	ssettm $0x7FFFFFFF  }
tec
execute0_lowered:
.L_overlay_start_1:
0x0: {  	(tag) =	ssettag $0x1  }
0x1: {  	s0 =	rddreg [dreg:$0x0]  }
0x2: {  	s1 =	rddreg [dreg:$0x1]  }
0x3: {  	s3 =	srdreg.scid;
	s6 =	stileid.u32;
	v0 =	vimm.s32 $0xEFCDAB89;
	v1 =	vimm.s32 $0x67452301  }
0x4: {  	s2 =	rddreg [dreg:$0x2];
	v2 =	vimm.s32 $0xDCFE98BA;
	v3 =	vimm.s32 $0x54761032;
	s10 =	simm.s32 $0x5;
	s11 =	simm.s32 $0xC350  }
0x5: {  	v4 =	vimm.s32 $0xCDEF89AB;
	s12 =	simm.s32 $0x50;
	s13 =	simm.s32 $0xEA60;
	s14 =	simm.s32 $0x13A60  }
0x6: {  	v5 =	vimm.s32 $0x45670123;
	s16 =	simm.s32 $0xFE60;
	s18 =	simm.s32 $0x14E60;
	s20 =	simm.s32 $0x11260  }
0x7: {  	s22 =	simm.s32 $0x16260;
	s24 =	simm.s32 $0x12660;
	s28 =	simm.s32 $0x1;
	v0 =	vunpack.c.l.s4.s8 v0;
	v1 =	vunpack.c.l.s4.s8 v1;
	v2 =	vunpack.c.l.s4.s8 v2  }
0x8: {  	s29 =	simm.s32 $0x2;
	s30 =	simm.s32 $0x3;
	s31 =	simm.s32 $0x4;
	v3 =	vunpack.c.l.s4.s8 v3;
	v4 =	vunpack.c.l.s4.s8 v4;
	v5 =	vunpack.c.l.s4.s8 v5  }
0x9: {  	s15 =	simm.s32 $0x0;
	s4 =	sand.u32 $0x1, s3;
	s5 =	sshll.u32 s6, $0x1;
	v6 =	vunpack.c.0.s8.s32 v0;
	v1 =	vunpack.c.0.s8.s32 v1;
	v2 =	vunpack.c.0.s8.s32 v2  }
0xa: {  	s3 =	simm.s32 $0x0;
	s5 =	sor.u32 s4, s5;
	s4 =	ssub.s32 $0x2, s4;
	v3 =	vunpack.c.0.s8.s32 v3;
	v4 =	vunpack.c.0.s8.s32 v4;
	v5 =	vunpack.c.0.s8.s32 v5  }
0xb: {  	[smem:$0x7FF] =	sst s3;
	s7 =	smul.u32 $0x4E2, s5;
	s26 =	sshrl.u32 s4, $0x1;
	v0 =	vlaneseq.u32;
	v6 =	vcombine.low v1, v6  }
0xc: {  	p0 =	sne.s32 s6, $0x0;
	_ =	strace $0x80000047;
	s9 =	ssub.s32 s4, s26;
	v1 =	vmul.u32 $0x40, v0;
	v3 =	vcombine.low v3, v2;
	v4 =	vcombine.low v5, v4  }
0xd: {  	s26 =	simm.s32 $0x17660;
	s8 =	sadd.s32 s7, s0;
	s6 =	sadd.s32 s1, s7;
	v2 =	vand.u32 $0xF, v6  }
0xe: {  	s7 =	smax.u32 s9, $0x1;
	s9 =	simm.s32 $0x9C40;
	s1 =	simm.s32 $0x18A60;
	v3 =	vand.u32 $0xF, v3;
	v4 =	vand.u32 $0xF, v4;
	v5 =	vor.u32 $0x400, v1  }
0xf: {  	s4 =	sadd.s32 $0x1D800, s8;
	s5 =	sadd.s32 $0x13A00, s8;
	s8 =	sshrl.u32 @!p0 s2, $0x3;
	v6 =	vor.u32 $0x800, v1;
	v7 =	vor.u32 $0xC00, v1;
	v8 =	vor.u32 $0x1000, v1  }
.LBB2_1:
0x10: {  	s17 =	simm.s32 @!p0 $0x1C05  }
0x11: {  	[spmem:s8], [sflag:s17] =	dma.local @!p0 [hbm:s0], $0x13880  }
0x12: {  	s17 =	simm.s32 @!p0 $0x5  }
0x13: {  	_ =	swait.ge @!p0 [sflag:s17], $0x13880  }
0x14: {  	[sflag:s17] =	ssyncset.done @!p0 $0x0  }
0x15: {  	[sflag:s17] =	ssyncadd.s32 @!p0 $0xFFFEC780  }
0x16: {  	[tilespmem:s9], [sflag:$0x5] =	stream.linear.gather [hbm4b:s4+s3], $0x2710, $0x38;
	[tilespmem:$0x1B170] =	vst v63  }
0x17: {  	_ =	swait.ge [sflag:s10], $0x2710  }
0x18: {  	[sflag:s10] =	ssyncset.done $0x0  }
0x19: {  	[sflag:s10] =	ssyncadd.s32 $0xFFFFD8F0  }
0x1a: {  	[tilespmem:s11], [sflag:$0x5] =	stream.linear.gather [hbm4b:s5+s3], $0x2710, $0x38;
	[tilespmem:$0x1B170] =	vst v63  }
0x1b: {  	_ =	swait.ge [sflag:s10], $0x2710  }
0x1c: {  	[sflag:s10] =	ssyncset.done $0x0  }
0x1d: {  	[sflag:s10] =	ssyncadd.s32 $0xFFFFD8F0  }
0x1e: {  	[bflag:$0x0] =	sbarrier.arrive $0xFFFF  }
0x1f: {  	[tilespmem:s13], [sflag:$0x1] =	stream.indirect.gather [spmem:s2], $0x40, s9, s12, $0xb8;
	[tilespmem:$0x1B170] =	vst v63  }
0x20: {  	_ = 	snop  }
0x21: {  	[tilespmem:s14], [sflag:$0x1] =	stream.indirect.gather [spmem:s2], $0x40, s11, s12, $0xb8;
	[tilespmem:$0x1B170] =	vst v63  }
0x22: {  	s23 =	simm.s32 $0x9C90  }
0x23: {  	[tilespmem:s16], [sflag:$0x2] =	stream.indirect.gather [spmem:s2], $0x40, s23, s12, $0xb8;
	[tilespmem:$0x1B170] =	vst v63  }
0x24: {  	s25 =	simm.s32 $0xC3A0  }
0x25: {  	[tilespmem:s18], [sflag:$0x2] =	stream.indirect.gather [spmem:s2], $0x40, s25, s12, $0xb8;
	[tilespmem:$0x1B170] =	vst v63  }
0x26: {  	s19 =	simm.s32 $0x9CE0  }
0x27: {  	[tilespmem:s20], [sflag:$0x3] =	stream.indirect.gather [spmem:s2], $0x40, s19, s12, $0xb8;
	[tilespmem:$0x1B170] =	vst v63  }
0x28: {  	s21 =	simm.s32 $0xC3F0  }
0x29: {  	[tilespmem:s22], [sflag:$0x3] =	stream.indirect.gather [spmem:s2], $0x40, s21, s12, $0xb8;
	[tilespmem:$0x1B170] =	vst v63  }
0x2a: {  	s23 =	simm.s32 $0x9D30  }
0x2b: {  	[tilespmem:s24], [sflag:$0x4] =	stream.indirect.gather [spmem:s2], $0x40, s23, s12, $0xb8;
	[tilespmem:$0x1B170] =	vst v63  }
0x2c: {  	s17 =	simm.s32 $0x0;
	s25 =	simm.s32 $0xC440  }
0x2d: {  	[tilespmem:s26], [sflag:$0x4] =	stream.indirect.gather [spmem:s2], $0x40, s25, s12, $0xb8;
	[tilespmem:$0x1B170] =	vst v63  }
.LBB2_2:
0x2e: {  	v9 =	vimm.s32 $0x0  }
0x2f: {  	_ =	swait.ge [sflag:s28], $0x1400;
	v10 =	vxor.u32 v0, v9  }
0x30: {  	[sflag:s28] =	ssyncset.done $0x0;
	v10 =	vadd.s32 v1, v10  }
0x31: {  	v11 =	vxor.u32 v2, v9;
	[sflag:s28] =	ssyncadd.s32 $0xFFFFEC00  }
0x32: {  	v11 =	vadd.s32 v1, v11;
	_ =	swait.ge [sflag:s28], $0x1400  }
0x33: {  	v12 =	vxor.u32 v3, v9;
	[sflag:s28] =	ssyncset.done $0x0  }
0x34: {  	v12 =	vadd.s32 v1, v12;
	[sflag:s28] =	ssyncadd.s32 $0xFFFFEC00  }
0x35: {  	v14 =	vld.idx.msk [tilespmem:v10+s13+$0x0], $0xffff  }
0x36: {  	v13 =	vxor.u32 v4, v9;
	v15 =	vadd.s32 $0x4, v9;
	v9 =	vld.idx.msk [tilespmem:v10+s14+$0x0], $0xffff  }
0x37: {  	v13 =	vadd.s32 v1, v13;
	v16 =	vld.idx.msk [tilespmem:v11+s13+$0x0], $0xffff  }
0x38: {  	v10 =	vxor.u32 v0, v15;
	v17 =	vld.idx.msk [tilespmem:v11+s14+$0x0], $0xffff  }
0x39: {  	v18 =	vld.idx.msk [tilespmem:v12+s13+$0x0], $0xffff;
	v10 =	vadd.s32 v1, v10  }
0x3a: {  	v11 =	vxor.u32 v2, v15;
	v20 =	vld.idx.msk [tilespmem:v12+s14+$0x0], $0xffff  }
0x3b: {  	v19 =	vadd.s32 v1, v11  }
0x3c: {  	v22 =	vld.idx.msk [tilespmem:v13+s13+$0x0], $0xffff;
	v11 =	vxor.u32 v3, v15  }
0x3d: {  	v23 =	vld.idx.msk [tilespmem:v13+s14+$0x0], $0xffff;
	v21 =	vadd.s32 v1, v11  }
0x3e: {  	v13 =	vadd.s32 $0x4, v15;
	v15 =	vxor.u32 v4, v15;
	v17 =	vmul.bf16 v17, v16;
	v12 =	vld.idx.msk [tilespmem:v10+s13+$0x0], $0xffff  }
0x3f: {  	v25 =	vmul.bf16 v20, v18;
	v18 =	vadd.s32 v1, v15;
	v11 =	vld.idx.msk [tilespmem:v10+s14+$0x0], $0xffff;
	v10 =	vmul.bf16 v9, v14  }
0x40: {  	v24 =	vxor.u32 v0, v13;
	v14 =	vld.idx.msk [tilespmem:v19+s13+$0x0], $0xffff  }
0x41: {  	v20 =	vadd.s32 v1, v24;
	v16 =	vld.idx.msk [tilespmem:v19+s14+$0x0], $0xffff;
	v10 =	vadd.bf16 v17, v10  }
0x42: {  	v22 =	vmul.bf16 v23, v22;
	v9 =	vimm.f32 $0.0e+00;
	v15 =	vld.idx.msk [tilespmem:v21+s13+$0x0], $0xffff;
	v17 =	vxor.u32 v2, v13  }
0x43: {  	s19 =	simm.s32 $0xD;
	v19 =	vadd.s32 v1, v17;
	v17 =	vld.idx.msk [tilespmem:v21+s14+$0x0], $0xffff;
	v21 =	vadd.bf16 v25, v10;
	v10 =	vimm.f32 $0.0e+00  }
.LBB2_3:
0x44: {  	p1 =	sne.s32 s19, $0x1;
	v23 =	vxor.u32 v3, v13;
	v24 =	vld.idx.msk [tilespmem:v18+s13+$0x0], $0xffff;
	v25 =	vmov v12  }
0x45: {  	v26 =	vxor.u32 v4, v13;
	v23 =	vadd.s32 v1, v23;
	v27 =	vld.idx.msk [tilespmem:v18+s14+$0x0], $0xffff;
	v21 =	vadd.bf16 v22, v21  }
0x46: {  	v13 =	vadd.s32 $0x4, v13;
	v18 =	vadd.s32 v1, v26;
	v12 =	vld.idx.msk [tilespmem:v20+s13+$0x0], $0xffff  }
.Ltmp0:
0x47: {  	v22 =	vmul.bf16 v11, v25;
	v25 =	vmul.bf16 v16, v14;
	v11 =	vld.idx.msk [tilespmem:v20+s14+$0x0], $0xffff;
	v16 =	vunpack.i.u.bf16.f32 v21;
	(pc) =	sbr.rel @p1 .LBB2_3-.Ltmp0, $4  }
0x48: {  	v20 =	vxor.u32 v0, v13;
	v21 =	vunpack.i.l.bf16.f32 v21;
	v14 =	vld.idx.msk [tilespmem:v19+s13+$0x0], $0xffff;
	v9 =	vadd.f32 v16, v9  }
0x49: {  	v20 =	vadd.s32 v1, v20;
	v22 =	vadd.bf16 v25, v22;
	v25 =	vmul.bf16 v17, v15;
	v16 =	vld.idx.msk [tilespmem:v19+s14+$0x0], $0xffff  }
0x4a: {  	v17 =	vxor.u32 v2, v13;
	v10 =	vadd.f32 v21, v10;
	v15 =	vld.idx.msk [tilespmem:v23+s13+$0x0], $0xffff  }
0x4b: {  	s19 =	sadd.s32 $0xFFFFFFFF, s19;
	v19 =	vadd.s32 v1, v17;
	v21 =	vadd.bf16 v25, v22;
	v22 =	vmul.bf16 v27, v24;
	v17 =	vld.idx.msk [tilespmem:v23+s14+$0x0], $0xffff  }
0x4c: {  	_ =	sdelay $0x3  }
0x4d: {  	v23 =	vxor.u32 v3, v13;
	v24 =	vld.idx.msk [tilespmem:v18+s13+$0x0], $0xffff  }
0x4e: {  	v18 =	vld.idx.msk [tilespmem:v18+s14+$0x0], $0xffff;
	v23 =	vadd.s32 v1, v23  }
0x4f: {  	v13 =	vxor.u32 v4, v13;
	v25 =	vld.idx.msk [tilespmem:v20+s13+$0x0], $0xffff  }
0x50: {  	v20 =	vld.idx.msk [tilespmem:v20+s14+$0x0], $0xffff;
	v13 =	vadd.s32 v1, v13  }
0x51: {  	v26 =	vld.idx.msk [tilespmem:v19+s13+$0x0], $0xffff  }
0x52: {  	v19 =	vld.idx.msk [tilespmem:v19+s14+$0x0], $0xffff  }
0x53: {  	v27 =	vld.idx.msk [tilespmem:v23+s13+$0x0], $0xffff  }
0x54: {  	v11 =	vmul.bf16 v11, v12;
	v12 =	vmul.bf16 v16, v14;
	v14 =	vld.idx.msk [tilespmem:v23+s14+$0x0], $0xffff  }
0x55: {  	v16 =	vld.idx.msk [tilespmem:v13+s13+$0x0], $0xffff  }
0x56: {  	v11 =	vadd.bf16 v12, v11;
	v12 =	vmul.bf16 v17, v15;
	v13 =	vld.idx.msk [tilespmem:v13+s14+$0x0], $0xffff  }
0x57: {  	v15 =	vmul.bf16 v20, v25;
	v17 =	vmul.bf16 v19, v26  }
0x58: {  	v19 =	vadd.bf16 v22, v21;
	v11 =	vadd.bf16 v12, v11  }
0x59: {  	v12 =	vmul.bf16 v18, v24;
	v15 =	vadd.bf16 v17, v15;
	v14 =	vmul.bf16 v14, v27  }
0x5a: {  	v17 =	vunpack.i.u.bf16.f32 v19;
	v18 =	vunpack.i.l.bf16.f32 v19  }
0x5b: {  	v11 =	vadd.bf16 v12, v11;
	v13 =	vmul.bf16 v13, v16;
	v12 =	vadd.bf16 v14, v15  }
0x5c: {  	v9 =	vadd.f32 v17, v9;
	v10 =	vadd.f32 v18, v10  }
0x5d: {  	v14 =	vunpack.i.u.bf16.f32 v11;
	v11 =	vunpack.i.l.bf16.f32 v11;
	v12 =	vadd.bf16 v13, v12  }
0x5e: {  	v9 =	vadd.f32 v14, v9;
	v10 =	vadd.f32 v11, v10  }
0x5f: {  	v11 =	vunpack.i.u.bf16.f32 v12;
	v12 =	vunpack.i.l.bf16.f32 v12  }
0x60: {  	v9 =	vadd.f32 v11, v9;
	v10 =	vadd.f32 v12, v10;
	_ =	sdelay $0x1  }
0x61: {  	v9 =	vadd.f32 v9, v10;
	_ =	sdelay $0x1  }
0x62: {  	v9 =	vsub.f32 $0.0e+00, v9;
	_ =	sdelay $0x1  }
0x63: {  	v9 =	vmul.f32 $1.442695020e+00, v9;
	_ =	sdelay $0x1  }
0x64: {  	(erf) = vpow2.f32 v9;
	_ =	sdelay $0x8  }
0x65: {  	v9 =	vpop (erf)  }
0x66: {  	v9 =	vadd.f32 $1.000000000e+00, v9;
	_ =	sdelay $0x1  }
0x67: {  	(erf) = vrcp.f32 v9;
	_ =	sdelay $0x3  }
0x68: {  	v9 =	vimm.s32 $0x0  }
0x69: {  	v10 =	vxor.u32 v0, v9  }
0x6a: {  	v10 =	vadd.s32 v5, v10  }
0x6b: {  	v11 =	vxor.u32 v2, v9  }
0x6c: {  	s19 =	smul.u32 $0x140, s17;
	v11 =	vadd.s32 v5, v11  }
0x6d: {  	v13 =	vxor.u32 v3, v9;
	v12 =	vpop (erf)  }
0x6e: {  	[tilespmem:s19+$0x18A60] =	vst v12;
	v12 =	vadd.s32 v5, v13  }
0x6f: {  	v14 =	vld.idx.msk [tilespmem:v10+s13+$0x0], $0xffff  }
0x70: {  	v15 =	vadd.s32 $0x4, v9;
	v13 =	vxor.u32 v4, v9;
	v9 =	vld.idx.msk [tilespmem:v10+s14+$0x0], $0xffff  }
0x71: {  	v13 =	vadd.s32 v5, v13;
	v16 =	vld.idx.msk [tilespmem:v11+s13+$0x0], $0xffff  }
0x72: {  	v10 =	vxor.u32 v0, v15;
	v17 =	vld.idx.msk [tilespmem:v11+s14+$0x0], $0xffff  }
0x73: {  	v10 =	vadd.s32 v5, v10;
	v18 =	vld.idx.msk [tilespmem:v12+s13+$0x0], $0xffff  }
0x74: {  	v11 =	vxor.u32 v2, v15;
	v20 =	vld.idx.msk [tilespmem:v12+s14+$0x0], $0xffff  }
0x75: {  	v19 =	vadd.s32 v5, v11  }
0x76: {  	v11 =	vxor.u32 v3, v15;
	v22 =	vld.idx.msk [tilespmem:v13+s13+$0x0], $0xffff  }
0x77: {  	v21 =	vadd.s32 v5, v11;
	v23 =	vld.idx.msk [tilespmem:v13+s14+$0x0], $0xffff  }
0x78: {  	v13 =	vadd.s32 $0x4, v15;
	v17 =	vmul.bf16 v17, v16;
	v15 =	vxor.u32 v4, v15;
	v12 =	vld.idx.msk [tilespmem:v10+s13+$0x0], $0xffff  }
0x79: {  	v11 =	vld.idx.msk [tilespmem:v10+s14+$0x0], $0xffff;
	v10 =	vmul.bf16 v9, v14;
	v63 =	vmul.bf16 v20, v18;
	v18 =	vadd.s32 v5, v15  }
0x7a: {  	v62 =	vxor.u32 v0, v13;
	v14 =	vld.idx.msk [tilespmem:v19+s13+$0x0], $0xffff  }
0x7b: {  	v16 =	vld.idx.msk [tilespmem:v19+s14+$0x0], $0xffff;
	v10 =	vadd.bf16 v17, v10;
	v17 =	vxor.u32 v2, v13;
	v20 =	vadd.s32 v5, v62  }
0x7c: {  	v9 =	vimm.f32 $0.0e+00;
	v15 =	vld.idx.msk [tilespmem:v21+s13+$0x0], $0xffff;
	v19 =	vadd.s32 v5, v17  }
0x7d: {  	s21 =	simm.s32 $0xD;
	v17 =	vld.idx.msk [tilespmem:v21+s14+$0x0], $0xffff;
	v22 =	vmul.bf16 v23, v22;
	v21 =	vadd.bf16 v63, v10;
	v10 =	vimm.f32 $0.0e+00  }
.LBB2_5:
0x7e: {  	p1 =	sne.s32 s21, $0x1;
	v23 =	vxor.u32 v3, v13;
	v24 =	vld.idx.msk [tilespmem:v18+s13+$0x0], $0xffff;
	v25 =	vmov v12  }
0x7f: {  	v26 =	vxor.u32 v4, v13;
	v23 =	vadd.s32 v5, v23;
	v27 =	vld.idx.msk [tilespmem:v18+s14+$0x0], $0xffff;
	v21 =	vadd.bf16 v22, v21  }
0x80: {  	v13 =	vadd.s32 $0x4, v13;
	v18 =	vadd.s32 v5, v26;
	v12 =	vld.idx.msk [tilespmem:v20+s13+$0x0], $0xffff  }
.Ltmp1:
0x81: {  	v22 =	vmul.bf16 v11, v25;
	v25 =	vmul.bf16 v16, v14;
	v11 =	vld.idx.msk [tilespmem:v20+s14+$0x0], $0xffff;
	v16 =	vunpack.i.u.bf16.f32 v21;
	(pc) =	sbr.rel @p1 .LBB2_5-.Ltmp1, $4  }
0x82: {  	v20 =	vxor.u32 v0, v13;
	v21 =	vunpack.i.l.bf16.f32 v21;
	v14 =	vld.idx.msk [tilespmem:v19+s13+$0x0], $0xffff;
	v9 =	vadd.f32 v16, v9  }
0x83: {  	v20 =	vadd.s32 v5, v20;
	v22 =	vadd.bf16 v25, v22;
	v25 =	vmul.bf16 v17, v15;
	v16 =	vld.idx.msk [tilespmem:v19+s14+$0x0], $0xffff  }
0x84: {  	v17 =	vxor.u32 v2, v13;
	v10 =	vadd.f32 v21, v10;
	v15 =	vld.idx.msk [tilespmem:v23+s13+$0x0], $0xffff  }
0x85: {  	s21 =	sadd.s32 $0xFFFFFFFF, s21;
	v19 =	vadd.s32 v5, v17;
	v21 =	vadd.bf16 v25, v22;
	v22 =	vmul.bf16 v27, v24;
	v17 =	vld.idx.msk [tilespmem:v23+s14+$0x0], $0xffff  }
0x86: {  	_ =	sdelay $0x3  }
0x87: {  	v23 =	vxor.u32 v3, v13;
	v24 =	vld.idx.msk [tilespmem:v18+s13+$0x0], $0xffff  }
0x88: {  	v18 =	vld.idx.msk [tilespmem:v18+s14+$0x0], $0xffff;
	v23 =	vadd.s32 v5, v23  }
0x89: {  	v13 =	vxor.u32 v4, v13;
	v25 =	vld.idx.msk [tilespmem:v20+s13+$0x0], $0xffff  }
0x8a: {  	v20 =	vld.idx.msk [tilespmem:v20+s14+$0x0], $0xffff;
	v13 =	vadd.s32 v5, v13  }
0x8b: {  	v26 =	vld.idx.msk [tilespmem:v19+s13+$0x0], $0xffff  }
0x8c: {  	v19 =	vld.idx.msk [tilespmem:v19+s14+$0x0], $0xffff  }
0x8d: {  	v27 =	vld.idx.msk [tilespmem:v23+s13+$0x0], $0xffff  }
0x8e: {  	v11 =	vmul.bf16 v11, v12;
	v12 =	vmul.bf16 v16, v14;
	v14 =	vld.idx.msk [tilespmem:v23+s14+$0x0], $0xffff  }
0x8f: {  	v16 =	vld.idx.msk [tilespmem:v13+s13+$0x0], $0xffff  }
0x90: {  	v11 =	vadd.bf16 v12, v11;
	v12 =	vmul.bf16 v17, v15;
	v13 =	vld.idx.msk [tilespmem:v13+s14+$0x0], $0xffff  }
0x91: {  	v15 =	vmul.bf16 v20, v25;
	v17 =	vmul.bf16 v19, v26  }
0x92: {  	v19 =	vadd.bf16 v22, v21;
	v11 =	vadd.bf16 v12, v11  }
0x93: {  	v12 =	vmul.bf16 v18, v24;
	v15 =	vadd.bf16 v17, v15;
	v14 =	vmul.bf16 v14, v27  }
0x94: {  	v17 =	vunpack.i.u.bf16.f32 v19;
	v18 =	vunpack.i.l.bf16.f32 v19  }
0x95: {  	v11 =	vadd.bf16 v12, v11;
	v13 =	vmul.bf16 v13, v16;
	v12 =	vadd.bf16 v14, v15  }
0x96: {  	v9 =	vadd.f32 v17, v9;
	v10 =	vadd.f32 v18, v10  }
0x97: {  	v14 =	vunpack.i.u.bf16.f32 v11;
	v11 =	vunpack.i.l.bf16.f32 v11;
	v12 =	vadd.bf16 v13, v12  }
0x98: {  	v9 =	vadd.f32 v14, v9;
	v10 =	vadd.f32 v11, v10  }
0x99: {  	v11 =	vunpack.i.u.bf16.f32 v12;
	v12 =	vunpack.i.l.bf16.f32 v12  }
0x9a: {  	v9 =	vadd.f32 v11, v9;
	v10 =	vadd.f32 v12, v10;
	_ =	sdelay $0x1  }
0x9b: {  	v9 =	vadd.f32 v9, v10;
	_ =	sdelay $0x1  }
0x9c: {  	v9 =	vsub.f32 $0.0e+00, v9;
	_ =	sdelay $0x1  }
0x9d: {  	v9 =	vmul.f32 $1.442695020e+00, v9;
	_ =	sdelay $0x1  }
0x9e: {  	(erf) = vpow2.f32 v9;
	_ =	sdelay $0x8  }
0x9f: {  	v9 =	vpop (erf)  }
0xa0: {  	v9 =	vadd.f32 $1.000000000e+00, v9;
	_ =	sdelay $0x1  }
0xa1: {  	(erf) = vrcp.f32 v9;
	_ =	sdelay $0x3  }
0xa2: {  	v9 =	vimm.s32 $0x0  }
0xa3: {  	v10 =	vxor.u32 v0, v9  }
0xa4: {  	v10 =	vadd.s32 v6, v10  }
0xa5: {  	v11 =	vxor.u32 v2, v9  }
0xa6: {  	v11 =	vadd.s32 v6, v11  }
0xa7: {  	v13 =	vxor.u32 v3, v9;
	v12 =	vpop (erf)  }
0xa8: {  	[tilespmem:s19+$0x18A70] =	vst v12;
	v12 =	vadd.s32 v6, v13  }
0xa9: {  	v14 =	vld.idx.msk [tilespmem:v10+s13+$0x0], $0xffff  }
0xaa: {  	v15 =	vadd.s32 $0x4, v9;
	v13 =	vxor.u32 v4, v9;
	v9 =	vld.idx.msk [tilespmem:v10+s14+$0x0], $0xffff  }
0xab: {  	v13 =	vadd.s32 v6, v13;
	v16 =	vld.idx.msk [tilespmem:v11+s13+$0x0], $0xffff  }
0xac: {  	v10 =	vxor.u32 v0, v15;
	v17 =	vld.idx.msk [tilespmem:v11+s14+$0x0], $0xffff  }
0xad: {  	v10 =	vadd.s32 v6, v10;
	v18 =	vld.idx.msk [tilespmem:v12+s13+$0x0], $0xffff  }
0xae: {  	v11 =	vxor.u32 v2, v15;
	v20 =	vld.idx.msk [tilespmem:v12+s14+$0x0], $0xffff  }
0xaf: {  	v19 =	vadd.s32 v6, v11  }
0xb0: {  	v11 =	vxor.u32 v3, v15;
	v22 =	vld.idx.msk [tilespmem:v13+s13+$0x0], $0xffff  }
0xb1: {  	v21 =	vadd.s32 v6, v11;
	v23 =	vld.idx.msk [tilespmem:v13+s14+$0x0], $0xffff  }
0xb2: {  	v13 =	vadd.s32 $0x4, v15;
	v17 =	vmul.bf16 v17, v16;
	v15 =	vxor.u32 v4, v15;
	v12 =	vld.idx.msk [tilespmem:v10+s13+$0x0], $0xffff  }
0xb3: {  	v11 =	vld.idx.msk [tilespmem:v10+s14+$0x0], $0xffff;
	v10 =	vmul.bf16 v9, v14;
	v63 =	vmul.bf16 v20, v18;
	v18 =	vadd.s32 v6, v15  }
0xb4: {  	v62 =	vxor.u32 v0, v13;
	v14 =	vld.idx.msk [tilespmem:v19+s13+$0x0], $0xffff  }
0xb5: {  	v16 =	vld.idx.msk [tilespmem:v19+s14+$0x0], $0xffff;
	v10 =	vadd.bf16 v17, v10;
	v17 =	vxor.u32 v2, v13;
	v20 =	vadd.s32 v6, v62  }
0xb6: {  	v9 =	vimm.f32 $0.0e+00;
	v15 =	vld.idx.msk [tilespmem:v21+s13+$0x0], $0xffff;
	v19 =	vadd.s32 v6, v17  }
0xb7: {  	s21 =	simm.s32 $0xD;
	v17 =	vld.idx.msk [tilespmem:v21+s14+$0x0], $0xffff;
	v22 =	vmul.bf16 v23, v22;
	v21 =	vadd.bf16 v63, v10;
	v10 =	vimm.f32 $0.0e+00  }
.LBB2_7:
0xb8: {  	p1 =	sne.s32 s21, $0x1;
	v23 =	vxor.u32 v3, v13;
	v24 =	vld.idx.msk [tilespmem:v18+s13+$0x0], $0xffff;
	v25 =	vmov v12  }
0xb9: {  	v26 =	vxor.u32 v4, v13;
	v23 =	vadd.s32 v6, v23;
	v27 =	vld.idx.msk [tilespmem:v18+s14+$0x0], $0xffff;
	v21 =	vadd.bf16 v22, v21  }
0xba: {  	v13 =	vadd.s32 $0x4, v13;
	v18 =	vadd.s32 v6, v26;
	v12 =	vld.idx.msk [tilespmem:v20+s13+$0x0], $0xffff  }
.Ltmp2:
0xbb: {  	v22 =	vmul.bf16 v11, v25;
	v25 =	vmul.bf16 v16, v14;
	v11 =	vld.idx.msk [tilespmem:v20+s14+$0x0], $0xffff;
	v16 =	vunpack.i.u.bf16.f32 v21;
	(pc) =	sbr.rel @p1 .LBB2_7-.Ltmp2, $4  }
0xbc: {  	v20 =	vxor.u32 v0, v13;
	v21 =	vunpack.i.l.bf16.f32 v21;
	v14 =	vld.idx.msk [tilespmem:v19+s13+$0x0], $0xffff;
	v9 =	vadd.f32 v16, v9  }
0xbd: {  	v20 =	vadd.s32 v6, v20;
	v22 =	vadd.bf16 v25, v22;
	v25 =	vmul.bf16 v17, v15;
	v16 =	vld.idx.msk [tilespmem:v19+s14+$0x0], $0xffff  }
0xbe: {  	v17 =	vxor.u32 v2, v13;
	v10 =	vadd.f32 v21, v10;
	v15 =	vld.idx.msk [tilespmem:v23+s13+$0x0], $0xffff  }
0xbf: {  	s21 =	sadd.s32 $0xFFFFFFFF, s21;
	v19 =	vadd.s32 v6, v17;
	v21 =	vadd.bf16 v25, v22;
	v22 =	vmul.bf16 v27, v24;
	v17 =	vld.idx.msk [tilespmem:v23+s14+$0x0], $0xffff  }
0xc0: {  	_ =	sdelay $0x3  }
0xc1: {  	v23 =	vxor.u32 v3, v13;
	v24 =	vld.idx.msk [tilespmem:v18+s13+$0x0], $0xffff  }
0xc2: {  	v18 =	vld.idx.msk [tilespmem:v18+s14+$0x0], $0xffff;
	v23 =	vadd.s32 v6, v23  }
0xc3: {  	v13 =	vxor.u32 v4, v13;
	v25 =	vld.idx.msk [tilespmem:v20+s13+$0x0], $0xffff  }
0xc4: {  	v20 =	vld.idx.msk [tilespmem:v20+s14+$0x0], $0xffff;
	v13 =	vadd.s32 v6, v13  }
0xc5: {  	v26 =	vld.idx.msk [tilespmem:v19+s13+$0x0], $0xffff  }
0xc6: {  	v19 =	vld.idx.msk [tilespmem:v19+s14+$0x0], $0xffff  }
0xc7: {  	v27 =	vld.idx.msk [tilespmem:v23+s13+$0x0], $0xffff  }
0xc8: {  	v11 =	vmul.bf16 v11, v12;
	v12 =	vmul.bf16 v16, v14;
	v14 =	vld.idx.msk [tilespmem:v23+s14+$0x0], $0xffff  }
0xc9: {  	v16 =	vld.idx.msk [tilespmem:v13+s13+$0x0], $0xffff  }
0xca: {  	v11 =	vadd.bf16 v12, v11;
	v12 =	vmul.bf16 v17, v15;
	v13 =	vld.idx.msk [tilespmem:v13+s14+$0x0], $0xffff  }
0xcb: {  	v15 =	vmul.bf16 v20, v25;
	v17 =	vmul.bf16 v19, v26  }
0xcc: {  	v19 =	vadd.bf16 v22, v21;
	v11 =	vadd.bf16 v12, v11  }
0xcd: {  	v12 =	vmul.bf16 v18, v24;
	v15 =	vadd.bf16 v17, v15;
	v14 =	vmul.bf16 v14, v27  }
0xce: {  	v17 =	vunpack.i.u.bf16.f32 v19;
	v18 =	vunpack.i.l.bf16.f32 v19  }
0xcf: {  	v11 =	vadd.bf16 v12, v11;
	v13 =	vmul.bf16 v13, v16;
	v12 =	vadd.bf16 v14, v15  }
0xd0: {  	v9 =	vadd.f32 v17, v9;
	v10 =	vadd.f32 v18, v10  }
0xd1: {  	v14 =	vunpack.i.u.bf16.f32 v11;
	v11 =	vunpack.i.l.bf16.f32 v11;
	v12 =	vadd.bf16 v13, v12  }
0xd2: {  	v9 =	vadd.f32 v14, v9;
	v10 =	vadd.f32 v11, v10  }
0xd3: {  	v11 =	vunpack.i.u.bf16.f32 v12;
	v12 =	vunpack.i.l.bf16.f32 v12  }
0xd4: {  	v9 =	vadd.f32 v11, v9;
	v10 =	vadd.f32 v12, v10;
	_ =	sdelay $0x1  }
0xd5: {  	v9 =	vadd.f32 v9, v10;
	_ =	sdelay $0x1  }
0xd6: {  	v9 =	vsub.f32 $0.0e+00, v9;
	_ =	sdelay $0x1  }
0xd7: {  	v9 =	vmul.f32 $1.442695020e+00, v9;
	_ =	sdelay $0x1  }
0xd8: {  	(erf) = vpow2.f32 v9;
	_ =	sdelay $0x8  }
0xd9: {  	v9 =	vpop (erf)  }
0xda: {  	v9 =	vadd.f32 $1.000000000e+00, v9;
	_ =	sdelay $0x1  }
0xdb: {  	(erf) = vrcp.f32 v9;
	_ =	sdelay $0x3  }
0xdc: {  	v9 =	vimm.s32 $0x0  }
0xdd: {  	v10 =	vxor.u32 v0, v9  }
0xde: {  	v10 =	vadd.s32 v7, v10  }
0xdf: {  	v11 =	vxor.u32 v2, v9  }
0xe0: {  	v11 =	vadd.s32 v7, v11  }
0xe1: {  	v13 =	vxor.u32 v3, v9;
	v12 =	vpop (erf)  }
0xe2: {  	[tilespmem:s19+$0x18A80] =	vst v12;
	v12 =	vadd.s32 v7, v13  }
0xe3: {  	v14 =	vld.idx.msk [tilespmem:v10+s13+$0x0], $0xffff  }
0xe4: {  	v15 =	vadd.s32 $0x4, v9;
	v13 =	vxor.u32 v4, v9;
	v9 =	vld.idx.msk [tilespmem:v10+s14+$0x0], $0xffff  }
0xe5: {  	v13 =	vadd.s32 v7, v13;
	v16 =	vld.idx.msk [tilespmem:v11+s13+$0x0], $0xffff  }
0xe6: {  	v10 =	vxor.u32 v0, v15;
	v17 =	vld.idx.msk [tilespmem:v11+s14+$0x0], $0xffff  }
0xe7: {  	v10 =	vadd.s32 v7, v10;
	v18 =	vld.idx.msk [tilespmem:v12+s13+$0x0], $0xffff  }
0xe8: {  	v11 =	vxor.u32 v2, v15;
	v20 =	vld.idx.msk [tilespmem:v12+s14+$0x0], $0xffff  }
0xe9: {  	v19 =	vadd.s32 v7, v11  }
0xea: {  	v11 =	vxor.u32 v3, v15;
	v22 =	vld.idx.msk [tilespmem:v13+s13+$0x0], $0xffff  }
0xeb: {  	v21 =	vadd.s32 v7, v11;
	v23 =	vld.idx.msk [tilespmem:v13+s14+$0x0], $0xffff  }
0xec: {  	v13 =	vadd.s32 $0x4, v15;
	v17 =	vmul.bf16 v17, v16;
	v15 =	vxor.u32 v4, v15;
	v12 =	vld.idx.msk [tilespmem:v10+s13+$0x0], $0xffff  }
0xed: {  	v11 =	vld.idx.msk [tilespmem:v10+s14+$0x0], $0xffff;
	v10 =	vmul.bf16 v9, v14;
	v63 =	vmul.bf16 v20, v18;
	v18 =	vadd.s32 v7, v15  }
0xee: {  	v62 =	vxor.u32 v0, v13;
	v14 =	vld.idx.msk [tilespmem:v19+s13+$0x0], $0xffff  }
0xef: {  	v16 =	vld.idx.msk [tilespmem:v19+s14+$0x0], $0xffff;
	v10 =	vadd.bf16 v17, v10;
	v17 =	vxor.u32 v2, v13;
	v20 =	vadd.s32 v7, v62  }
0xf0: {  	v9 =	vimm.f32 $0.0e+00;
	v15 =	vld.idx.msk [tilespmem:v21+s13+$0x0], $0xffff;
	v19 =	vadd.s32 v7, v17  }
0xf1: {  	s21 =	simm.s32 $0xD;
	v17 =	vld.idx.msk [tilespmem:v21+s14+$0x0], $0xffff;
	v22 =	vmul.bf16 v23, v22;
	v21 =	vadd.bf16 v63, v10;
	v10 =	vimm.f32 $0.0e+00  }
.LBB2_9:
0xf2: {  	p1 =	sne.s32 s21, $0x1;
	v23 =	vxor.u32 v3, v13;
	v24 =	vld.idx.msk [tilespmem:v18+s13+$0x0], $0xffff;
	v25 =	vmov v12  }
0xf3: {  	v26 =	vxor.u32 v4, v13;
	v23 =	vadd.s32 v7, v23;
	v27 =	vld.idx.msk [tilespmem:v18+s14+$0x0], $0xffff;
	v21 =	vadd.bf16 v22, v21  }
0xf4: {  	v13 =	vadd.s32 $0x4, v13;
	v18 =	vadd.s32 v7, v26;
	v12 =	vld.idx.msk [tilespmem:v20+s13+$0x0], $0xffff  }
.Ltmp3:
0xf5: {  	v22 =	vmul.bf16 v11, v25;
	v25 =	vmul.bf16 v16, v14;
	v11 =	vld.idx.msk [tilespmem:v20+s14+$0x0], $0xffff;
	v16 =	vunpack.i.u.bf16.f32 v21;
	(pc) =	sbr.rel @p1 .LBB2_9-.Ltmp3, $4  }
0xf6: {  	v20 =	vxor.u32 v0, v13;
	v21 =	vunpack.i.l.bf16.f32 v21;
	v14 =	vld.idx.msk [tilespmem:v19+s13+$0x0], $0xffff;
	v9 =	vadd.f32 v16, v9  }
0xf7: {  	v20 =	vadd.s32 v7, v20;
	v22 =	vadd.bf16 v25, v22;
	v25 =	vmul.bf16 v17, v15;
	v16 =	vld.idx.msk [tilespmem:v19+s14+$0x0], $0xffff  }
0xf8: {  	v17 =	vxor.u32 v2, v13;
	v10 =	vadd.f32 v21, v10;
	v15 =	vld.idx.msk [tilespmem:v23+s13+$0x0], $0xffff  }
0xf9: {  	s21 =	sadd.s32 $0xFFFFFFFF, s21;
	v19 =	vadd.s32 v7, v17;
	v21 =	vadd.bf16 v25, v22;
	v22 =	vmul.bf16 v27, v24;
	v17 =	vld.idx.msk [tilespmem:v23+s14+$0x0], $0xffff  }
0xfa: {  	_ =	sdelay $0x3  }
0xfb: {  	v23 =	vxor.u32 v3, v13;
	v24 =	vld.idx.msk [tilespmem:v18+s13+$0x0], $0xffff  }
0xfc: {  	v18 =	vld.idx.msk [tilespmem:v18+s14+$0x0], $0xffff;
	v23 =	vadd.s32 v7, v23  }
0xfd: {  	v13 =	vxor.u32 v4, v13;
	v25 =	vld.idx.msk [tilespmem:v20+s13+$0x0], $0xffff  }
0xfe: {  	v20 =	vld.idx.msk [tilespmem:v20+s14+$0x0], $0xffff;
	v13 =	vadd.s32 v7, v13  }
0xff: {  	v26 =	vld.idx.msk [tilespmem:v19+s13+$0x0], $0xffff  }
0x100: {  	v19 =	vld.idx.msk [tilespmem:v19+s14+$0x0], $0xffff  }
0x101: {  	v27 =	vld.idx.msk [tilespmem:v23+s13+$0x0], $0xffff  }
0x102: {  	v11 =	vmul.bf16 v11, v12;
	v12 =	vmul.bf16 v16, v14;
	v14 =	vld.idx.msk [tilespmem:v23+s14+$0x0], $0xffff  }
0x103: {  	v16 =	vld.idx.msk [tilespmem:v13+s13+$0x0], $0xffff  }
0x104: {  	v11 =	vadd.bf16 v12, v11;
	v12 =	vmul.bf16 v17, v15;
	v13 =	vld.idx.msk [tilespmem:v13+s14+$0x0], $0xffff  }
0x105: {  	v15 =	vmul.bf16 v20, v25;
	v17 =	vmul.bf16 v19, v26  }
0x106: {  	v19 =	vadd.bf16 v22, v21;
	v11 =	vadd.bf16 v12, v11  }
0x107: {  	v12 =	vmul.bf16 v18, v24;
	v15 =	vadd.bf16 v17, v15;
	v14 =	vmul.bf16 v14, v27  }
0x108: {  	v17 =	vunpack.i.u.bf16.f32 v19;
	v18 =	vunpack.i.l.bf16.f32 v19  }
0x109: {  	v11 =	vadd.bf16 v12, v11;
	v13 =	vmul.bf16 v13, v16;
	v12 =	vadd.bf16 v14, v15  }
0x10a: {  	v9 =	vadd.f32 v17, v9;
	v10 =	vadd.f32 v18, v10  }
0x10b: {  	v14 =	vunpack.i.u.bf16.f32 v11;
	v11 =	vunpack.i.l.bf16.f32 v11;
	v12 =	vadd.bf16 v13, v12  }
0x10c: {  	v9 =	vadd.f32 v14, v9;
	v10 =	vadd.f32 v11, v10  }
0x10d: {  	v11 =	vunpack.i.u.bf16.f32 v12;
	v12 =	vunpack.i.l.bf16.f32 v12  }
0x10e: {  	v9 =	vadd.f32 v11, v9;
	v10 =	vadd.f32 v12, v10;
	_ =	sdelay $0x1  }
0x10f: {  	v9 =	vadd.f32 v9, v10;
	_ =	sdelay $0x1  }
0x110: {  	v9 =	vsub.f32 $0.0e+00, v9;
	_ =	sdelay $0x1  }
0x111: {  	v9 =	vmul.f32 $1.442695020e+00, v9;
	_ =	sdelay $0x1  }
0x112: {  	(erf) = vpow2.f32 v9;
	_ =	sdelay $0x8  }
0x113: {  	v9 =	vpop (erf)  }
0x114: {  	v9 =	vadd.f32 $1.000000000e+00, v9;
	_ =	sdelay $0x1  }
0x115: {  	(erf) = vrcp.f32 v9;
	_ =	sdelay $0x3  }
0x116: {  	v9 =	vimm.s32 $0x0  }
0x117: {  	v10 =	vxor.u32 v0, v9  }
0x118: {  	v10 =	vadd.s32 v8, v10  }
0x119: {  	v11 =	vxor.u32 v2, v9  }
0x11a: {  	v11 =	vadd.s32 v8, v11  }
0x11b: {  	v13 =	vxor.u32 v3, v9;
	v12 =	vpop (erf)  }
0x11c: {  	[tilespmem:s19+$0x18A90] =	vst v12;
	v12 =	vadd.s32 v8, v13  }
0x11d: {  	v14 =	vld.idx.msk [tilespmem:v10+s13+$0x0], $0xffff  }
0x11e: {  	v15 =	vadd.s32 $0x4, v9;
	v13 =	vxor.u32 v4, v9;
	v9 =	vld.idx.msk [tilespmem:v10+s14+$0x0], $0xffff  }
0x11f: {  	v13 =	vadd.s32 v8, v13;
	v16 =	vld.idx.msk [tilespmem:v11+s13+$0x0], $0xffff  }
0x120: {  	v10 =	vxor.u32 v0, v15;
	v17 =	vld.idx.msk [tilespmem:v11+s14+$0x0], $0xffff  }
0x121: {  	v10 =	vadd.s32 v8, v10;
	v18 =	vld.idx.msk [tilespmem:v12+s13+$0x0], $0xffff  }
0x122: {  	v11 =	vxor.u32 v2, v15;
	v20 =	vld.idx.msk [tilespmem:v12+s14+$0x0], $0xffff  }
0x123: {  	v19 =	vadd.s32 v8, v11  }
0x124: {  	v11 =	vxor.u32 v3, v15;
	v22 =	vld.idx.msk [tilespmem:v13+s13+$0x0], $0xffff  }
0x125: {  	v21 =	vadd.s32 v8, v11;
	v23 =	vld.idx.msk [tilespmem:v13+s14+$0x0], $0xffff  }
0x126: {  	v13 =	vadd.s32 $0x4, v15;
	v17 =	vmul.bf16 v17, v16;
	v15 =	vxor.u32 v4, v15;
	v12 =	vld.idx.msk [tilespmem:v10+s13+$0x0], $0xffff  }
0x127: {  	v11 =	vld.idx.msk [tilespmem:v10+s14+$0x0], $0xffff;
	v10 =	vmul.bf16 v9, v14;
	v63 =	vmul.bf16 v20, v18;
	v18 =	vadd.s32 v8, v15  }
0x128: {  	v62 =	vxor.u32 v0, v13;
	v14 =	vld.idx.msk [tilespmem:v19+s13+$0x0], $0xffff  }
0x129: {  	v16 =	vld.idx.msk [tilespmem:v19+s14+$0x0], $0xffff;
	v10 =	vadd.bf16 v17, v10;
	v17 =	vxor.u32 v2, v13;
	v20 =	vadd.s32 v8, v62  }
0x12a: {  	v9 =	vimm.f32 $0.0e+00;
	v15 =	vld.idx.msk [tilespmem:v21+s13+$0x0], $0xffff;
	v19 =	vadd.s32 v8, v17  }
0x12b: {  	s21 =	simm.s32 $0xD;
	v17 =	vld.idx.msk [tilespmem:v21+s14+$0x0], $0xffff;
	v22 =	vmul.bf16 v23, v22;
	v21 =	vadd.bf16 v63, v10;
	v10 =	vimm.f32 $0.0e+00  }
.LBB2_11:
0x12c: {  	p1 =	sne.s32 s21, $0x1;
	v23 =	vxor.u32 v3, v13;
	v24 =	vld.idx.msk [tilespmem:v18+s13+$0x0], $0xffff;
	v25 =	vmov v12  }
0x12d: {  	v26 =	vxor.u32 v4, v13;
	v23 =	vadd.s32 v8, v23;
	v27 =	vld.idx.msk [tilespmem:v18+s14+$0x0], $0xffff;
	v21 =	vadd.bf16 v22, v21  }
0x12e: {  	v13 =	vadd.s32 $0x4, v13;
	v18 =	vadd.s32 v8, v26;
	v12 =	vld.idx.msk [tilespmem:v20+s13+$0x0], $0xffff  }
.Ltmp4:
0x12f: {  	v22 =	vmul.bf16 v11, v25;
	v25 =	vmul.bf16 v16, v14;
	v11 =	vld.idx.msk [tilespmem:v20+s14+$0x0], $0xffff;
	v16 =	vunpack.i.u.bf16.f32 v21;
	(pc) =	sbr.rel @p1 .LBB2_11-.Ltmp4, $4  }
0x130: {  	v20 =	vxor.u32 v0, v13;
	v21 =	vunpack.i.l.bf16.f32 v21;
	v14 =	vld.idx.msk [tilespmem:v19+s13+$0x0], $0xffff;
	v9 =	vadd.f32 v16, v9  }
0x131: {  	v20 =	vadd.s32 v8, v20;
	v22 =	vadd.bf16 v25, v22;
	v25 =	vmul.bf16 v17, v15;
	v16 =	vld.idx.msk [tilespmem:v19+s14+$0x0], $0xffff  }
0x132: {  	v17 =	vxor.u32 v2, v13;
	v10 =	vadd.f32 v21, v10;
	v15 =	vld.idx.msk [tilespmem:v23+s13+$0x0], $0xffff  }
0x133: {  	s21 =	sadd.s32 $0xFFFFFFFF, s21;
	v19 =	vadd.s32 v8, v17;
	v21 =	vadd.bf16 v25, v22;
	v22 =	vmul.bf16 v27, v24;
	v17 =	vld.idx.msk [tilespmem:v23+s14+$0x0], $0xffff  }
0x134: {  	_ =	sdelay $0x3  }
0x135: {  	v23 =	vxor.u32 v3, v13;
	v24 =	vld.idx.msk [tilespmem:v18+s13+$0x0], $0xffff  }
0x136: {  	v18 =	vld.idx.msk [tilespmem:v18+s14+$0x0], $0xffff;
	v23 =	vadd.s32 v8, v23  }
0x137: {  	v13 =	vxor.u32 v4, v13;
	v25 =	vld.idx.msk [tilespmem:v20+s13+$0x0], $0xffff  }
0x138: {  	v20 =	vld.idx.msk [tilespmem:v20+s14+$0x0], $0xffff;
	v13 =	vadd.s32 v8, v13  }
0x139: {  	v26 =	vld.idx.msk [tilespmem:v19+s13+$0x0], $0xffff  }
0x13a: {  	v19 =	vld.idx.msk [tilespmem:v19+s14+$0x0], $0xffff  }
0x13b: {  	v27 =	vld.idx.msk [tilespmem:v23+s13+$0x0], $0xffff  }
0x13c: {  	v11 =	vmul.bf16 v11, v12;
	v12 =	vmul.bf16 v16, v14;
	v14 =	vld.idx.msk [tilespmem:v23+s14+$0x0], $0xffff  }
0x13d: {  	v16 =	vld.idx.msk [tilespmem:v13+s13+$0x0], $0xffff  }
0x13e: {  	v11 =	vadd.bf16 v12, v11;
	v12 =	vmul.bf16 v17, v15;
	v13 =	vld.idx.msk [tilespmem:v13+s14+$0x0], $0xffff  }
0x13f: {  	v15 =	vmul.bf16 v20, v25;
	v17 =	vmul.bf16 v19, v26  }
0x140: {  	v19 =	vadd.bf16 v22, v21;
	v11 =	vadd.bf16 v12, v11  }
0x141: {  	v12 =	vmul.bf16 v18, v24;
	v15 =	vadd.bf16 v17, v15;
	v14 =	vmul.bf16 v14, v27  }
0x142: {  	v17 =	vunpack.i.u.bf16.f32 v19;
	v18 =	vunpack.i.l.bf16.f32 v19  }
0x143: {  	v11 =	vadd.bf16 v12, v11;
	v13 =	vmul.bf16 v13, v16;
	v12 =	vadd.bf16 v14, v15  }
0x144: {  	v9 =	vadd.f32 v17, v9;
	v10 =	vadd.f32 v18, v10  }
0x145: {  	v14 =	vunpack.i.u.bf16.f32 v11;
	v11 =	vunpack.i.l.bf16.f32 v11;
	v12 =	vadd.bf16 v13, v12  }
0x146: {  	v9 =	vadd.f32 v14, v9;
	v10 =	vadd.f32 v11, v10  }
0x147: {  	v11 =	vunpack.i.u.bf16.f32 v12;
	v12 =	vunpack.i.l.bf16.f32 v12  }
0x148: {  	v9 =	vadd.f32 v11, v9;
	v10 =	vadd.f32 v12, v10;
	_ =	sdelay $0x1  }
0x149: {  	v9 =	vadd.f32 v9, v10;
	_ =	sdelay $0x1  }
0x14a: {  	v9 =	vsub.f32 $0.0e+00, v9;
	_ =	sdelay $0x1  }
0x14b: {  	v9 =	vmul.f32 $1.442695020e+00, v9;
	_ =	sdelay $0x1  }
0x14c: {  	(erf) = vpow2.f32 v9;
	_ =	sdelay $0x8  }
0x14d: {  	v9 =	vpop (erf)  }
0x14e: {  	v9 =	vadd.f32 $1.000000000e+00, v9;
	_ =	sdelay $0x1  }
0x14f: {  	(erf) = vrcp.f32 v9;
	_ =	sdelay $0x8  }
0x150: {  	v9 =	vpop (erf)  }
0x151: {  	s21 =	sadd.s32 $0x9D80, s19;
	[tilespmem:s19+$0x18AA0] =	vst v9  }
0x152: {  	[tilespmem:s13], [sflag:$0x1] =	stream.indirect.gather [spmem:s2], $0x40, s21, s12, $0xb8;
	[tilespmem:$0x1B170] =	vst v63  }
0x153: {  	s25 =	sadd.s32 $0xC490, s19  }
0x154: {  	v9 =	vimm.s32 $0x0;
	[tilespmem:s14], [sflag:$0x1] =	stream.indirect.gather [spmem:s2], $0x40, s25, s12, $0xb8;
	[tilespmem:$0x1B170] =	vst v63  }
0x155: {  	v10 =	vxor.u32 v0, v9;
	_ =	swait.ge [sflag:s29], $0x1400  }
0x156: {  	v10 =	vadd.s32 v1, v10;
	[sflag:s29] =	ssyncset.done $0x0  }
0x157: {  	v11 =	vxor.u32 v2, v9;
	[sflag:s29] =	ssyncadd.s32 $0xFFFFEC00  }
0x158: {  	v11 =	vadd.s32 v1, v11;
	_ =	swait.ge [sflag:s29], $0x1400  }
0x159: {  	v12 =	vxor.u32 v3, v9;
	[sflag:s29] =	ssyncset.done $0x0  }
0x15a: {  	v12 =	vadd.s32 v1, v12;
	[sflag:s29] =	ssyncadd.s32 $0xFFFFEC00  }
0x15b: {  	v14 =	vld.idx.msk [tilespmem:v10+s16+$0x0], $0xffff  }
0x15c: {  	v13 =	vxor.u32 v4, v9;
	v15 =	vadd.s32 $0x4, v9;
	v9 =	vld.idx.msk [tilespmem:v10+s18+$0x0], $0xffff  }
0x15d: {  	v13 =	vadd.s32 v1, v13;
	v16 =	vld.idx.msk [tilespmem:v11+s16+$0x0], $0xffff  }
0x15e: {  	v10 =	vxor.u32 v0, v15;
	v17 =	vld.idx.msk [tilespmem:v11+s18+$0x0], $0xffff  }
0x15f: {  	v18 =	vld.idx.msk [tilespmem:v12+s16+$0x0], $0xffff;
	v10 =	vadd.s32 v1, v10  }
0x160: {  	v11 =	vxor.u32 v2, v15;
	v20 =	vld.idx.msk [tilespmem:v12+s18+$0x0], $0xffff  }
0x161: {  	v19 =	vadd.s32 v1, v11  }
0x162: {  	v22 =	vld.idx.msk [tilespmem:v13+s16+$0x0], $0xffff;
	v11 =	vxor.u32 v3, v15  }
0x163: {  	v23 =	vld.idx.msk [tilespmem:v13+s18+$0x0], $0xffff;
	v21 =	vadd.s32 v1, v11  }
0x164: {  	v13 =	vadd.s32 $0x4, v15;
	v15 =	vxor.u32 v4, v15;
	v17 =	vmul.bf16 v17, v16;
	v12 =	vld.idx.msk [tilespmem:v10+s16+$0x0], $0xffff  }
0x165: {  	v63 =	vmul.bf16 v20, v18;
	v18 =	vadd.s32 v1, v15;
	v11 =	vld.idx.msk [tilespmem:v10+s18+$0x0], $0xffff;
	v10 =	vmul.bf16 v9, v14  }
0x166: {  	v62 =	vxor.u32 v0, v13;
	v14 =	vld.idx.msk [tilespmem:v19+s16+$0x0], $0xffff  }
0x167: {  	v20 =	vadd.s32 v1, v62;
	v16 =	vld.idx.msk [tilespmem:v19+s18+$0x0], $0xffff;
	v10 =	vadd.bf16 v17, v10  }
0x168: {  	v22 =	vmul.bf16 v23, v22;
	v9 =	vimm.f32 $0.0e+00;
	v15 =	vld.idx.msk [tilespmem:v21+s16+$0x0], $0xffff;
	v17 =	vxor.u32 v2, v13  }
0x169: {  	s21 =	simm.s32 $0xD;
	v19 =	vadd.s32 v1, v17;
	v17 =	vld.idx.msk [tilespmem:v21+s18+$0x0], $0xffff;
	v21 =	vadd.bf16 v63, v10;
	v10 =	vimm.f32 $0.0e+00  }
.LBB2_13:
0x16a: {  	p1 =	sne.s32 s21, $0x1;
	v23 =	vxor.u32 v3, v13;
	v24 =	vld.idx.msk [tilespmem:v18+s16+$0x0], $0xffff;
	v25 =	vmov v12  }
0x16b: {  	v26 =	vxor.u32 v4, v13;
	v23 =	vadd.s32 v1, v23;
	v27 =	vld.idx.msk [tilespmem:v18+s18+$0x0], $0xffff;
	v21 =	vadd.bf16 v22, v21  }
0x16c: {  	v13 =	vadd.s32 $0x4, v13;
	v18 =	vadd.s32 v1, v26;
	v12 =	vld.idx.msk [tilespmem:v20+s16+$0x0], $0xffff  }
.Ltmp5:
0x16d: {  	v22 =	vmul.bf16 v11, v25;
	v25 =	vmul.bf16 v16, v14;
	v11 =	vld.idx.msk [tilespmem:v20+s18+$0x0], $0xffff;
	v16 =	vunpack.i.u.bf16.f32 v21;
	(pc) =	sbr.rel @p1 .LBB2_13-.Ltmp5, $4  }
0x16e: {  	v20 =	vxor.u32 v0, v13;
	v21 =	vunpack.i.l.bf16.f32 v21;
	v14 =	vld.idx.msk [tilespmem:v19+s16+$0x0], $0xffff;
	v9 =	vadd.f32 v16, v9  }
0x16f: {  	v20 =	vadd.s32 v1, v20;
	v22 =	vadd.bf16 v25, v22;
	v25 =	vmul.bf16 v17, v15;
	v16 =	vld.idx.msk [tilespmem:v19+s18+$0x0], $0xffff  }
0x170: {  	v17 =	vxor.u32 v2, v13;
	v10 =	vadd.f32 v21, v10;
	v15 =	vld.idx.msk [tilespmem:v23+s16+$0x0], $0xffff  }
0x171: {  	s21 =	sadd.s32 $0xFFFFFFFF, s21;
	v19 =	vadd.s32 v1, v17;
	v21 =	vadd.bf16 v25, v22;
	v22 =	vmul.bf16 v27, v24;
	v17 =	vld.idx.msk [tilespmem:v23+s18+$0x0], $0xffff  }
0x172: {  	_ =	sdelay $0x3  }
0x173: {  	v23 =	vxor.u32 v3, v13;
	v24 =	vld.idx.msk [tilespmem:v18+s16+$0x0], $0xffff  }
0x174: {  	v18 =	vld.idx.msk [tilespmem:v18+s18+$0x0], $0xffff;
	v23 =	vadd.s32 v1, v23  }
0x175: {  	v13 =	vxor.u32 v4, v13;
	v25 =	vld.idx.msk [tilespmem:v20+s16+$0x0], $0xffff  }
0x176: {  	v20 =	vld.idx.msk [tilespmem:v20+s18+$0x0], $0xffff;
	v13 =	vadd.s32 v1, v13  }
0x177: {  	v26 =	vld.idx.msk [tilespmem:v19+s16+$0x0], $0xffff  }
0x178: {  	v19 =	vld.idx.msk [tilespmem:v19+s18+$0x0], $0xffff  }
0x179: {  	v27 =	vld.idx.msk [tilespmem:v23+s16+$0x0], $0xffff  }
0x17a: {  	v11 =	vmul.bf16 v11, v12;
	v12 =	vmul.bf16 v16, v14;
	v14 =	vld.idx.msk [tilespmem:v23+s18+$0x0], $0xffff  }
0x17b: {  	v16 =	vld.idx.msk [tilespmem:v13+s16+$0x0], $0xffff  }
0x17c: {  	v11 =	vadd.bf16 v12, v11;
	v12 =	vmul.bf16 v17, v15;
	v13 =	vld.idx.msk [tilespmem:v13+s18+$0x0], $0xffff  }
0x17d: {  	v15 =	vmul.bf16 v20, v25;
	v17 =	vmul.bf16 v19, v26  }
0x17e: {  	v19 =	vadd.bf16 v22, v21;
	v11 =	vadd.bf16 v12, v11  }
0x17f: {  	v12 =	vmul.bf16 v18, v24;
	v15 =	vadd.bf16 v17, v15;
	v14 =	vmul.bf16 v14, v27  }
0x180: {  	v17 =	vunpack.i.u.bf16.f32 v19;
	v18 =	vunpack.i.l.bf16.f32 v19  }
0x181: {  	v11 =	vadd.bf16 v12, v11;
	v13 =	vmul.bf16 v13, v16;
	v12 =	vadd.bf16 v14, v15  }
0x182: {  	v9 =	vadd.f32 v17, v9;
	v10 =	vadd.f32 v18, v10  }
0x183: {  	v14 =	vunpack.i.u.bf16.f32 v11;
	v11 =	vunpack.i.l.bf16.f32 v11;
	v12 =	vadd.bf16 v13, v12  }
0x184: {  	v9 =	vadd.f32 v14, v9;
	v10 =	vadd.f32 v11, v10  }
0x185: {  	v11 =	vunpack.i.u.bf16.f32 v12;
	v12 =	vunpack.i.l.bf16.f32 v12  }
0x186: {  	v9 =	vadd.f32 v11, v9;
	v10 =	vadd.f32 v12, v10;
	_ =	sdelay $0x1  }
0x187: {  	v9 =	vadd.f32 v9, v10;
	_ =	sdelay $0x1  }
0x188: {  	v9 =	vsub.f32 $0.0e+00, v9;
	_ =	sdelay $0x1  }
0x189: {  	v9 =	vmul.f32 $1.442695020e+00, v9;
	_ =	sdelay $0x1  }
0x18a: {  	(erf) = vpow2.f32 v9;
	_ =	sdelay $0x8  }
0x18b: {  	v9 =	vpop (erf)  }
0x18c: {  	v9 =	vadd.f32 $1.000000000e+00, v9;
	_ =	sdelay $0x1  }
0x18d: {  	(erf) = vrcp.f32 v9;
	_ =	sdelay $0x3  }
0x18e: {  	v9 =	vimm.s32 $0x0  }
0x18f: {  	v10 =	vxor.u32 v0, v9  }
0x190: {  	v10 =	vadd.s32 v5, v10  }
0x191: {  	v11 =	vxor.u32 v2, v9  }
0x192: {  	v11 =	vadd.s32 v5, v11  }
0x193: {  	v13 =	vxor.u32 v3, v9;
	v12 =	vpop (erf)  }
0x194: {  	[tilespmem:s19+$0x18AB0] =	vst v12;
	v12 =	vadd.s32 v5, v13  }
0x195: {  	v14 =	vld.idx.msk [tilespmem:v10+s16+$0x0], $0xffff  }
0x196: {  	v15 =	vadd.s32 $0x4, v9;
	v13 =	vxor.u32 v4, v9;
	v9 =	vld.idx.msk [tilespmem:v10+s18+$0x0], $0xffff  }
0x197: {  	v13 =	vadd.s32 v5, v13;
	v16 =	vld.idx.msk [tilespmem:v11+s16+$0x0], $0xffff  }
0x198: {  	v10 =	vxor.u32 v0, v15;
	v17 =	vld.idx.msk [tilespmem:v11+s18+$0x0], $0xffff  }
0x199: {  	v10 =	vadd.s32 v5, v10;
	v18 =	vld.idx.msk [tilespmem:v12+s16+$0x0], $0xffff  }
0x19a: {  	v11 =	vxor.u32 v2, v15;
	v20 =	vld.idx.msk [tilespmem:v12+s18+$0x0], $0xffff  }
0x19b: {  	v19 =	vadd.s32 v5, v11  }
0x19c: {  	v11 =	vxor.u32 v3, v15;
	v22 =	vld.idx.msk [tilespmem:v13+s16+$0x0], $0xffff  }
0x19d: {  	v21 =	vadd.s32 v5, v11;
	v23 =	vld.idx.msk [tilespmem:v13+s18+$0x0], $0xffff  }
0x19e: {  	v13 =	vadd.s32 $0x4, v15;
	v17 =	vmul.bf16 v17, v16;
	v15 =	vxor.u32 v4, v15;
	v12 =	vld.idx.msk [tilespmem:v10+s16+$0x0], $0xffff  }
0x19f: {  	v11 =	vld.idx.msk [tilespmem:v10+s18+$0x0], $0xffff;
	v10 =	vmul.bf16 v9, v14;
	v63 =	vmul.bf16 v20, v18;
	v18 =	vadd.s32 v5, v15  }
0x1a0: {  	v62 =	vxor.u32 v0, v13;
	v14 =	vld.idx.msk [tilespmem:v19+s16+$0x0], $0xffff  }
0x1a1: {  	v16 =	vld.idx.msk [tilespmem:v19+s18+$0x0], $0xffff;
	v10 =	vadd.bf16 v17, v10;
	v17 =	vxor.u32 v2, v13;
	v20 =	vadd.s32 v5, v62  }
0x1a2: {  	v9 =	vimm.f32 $0.0e+00;
	v15 =	vld.idx.msk [tilespmem:v21+s16+$0x0], $0xffff;
	v19 =	vadd.s32 v5, v17  }
0x1a3: {  	s21 =	simm.s32 $0xD;
	v17 =	vld.idx.msk [tilespmem:v21+s18+$0x0], $0xffff;
	v22 =	vmul.bf16 v23, v22;
	v21 =	vadd.bf16 v63, v10;
	v10 =	vimm.f32 $0.0e+00  }
.LBB2_15:
0x1a4: {  	p1 =	sne.s32 s21, $0x1;
	v23 =	vxor.u32 v3, v13;
	v24 =	vld.idx.msk [tilespmem:v18+s16+$0x0], $0xffff;
	v25 =	vmov v12  }
0x1a5: {  	v26 =	vxor.u32 v4, v13;
	v23 =	vadd.s32 v5, v23;
	v27 =	vld.idx.msk [tilespmem:v18+s18+$0x0], $0xffff;
	v21 =	vadd.bf16 v22, v21  }
0x1a6: {  	v13 =	vadd.s32 $0x4, v13;
	v18 =	vadd.s32 v5, v26;
	v12 =	vld.idx.msk [tilespmem:v20+s16+$0x0], $0xffff  }
.Ltmp6:
0x1a7: {  	v22 =	vmul.bf16 v11, v25;
	v25 =	vmul.bf16 v16, v14;
	v11 =	vld.idx.msk [tilespmem:v20+s18+$0x0], $0xffff;
	v16 =	vunpack.i.u.bf16.f32 v21;
	(pc) =	sbr.rel @p1 .LBB2_15-.Ltmp6, $4  }
0x1a8: {  	v20 =	vxor.u32 v0, v13;
	v21 =	vunpack.i.l.bf16.f32 v21;
	v14 =	vld.idx.msk [tilespmem:v19+s16+$0x0], $0xffff;
	v9 =	vadd.f32 v16, v9  }
0x1a9: {  	v20 =	vadd.s32 v5, v20;
	v22 =	vadd.bf16 v25, v22;
	v25 =	vmul.bf16 v17, v15;
	v16 =	vld.idx.msk [tilespmem:v19+s18+$0x0], $0xffff  }
0x1aa: {  	v17 =	vxor.u32 v2, v13;
	v10 =	vadd.f32 v21, v10;
	v15 =	vld.idx.msk [tilespmem:v23+s16+$0x0], $0xffff  }
0x1ab: {  	s21 =	sadd.s32 $0xFFFFFFFF, s21;
	v19 =	vadd.s32 v5, v17;
	v21 =	vadd.bf16 v25, v22;
	v22 =	vmul.bf16 v27, v24;
	v17 =	vld.idx.msk [tilespmem:v23+s18+$0x0], $0xffff  }
0x1ac: {  	_ =	sdelay $0x3  }
0x1ad: {  	v23 =	vxor.u32 v3, v13;
	v24 =	vld.idx.msk [tilespmem:v18+s16+$0x0], $0xffff  }
0x1ae: {  	v18 =	vld.idx.msk [tilespmem:v18+s18+$0x0], $0xffff;
	v23 =	vadd.s32 v5, v23  }
0x1af: {  	v13 =	vxor.u32 v4, v13;
	v25 =	vld.idx.msk [tilespmem:v20+s16+$0x0], $0xffff  }
0x1b0: {  	v20 =	vld.idx.msk [tilespmem:v20+s18+$0x0], $0xffff;
	v13 =	vadd.s32 v5, v13  }
0x1b1: {  	v26 =	vld.idx.msk [tilespmem:v19+s16+$0x0], $0xffff  }
0x1b2: {  	v19 =	vld.idx.msk [tilespmem:v19+s18+$0x0], $0xffff  }
0x1b3: {  	v27 =	vld.idx.msk [tilespmem:v23+s16+$0x0], $0xffff  }
0x1b4: {  	v11 =	vmul.bf16 v11, v12;
	v12 =	vmul.bf16 v16, v14;
	v14 =	vld.idx.msk [tilespmem:v23+s18+$0x0], $0xffff  }
0x1b5: {  	v16 =	vld.idx.msk [tilespmem:v13+s16+$0x0], $0xffff  }
0x1b6: {  	v11 =	vadd.bf16 v12, v11;
	v12 =	vmul.bf16 v17, v15;
	v13 =	vld.idx.msk [tilespmem:v13+s18+$0x0], $0xffff  }
0x1b7: {  	v15 =	vmul.bf16 v20, v25;
	v17 =	vmul.bf16 v19, v26  }
0x1b8: {  	v19 =	vadd.bf16 v22, v21;
	v11 =	vadd.bf16 v12, v11  }
0x1b9: {  	v12 =	vmul.bf16 v18, v24;
	v15 =	vadd.bf16 v17, v15;
	v14 =	vmul.bf16 v14, v27  }
0x1ba: {  	v17 =	vunpack.i.u.bf16.f32 v19;
	v18 =	vunpack.i.l.bf16.f32 v19  }
0x1bb: {  	v11 =	vadd.bf16 v12, v11;
	v13 =	vmul.bf16 v13, v16;
	v12 =	vadd.bf16 v14, v15  }
0x1bc: {  	v9 =	vadd.f32 v17, v9;
	v10 =	vadd.f32 v18, v10  }
0x1bd: {  	v14 =	vunpack.i.u.bf16.f32 v11;
	v11 =	vunpack.i.l.bf16.f32 v11;
	v12 =	vadd.bf16 v13, v12  }
0x1be: {  	v9 =	vadd.f32 v14, v9;
	v10 =	vadd.f32 v11, v10  }
0x1bf: {  	v11 =	vunpack.i.u.bf16.f32 v12;
	v12 =	vunpack.i.l.bf16.f32 v12  }
0x1c0: {  	v9 =	vadd.f32 v11, v9;
	v10 =	vadd.f32 v12, v10;
	_ =	sdelay $0x1  }
0x1c1: {  	v9 =	vadd.f32 v9, v10;
	_ =	sdelay $0x1  }
0x1c2: {  	v9 =	vsub.f32 $0.0e+00, v9;
	_ =	sdelay $0x1  }
0x1c3: {  	v9 =	vmul.f32 $1.442695020e+00, v9;
	_ =	sdelay $0x1  }
0x1c4: {  	(erf) = vpow2.f32 v9;
	_ =	sdelay $0x8  }
0x1c5: {  	v9 =	vpop (erf)  }
0x1c6: {  	v9 =	vadd.f32 $1.000000000e+00, v9;
	_ =	sdelay $0x1  }
0x1c7: {  	(erf) = vrcp.f32 v9;
	_ =	sdelay $0x3  }
0x1c8: {  	v9 =	vimm.s32 $0x0  }
0x1c9: {  	v10 =	vxor.u32 v0, v9  }
0x1ca: {  	v10 =	vadd.s32 v6, v10  }
0x1cb: {  	v11 =	vxor.u32 v2, v9  }
0x1cc: {  	v11 =	vadd.s32 v6, v11  }
0x1cd: {  	v13 =	vxor.u32 v3, v9;
	v12 =	vpop (erf)  }
0x1ce: {  	[tilespmem:s19+$0x18AC0] =	vst v12;
	v12 =	vadd.s32 v6, v13  }
0x1cf: {  	v14 =	vld.idx.msk [tilespmem:v10+s16+$0x0], $0xffff  }
0x1d0: {  	v15 =	vadd.s32 $0x4, v9;
	v13 =	vxor.u32 v4, v9;
	v9 =	vld.idx.msk [tilespmem:v10+s18+$0x0], $0xffff  }
0x1d1: {  	v13 =	vadd.s32 v6, v13;
	v16 =	vld.idx.msk [tilespmem:v11+s16+$0x0], $0xffff  }
0x1d2: {  	v10 =	vxor.u32 v0, v15;
	v17 =	vld.idx.msk [tilespmem:v11+s18+$0x0], $0xffff  }
0x1d3: {  	v10 =	vadd.s32 v6, v10;
	v18 =	vld.idx.msk [tilespmem:v12+s16+$0x0], $0xffff  }
0x1d4: {  	v11 =	vxor.u32 v2, v15;
	v20 =	vld.idx.msk [tilespmem:v12+s18+$0x0], $0xffff  }
0x1d5: {  	v19 =	vadd.s32 v6, v11  }
0x1d6: {  	v11 =	vxor.u32 v3, v15;
	v22 =	vld.idx.msk [tilespmem:v13+s16+$0x0], $0xffff  }
0x1d7: {  	v21 =	vadd.s32 v6, v11;
	v23 =	vld.idx.msk [tilespmem:v13+s18+$0x0], $0xffff  }
0x1d8: {  	v13 =	vadd.s32 $0x4, v15;
	v17 =	vmul.bf16 v17, v16;
	v15 =	vxor.u32 v4, v15;
	v12 =	vld.idx.msk [tilespmem:v10+s16+$0x0], $0xffff  }
0x1d9: {  	v11 =	vld.idx.msk [tilespmem:v10+s18+$0x0], $0xffff;
	v10 =	vmul.bf16 v9, v14;
	v63 =	vmul.bf16 v20, v18;
	v18 =	vadd.s32 v6, v15  }
0x1da: {  	v62 =	vxor.u32 v0, v13;
	v14 =	vld.idx.msk [tilespmem:v19+s16+$0x0], $0xffff  }
0x1db: {  	v16 =	vld.idx.msk [tilespmem:v19+s18+$0x0], $0xffff;
	v10 =	vadd.bf16 v17, v10;
	v17 =	vxor.u32 v2, v13;
	v20 =	vadd.s32 v6, v62  }
0x1dc: {  	v9 =	vimm.f32 $0.0e+00;
	v15 =	vld.idx.msk [tilespmem:v21+s16+$0x0], $0xffff;
	v19 =	vadd.s32 v6, v17  }
0x1dd: {  	s21 =	simm.s32 $0xD;
	v17 =	vld.idx.msk [tilespmem:v21+s18+$0x0], $0xffff;
	v22 =	vmul.bf16 v23, v22;
	v21 =	vadd.bf16 v63, v10;
	v10 =	vimm.f32 $0.0e+00  }
.LBB2_17:
0x1de: {  	p1 =	sne.s32 s21, $0x1;
	v23 =	vxor.u32 v3, v13;
	v24 =	vld.idx.msk [tilespmem:v18+s16+$0x0], $0xffff;
	v25 =	vmov v12  }
0x1df: {  	v26 =	vxor.u32 v4, v13;
	v23 =	vadd.s32 v6, v23;
	v27 =	vld.idx.msk [tilespmem:v18+s18+$0x0], $0xffff;
	v21 =	vadd.bf16 v22, v21  }
0x1e0: {  	v13 =	vadd.s32 $0x4, v13;
	v18 =	vadd.s32 v6, v26;
	v12 =	vld.idx.msk [tilespmem:v20+s16+$0x0], $0xffff  }
.Ltmp7:
0x1e1: {  	v22 =	vmul.bf16 v11, v25;
	v25 =	vmul.bf16 v16, v14;
	v11 =	vld.idx.msk [tilespmem:v20+s18+$0x0], $0xffff;
	v16 =	vunpack.i.u.bf16.f32 v21;
	(pc) =	sbr.rel @p1 .LBB2_17-.Ltmp7, $4  }
0x1e2: {  	v20 =	vxor.u32 v0, v13;
	v21 =	vunpack.i.l.bf16.f32 v21;
	v14 =	vld.idx.msk [tilespmem:v19+s16+$0x0], $0xffff;
	v9 =	vadd.f32 v16, v9  }
0x1e3: {  	v20 =	vadd.s32 v6, v20;
	v22 =	vadd.bf16 v25, v22;
	v25 =	vmul.bf16 v17, v15;
	v16 =	vld.idx.msk [tilespmem:v19+s18+$0x0], $0xffff  }
0x1e4: {  	v17 =	vxor.u32 v2, v13;
	v10 =	vadd.f32 v21, v10;
	v15 =	vld.idx.msk [tilespmem:v23+s16+$0x0], $0xffff  }
0x1e5: {  	s21 =	sadd.s32 $0xFFFFFFFF, s21;
	v19 =	vadd.s32 v6, v17;
	v21 =	vadd.bf16 v25, v22;
	v22 =	vmul.bf16 v27, v24;
	v17 =	vld.idx.msk [tilespmem:v23+s18+$0x0], $0xffff  }
0x1e6: {  	_ =	sdelay $0x3  }
0x1e7: {  	v23 =	vxor.u32 v3, v13;
	v24 =	vld.idx.msk [tilespmem:v18+s16+$0x0], $0xffff  }
0x1e8: {  	v18 =	vld.idx.msk [tilespmem:v18+s18+$0x0], $0xffff;
	v23 =	vadd.s32 v6, v23  }
0x1e9: {  	v13 =	vxor.u32 v4, v13;
	v25 =	vld.idx.msk [tilespmem:v20+s16+$0x0], $0xffff  }
0x1ea: {  	v20 =	vld.idx.msk [tilespmem:v20+s18+$0x0], $0xffff;
	v13 =	vadd.s32 v6, v13  }
0x1eb: {  	v26 =	vld.idx.msk [tilespmem:v19+s16+$0x0], $0xffff  }
0x1ec: {  	v19 =	vld.idx.msk [tilespmem:v19+s18+$0x0], $0xffff  }
0x1ed: {  	v27 =	vld.idx.msk [tilespmem:v23+s16+$0x0], $0xffff  }
0x1ee: {  	v11 =	vmul.bf16 v11, v12;
	v12 =	vmul.bf16 v16, v14;
	v14 =	vld.idx.msk [tilespmem:v23+s18+$0x0], $0xffff  }
0x1ef: {  	v16 =	vld.idx.msk [tilespmem:v13+s16+$0x0], $0xffff  }
0x1f0: {  	v11 =	vadd.bf16 v12, v11;
	v12 =	vmul.bf16 v17, v15;
	v13 =	vld.idx.msk [tilespmem:v13+s18+$0x0], $0xffff  }
0x1f1: {  	v15 =	vmul.bf16 v20, v25;
	v17 =	vmul.bf16 v19, v26  }
0x1f2: {  	v19 =	vadd.bf16 v22, v21;
	v11 =	vadd.bf16 v12, v11  }
0x1f3: {  	v12 =	vmul.bf16 v18, v24;
	v15 =	vadd.bf16 v17, v15;
	v14 =	vmul.bf16 v14, v27  }
0x1f4: {  	v17 =	vunpack.i.u.bf16.f32 v19;
	v18 =	vunpack.i.l.bf16.f32 v19  }
0x1f5: {  	v11 =	vadd.bf16 v12, v11;
	v13 =	vmul.bf16 v13, v16;
	v12 =	vadd.bf16 v14, v15  }
0x1f6: {  	v9 =	vadd.f32 v17, v9;
	v10 =	vadd.f32 v18, v10  }
0x1f7: {  	v14 =	vunpack.i.u.bf16.f32 v11;
	v11 =	vunpack.i.l.bf16.f32 v11;
	v12 =	vadd.bf16 v13, v12  }
0x1f8: {  	v9 =	vadd.f32 v14, v9;
	v10 =	vadd.f32 v11, v10  }
0x1f9: {  	v11 =	vunpack.i.u.bf16.f32 v12;
	v12 =	vunpack.i.l.bf16.f32 v12  }
0x1fa: {  	v9 =	vadd.f32 v11, v9;
	v10 =	vadd.f32 v12, v10;
	_ =	sdelay $0x1  }
0x1fb: {  	v9 =	vadd.f32 v9, v10;
	_ =	sdelay $0x1  }
0x1fc: {  	v9 =	vsub.f32 $0.0e+00, v9;
	_ =	sdelay $0x1  }
0x1fd: {  	v9 =	vmul.f32 $1.442695020e+00, v9;
	_ =	sdelay $0x1  }
0x1fe: {  	(erf) = vpow2.f32 v9;
	_ =	sdelay $0x8  }
0x1ff: {  	v9 =	vpop (erf)  }
0x200: {  	v9 =	vadd.f32 $1.000000000e+00, v9;
	_ =	sdelay $0x1  }
0x201: {  	(erf) = vrcp.f32 v9;
	_ =	sdelay $0x3  }
0x202: {  	v9 =	vimm.s32 $0x0  }
0x203: {  	v10 =	vxor.u32 v0, v9  }
0x204: {  	v10 =	vadd.s32 v7, v10  }
0x205: {  	v11 =	vxor.u32 v2, v9  }
0x206: {  	v11 =	vadd.s32 v7, v11  }
0x207: {  	v13 =	vxor.u32 v3, v9;
	v12 =	vpop (erf)  }
0x208: {  	[tilespmem:s19+$0x18AD0] =	vst v12;
	v12 =	vadd.s32 v7, v13  }
0x209: {  	v14 =	vld.idx.msk [tilespmem:v10+s16+$0x0], $0xffff  }
0x20a: {  	v15 =	vadd.s32 $0x4, v9;
	v13 =	vxor.u32 v4, v9;
	v9 =	vld.idx.msk [tilespmem:v10+s18+$0x0], $0xffff  }
0x20b: {  	v13 =	vadd.s32 v7, v13;
	v16 =	vld.idx.msk [tilespmem:v11+s16+$0x0], $0xffff  }
0x20c: {  	v10 =	vxor.u32 v0, v15;
	v17 =	vld.idx.msk [tilespmem:v11+s18+$0x0], $0xffff  }
0x20d: {  	v10 =	vadd.s32 v7, v10;
	v18 =	vld.idx.msk [tilespmem:v12+s16+$0x0], $0xffff  }
0x20e: {  	v11 =	vxor.u32 v2, v15;
	v20 =	vld.idx.msk [tilespmem:v12+s18+$0x0], $0xffff  }
0x20f: {  	v19 =	vadd.s32 v7, v11  }
0x210: {  	v11 =	vxor.u32 v3, v15;
	v22 =	vld.idx.msk [tilespmem:v13+s16+$0x0], $0xffff  }
0x211: {  	v21 =	vadd.s32 v7, v11;
	v23 =	vld.idx.msk [tilespmem:v13+s18+$0x0], $0xffff  }
0x212: {  	v13 =	vadd.s32 $0x4, v15;
	v17 =	vmul.bf16 v17, v16;
	v15 =	vxor.u32 v4, v15;
	v12 =	vld.idx.msk [tilespmem:v10+s16+$0x0], $0xffff  }
0x213: {  	v11 =	vld.idx.msk [tilespmem:v10+s18+$0x0], $0xffff;
	v10 =	vmul.bf16 v9, v14;
	v63 =	vmul.bf16 v20, v18;
	v18 =	vadd.s32 v7, v15  }
0x214: {  	v62 =	vxor.u32 v0, v13;
	v14 =	vld.idx.msk [tilespmem:v19+s16+$0x0], $0xffff  }
0x215: {  	v16 =	vld.idx.msk [tilespmem:v19+s18+$0x0], $0xffff;
	v10 =	vadd.bf16 v17, v10;
	v17 =	vxor.u32 v2, v13;
	v20 =	vadd.s32 v7, v62  }
0x216: {  	v9 =	vimm.f32 $0.0e+00;
	v15 =	vld.idx.msk [tilespmem:v21+s16+$0x0], $0xffff;
	v19 =	vadd.s32 v7, v17  }
0x217: {  	s21 =	simm.s32 $0xD;
	v17 =	vld.idx.msk [tilespmem:v21+s18+$0x0], $0xffff;
	v22 =	vmul.bf16 v23, v22;
	v21 =	vadd.bf16 v63, v10;
	v10 =	vimm.f32 $0.0e+00  }
.LBB2_19:
0x218: {  	p1 =	sne.s32 s21, $0x1;
	v23 =	vxor.u32 v3, v13;
	v24 =	vld.idx.msk [tilespmem:v18+s16+$0x0], $0xffff;
	v25 =	vmov v12  }
0x219: {  	v26 =	vxor.u32 v4, v13;
	v23 =	vadd.s32 v7, v23;
	v27 =	vld.idx.msk [tilespmem:v18+s18+$0x0], $0xffff;
	v21 =	vadd.bf16 v22, v21  }
0x21a: {  	v13 =	vadd.s32 $0x4, v13;
	v18 =	vadd.s32 v7, v26;
	v12 =	vld.idx.msk [tilespmem:v20+s16+$0x0], $0xffff  }
.Ltmp8:
0x21b: {  	v22 =	vmul.bf16 v11, v25;
	v25 =	vmul.bf16 v16, v14;
	v11 =	vld.idx.msk [tilespmem:v20+s18+$0x0], $0xffff;
	v16 =	vunpack.i.u.bf16.f32 v21;
	(pc) =	sbr.rel @p1 .LBB2_19-.Ltmp8, $4  }
0x21c: {  	v20 =	vxor.u32 v0, v13;
	v21 =	vunpack.i.l.bf16.f32 v21;
	v14 =	vld.idx.msk [tilespmem:v19+s16+$0x0], $0xffff;
	v9 =	vadd.f32 v16, v9  }
0x21d: {  	v20 =	vadd.s32 v7, v20;
	v22 =	vadd.bf16 v25, v22;
	v25 =	vmul.bf16 v17, v15;
	v16 =	vld.idx.msk [tilespmem:v19+s18+$0x0], $0xffff  }
0x21e: {  	v17 =	vxor.u32 v2, v13;
	v10 =	vadd.f32 v21, v10;
	v15 =	vld.idx.msk [tilespmem:v23+s16+$0x0], $0xffff  }
0x21f: {  	s21 =	sadd.s32 $0xFFFFFFFF, s21;
	v19 =	vadd.s32 v7, v17;
	v21 =	vadd.bf16 v25, v22;
	v22 =	vmul.bf16 v27, v24;
	v17 =	vld.idx.msk [tilespmem:v23+s18+$0x0], $0xffff  }
0x220: {  	_ =	sdelay $0x3  }
0x221: {  	v23 =	vxor.u32 v3, v13;
	v24 =	vld.idx.msk [tilespmem:v18+s16+$0x0], $0xffff  }
0x222: {  	v18 =	vld.idx.msk [tilespmem:v18+s18+$0x0], $0xffff;
	v23 =	vadd.s32 v7, v23  }
0x223: {  	v13 =	vxor.u32 v4, v13;
	v25 =	vld.idx.msk [tilespmem:v20+s16+$0x0], $0xffff  }
0x224: {  	v20 =	vld.idx.msk [tilespmem:v20+s18+$0x0], $0xffff;
	v13 =	vadd.s32 v7, v13  }
0x225: {  	v26 =	vld.idx.msk [tilespmem:v19+s16+$0x0], $0xffff  }
0x226: {  	v19 =	vld.idx.msk [tilespmem:v19+s18+$0x0], $0xffff  }
0x227: {  	v27 =	vld.idx.msk [tilespmem:v23+s16+$0x0], $0xffff  }
0x228: {  	v11 =	vmul.bf16 v11, v12;
	v12 =	vmul.bf16 v16, v14;
	v14 =	vld.idx.msk [tilespmem:v23+s18+$0x0], $0xffff  }
0x229: {  	v16 =	vld.idx.msk [tilespmem:v13+s16+$0x0], $0xffff  }
0x22a: {  	v11 =	vadd.bf16 v12, v11;
	v12 =	vmul.bf16 v17, v15;
	v13 =	vld.idx.msk [tilespmem:v13+s18+$0x0], $0xffff  }
0x22b: {  	v15 =	vmul.bf16 v20, v25;
	v17 =	vmul.bf16 v19, v26  }
0x22c: {  	v19 =	vadd.bf16 v22, v21;
	v11 =	vadd.bf16 v12, v11  }
0x22d: {  	v12 =	vmul.bf16 v18, v24;
	v15 =	vadd.bf16 v17, v15;
	v14 =	vmul.bf16 v14, v27  }
0x22e: {  	v17 =	vunpack.i.u.bf16.f32 v19;
	v18 =	vunpack.i.l.bf16.f32 v19  }
0x22f: {  	v11 =	vadd.bf16 v12, v11;
	v13 =	vmul.bf16 v13, v16;
	v12 =	vadd.bf16 v14, v15  }
0x230: {  	v9 =	vadd.f32 v17, v9;
	v10 =	vadd.f32 v18, v10  }
0x231: {  	v14 =	vunpack.i.u.bf16.f32 v11;
	v11 =	vunpack.i.l.bf16.f32 v11;
	v12 =	vadd.bf16 v13, v12  }
0x232: {  	v9 =	vadd.f32 v14, v9;
	v10 =	vadd.f32 v11, v10  }
0x233: {  	v11 =	vunpack.i.u.bf16.f32 v12;
	v12 =	vunpack.i.l.bf16.f32 v12  }
0x234: {  	v9 =	vadd.f32 v11, v9;
	v10 =	vadd.f32 v12, v10;
	_ =	sdelay $0x1  }
0x235: {  	v9 =	vadd.f32 v9, v10;
	_ =	sdelay $0x1  }
0x236: {  	v9 =	vsub.f32 $0.0e+00, v9;
	_ =	sdelay $0x1  }
0x237: {  	v9 =	vmul.f32 $1.442695020e+00, v9;
	_ =	sdelay $0x1  }
0x238: {  	(erf) = vpow2.f32 v9;
	_ =	sdelay $0x8  }
0x239: {  	v9 =	vpop (erf)  }
0x23a: {  	v9 =	vadd.f32 $1.000000000e+00, v9;
	_ =	sdelay $0x1  }
0x23b: {  	(erf) = vrcp.f32 v9;
	_ =	sdelay $0x3  }
0x23c: {  	v9 =	vimm.s32 $0x0  }
0x23d: {  	v10 =	vxor.u32 v0, v9  }
0x23e: {  	v10 =	vadd.s32 v8, v10  }
0x23f: {  	v11 =	vxor.u32 v2, v9  }
0x240: {  	v11 =	vadd.s32 v8, v11  }
0x241: {  	v13 =	vxor.u32 v3, v9;
	v12 =	vpop (erf)  }
0x242: {  	[tilespmem:s19+$0x18AE0] =	vst v12;
	v12 =	vadd.s32 v8, v13  }
0x243: {  	v14 =	vld.idx.msk [tilespmem:v10+s16+$0x0], $0xffff  }
0x244: {  	v15 =	vadd.s32 $0x4, v9;
	v13 =	vxor.u32 v4, v9;
	v9 =	vld.idx.msk [tilespmem:v10+s18+$0x0], $0xffff  }
0x245: {  	v13 =	vadd.s32 v8, v13;
	v16 =	vld.idx.msk [tilespmem:v11+s16+$0x0], $0xffff  }
0x246: {  	v10 =	vxor.u32 v0, v15;
	v17 =	vld.idx.msk [tilespmem:v11+s18+$0x0], $0xffff  }
0x247: {  	v10 =	vadd.s32 v8, v10;
	v18 =	vld.idx.msk [tilespmem:v12+s16+$0x0], $0xffff  }
0x248: {  	v11 =	vxor.u32 v2, v15;
	v20 =	vld.idx.msk [tilespmem:v12+s18+$0x0], $0xffff  }
0x249: {  	v19 =	vadd.s32 v8, v11  }
0x24a: {  	v11 =	vxor.u32 v3, v15;
	v22 =	vld.idx.msk [tilespmem:v13+s16+$0x0], $0xffff  }
0x24b: {  	v21 =	vadd.s32 v8, v11;
	v23 =	vld.idx.msk [tilespmem:v13+s18+$0x0], $0xffff  }
0x24c: {  	v13 =	vadd.s32 $0x4, v15;
	v17 =	vmul.bf16 v17, v16;
	v15 =	vxor.u32 v4, v15;
	v12 =	vld.idx.msk [tilespmem:v10+s16+$0x0], $0xffff  }
0x24d: {  	v11 =	vld.idx.msk [tilespmem:v10+s18+$0x0], $0xffff;
	v10 =	vmul.bf16 v9, v14;
	v63 =	vmul.bf16 v20, v18;
	v18 =	vadd.s32 v8, v15  }
0x24e: {  	v62 =	vxor.u32 v0, v13;
	v14 =	vld.idx.msk [tilespmem:v19+s16+$0x0], $0xffff  }
0x24f: {  	v16 =	vld.idx.msk [tilespmem:v19+s18+$0x0], $0xffff;
	v10 =	vadd.bf16 v17, v10;
	v17 =	vxor.u32 v2, v13;
	v20 =	vadd.s32 v8, v62  }
0x250: {  	v9 =	vimm.f32 $0.0e+00;
	v15 =	vld.idx.msk [tilespmem:v21+s16+$0x0], $0xffff;
	v19 =	vadd.s32 v8, v17  }
0x251: {  	s21 =	simm.s32 $0xD;
	v17 =	vld.idx.msk [tilespmem:v21+s18+$0x0], $0xffff;
	v22 =	vmul.bf16 v23, v22;
	v21 =	vadd.bf16 v63, v10;
	v10 =	vimm.f32 $0.0e+00  }
.LBB2_21:
0x252: {  	p1 =	sne.s32 s21, $0x1;
	v23 =	vxor.u32 v3, v13;
	v24 =	vld.idx.msk [tilespmem:v18+s16+$0x0], $0xffff;
	v25 =	vmov v12  }
0x253: {  	v26 =	vxor.u32 v4, v13;
	v23 =	vadd.s32 v8, v23;
	v27 =	vld.idx.msk [tilespmem:v18+s18+$0x0], $0xffff;
	v21 =	vadd.bf16 v22, v21  }
0x254: {  	v13 =	vadd.s32 $0x4, v13;
	v18 =	vadd.s32 v8, v26;
	v12 =	vld.idx.msk [tilespmem:v20+s16+$0x0], $0xffff  }
.Ltmp9:
0x255: {  	v22 =	vmul.bf16 v11, v25;
	v25 =	vmul.bf16 v16, v14;
	v11 =	vld.idx.msk [tilespmem:v20+s18+$0x0], $0xffff;
	v16 =	vunpack.i.u.bf16.f32 v21;
	(pc) =	sbr.rel @p1 .LBB2_21-.Ltmp9, $4  }
0x256: {  	v20 =	vxor.u32 v0, v13;
	v21 =	vunpack.i.l.bf16.f32 v21;
	v14 =	vld.idx.msk [tilespmem:v19+s16+$0x0], $0xffff;
	v9 =	vadd.f32 v16, v9  }
0x257: {  	v20 =	vadd.s32 v8, v20;
	v22 =	vadd.bf16 v25, v22;
	v25 =	vmul.bf16 v17, v15;
	v16 =	vld.idx.msk [tilespmem:v19+s18+$0x0], $0xffff  }
0x258: {  	v17 =	vxor.u32 v2, v13;
	v10 =	vadd.f32 v21, v10;
	v15 =	vld.idx.msk [tilespmem:v23+s16+$0x0], $0xffff  }
0x259: {  	s21 =	sadd.s32 $0xFFFFFFFF, s21;
	v19 =	vadd.s32 v8, v17;
	v21 =	vadd.bf16 v25, v22;
	v22 =	vmul.bf16 v27, v24;
	v17 =	vld.idx.msk [tilespmem:v23+s18+$0x0], $0xffff  }
0x25a: {  	_ =	sdelay $0x3  }
0x25b: {  	v23 =	vxor.u32 v3, v13;
	v24 =	vld.idx.msk [tilespmem:v18+s16+$0x0], $0xffff  }
0x25c: {  	v18 =	vld.idx.msk [tilespmem:v18+s18+$0x0], $0xffff;
	v23 =	vadd.s32 v8, v23  }
0x25d: {  	v13 =	vxor.u32 v4, v13;
	v25 =	vld.idx.msk [tilespmem:v20+s16+$0x0], $0xffff  }
0x25e: {  	v20 =	vld.idx.msk [tilespmem:v20+s18+$0x0], $0xffff;
	v13 =	vadd.s32 v8, v13  }
0x25f: {  	v26 =	vld.idx.msk [tilespmem:v19+s16+$0x0], $0xffff  }
0x260: {  	v19 =	vld.idx.msk [tilespmem:v19+s18+$0x0], $0xffff  }
0x261: {  	v27 =	vld.idx.msk [tilespmem:v23+s16+$0x0], $0xffff  }
0x262: {  	v11 =	vmul.bf16 v11, v12;
	v12 =	vmul.bf16 v16, v14;
	v14 =	vld.idx.msk [tilespmem:v23+s18+$0x0], $0xffff  }
0x263: {  	v16 =	vld.idx.msk [tilespmem:v13+s16+$0x0], $0xffff  }
0x264: {  	v11 =	vadd.bf16 v12, v11;
	v12 =	vmul.bf16 v17, v15;
	v13 =	vld.idx.msk [tilespmem:v13+s18+$0x0], $0xffff  }
0x265: {  	v15 =	vmul.bf16 v20, v25;
	v17 =	vmul.bf16 v19, v26  }
0x266: {  	v19 =	vadd.bf16 v22, v21;
	v11 =	vadd.bf16 v12, v11  }
0x267: {  	v12 =	vmul.bf16 v18, v24;
	v15 =	vadd.bf16 v17, v15;
	v14 =	vmul.bf16 v14, v27  }
0x268: {  	v17 =	vunpack.i.u.bf16.f32 v19;
	v18 =	vunpack.i.l.bf16.f32 v19  }
0x269: {  	v11 =	vadd.bf16 v12, v11;
	v13 =	vmul.bf16 v13, v16;
	v12 =	vadd.bf16 v14, v15  }
0x26a: {  	v9 =	vadd.f32 v17, v9;
	v10 =	vadd.f32 v18, v10  }
0x26b: {  	v14 =	vunpack.i.u.bf16.f32 v11;
	v11 =	vunpack.i.l.bf16.f32 v11;
	v12 =	vadd.bf16 v13, v12  }
0x26c: {  	v9 =	vadd.f32 v14, v9;
	v10 =	vadd.f32 v11, v10  }
0x26d: {  	v11 =	vunpack.i.u.bf16.f32 v12;
	v12 =	vunpack.i.l.bf16.f32 v12  }
0x26e: {  	v9 =	vadd.f32 v11, v9;
	v10 =	vadd.f32 v12, v10;
	_ =	sdelay $0x1  }
0x26f: {  	v9 =	vadd.f32 v9, v10;
	_ =	sdelay $0x1  }
0x270: {  	v9 =	vsub.f32 $0.0e+00, v9;
	_ =	sdelay $0x1  }
0x271: {  	v9 =	vmul.f32 $1.442695020e+00, v9;
	_ =	sdelay $0x1  }
0x272: {  	(erf) = vpow2.f32 v9;
	_ =	sdelay $0x8  }
0x273: {  	v9 =	vpop (erf)  }
0x274: {  	v9 =	vadd.f32 $1.000000000e+00, v9;
	_ =	sdelay $0x1  }
0x275: {  	(erf) = vrcp.f32 v9;
	_ =	sdelay $0x8  }
0x276: {  	p1 =	seq.s32 s17, $0x1E;
	v9 =	vpop (erf)  }
0x277: {  	s21 =	sadd.s32 @!p1 $0x9DD0, s19;
	s23 =	simm.s32 @!p1 $0x50;
	s25 =	simm.s32 @!p1 $0xFE60;
	[tilespmem:s19+$0x18AF0] =	vst v9  }
0x278: {  	[tilespmem:s25], [sflag:$0x2] =	stream.indirect.gather @!p1 [spmem:s2], $0x40, s21, s23, $0xb8;
	[tilespmem:$0x1B170] =	vst v63  }
0x279: {  	s21 =	sadd.s32 @!p1 $0xC4E0, s19;
	s25 =	simm.s32 @!p1 $0x14E60  }
0x27a: {  	v9 =	vimm.s32 $0x0;
	[tilespmem:s25], [sflag:$0x2] =	stream.indirect.gather @!p1 [spmem:s2], $0x40, s21, s23, $0xb8;
	[tilespmem:$0x1B170] =	vst v63  }
0x27b: {  	v10 =	vxor.u32 v0, v9;
	_ =	swait.ge [sflag:s30], $0x1400  }
0x27c: {  	v10 =	vadd.s32 v1, v10;
	[sflag:s30] =	ssyncset.done $0x0  }
0x27d: {  	v11 =	vxor.u32 v2, v9;
	[sflag:s30] =	ssyncadd.s32 $0xFFFFEC00  }
0x27e: {  	v11 =	vadd.s32 v1, v11;
	_ =	swait.ge [sflag:s30], $0x1400  }
0x27f: {  	v12 =	vxor.u32 v3, v9;
	[sflag:s30] =	ssyncset.done $0x0  }
0x280: {  	v12 =	vadd.s32 v1, v12;
	[sflag:s30] =	ssyncadd.s32 $0xFFFFEC00  }
0x281: {  	v14 =	vld.idx.msk [tilespmem:v10+s20+$0x0], $0xffff  }
0x282: {  	v13 =	vxor.u32 v4, v9;
	v15 =	vadd.s32 $0x4, v9;
	v9 =	vld.idx.msk [tilespmem:v10+s22+$0x0], $0xffff  }
0x283: {  	v13 =	vadd.s32 v1, v13;
	v16 =	vld.idx.msk [tilespmem:v11+s20+$0x0], $0xffff  }
0x284: {  	v10 =	vxor.u32 v0, v15;
	v17 =	vld.idx.msk [tilespmem:v11+s22+$0x0], $0xffff  }
0x285: {  	v18 =	vld.idx.msk [tilespmem:v12+s20+$0x0], $0xffff;
	v10 =	vadd.s32 v1, v10  }
0x286: {  	v11 =	vxor.u32 v2, v15;
	v20 =	vld.idx.msk [tilespmem:v12+s22+$0x0], $0xffff  }
0x287: {  	v19 =	vadd.s32 v1, v11  }
0x288: {  	v22 =	vld.idx.msk [tilespmem:v13+s20+$0x0], $0xffff;
	v11 =	vxor.u32 v3, v15  }
0x289: {  	v23 =	vld.idx.msk [tilespmem:v13+s22+$0x0], $0xffff;
	v21 =	vadd.s32 v1, v11  }
0x28a: {  	v13 =	vadd.s32 $0x4, v15;
	v15 =	vxor.u32 v4, v15;
	v17 =	vmul.bf16 v17, v16;
	v12 =	vld.idx.msk [tilespmem:v10+s20+$0x0], $0xffff  }
0x28b: {  	v63 =	vmul.bf16 v20, v18;
	v18 =	vadd.s32 v1, v15;
	v11 =	vld.idx.msk [tilespmem:v10+s22+$0x0], $0xffff;
	v10 =	vmul.bf16 v9, v14  }
0x28c: {  	v62 =	vxor.u32 v0, v13;
	v14 =	vld.idx.msk [tilespmem:v19+s20+$0x0], $0xffff  }
0x28d: {  	v20 =	vadd.s32 v1, v62;
	v16 =	vld.idx.msk [tilespmem:v19+s22+$0x0], $0xffff;
	v10 =	vadd.bf16 v17, v10  }
0x28e: {  	v22 =	vmul.bf16 v23, v22;
	v9 =	vimm.f32 $0.0e+00;
	v15 =	vld.idx.msk [tilespmem:v21+s20+$0x0], $0xffff;
	v17 =	vxor.u32 v2, v13  }
0x28f: {  	s21 =	simm.s32 $0xD;
	v19 =	vadd.s32 v1, v17;
	v17 =	vld.idx.msk [tilespmem:v21+s22+$0x0], $0xffff;
	v21 =	vadd.bf16 v63, v10;
	v10 =	vimm.f32 $0.0e+00  }
.LBB2_23:
0x290: {  	p2 =	sne.s32 s21, $0x1;
	v23 =	vxor.u32 v3, v13;
	v24 =	vld.idx.msk [tilespmem:v18+s20+$0x0], $0xffff;
	v25 =	vmov v12  }
0x291: {  	v26 =	vxor.u32 v4, v13;
	v23 =	vadd.s32 v1, v23;
	v27 =	vld.idx.msk [tilespmem:v18+s22+$0x0], $0xffff;
	v21 =	vadd.bf16 v22, v21  }
0x292: {  	v13 =	vadd.s32 $0x4, v13;
	v18 =	vadd.s32 v1, v26;
	v12 =	vld.idx.msk [tilespmem:v20+s20+$0x0], $0xffff  }
.Ltmp10:
0x293: {  	v22 =	vmul.bf16 v11, v25;
	v25 =	vmul.bf16 v16, v14;
	v11 =	vld.idx.msk [tilespmem:v20+s22+$0x0], $0xffff;
	v16 =	vunpack.i.u.bf16.f32 v21;
	(pc) =	sbr.rel @p2 .LBB2_23-.Ltmp10, $4  }
0x294: {  	v20 =	vxor.u32 v0, v13;
	v21 =	vunpack.i.l.bf16.f32 v21;
	v14 =	vld.idx.msk [tilespmem:v19+s20+$0x0], $0xffff;
	v9 =	vadd.f32 v16, v9  }
0x295: {  	v20 =	vadd.s32 v1, v20;
	v22 =	vadd.bf16 v25, v22;
	v25 =	vmul.bf16 v17, v15;
	v16 =	vld.idx.msk [tilespmem:v19+s22+$0x0], $0xffff  }
0x296: {  	v17 =	vxor.u32 v2, v13;
	v10 =	vadd.f32 v21, v10;
	v15 =	vld.idx.msk [tilespmem:v23+s20+$0x0], $0xffff  }
0x297: {  	s21 =	sadd.s32 $0xFFFFFFFF, s21;
	v19 =	vadd.s32 v1, v17;
	v21 =	vadd.bf16 v25, v22;
	v22 =	vmul.bf16 v27, v24;
	v17 =	vld.idx.msk [tilespmem:v23+s22+$0x0], $0xffff  }
0x298: {  	_ =	sdelay $0x3  }
0x299: {  	v23 =	vxor.u32 v3, v13;
	v24 =	vld.idx.msk [tilespmem:v18+s20+$0x0], $0xffff  }
0x29a: {  	v18 =	vld.idx.msk [tilespmem:v18+s22+$0x0], $0xffff;
	v23 =	vadd.s32 v1, v23  }
0x29b: {  	v13 =	vxor.u32 v4, v13;
	v25 =	vld.idx.msk [tilespmem:v20+s20+$0x0], $0xffff  }
0x29c: {  	v20 =	vld.idx.msk [tilespmem:v20+s22+$0x0], $0xffff;
	v13 =	vadd.s32 v1, v13  }
0x29d: {  	v26 =	vld.idx.msk [tilespmem:v19+s20+$0x0], $0xffff  }
0x29e: {  	v19 =	vld.idx.msk [tilespmem:v19+s22+$0x0], $0xffff  }
0x29f: {  	v27 =	vld.idx.msk [tilespmem:v23+s20+$0x0], $0xffff  }
0x2a0: {  	v11 =	vmul.bf16 v11, v12;
	v12 =	vmul.bf16 v16, v14;
	v14 =	vld.idx.msk [tilespmem:v23+s22+$0x0], $0xffff  }
0x2a1: {  	v16 =	vld.idx.msk [tilespmem:v13+s20+$0x0], $0xffff  }
0x2a2: {  	v11 =	vadd.bf16 v12, v11;
	v12 =	vmul.bf16 v17, v15;
	v13 =	vld.idx.msk [tilespmem:v13+s22+$0x0], $0xffff  }
0x2a3: {  	v15 =	vmul.bf16 v20, v25;
	v17 =	vmul.bf16 v19, v26  }
0x2a4: {  	v19 =	vadd.bf16 v22, v21;
	v11 =	vadd.bf16 v12, v11  }
0x2a5: {  	v12 =	vmul.bf16 v18, v24;
	v15 =	vadd.bf16 v17, v15;
	v14 =	vmul.bf16 v14, v27  }
0x2a6: {  	v17 =	vunpack.i.u.bf16.f32 v19;
	v18 =	vunpack.i.l.bf16.f32 v19  }
0x2a7: {  	v11 =	vadd.bf16 v12, v11;
	v13 =	vmul.bf16 v13, v16;
	v12 =	vadd.bf16 v14, v15  }
0x2a8: {  	v9 =	vadd.f32 v17, v9;
	v10 =	vadd.f32 v18, v10  }
0x2a9: {  	v14 =	vunpack.i.u.bf16.f32 v11;
	v11 =	vunpack.i.l.bf16.f32 v11;
	v12 =	vadd.bf16 v13, v12  }
0x2aa: {  	v9 =	vadd.f32 v14, v9;
	v10 =	vadd.f32 v11, v10  }
0x2ab: {  	v11 =	vunpack.i.u.bf16.f32 v12;
	v12 =	vunpack.i.l.bf16.f32 v12  }
0x2ac: {  	v9 =	vadd.f32 v11, v9;
	v10 =	vadd.f32 v12, v10;
	_ =	sdelay $0x1  }
0x2ad: {  	v9 =	vadd.f32 v9, v10;
	_ =	sdelay $0x1  }
0x2ae: {  	v9 =	vsub.f32 $0.0e+00, v9;
	_ =	sdelay $0x1  }
0x2af: {  	v9 =	vmul.f32 $1.442695020e+00, v9;
	_ =	sdelay $0x1  }
0x2b0: {  	(erf) = vpow2.f32 v9;
	_ =	sdelay $0x8  }
0x2b1: {  	v9 =	vpop (erf)  }
0x2b2: {  	v9 =	vadd.f32 $1.000000000e+00, v9;
	_ =	sdelay $0x1  }
0x2b3: {  	(erf) = vrcp.f32 v9;
	_ =	sdelay $0x3  }
0x2b4: {  	v9 =	vimm.s32 $0x0  }
0x2b5: {  	v10 =	vxor.u32 v0, v9  }
0x2b6: {  	v10 =	vadd.s32 v5, v10  }
0x2b7: {  	v11 =	vxor.u32 v2, v9  }
0x2b8: {  	v11 =	vadd.s32 v5, v11  }
0x2b9: {  	v13 =	vxor.u32 v3, v9;
	v12 =	vpop (erf)  }
0x2ba: {  	[tilespmem:s19+$0x18B00] =	vst v12;
	v12 =	vadd.s32 v5, v13  }
0x2bb: {  	v14 =	vld.idx.msk [tilespmem:v10+s20+$0x0], $0xffff  }
0x2bc: {  	v15 =	vadd.s32 $0x4, v9;
	v13 =	vxor.u32 v4, v9;
	v9 =	vld.idx.msk [tilespmem:v10+s22+$0x0], $0xffff  }
0x2bd: {  	v13 =	vadd.s32 v5, v13;
	v16 =	vld.idx.msk [tilespmem:v11+s20+$0x0], $0xffff  }
0x2be: {  	v10 =	vxor.u32 v0, v15;
	v17 =	vld.idx.msk [tilespmem:v11+s22+$0x0], $0xffff  }
0x2bf: {  	v10 =	vadd.s32 v5, v10;
	v18 =	vld.idx.msk [tilespmem:v12+s20+$0x0], $0xffff  }
0x2c0: {  	v11 =	vxor.u32 v2, v15;
	v20 =	vld.idx.msk [tilespmem:v12+s22+$0x0], $0xffff  }
0x2c1: {  	v19 =	vadd.s32 v5, v11  }
0x2c2: {  	v11 =	vxor.u32 v3, v15;
	v22 =	vld.idx.msk [tilespmem:v13+s20+$0x0], $0xffff  }
0x2c3: {  	v21 =	vadd.s32 v5, v11;
	v23 =	vld.idx.msk [tilespmem:v13+s22+$0x0], $0xffff  }
0x2c4: {  	v13 =	vadd.s32 $0x4, v15;
	v17 =	vmul.bf16 v17, v16;
	v15 =	vxor.u32 v4, v15;
	v12 =	vld.idx.msk [tilespmem:v10+s20+$0x0], $0xffff  }
0x2c5: {  	v11 =	vld.idx.msk [tilespmem:v10+s22+$0x0], $0xffff;
	v10 =	vmul.bf16 v9, v14;
	v63 =	vmul.bf16 v20, v18;
	v18 =	vadd.s32 v5, v15  }
0x2c6: {  	v62 =	vxor.u32 v0, v13;
	v14 =	vld.idx.msk [tilespmem:v19+s20+$0x0], $0xffff  }
0x2c7: {  	v16 =	vld.idx.msk [tilespmem:v19+s22+$0x0], $0xffff;
	v10 =	vadd.bf16 v17, v10;
	v17 =	vxor.u32 v2, v13;
	v20 =	vadd.s32 v5, v62  }
0x2c8: {  	v9 =	vimm.f32 $0.0e+00;
	v15 =	vld.idx.msk [tilespmem:v21+s20+$0x0], $0xffff;
	v19 =	vadd.s32 v5, v17  }
0x2c9: {  	s21 =	simm.s32 $0xD;
	v17 =	vld.idx.msk [tilespmem:v21+s22+$0x0], $0xffff;
	v22 =	vmul.bf16 v23, v22;
	v21 =	vadd.bf16 v63, v10;
	v10 =	vimm.f32 $0.0e+00  }
.LBB2_25:
0x2ca: {  	p2 =	sne.s32 s21, $0x1;
	v23 =	vxor.u32 v3, v13;
	v24 =	vld.idx.msk [tilespmem:v18+s20+$0x0], $0xffff;
	v25 =	vmov v12  }
0x2cb: {  	v26 =	vxor.u32 v4, v13;
	v23 =	vadd.s32 v5, v23;
	v27 =	vld.idx.msk [tilespmem:v18+s22+$0x0], $0xffff;
	v21 =	vadd.bf16 v22, v21  }
0x2cc: {  	v13 =	vadd.s32 $0x4, v13;
	v18 =	vadd.s32 v5, v26;
	v12 =	vld.idx.msk [tilespmem:v20+s20+$0x0], $0xffff  }
.Ltmp11:
0x2cd: {  	v22 =	vmul.bf16 v11, v25;
	v25 =	vmul.bf16 v16, v14;
	v11 =	vld.idx.msk [tilespmem:v20+s22+$0x0], $0xffff;
	v16 =	vunpack.i.u.bf16.f32 v21;
	(pc) =	sbr.rel @p2 .LBB2_25-.Ltmp11, $4  }
0x2ce: {  	v20 =	vxor.u32 v0, v13;
	v21 =	vunpack.i.l.bf16.f32 v21;
	v14 =	vld.idx.msk [tilespmem:v19+s20+$0x0], $0xffff;
	v9 =	vadd.f32 v16, v9  }
0x2cf: {  	v20 =	vadd.s32 v5, v20;
	v22 =	vadd.bf16 v25, v22;
	v25 =	vmul.bf16 v17, v15;
	v16 =	vld.idx.msk [tilespmem:v19+s22+$0x0], $0xffff  }
0x2d0: {  	v17 =	vxor.u32 v2, v13;
	v10 =	vadd.f32 v21, v10;
	v15 =	vld.idx.msk [tilespmem:v23+s20+$0x0], $0xffff  }
0x2d1: {  	s21 =	sadd.s32 $0xFFFFFFFF, s21;
	v19 =	vadd.s32 v5, v17;
	v21 =	vadd.bf16 v25, v22;
	v22 =	vmul.bf16 v27, v24;
	v17 =	vld.idx.msk [tilespmem:v23+s22+$0x0], $0xffff  }
0x2d2: {  	_ =	sdelay $0x3  }
0x2d3: {  	v23 =	vxor.u32 v3, v13;
	v24 =	vld.idx.msk [tilespmem:v18+s20+$0x0], $0xffff  }
0x2d4: {  	v18 =	vld.idx.msk [tilespmem:v18+s22+$0x0], $0xffff;
	v23 =	vadd.s32 v5, v23  }
0x2d5: {  	v13 =	vxor.u32 v4, v13;
	v25 =	vld.idx.msk [tilespmem:v20+s20+$0x0], $0xffff  }
0x2d6: {  	v20 =	vld.idx.msk [tilespmem:v20+s22+$0x0], $0xffff;
	v13 =	vadd.s32 v5, v13  }
0x2d7: {  	v26 =	vld.idx.msk [tilespmem:v19+s20+$0x0], $0xffff  }
0x2d8: {  	v19 =	vld.idx.msk [tilespmem:v19+s22+$0x0], $0xffff  }
0x2d9: {  	v27 =	vld.idx.msk [tilespmem:v23+s20+$0x0], $0xffff  }
0x2da: {  	v11 =	vmul.bf16 v11, v12;
	v12 =	vmul.bf16 v16, v14;
	v14 =	vld.idx.msk [tilespmem:v23+s22+$0x0], $0xffff  }
0x2db: {  	v16 =	vld.idx.msk [tilespmem:v13+s20+$0x0], $0xffff  }
0x2dc: {  	v11 =	vadd.bf16 v12, v11;
	v12 =	vmul.bf16 v17, v15;
	v13 =	vld.idx.msk [tilespmem:v13+s22+$0x0], $0xffff  }
0x2dd: {  	v15 =	vmul.bf16 v20, v25;
	v17 =	vmul.bf16 v19, v26  }
0x2de: {  	v19 =	vadd.bf16 v22, v21;
	v11 =	vadd.bf16 v12, v11  }
0x2df: {  	v12 =	vmul.bf16 v18, v24;
	v15 =	vadd.bf16 v17, v15;
	v14 =	vmul.bf16 v14, v27  }
0x2e0: {  	v17 =	vunpack.i.u.bf16.f32 v19;
	v18 =	vunpack.i.l.bf16.f32 v19  }
0x2e1: {  	v11 =	vadd.bf16 v12, v11;
	v13 =	vmul.bf16 v13, v16;
	v12 =	vadd.bf16 v14, v15  }
0x2e2: {  	v9 =	vadd.f32 v17, v9;
	v10 =	vadd.f32 v18, v10  }
0x2e3: {  	v14 =	vunpack.i.u.bf16.f32 v11;
	v11 =	vunpack.i.l.bf16.f32 v11;
	v12 =	vadd.bf16 v13, v12  }
0x2e4: {  	v9 =	vadd.f32 v14, v9;
	v10 =	vadd.f32 v11, v10  }
0x2e5: {  	v11 =	vunpack.i.u.bf16.f32 v12;
	v12 =	vunpack.i.l.bf16.f32 v12  }
0x2e6: {  	v9 =	vadd.f32 v11, v9;
	v10 =	vadd.f32 v12, v10;
	_ =	sdelay $0x1  }
0x2e7: {  	v9 =	vadd.f32 v9, v10;
	_ =	sdelay $0x1  }
0x2e8: {  	v9 =	vsub.f32 $0.0e+00, v9;
	_ =	sdelay $0x1  }
0x2e9: {  	v9 =	vmul.f32 $1.442695020e+00, v9;
	_ =	sdelay $0x1  }
0x2ea: {  	(erf) = vpow2.f32 v9;
	_ =	sdelay $0x8  }
0x2eb: {  	v9 =	vpop (erf)  }
0x2ec: {  	v9 =	vadd.f32 $1.000000000e+00, v9;
	_ =	sdelay $0x1  }
0x2ed: {  	(erf) = vrcp.f32 v9;
	_ =	sdelay $0x3  }
0x2ee: {  	v9 =	vimm.s32 $0x0  }
0x2ef: {  	v10 =	vxor.u32 v0, v9  }
0x2f0: {  	v10 =	vadd.s32 v6, v10  }
0x2f1: {  	v11 =	vxor.u32 v2, v9  }
0x2f2: {  	v11 =	vadd.s32 v6, v11  }
0x2f3: {  	v13 =	vxor.u32 v3, v9;
	v12 =	vpop (erf)  }
0x2f4: {  	[tilespmem:s19+$0x18B10] =	vst v12;
	v12 =	vadd.s32 v6, v13  }
0x2f5: {  	v14 =	vld.idx.msk [tilespmem:v10+s20+$0x0], $0xffff  }
0x2f6: {  	v15 =	vadd.s32 $0x4, v9;
	v13 =	vxor.u32 v4, v9;
	v9 =	vld.idx.msk [tilespmem:v10+s22+$0x0], $0xffff  }
0x2f7: {  	v13 =	vadd.s32 v6, v13;
	v16 =	vld.idx.msk [tilespmem:v11+s20+$0x0], $0xffff  }
0x2f8: {  	v10 =	vxor.u32 v0, v15;
	v17 =	vld.idx.msk [tilespmem:v11+s22+$0x0], $0xffff  }
0x2f9: {  	v10 =	vadd.s32 v6, v10;
	v18 =	vld.idx.msk [tilespmem:v12+s20+$0x0], $0xffff  }
0x2fa: {  	v11 =	vxor.u32 v2, v15;
	v20 =	vld.idx.msk [tilespmem:v12+s22+$0x0], $0xffff  }
0x2fb: {  	v19 =	vadd.s32 v6, v11  }
0x2fc: {  	v11 =	vxor.u32 v3, v15;
	v22 =	vld.idx.msk [tilespmem:v13+s20+$0x0], $0xffff  }
0x2fd: {  	v21 =	vadd.s32 v6, v11;
	v23 =	vld.idx.msk [tilespmem:v13+s22+$0x0], $0xffff  }
0x2fe: {  	v13 =	vadd.s32 $0x4, v15;
	v17 =	vmul.bf16 v17, v16;
	v15 =	vxor.u32 v4, v15;
	v12 =	vld.idx.msk [tilespmem:v10+s20+$0x0], $0xffff  }
0x2ff: {  	v11 =	vld.idx.msk [tilespmem:v10+s22+$0x0], $0xffff;
	v10 =	vmul.bf16 v9, v14;
	v63 =	vmul.bf16 v20, v18;
	v18 =	vadd.s32 v6, v15  }
0x300: {  	v62 =	vxor.u32 v0, v13;
	v14 =	vld.idx.msk [tilespmem:v19+s20+$0x0], $0xffff  }
0x301: {  	v16 =	vld.idx.msk [tilespmem:v19+s22+$0x0], $0xffff;
	v10 =	vadd.bf16 v17, v10;
	v17 =	vxor.u32 v2, v13;
	v20 =	vadd.s32 v6, v62  }
0x302: {  	v9 =	vimm.f32 $0.0e+00;
	v15 =	vld.idx.msk [tilespmem:v21+s20+$0x0], $0xffff;
	v19 =	vadd.s32 v6, v17  }
0x303: {  	s21 =	simm.s32 $0xD;
	v17 =	vld.idx.msk [tilespmem:v21+s22+$0x0], $0xffff;
	v22 =	vmul.bf16 v23, v22;
	v21 =	vadd.bf16 v63, v10;
	v10 =	vimm.f32 $0.0e+00  }
.LBB2_27:
0x304: {  	p2 =	sne.s32 s21, $0x1;
	v23 =	vxor.u32 v3, v13;
	v24 =	vld.idx.msk [tilespmem:v18+s20+$0x0], $0xffff;
	v25 =	vmov v12  }
0x305: {  	v26 =	vxor.u32 v4, v13;
	v23 =	vadd.s32 v6, v23;
	v27 =	vld.idx.msk [tilespmem:v18+s22+$0x0], $0xffff;
	v21 =	vadd.bf16 v22, v21  }
0x306: {  	v13 =	vadd.s32 $0x4, v13;
	v18 =	vadd.s32 v6, v26;
	v12 =	vld.idx.msk [tilespmem:v20+s20+$0x0], $0xffff  }
.Ltmp12:
0x307: {  	v22 =	vmul.bf16 v11, v25;
	v25 =	vmul.bf16 v16, v14;
	v11 =	vld.idx.msk [tilespmem:v20+s22+$0x0], $0xffff;
	v16 =	vunpack.i.u.bf16.f32 v21;
	(pc) =	sbr.rel @p2 .LBB2_27-.Ltmp12, $4  }
0x308: {  	v20 =	vxor.u32 v0, v13;
	v21 =	vunpack.i.l.bf16.f32 v21;
	v14 =	vld.idx.msk [tilespmem:v19+s20+$0x0], $0xffff;
	v9 =	vadd.f32 v16, v9  }
0x309: {  	v20 =	vadd.s32 v6, v20;
	v22 =	vadd.bf16 v25, v22;
	v25 =	vmul.bf16 v17, v15;
	v16 =	vld.idx.msk [tilespmem:v19+s22+$0x0], $0xffff  }
0x30a: {  	v17 =	vxor.u32 v2, v13;
	v10 =	vadd.f32 v21, v10;
	v15 =	vld.idx.msk [tilespmem:v23+s20+$0x0], $0xffff  }
0x30b: {  	s21 =	sadd.s32 $0xFFFFFFFF, s21;
	v19 =	vadd.s32 v6, v17;
	v21 =	vadd.bf16 v25, v22;
	v22 =	vmul.bf16 v27, v24;
	v17 =	vld.idx.msk [tilespmem:v23+s22+$0x0], $0xffff  }
0x30c: {  	_ =	sdelay $0x3  }
0x30d: {  	v23 =	vxor.u32 v3, v13;
	v24 =	vld.idx.msk [tilespmem:v18+s20+$0x0], $0xffff  }
0x30e: {  	v18 =	vld.idx.msk [tilespmem:v18+s22+$0x0], $0xffff;
	v23 =	vadd.s32 v6, v23  }
0x30f: {  	v13 =	vxor.u32 v4, v13;
	v25 =	vld.idx.msk [tilespmem:v20+s20+$0x0], $0xffff  }
0x310: {  	v20 =	vld.idx.msk [tilespmem:v20+s22+$0x0], $0xffff;
	v13 =	vadd.s32 v6, v13  }
0x311: {  	v26 =	vld.idx.msk [tilespmem:v19+s20+$0x0], $0xffff  }
0x312: {  	v19 =	vld.idx.msk [tilespmem:v19+s22+$0x0], $0xffff  }
0x313: {  	v27 =	vld.idx.msk [tilespmem:v23+s20+$0x0], $0xffff  }
0x314: {  	v11 =	vmul.bf16 v11, v12;
	v12 =	vmul.bf16 v16, v14;
	v14 =	vld.idx.msk [tilespmem:v23+s22+$0x0], $0xffff  }
0x315: {  	v16 =	vld.idx.msk [tilespmem:v13+s20+$0x0], $0xffff  }
0x316: {  	v11 =	vadd.bf16 v12, v11;
	v12 =	vmul.bf16 v17, v15;
	v13 =	vld.idx.msk [tilespmem:v13+s22+$0x0], $0xffff  }
0x317: {  	v15 =	vmul.bf16 v20, v25;
	v17 =	vmul.bf16 v19, v26  }
0x318: {  	v19 =	vadd.bf16 v22, v21;
	v11 =	vadd.bf16 v12, v11  }
0x319: {  	v12 =	vmul.bf16 v18, v24;
	v15 =	vadd.bf16 v17, v15;
	v14 =	vmul.bf16 v14, v27  }
0x31a: {  	v17 =	vunpack.i.u.bf16.f32 v19;
	v18 =	vunpack.i.l.bf16.f32 v19  }
0x31b: {  	v11 =	vadd.bf16 v12, v11;
	v13 =	vmul.bf16 v13, v16;
	v12 =	vadd.bf16 v14, v15  }
0x31c: {  	v9 =	vadd.f32 v17, v9;
	v10 =	vadd.f32 v18, v10  }
0x31d: {  	v14 =	vunpack.i.u.bf16.f32 v11;
	v11 =	vunpack.i.l.bf16.f32 v11;
	v12 =	vadd.bf16 v13, v12  }
0x31e: {  	v9 =	vadd.f32 v14, v9;
	v10 =	vadd.f32 v11, v10  }
0x31f: {  	v11 =	vunpack.i.u.bf16.f32 v12;
	v12 =	vunpack.i.l.bf16.f32 v12  }
0x320: {  	v9 =	vadd.f32 v11, v9;
	v10 =	vadd.f32 v12, v10;
	_ =	sdelay $0x1  }
0x321: {  	v9 =	vadd.f32 v9, v10;
	_ =	sdelay $0x1  }
0x322: {  	v9 =	vsub.f32 $0.0e+00, v9;
	_ =	sdelay $0x1  }
0x323: {  	v9 =	vmul.f32 $1.442695020e+00, v9;
	_ =	sdelay $0x1  }
0x324: {  	(erf) = vpow2.f32 v9;
	_ =	sdelay $0x8  }
0x325: {  	v9 =	vpop (erf)  }
0x326: {  	v9 =	vadd.f32 $1.000000000e+00, v9;
	_ =	sdelay $0x1  }
0x327: {  	(erf) = vrcp.f32 v9;
	_ =	sdelay $0x3  }
0x328: {  	v9 =	vimm.s32 $0x0  }
0x329: {  	v10 =	vxor.u32 v0, v9  }
0x32a: {  	v10 =	vadd.s32 v7, v10  }
0x32b: {  	v11 =	vxor.u32 v2, v9  }
0x32c: {  	v11 =	vadd.s32 v7, v11  }
0x32d: {  	v13 =	vxor.u32 v3, v9;
	v12 =	vpop (erf)  }
0x32e: {  	[tilespmem:s19+$0x18B20] =	vst v12;
	v12 =	vadd.s32 v7, v13  }
0x32f: {  	v14 =	vld.idx.msk [tilespmem:v10+s20+$0x0], $0xffff  }
0x330: {  	v15 =	vadd.s32 $0x4, v9;
	v13 =	vxor.u32 v4, v9;
	v9 =	vld.idx.msk [tilespmem:v10+s22+$0x0], $0xffff  }
0x331: {  	v13 =	vadd.s32 v7, v13;
	v16 =	vld.idx.msk [tilespmem:v11+s20+$0x0], $0xffff  }
0x332: {  	v10 =	vxor.u32 v0, v15;
	v17 =	vld.idx.msk [tilespmem:v11+s22+$0x0], $0xffff  }
0x333: {  	v10 =	vadd.s32 v7, v10;
	v18 =	vld.idx.msk [tilespmem:v12+s20+$0x0], $0xffff  }
0x334: {  	v11 =	vxor.u32 v2, v15;
	v20 =	vld.idx.msk [tilespmem:v12+s22+$0x0], $0xffff  }
0x335: {  	v19 =	vadd.s32 v7, v11  }
0x336: {  	v11 =	vxor.u32 v3, v15;
	v22 =	vld.idx.msk [tilespmem:v13+s20+$0x0], $0xffff  }
0x337: {  	v21 =	vadd.s32 v7, v11;
	v23 =	vld.idx.msk [tilespmem:v13+s22+$0x0], $0xffff  }
0x338: {  	v13 =	vadd.s32 $0x4, v15;
	v17 =	vmul.bf16 v17, v16;
	v15 =	vxor.u32 v4, v15;
	v12 =	vld.idx.msk [tilespmem:v10+s20+$0x0], $0xffff  }
0x339: {  	v11 =	vld.idx.msk [tilespmem:v10+s22+$0x0], $0xffff;
	v10 =	vmul.bf16 v9, v14;
	v63 =	vmul.bf16 v20, v18;
	v18 =	vadd.s32 v7, v15  }
0x33a: {  	v62 =	vxor.u32 v0, v13;
	v14 =	vld.idx.msk [tilespmem:v19+s20+$0x0], $0xffff  }
0x33b: {  	v16 =	vld.idx.msk [tilespmem:v19+s22+$0x0], $0xffff;
	v10 =	vadd.bf16 v17, v10;
	v17 =	vxor.u32 v2, v13;
	v20 =	vadd.s32 v7, v62  }
0x33c: {  	v9 =	vimm.f32 $0.0e+00;
	v15 =	vld.idx.msk [tilespmem:v21+s20+$0x0], $0xffff;
	v19 =	vadd.s32 v7, v17  }
0x33d: {  	s21 =	simm.s32 $0xD;
	v17 =	vld.idx.msk [tilespmem:v21+s22+$0x0], $0xffff;
	v22 =	vmul.bf16 v23, v22;
	v21 =	vadd.bf16 v63, v10;
	v10 =	vimm.f32 $0.0e+00  }
.LBB2_29:
0x33e: {  	p2 =	sne.s32 s21, $0x1;
	v23 =	vxor.u32 v3, v13;
	v24 =	vld.idx.msk [tilespmem:v18+s20+$0x0], $0xffff;
	v25 =	vmov v12  }
0x33f: {  	v26 =	vxor.u32 v4, v13;
	v23 =	vadd.s32 v7, v23;
	v27 =	vld.idx.msk [tilespmem:v18+s22+$0x0], $0xffff;
	v21 =	vadd.bf16 v22, v21  }
0x340: {  	v13 =	vadd.s32 $0x4, v13;
	v18 =	vadd.s32 v7, v26;
	v12 =	vld.idx.msk [tilespmem:v20+s20+$0x0], $0xffff  }
.Ltmp13:
0x341: {  	v22 =	vmul.bf16 v11, v25;
	v25 =	vmul.bf16 v16, v14;
	v11 =	vld.idx.msk [tilespmem:v20+s22+$0x0], $0xffff;
	v16 =	vunpack.i.u.bf16.f32 v21;
	(pc) =	sbr.rel @p2 .LBB2_29-.Ltmp13, $4  }
0x342: {  	v20 =	vxor.u32 v0, v13;
	v21 =	vunpack.i.l.bf16.f32 v21;
	v14 =	vld.idx.msk [tilespmem:v19+s20+$0x0], $0xffff;
	v9 =	vadd.f32 v16, v9  }
0x343: {  	v20 =	vadd.s32 v7, v20;
	v22 =	vadd.bf16 v25, v22;
	v25 =	vmul.bf16 v17, v15;
	v16 =	vld.idx.msk [tilespmem:v19+s22+$0x0], $0xffff  }
0x344: {  	v17 =	vxor.u32 v2, v13;
	v10 =	vadd.f32 v21, v10;
	v15 =	vld.idx.msk [tilespmem:v23+s20+$0x0], $0xffff  }
0x345: {  	s21 =	sadd.s32 $0xFFFFFFFF, s21;
	v19 =	vadd.s32 v7, v17;
	v21 =	vadd.bf16 v25, v22;
	v22 =	vmul.bf16 v27, v24;
	v17 =	vld.idx.msk [tilespmem:v23+s22+$0x0], $0xffff  }
0x346: {  	_ =	sdelay $0x3  }
0x347: {  	v23 =	vxor.u32 v3, v13;
	v24 =	vld.idx.msk [tilespmem:v18+s20+$0x0], $0xffff  }
0x348: {  	v18 =	vld.idx.msk [tilespmem:v18+s22+$0x0], $0xffff;
	v23 =	vadd.s32 v7, v23  }
0x349: {  	v13 =	vxor.u32 v4, v13;
	v25 =	vld.idx.msk [tilespmem:v20+s20+$0x0], $0xffff  }
0x34a: {  	v20 =	vld.idx.msk [tilespmem:v20+s22+$0x0], $0xffff;
	v13 =	vadd.s32 v7, v13  }
0x34b: {  	v26 =	vld.idx.msk [tilespmem:v19+s20+$0x0], $0xffff  }
0x34c: {  	v19 =	vld.idx.msk [tilespmem:v19+s22+$0x0], $0xffff  }
0x34d: {  	v27 =	vld.idx.msk [tilespmem:v23+s20+$0x0], $0xffff  }
0x34e: {  	v11 =	vmul.bf16 v11, v12;
	v12 =	vmul.bf16 v16, v14;
	v14 =	vld.idx.msk [tilespmem:v23+s22+$0x0], $0xffff  }
0x34f: {  	v16 =	vld.idx.msk [tilespmem:v13+s20+$0x0], $0xffff  }
0x350: {  	v11 =	vadd.bf16 v12, v11;
	v12 =	vmul.bf16 v17, v15;
	v13 =	vld.idx.msk [tilespmem:v13+s22+$0x0], $0xffff  }
0x351: {  	v15 =	vmul.bf16 v20, v25;
	v17 =	vmul.bf16 v19, v26  }
0x352: {  	v19 =	vadd.bf16 v22, v21;
	v11 =	vadd.bf16 v12, v11  }
0x353: {  	v12 =	vmul.bf16 v18, v24;
	v15 =	vadd.bf16 v17, v15;
	v14 =	vmul.bf16 v14, v27  }
0x354: {  	v17 =	vunpack.i.u.bf16.f32 v19;
	v18 =	vunpack.i.l.bf16.f32 v19  }
0x355: {  	v11 =	vadd.bf16 v12, v11;
	v13 =	vmul.bf16 v13, v16;
	v12 =	vadd.bf16 v14, v15  }
0x356: {  	v9 =	vadd.f32 v17, v9;
	v10 =	vadd.f32 v18, v10  }
0x357: {  	v14 =	vunpack.i.u.bf16.f32 v11;
	v11 =	vunpack.i.l.bf16.f32 v11;
	v12 =	vadd.bf16 v13, v12  }
0x358: {  	v9 =	vadd.f32 v14, v9;
	v10 =	vadd.f32 v11, v10  }
0x359: {  	v11 =	vunpack.i.u.bf16.f32 v12;
	v12 =	vunpack.i.l.bf16.f32 v12  }
0x35a: {  	v9 =	vadd.f32 v11, v9;
	v10 =	vadd.f32 v12, v10;
	_ =	sdelay $0x1  }
0x35b: {  	v9 =	vadd.f32 v9, v10;
	_ =	sdelay $0x1  }
0x35c: {  	v9 =	vsub.f32 $0.0e+00, v9;
	_ =	sdelay $0x1  }
0x35d: {  	v9 =	vmul.f32 $1.442695020e+00, v9;
	_ =	sdelay $0x1  }
0x35e: {  	(erf) = vpow2.f32 v9;
	_ =	sdelay $0x8  }
0x35f: {  	v9 =	vpop (erf)  }
0x360: {  	v9 =	vadd.f32 $1.000000000e+00, v9;
	_ =	sdelay $0x1  }
0x361: {  	(erf) = vrcp.f32 v9;
	_ =	sdelay $0x3  }
0x362: {  	v9 =	vimm.s32 $0x0  }
0x363: {  	v10 =	vxor.u32 v0, v9  }
0x364: {  	v10 =	vadd.s32 v8, v10  }
0x365: {  	v11 =	vxor.u32 v2, v9  }
0x366: {  	v11 =	vadd.s32 v8, v11  }
0x367: {  	v13 =	vxor.u32 v3, v9;
	v12 =	vpop (erf)  }
0x368: {  	[tilespmem:s19+$0x18B30] =	vst v12;
	v12 =	vadd.s32 v8, v13  }
0x369: {  	v14 =	vld.idx.msk [tilespmem:v10+s20+$0x0], $0xffff  }
0x36a: {  	v15 =	vadd.s32 $0x4, v9;
	v13 =	vxor.u32 v4, v9;
	v9 =	vld.idx.msk [tilespmem:v10+s22+$0x0], $0xffff  }
0x36b: {  	v13 =	vadd.s32 v8, v13;
	v16 =	vld.idx.msk [tilespmem:v11+s20+$0x0], $0xffff  }
0x36c: {  	v10 =	vxor.u32 v0, v15;
	v17 =	vld.idx.msk [tilespmem:v11+s22+$0x0], $0xffff  }
0x36d: {  	v10 =	vadd.s32 v8, v10;
	v18 =	vld.idx.msk [tilespmem:v12+s20+$0x0], $0xffff  }
0x36e: {  	v11 =	vxor.u32 v2, v15;
	v20 =	vld.idx.msk [tilespmem:v12+s22+$0x0], $0xffff  }
0x36f: {  	v19 =	vadd.s32 v8, v11  }
0x370: {  	v11 =	vxor.u32 v3, v15;
	v22 =	vld.idx.msk [tilespmem:v13+s20+$0x0], $0xffff  }
0x371: {  	v21 =	vadd.s32 v8, v11;
	v23 =	vld.idx.msk [tilespmem:v13+s22+$0x0], $0xffff  }
0x372: {  	v13 =	vadd.s32 $0x4, v15;
	v17 =	vmul.bf16 v17, v16;
	v15 =	vxor.u32 v4, v15;
	v12 =	vld.idx.msk [tilespmem:v10+s20+$0x0], $0xffff  }
0x373: {  	v11 =	vld.idx.msk [tilespmem:v10+s22+$0x0], $0xffff;
	v10 =	vmul.bf16 v9, v14;
	v63 =	vmul.bf16 v20, v18;
	v18 =	vadd.s32 v8, v15  }
0x374: {  	v62 =	vxor.u32 v0, v13;
	v14 =	vld.idx.msk [tilespmem:v19+s20+$0x0], $0xffff  }
0x375: {  	v16 =	vld.idx.msk [tilespmem:v19+s22+$0x0], $0xffff;
	v10 =	vadd.bf16 v17, v10;
	v17 =	vxor.u32 v2, v13;
	v20 =	vadd.s32 v8, v62  }
0x376: {  	v9 =	vimm.f32 $0.0e+00;
	v15 =	vld.idx.msk [tilespmem:v21+s20+$0x0], $0xffff;
	v19 =	vadd.s32 v8, v17  }
0x377: {  	s21 =	simm.s32 $0xD;
	v17 =	vld.idx.msk [tilespmem:v21+s22+$0x0], $0xffff;
	v22 =	vmul.bf16 v23, v22;
	v21 =	vadd.bf16 v63, v10;
	v10 =	vimm.f32 $0.0e+00  }
.LBB2_31:
0x378: {  	p2 =	sne.s32 s21, $0x1;
	v23 =	vxor.u32 v3, v13;
	v24 =	vld.idx.msk [tilespmem:v18+s20+$0x0], $0xffff;
	v25 =	vmov v12  }
0x379: {  	v26 =	vxor.u32 v4, v13;
	v23 =	vadd.s32 v8, v23;
	v27 =	vld.idx.msk [tilespmem:v18+s22+$0x0], $0xffff;
	v21 =	vadd.bf16 v22, v21  }
0x37a: {  	v13 =	vadd.s32 $0x4, v13;
	v18 =	vadd.s32 v8, v26;
	v12 =	vld.idx.msk [tilespmem:v20+s20+$0x0], $0xffff  }
.Ltmp14:
0x37b: {  	v22 =	vmul.bf16 v11, v25;
	v25 =	vmul.bf16 v16, v14;
	v11 =	vld.idx.msk [tilespmem:v20+s22+$0x0], $0xffff;
	v16 =	vunpack.i.u.bf16.f32 v21;
	(pc) =	sbr.rel @p2 .LBB2_31-.Ltmp14, $4  }
0x37c: {  	v20 =	vxor.u32 v0, v13;
	v21 =	vunpack.i.l.bf16.f32 v21;
	v14 =	vld.idx.msk [tilespmem:v19+s20+$0x0], $0xffff;
	v9 =	vadd.f32 v16, v9  }
0x37d: {  	v20 =	vadd.s32 v8, v20;
	v22 =	vadd.bf16 v25, v22;
	v25 =	vmul.bf16 v17, v15;
	v16 =	vld.idx.msk [tilespmem:v19+s22+$0x0], $0xffff  }
0x37e: {  	v17 =	vxor.u32 v2, v13;
	v10 =	vadd.f32 v21, v10;
	v15 =	vld.idx.msk [tilespmem:v23+s20+$0x0], $0xffff  }
0x37f: {  	s21 =	sadd.s32 $0xFFFFFFFF, s21;
	v19 =	vadd.s32 v8, v17;
	v21 =	vadd.bf16 v25, v22;
	v22 =	vmul.bf16 v27, v24;
	v17 =	vld.idx.msk [tilespmem:v23+s22+$0x0], $0xffff  }
0x380: {  	_ =	sdelay $0x3  }
0x381: {  	v23 =	vxor.u32 v3, v13;
	v24 =	vld.idx.msk [tilespmem:v18+s20+$0x0], $0xffff  }
0x382: {  	v18 =	vld.idx.msk [tilespmem:v18+s22+$0x0], $0xffff;
	v23 =	vadd.s32 v8, v23  }
0x383: {  	v13 =	vxor.u32 v4, v13;
	v25 =	vld.idx.msk [tilespmem:v20+s20+$0x0], $0xffff  }
0x384: {  	v20 =	vld.idx.msk [tilespmem:v20+s22+$0x0], $0xffff;
	v13 =	vadd.s32 v8, v13  }
0x385: {  	v26 =	vld.idx.msk [tilespmem:v19+s20+$0x0], $0xffff  }
0x386: {  	v19 =	vld.idx.msk [tilespmem:v19+s22+$0x0], $0xffff  }
0x387: {  	v27 =	vld.idx.msk [tilespmem:v23+s20+$0x0], $0xffff  }
0x388: {  	v11 =	vmul.bf16 v11, v12;
	v12 =	vmul.bf16 v16, v14;
	v14 =	vld.idx.msk [tilespmem:v23+s22+$0x0], $0xffff  }
0x389: {  	v16 =	vld.idx.msk [tilespmem:v13+s20+$0x0], $0xffff  }
0x38a: {  	v11 =	vadd.bf16 v12, v11;
	v12 =	vmul.bf16 v17, v15;
	v13 =	vld.idx.msk [tilespmem:v13+s22+$0x0], $0xffff  }
0x38b: {  	v15 =	vmul.bf16 v20, v25;
	v17 =	vmul.bf16 v19, v26  }
0x38c: {  	v19 =	vadd.bf16 v22, v21;
	v11 =	vadd.bf16 v12, v11  }
0x38d: {  	v12 =	vmul.bf16 v18, v24;
	v15 =	vadd.bf16 v17, v15;
	v14 =	vmul.bf16 v14, v27  }
0x38e: {  	v17 =	vunpack.i.u.bf16.f32 v19;
	v18 =	vunpack.i.l.bf16.f32 v19  }
0x38f: {  	v11 =	vadd.bf16 v12, v11;
	v13 =	vmul.bf16 v13, v16;
	v12 =	vadd.bf16 v14, v15  }
0x390: {  	v9 =	vadd.f32 v17, v9;
	v10 =	vadd.f32 v18, v10  }
0x391: {  	v14 =	vunpack.i.u.bf16.f32 v11;
	v11 =	vunpack.i.l.bf16.f32 v11;
	v12 =	vadd.bf16 v13, v12  }
0x392: {  	v9 =	vadd.f32 v14, v9;
	v10 =	vadd.f32 v11, v10  }
0x393: {  	v11 =	vunpack.i.u.bf16.f32 v12;
	v12 =	vunpack.i.l.bf16.f32 v12  }
0x394: {  	v9 =	vadd.f32 v11, v9;
	v10 =	vadd.f32 v12, v10;
	_ =	sdelay $0x1  }
0x395: {  	v9 =	vadd.f32 v9, v10;
	_ =	sdelay $0x1  }
0x396: {  	v9 =	vsub.f32 $0.0e+00, v9;
	_ =	sdelay $0x1  }
0x397: {  	v9 =	vmul.f32 $1.442695020e+00, v9;
	_ =	sdelay $0x1  }
0x398: {  	(erf) = vpow2.f32 v9;
	_ =	sdelay $0x8  }
0x399: {  	v9 =	vpop (erf)  }
0x39a: {  	v9 =	vadd.f32 $1.000000000e+00, v9;
	_ =	sdelay $0x1  }
0x39b: {  	(erf) = vrcp.f32 v9;
	_ =	sdelay $0x8  }
0x39c: {  	v9 =	vpop (erf)  }
0x39d: {  	s21 =	sadd.s32 @!p1 $0x9E20, s19;
	s23 =	simm.s32 @!p1 $0x50;
	s25 =	simm.s32 @!p1 $0x11260;
	[tilespmem:s19+$0x18B40] =	vst v9  }
0x39e: {  	[tilespmem:s25], [sflag:$0x3] =	stream.indirect.gather @!p1 [spmem:s2], $0x40, s21, s23, $0xb8;
	[tilespmem:$0x1B170] =	vst v63  }
0x39f: {  	s21 =	sadd.s32 @!p1 $0xC530, s19;
	s25 =	simm.s32 @!p1 $0x16260  }
0x3a0: {  	v9 =	vimm.s32 $0x0;
	[tilespmem:s25], [sflag:$0x3] =	stream.indirect.gather @!p1 [spmem:s2], $0x40, s21, s23, $0xb8;
	[tilespmem:$0x1B170] =	vst v63  }
0x3a1: {  	v10 =	vxor.u32 v0, v9;
	_ =	swait.ge [sflag:s31], $0x1400  }
0x3a2: {  	v10 =	vadd.s32 v1, v10;
	[sflag:s31] =	ssyncset.done $0x0  }
0x3a3: {  	v11 =	vxor.u32 v2, v9;
	[sflag:s31] =	ssyncadd.s32 $0xFFFFEC00  }
0x3a4: {  	v11 =	vadd.s32 v1, v11;
	_ =	swait.ge [sflag:s31], $0x1400  }
0x3a5: {  	v12 =	vxor.u32 v3, v9;
	[sflag:s31] =	ssyncset.done $0x0  }
0x3a6: {  	v12 =	vadd.s32 v1, v12;
	[sflag:s31] =	ssyncadd.s32 $0xFFFFEC00  }
0x3a7: {  	v14 =	vld.idx.msk [tilespmem:v10+s24+$0x0], $0xffff  }
0x3a8: {  	v13 =	vxor.u32 v4, v9;
	v15 =	vadd.s32 $0x4, v9;
	v9 =	vld.idx.msk [tilespmem:v10+s26+$0x0], $0xffff  }
0x3a9: {  	v13 =	vadd.s32 v1, v13;
	v16 =	vld.idx.msk [tilespmem:v11+s24+$0x0], $0xffff  }
0x3aa: {  	v10 =	vxor.u32 v0, v15;
	v17 =	vld.idx.msk [tilespmem:v11+s26+$0x0], $0xffff  }
0x3ab: {  	v18 =	vld.idx.msk [tilespmem:v12+s24+$0x0], $0xffff;
	v10 =	vadd.s32 v1, v10  }
0x3ac: {  	v11 =	vxor.u32 v2, v15;
	v20 =	vld.idx.msk [tilespmem:v12+s26+$0x0], $0xffff  }
0x3ad: {  	v19 =	vadd.s32 v1, v11  }
0x3ae: {  	v22 =	vld.idx.msk [tilespmem:v13+s24+$0x0], $0xffff;
	v11 =	vxor.u32 v3, v15  }
0x3af: {  	v23 =	vld.idx.msk [tilespmem:v13+s26+$0x0], $0xffff;
	v21 =	vadd.s32 v1, v11  }
0x3b0: {  	v13 =	vadd.s32 $0x4, v15;
	v15 =	vxor.u32 v4, v15;
	v17 =	vmul.bf16 v17, v16;
	v12 =	vld.idx.msk [tilespmem:v10+s24+$0x0], $0xffff  }
0x3b1: {  	v63 =	vmul.bf16 v20, v18;
	v18 =	vadd.s32 v1, v15;
	v11 =	vld.idx.msk [tilespmem:v10+s26+$0x0], $0xffff;
	v10 =	vmul.bf16 v9, v14  }
0x3b2: {  	v62 =	vxor.u32 v0, v13;
	v14 =	vld.idx.msk [tilespmem:v19+s24+$0x0], $0xffff  }
0x3b3: {  	v20 =	vadd.s32 v1, v62;
	v16 =	vld.idx.msk [tilespmem:v19+s26+$0x0], $0xffff;
	v10 =	vadd.bf16 v17, v10  }
0x3b4: {  	v22 =	vmul.bf16 v23, v22;
	v9 =	vimm.f32 $0.0e+00;
	v15 =	vld.idx.msk [tilespmem:v21+s24+$0x0], $0xffff;
	v17 =	vxor.u32 v2, v13  }
0x3b5: {  	s21 =	simm.s32 $0xD;
	v19 =	vadd.s32 v1, v17;
	v17 =	vld.idx.msk [tilespmem:v21+s26+$0x0], $0xffff;
	v21 =	vadd.bf16 v63, v10;
	v10 =	vimm.f32 $0.0e+00  }
.LBB2_33:
0x3b6: {  	p2 =	sne.s32 s21, $0x1;
	v23 =	vxor.u32 v3, v13;
	v24 =	vld.idx.msk [tilespmem:v18+s24+$0x0], $0xffff;
	v25 =	vmov v12  }
0x3b7: {  	v26 =	vxor.u32 v4, v13;
	v23 =	vadd.s32 v1, v23;
	v27 =	vld.idx.msk [tilespmem:v18+s26+$0x0], $0xffff;
	v21 =	vadd.bf16 v22, v21  }
0x3b8: {  	v13 =	vadd.s32 $0x4, v13;
	v18 =	vadd.s32 v1, v26;
	v12 =	vld.idx.msk [tilespmem:v20+s24+$0x0], $0xffff  }
.Ltmp15:
0x3b9: {  	v22 =	vmul.bf16 v11, v25;
	v25 =	vmul.bf16 v16, v14;
	v11 =	vld.idx.msk [tilespmem:v20+s26+$0x0], $0xffff;
	v16 =	vunpack.i.u.bf16.f32 v21;
	(pc) =	sbr.rel @p2 .LBB2_33-.Ltmp15, $4  }
0x3ba: {  	v20 =	vxor.u32 v0, v13;
	v21 =	vunpack.i.l.bf16.f32 v21;
	v14 =	vld.idx.msk [tilespmem:v19+s24+$0x0], $0xffff;
	v9 =	vadd.f32 v16, v9  }
0x3bb: {  	v20 =	vadd.s32 v1, v20;
	v22 =	vadd.bf16 v25, v22;
	v25 =	vmul.bf16 v17, v15;
	v16 =	vld.idx.msk [tilespmem:v19+s26+$0x0], $0xffff  }
0x3bc: {  	v17 =	vxor.u32 v2, v13;
	v10 =	vadd.f32 v21, v10;
	v15 =	vld.idx.msk [tilespmem:v23+s24+$0x0], $0xffff  }
0x3bd: {  	s21 =	sadd.s32 $0xFFFFFFFF, s21;
	v19 =	vadd.s32 v1, v17;
	v21 =	vadd.bf16 v25, v22;
	v22 =	vmul.bf16 v27, v24;
	v17 =	vld.idx.msk [tilespmem:v23+s26+$0x0], $0xffff  }
0x3be: {  	_ =	sdelay $0x3  }
0x3bf: {  	v23 =	vxor.u32 v3, v13;
	v24 =	vld.idx.msk [tilespmem:v18+s24+$0x0], $0xffff  }
0x3c0: {  	v18 =	vld.idx.msk [tilespmem:v18+s26+$0x0], $0xffff;
	v23 =	vadd.s32 v1, v23  }
0x3c1: {  	v13 =	vxor.u32 v4, v13;
	v25 =	vld.idx.msk [tilespmem:v20+s24+$0x0], $0xffff  }
0x3c2: {  	v20 =	vld.idx.msk [tilespmem:v20+s26+$0x0], $0xffff;
	v13 =	vadd.s32 v1, v13  }
0x3c3: {  	v26 =	vld.idx.msk [tilespmem:v19+s24+$0x0], $0xffff  }
0x3c4: {  	v19 =	vld.idx.msk [tilespmem:v19+s26+$0x0], $0xffff  }
0x3c5: {  	v27 =	vld.idx.msk [tilespmem:v23+s24+$0x0], $0xffff  }
0x3c6: {  	v11 =	vmul.bf16 v11, v12;
	v12 =	vmul.bf16 v16, v14;
	v14 =	vld.idx.msk [tilespmem:v23+s26+$0x0], $0xffff  }
0x3c7: {  	v16 =	vld.idx.msk [tilespmem:v13+s24+$0x0], $0xffff  }
0x3c8: {  	v11 =	vadd.bf16 v12, v11;
	v12 =	vmul.bf16 v17, v15;
	v13 =	vld.idx.msk [tilespmem:v13+s26+$0x0], $0xffff  }
0x3c9: {  	v15 =	vmul.bf16 v20, v25;
	v17 =	vmul.bf16 v19, v26  }
0x3ca: {  	v19 =	vadd.bf16 v22, v21;
	v11 =	vadd.bf16 v12, v11  }
0x3cb: {  	v12 =	vmul.bf16 v18, v24;
	v15 =	vadd.bf16 v17, v15;
	v14 =	vmul.bf16 v14, v27  }
0x3cc: {  	v17 =	vunpack.i.u.bf16.f32 v19;
	v18 =	vunpack.i.l.bf16.f32 v19  }
0x3cd: {  	v11 =	vadd.bf16 v12, v11;
	v13 =	vmul.bf16 v13, v16;
	v12 =	vadd.bf16 v14, v15  }
0x3ce: {  	v9 =	vadd.f32 v17, v9;
	v10 =	vadd.f32 v18, v10  }
0x3cf: {  	v14 =	vunpack.i.u.bf16.f32 v11;
	v11 =	vunpack.i.l.bf16.f32 v11;
	v12 =	vadd.bf16 v13, v12  }
0x3d0: {  	v9 =	vadd.f32 v14, v9;
	v10 =	vadd.f32 v11, v10  }
0x3d1: {  	v11 =	vunpack.i.u.bf16.f32 v12;
	v12 =	vunpack.i.l.bf16.f32 v12  }
0x3d2: {  	v9 =	vadd.f32 v11, v9;
	v10 =	vadd.f32 v12, v10;
	_ =	sdelay $0x1  }
0x3d3: {  	v9 =	vadd.f32 v9, v10;
	_ =	sdelay $0x1  }
0x3d4: {  	v9 =	vsub.f32 $0.0e+00, v9;
	_ =	sdelay $0x1  }
0x3d5: {  	v9 =	vmul.f32 $1.442695020e+00, v9;
	_ =	sdelay $0x1  }
0x3d6: {  	(erf) = vpow2.f32 v9;
	_ =	sdelay $0x8  }
0x3d7: {  	v9 =	vpop (erf)  }
0x3d8: {  	v9 =	vadd.f32 $1.000000000e+00, v9;
	_ =	sdelay $0x1  }
0x3d9: {  	(erf) = vrcp.f32 v9;
	_ =	sdelay $0x3  }
0x3da: {  	v9 =	vimm.s32 $0x0  }
0x3db: {  	v10 =	vxor.u32 v0, v9  }
0x3dc: {  	v10 =	vadd.s32 v5, v10  }
0x3dd: {  	v11 =	vxor.u32 v2, v9  }
0x3de: {  	v11 =	vadd.s32 v5, v11  }
0x3df: {  	v13 =	vxor.u32 v3, v9;
	v12 =	vpop (erf)  }
0x3e0: {  	[tilespmem:s19+$0x18B50] =	vst v12;
	v12 =	vadd.s32 v5, v13  }
0x3e1: {  	v14 =	vld.idx.msk [tilespmem:v10+s24+$0x0], $0xffff  }
0x3e2: {  	v15 =	vadd.s32 $0x4, v9;
	v13 =	vxor.u32 v4, v9;
	v9 =	vld.idx.msk [tilespmem:v10+s26+$0x0], $0xffff  }
0x3e3: {  	v13 =	vadd.s32 v5, v13;
	v16 =	vld.idx.msk [tilespmem:v11+s24+$0x0], $0xffff  }
0x3e4: {  	v10 =	vxor.u32 v0, v15;
	v17 =	vld.idx.msk [tilespmem:v11+s26+$0x0], $0xffff  }
0x3e5: {  	v10 =	vadd.s32 v5, v10;
	v18 =	vld.idx.msk [tilespmem:v12+s24+$0x0], $0xffff  }
0x3e6: {  	v11 =	vxor.u32 v2, v15;
	v20 =	vld.idx.msk [tilespmem:v12+s26+$0x0], $0xffff  }
0x3e7: {  	v19 =	vadd.s32 v5, v11  }
0x3e8: {  	v11 =	vxor.u32 v3, v15;
	v22 =	vld.idx.msk [tilespmem:v13+s24+$0x0], $0xffff  }
0x3e9: {  	v21 =	vadd.s32 v5, v11;
	v23 =	vld.idx.msk [tilespmem:v13+s26+$0x0], $0xffff  }
0x3ea: {  	v13 =	vadd.s32 $0x4, v15;
	v17 =	vmul.bf16 v17, v16;
	v15 =	vxor.u32 v4, v15;
	v12 =	vld.idx.msk [tilespmem:v10+s24+$0x0], $0xffff  }
0x3eb: {  	v11 =	vld.idx.msk [tilespmem:v10+s26+$0x0], $0xffff;
	v10 =	vmul.bf16 v9, v14;
	v63 =	vmul.bf16 v20, v18;
	v18 =	vadd.s32 v5, v15  }
0x3ec: {  	v62 =	vxor.u32 v0, v13;
	v14 =	vld.idx.msk [tilespmem:v19+s24+$0x0], $0xffff  }
0x3ed: {  	v16 =	vld.idx.msk [tilespmem:v19+s26+$0x0], $0xffff;
	v10 =	vadd.bf16 v17, v10;
	v17 =	vxor.u32 v2, v13;
	v20 =	vadd.s32 v5, v62  }
0x3ee: {  	v9 =	vimm.f32 $0.0e+00;
	v15 =	vld.idx.msk [tilespmem:v21+s24+$0x0], $0xffff;
	v19 =	vadd.s32 v5, v17  }
0x3ef: {  	s21 =	simm.s32 $0xD;
	v17 =	vld.idx.msk [tilespmem:v21+s26+$0x0], $0xffff;
	v22 =	vmul.bf16 v23, v22;
	v21 =	vadd.bf16 v63, v10;
	v10 =	vimm.f32 $0.0e+00  }
.LBB2_35:
0x3f0: {  	p2 =	sne.s32 s21, $0x1;
	v23 =	vxor.u32 v3, v13;
	v24 =	vld.idx.msk [tilespmem:v18+s24+$0x0], $0xffff;
	v25 =	vmov v12  }
0x3f1: {  	v26 =	vxor.u32 v4, v13;
	v23 =	vadd.s32 v5, v23;
	v27 =	vld.idx.msk [tilespmem:v18+s26+$0x0], $0xffff;
	v21 =	vadd.bf16 v22, v21  }
0x3f2: {  	v13 =	vadd.s32 $0x4, v13;
	v18 =	vadd.s32 v5, v26;
	v12 =	vld.idx.msk [tilespmem:v20+s24+$0x0], $0xffff  }
.Ltmp16:
0x3f3: {  	v22 =	vmul.bf16 v11, v25;
	v25 =	vmul.bf16 v16, v14;
	v11 =	vld.idx.msk [tilespmem:v20+s26+$0x0], $0xffff;
	v16 =	vunpack.i.u.bf16.f32 v21;
	(pc) =	sbr.rel @p2 .LBB2_35-.Ltmp16, $4  }
0x3f4: {  	v20 =	vxor.u32 v0, v13;
	v21 =	vunpack.i.l.bf16.f32 v21;
	v14 =	vld.idx.msk [tilespmem:v19+s24+$0x0], $0xffff;
	v9 =	vadd.f32 v16, v9  }
0x3f5: {  	v20 =	vadd.s32 v5, v20;
	v22 =	vadd.bf16 v25, v22;
	v25 =	vmul.bf16 v17, v15;
	v16 =	vld.idx.msk [tilespmem:v19+s26+$0x0], $0xffff  }
0x3f6: {  	v17 =	vxor.u32 v2, v13;
	v10 =	vadd.f32 v21, v10;
	v15 =	vld.idx.msk [tilespmem:v23+s24+$0x0], $0xffff  }
0x3f7: {  	s21 =	sadd.s32 $0xFFFFFFFF, s21;
	v19 =	vadd.s32 v5, v17;
	v21 =	vadd.bf16 v25, v22;
	v22 =	vmul.bf16 v27, v24;
	v17 =	vld.idx.msk [tilespmem:v23+s26+$0x0], $0xffff  }
0x3f8: {  	_ =	sdelay $0x3  }
0x3f9: {  	v23 =	vxor.u32 v3, v13;
	v24 =	vld.idx.msk [tilespmem:v18+s24+$0x0], $0xffff  }
0x3fa: {  	v18 =	vld.idx.msk [tilespmem:v18+s26+$0x0], $0xffff;
	v23 =	vadd.s32 v5, v23  }
0x3fb: {  	v13 =	vxor.u32 v4, v13;
	v25 =	vld.idx.msk [tilespmem:v20+s24+$0x0], $0xffff  }
0x3fc: {  	v20 =	vld.idx.msk [tilespmem:v20+s26+$0x0], $0xffff;
	v13 =	vadd.s32 v5, v13  }
0x3fd: {  	v26 =	vld.idx.msk [tilespmem:v19+s24+$0x0], $0xffff  }
0x3fe: {  	v19 =	vld.idx.msk [tilespmem:v19+s26+$0x0], $0xffff  }
0x3ff: {  	v27 =	vld.idx.msk [tilespmem:v23+s24+$0x0], $0xffff  }
0x400: {  	v11 =	vmul.bf16 v11, v12;
	v12 =	vmul.bf16 v16, v14;
	v14 =	vld.idx.msk [tilespmem:v23+s26+$0x0], $0xffff  }
0x401: {  	v16 =	vld.idx.msk [tilespmem:v13+s24+$0x0], $0xffff  }
0x402: {  	v11 =	vadd.bf16 v12, v11;
	v12 =	vmul.bf16 v17, v15;
	v13 =	vld.idx.msk [tilespmem:v13+s26+$0x0], $0xffff  }
0x403: {  	v15 =	vmul.bf16 v20, v25;
	v17 =	vmul.bf16 v19, v26  }
0x404: {  	v19 =	vadd.bf16 v22, v21;
	v11 =	vadd.bf16 v12, v11  }
0x405: {  	v12 =	vmul.bf16 v18, v24;
	v15 =	vadd.bf16 v17, v15;
	v14 =	vmul.bf16 v14, v27  }
0x406: {  	v17 =	vunpack.i.u.bf16.f32 v19;
	v18 =	vunpack.i.l.bf16.f32 v19  }
0x407: {  	v11 =	vadd.bf16 v12, v11;
	v13 =	vmul.bf16 v13, v16;
	v12 =	vadd.bf16 v14, v15  }
0x408: {  	v9 =	vadd.f32 v17, v9;
	v10 =	vadd.f32 v18, v10  }
0x409: {  	v14 =	vunpack.i.u.bf16.f32 v11;
	v11 =	vunpack.i.l.bf16.f32 v11;
	v12 =	vadd.bf16 v13, v12  }
0x40a: {  	v9 =	vadd.f32 v14, v9;
	v10 =	vadd.f32 v11, v10  }
0x40b: {  	v11 =	vunpack.i.u.bf16.f32 v12;
	v12 =	vunpack.i.l.bf16.f32 v12  }
0x40c: {  	v9 =	vadd.f32 v11, v9;
	v10 =	vadd.f32 v12, v10;
	_ =	sdelay $0x1  }
0x40d: {  	v9 =	vadd.f32 v9, v10;
	_ =	sdelay $0x1  }
0x40e: {  	v9 =	vsub.f32 $0.0e+00, v9;
	_ =	sdelay $0x1  }
0x40f: {  	v9 =	vmul.f32 $1.442695020e+00, v9;
	_ =	sdelay $0x1  }
0x410: {  	(erf) = vpow2.f32 v9;
	_ =	sdelay $0x8  }
0x411: {  	v9 =	vpop (erf)  }
0x412: {  	v9 =	vadd.f32 $1.000000000e+00, v9;
	_ =	sdelay $0x1  }
0x413: {  	(erf) = vrcp.f32 v9;
	_ =	sdelay $0x3  }
0x414: {  	v9 =	vimm.s32 $0x0  }
0x415: {  	v10 =	vxor.u32 v0, v9  }
0x416: {  	v10 =	vadd.s32 v6, v10  }
0x417: {  	v11 =	vxor.u32 v2, v9  }
0x418: {  	v11 =	vadd.s32 v6, v11  }
0x419: {  	v13 =	vxor.u32 v3, v9;
	v12 =	vpop (erf)  }
0x41a: {  	[tilespmem:s19+$0x18B60] =	vst v12;
	v12 =	vadd.s32 v6, v13  }
0x41b: {  	v14 =	vld.idx.msk [tilespmem:v10+s24+$0x0], $0xffff  }
0x41c: {  	v15 =	vadd.s32 $0x4, v9;
	v13 =	vxor.u32 v4, v9;
	v9 =	vld.idx.msk [tilespmem:v10+s26+$0x0], $0xffff  }
0x41d: {  	v13 =	vadd.s32 v6, v13;
	v16 =	vld.idx.msk [tilespmem:v11+s24+$0x0], $0xffff  }
0x41e: {  	v10 =	vxor.u32 v0, v15;
	v17 =	vld.idx.msk [tilespmem:v11+s26+$0x0], $0xffff  }
0x41f: {  	v10 =	vadd.s32 v6, v10;
	v18 =	vld.idx.msk [tilespmem:v12+s24+$0x0], $0xffff  }
0x420: {  	v11 =	vxor.u32 v2, v15;
	v20 =	vld.idx.msk [tilespmem:v12+s26+$0x0], $0xffff  }
0x421: {  	v19 =	vadd.s32 v6, v11  }
0x422: {  	v11 =	vxor.u32 v3, v15;
	v22 =	vld.idx.msk [tilespmem:v13+s24+$0x0], $0xffff  }
0x423: {  	v21 =	vadd.s32 v6, v11;
	v23 =	vld.idx.msk [tilespmem:v13+s26+$0x0], $0xffff  }
0x424: {  	v13 =	vadd.s32 $0x4, v15;
	v17 =	vmul.bf16 v17, v16;
	v15 =	vxor.u32 v4, v15;
	v12 =	vld.idx.msk [tilespmem:v10+s24+$0x0], $0xffff  }
0x425: {  	v11 =	vld.idx.msk [tilespmem:v10+s26+$0x0], $0xffff;
	v10 =	vmul.bf16 v9, v14;
	v63 =	vmul.bf16 v20, v18;
	v18 =	vadd.s32 v6, v15  }
0x426: {  	v62 =	vxor.u32 v0, v13;
	v14 =	vld.idx.msk [tilespmem:v19+s24+$0x0], $0xffff  }
0x427: {  	v16 =	vld.idx.msk [tilespmem:v19+s26+$0x0], $0xffff;
	v10 =	vadd.bf16 v17, v10;
	v17 =	vxor.u32 v2, v13;
	v20 =	vadd.s32 v6, v62  }
0x428: {  	v9 =	vimm.f32 $0.0e+00;
	v15 =	vld.idx.msk [tilespmem:v21+s24+$0x0], $0xffff;
	v19 =	vadd.s32 v6, v17  }
0x429: {  	s21 =	simm.s32 $0xD;
	v17 =	vld.idx.msk [tilespmem:v21+s26+$0x0], $0xffff;
	v22 =	vmul.bf16 v23, v22;
	v21 =	vadd.bf16 v63, v10;
	v10 =	vimm.f32 $0.0e+00  }
.LBB2_37:
0x42a: {  	p2 =	sne.s32 s21, $0x1;
	v23 =	vxor.u32 v3, v13;
	v24 =	vld.idx.msk [tilespmem:v18+s24+$0x0], $0xffff;
	v25 =	vmov v12  }
0x42b: {  	v26 =	vxor.u32 v4, v13;
	v23 =	vadd.s32 v6, v23;
	v27 =	vld.idx.msk [tilespmem:v18+s26+$0x0], $0xffff;
	v21 =	vadd.bf16 v22, v21  }
0x42c: {  	v13 =	vadd.s32 $0x4, v13;
	v18 =	vadd.s32 v6, v26;
	v12 =	vld.idx.msk [tilespmem:v20+s24+$0x0], $0xffff  }
.Ltmp17:
0x42d: {  	v22 =	vmul.bf16 v11, v25;
	v25 =	vmul.bf16 v16, v14;
	v11 =	vld.idx.msk [tilespmem:v20+s26+$0x0], $0xffff;
	v16 =	vunpack.i.u.bf16.f32 v21;
	(pc) =	sbr.rel @p2 .LBB2_37-.Ltmp17, $4  }
0x42e: {  	v20 =	vxor.u32 v0, v13;
	v21 =	vunpack.i.l.bf16.f32 v21;
	v14 =	vld.idx.msk [tilespmem:v19+s24+$0x0], $0xffff;
	v9 =	vadd.f32 v16, v9  }
0x42f: {  	v20 =	vadd.s32 v6, v20;
	v22 =	vadd.bf16 v25, v22;
	v25 =	vmul.bf16 v17, v15;
	v16 =	vld.idx.msk [tilespmem:v19+s26+$0x0], $0xffff  }
0x430: {  	v17 =	vxor.u32 v2, v13;
	v10 =	vadd.f32 v21, v10;
	v15 =	vld.idx.msk [tilespmem:v23+s24+$0x0], $0xffff  }
0x431: {  	s21 =	sadd.s32 $0xFFFFFFFF, s21;
	v19 =	vadd.s32 v6, v17;
	v21 =	vadd.bf16 v25, v22;
	v22 =	vmul.bf16 v27, v24;
	v17 =	vld.idx.msk [tilespmem:v23+s26+$0x0], $0xffff  }
0x432: {  	_ =	sdelay $0x3  }
0x433: {  	v23 =	vxor.u32 v3, v13;
	v24 =	vld.idx.msk [tilespmem:v18+s24+$0x0], $0xffff  }
0x434: {  	v18 =	vld.idx.msk [tilespmem:v18+s26+$0x0], $0xffff;
	v23 =	vadd.s32 v6, v23  }
0x435: {  	v13 =	vxor.u32 v4, v13;
	v25 =	vld.idx.msk [tilespmem:v20+s24+$0x0], $0xffff  }
0x436: {  	v20 =	vld.idx.msk [tilespmem:v20+s26+$0x0], $0xffff;
	v13 =	vadd.s32 v6, v13  }
0x437: {  	v26 =	vld.idx.msk [tilespmem:v19+s24+$0x0], $0xffff  }
0x438: {  	v19 =	vld.idx.msk [tilespmem:v19+s26+$0x0], $0xffff  }
0x439: {  	v27 =	vld.idx.msk [tilespmem:v23+s24+$0x0], $0xffff  }
0x43a: {  	v11 =	vmul.bf16 v11, v12;
	v12 =	vmul.bf16 v16, v14;
	v14 =	vld.idx.msk [tilespmem:v23+s26+$0x0], $0xffff  }
0x43b: {  	v16 =	vld.idx.msk [tilespmem:v13+s24+$0x0], $0xffff  }
0x43c: {  	v11 =	vadd.bf16 v12, v11;
	v12 =	vmul.bf16 v17, v15;
	v13 =	vld.idx.msk [tilespmem:v13+s26+$0x0], $0xffff  }
0x43d: {  	v15 =	vmul.bf16 v20, v25;
	v17 =	vmul.bf16 v19, v26  }
0x43e: {  	v19 =	vadd.bf16 v22, v21;
	v11 =	vadd.bf16 v12, v11  }
0x43f: {  	v12 =	vmul.bf16 v18, v24;
	v15 =	vadd.bf16 v17, v15;
	v14 =	vmul.bf16 v14, v27  }
0x440: {  	v17 =	vunpack.i.u.bf16.f32 v19;
	v18 =	vunpack.i.l.bf16.f32 v19  }
0x441: {  	v11 =	vadd.bf16 v12, v11;
	v13 =	vmul.bf16 v13, v16;
	v12 =	vadd.bf16 v14, v15  }
0x442: {  	v9 =	vadd.f32 v17, v9;
	v10 =	vadd.f32 v18, v10  }
0x443: {  	v14 =	vunpack.i.u.bf16.f32 v11;
	v11 =	vunpack.i.l.bf16.f32 v11;
	v12 =	vadd.bf16 v13, v12  }
0x444: {  	v9 =	vadd.f32 v14, v9;
	v10 =	vadd.f32 v11, v10  }
0x445: {  	v11 =	vunpack.i.u.bf16.f32 v12;
	v12 =	vunpack.i.l.bf16.f32 v12  }
0x446: {  	v9 =	vadd.f32 v11, v9;
	v10 =	vadd.f32 v12, v10;
	_ =	sdelay $0x1  }
0x447: {  	v9 =	vadd.f32 v9, v10;
	_ =	sdelay $0x1  }
0x448: {  	v9 =	vsub.f32 $0.0e+00, v9;
	_ =	sdelay $0x1  }
0x449: {  	v9 =	vmul.f32 $1.442695020e+00, v9;
	_ =	sdelay $0x1  }
0x44a: {  	(erf) = vpow2.f32 v9;
	_ =	sdelay $0x8  }
0x44b: {  	v9 =	vpop (erf)  }
0x44c: {  	v9 =	vadd.f32 $1.000000000e+00, v9;
	_ =	sdelay $0x1  }
0x44d: {  	(erf) = vrcp.f32 v9;
	_ =	sdelay $0x3  }
0x44e: {  	v9 =	vimm.s32 $0x0  }
0x44f: {  	v10 =	vxor.u32 v0, v9  }
0x450: {  	v10 =	vadd.s32 v7, v10  }
0x451: {  	v11 =	vxor.u32 v2, v9  }
0x452: {  	v11 =	vadd.s32 v7, v11  }
0x453: {  	v13 =	vxor.u32 v3, v9;
	v12 =	vpop (erf)  }
0x454: {  	[tilespmem:s19+$0x18B70] =	vst v12;
	v12 =	vadd.s32 v7, v13  }
0x455: {  	v14 =	vld.idx.msk [tilespmem:v10+s24+$0x0], $0xffff  }
0x456: {  	v15 =	vadd.s32 $0x4, v9;
	v13 =	vxor.u32 v4, v9;
	v9 =	vld.idx.msk [tilespmem:v10+s26+$0x0], $0xffff  }
0x457: {  	v13 =	vadd.s32 v7, v13;
	v16 =	vld.idx.msk [tilespmem:v11+s24+$0x0], $0xffff  }
0x458: {  	v10 =	vxor.u32 v0, v15;
	v17 =	vld.idx.msk [tilespmem:v11+s26+$0x0], $0xffff  }
0x459: {  	v10 =	vadd.s32 v7, v10;
	v18 =	vld.idx.msk [tilespmem:v12+s24+$0x0], $0xffff  }
0x45a: {  	v11 =	vxor.u32 v2, v15;
	v20 =	vld.idx.msk [tilespmem:v12+s26+$0x0], $0xffff  }
0x45b: {  	v19 =	vadd.s32 v7, v11  }
0x45c: {  	v11 =	vxor.u32 v3, v15;
	v22 =	vld.idx.msk [tilespmem:v13+s24+$0x0], $0xffff  }
0x45d: {  	v21 =	vadd.s32 v7, v11;
	v23 =	vld.idx.msk [tilespmem:v13+s26+$0x0], $0xffff  }
0x45e: {  	v13 =	vadd.s32 $0x4, v15;
	v17 =	vmul.bf16 v17, v16;
	v15 =	vxor.u32 v4, v15;
	v12 =	vld.idx.msk [tilespmem:v10+s24+$0x0], $0xffff  }
0x45f: {  	v11 =	vld.idx.msk [tilespmem:v10+s26+$0x0], $0xffff;
	v10 =	vmul.bf16 v9, v14;
	v63 =	vmul.bf16 v20, v18;
	v18 =	vadd.s32 v7, v15  }
0x460: {  	v62 =	vxor.u32 v0, v13;
	v14 =	vld.idx.msk [tilespmem:v19+s24+$0x0], $0xffff  }
0x461: {  	v16 =	vld.idx.msk [tilespmem:v19+s26+$0x0], $0xffff;
	v10 =	vadd.bf16 v17, v10;
	v17 =	vxor.u32 v2, v13;
	v20 =	vadd.s32 v7, v62  }
0x462: {  	v9 =	vimm.f32 $0.0e+00;
	v15 =	vld.idx.msk [tilespmem:v21+s24+$0x0], $0xffff;
	v19 =	vadd.s32 v7, v17  }
0x463: {  	s21 =	simm.s32 $0xD;
	v17 =	vld.idx.msk [tilespmem:v21+s26+$0x0], $0xffff;
	v22 =	vmul.bf16 v23, v22;
	v21 =	vadd.bf16 v63, v10;
	v10 =	vimm.f32 $0.0e+00  }
.LBB2_39:
0x464: {  	p2 =	sne.s32 s21, $0x1;
	v23 =	vxor.u32 v3, v13;
	v24 =	vld.idx.msk [tilespmem:v18+s24+$0x0], $0xffff;
	v25 =	vmov v12  }
0x465: {  	v26 =	vxor.u32 v4, v13;
	v23 =	vadd.s32 v7, v23;
	v27 =	vld.idx.msk [tilespmem:v18+s26+$0x0], $0xffff;
	v21 =	vadd.bf16 v22, v21  }
0x466: {  	v13 =	vadd.s32 $0x4, v13;
	v18 =	vadd.s32 v7, v26;
	v12 =	vld.idx.msk [tilespmem:v20+s24+$0x0], $0xffff  }
.Ltmp18:
0x467: {  	v22 =	vmul.bf16 v11, v25;
	v25 =	vmul.bf16 v16, v14;
	v11 =	vld.idx.msk [tilespmem:v20+s26+$0x0], $0xffff;
	v16 =	vunpack.i.u.bf16.f32 v21;
	(pc) =	sbr.rel @p2 .LBB2_39-.Ltmp18, $4  }
0x468: {  	v20 =	vxor.u32 v0, v13;
	v21 =	vunpack.i.l.bf16.f32 v21;
	v14 =	vld.idx.msk [tilespmem:v19+s24+$0x0], $0xffff;
	v9 =	vadd.f32 v16, v9  }
0x469: {  	v20 =	vadd.s32 v7, v20;
	v22 =	vadd.bf16 v25, v22;
	v25 =	vmul.bf16 v17, v15;
	v16 =	vld.idx.msk [tilespmem:v19+s26+$0x0], $0xffff  }
0x46a: {  	v17 =	vxor.u32 v2, v13;
	v10 =	vadd.f32 v21, v10;
	v15 =	vld.idx.msk [tilespmem:v23+s24+$0x0], $0xffff  }
0x46b: {  	s21 =	sadd.s32 $0xFFFFFFFF, s21;
	v19 =	vadd.s32 v7, v17;
	v21 =	vadd.bf16 v25, v22;
	v22 =	vmul.bf16 v27, v24;
	v17 =	vld.idx.msk [tilespmem:v23+s26+$0x0], $0xffff  }
0x46c: {  	_ =	sdelay $0x3  }
0x46d: {  	v23 =	vxor.u32 v3, v13;
	v24 =	vld.idx.msk [tilespmem:v18+s24+$0x0], $0xffff  }
0x46e: {  	v18 =	vld.idx.msk [tilespmem:v18+s26+$0x0], $0xffff;
	v23 =	vadd.s32 v7, v23  }
0x46f: {  	v13 =	vxor.u32 v4, v13;
	v25 =	vld.idx.msk [tilespmem:v20+s24+$0x0], $0xffff  }
0x470: {  	v20 =	vld.idx.msk [tilespmem:v20+s26+$0x0], $0xffff;
	v13 =	vadd.s32 v7, v13  }
0x471: {  	v26 =	vld.idx.msk [tilespmem:v19+s24+$0x0], $0xffff  }
0x472: {  	v19 =	vld.idx.msk [tilespmem:v19+s26+$0x0], $0xffff  }
0x473: {  	v27 =	vld.idx.msk [tilespmem:v23+s24+$0x0], $0xffff  }
0x474: {  	v11 =	vmul.bf16 v11, v12;
	v12 =	vmul.bf16 v16, v14;
	v14 =	vld.idx.msk [tilespmem:v23+s26+$0x0], $0xffff  }
0x475: {  	v16 =	vld.idx.msk [tilespmem:v13+s24+$0x0], $0xffff  }
0x476: {  	v11 =	vadd.bf16 v12, v11;
	v12 =	vmul.bf16 v17, v15;
	v13 =	vld.idx.msk [tilespmem:v13+s26+$0x0], $0xffff  }
0x477: {  	v15 =	vmul.bf16 v20, v25;
	v17 =	vmul.bf16 v19, v26  }
0x478: {  	v19 =	vadd.bf16 v22, v21;
	v11 =	vadd.bf16 v12, v11  }
0x479: {  	v12 =	vmul.bf16 v18, v24;
	v15 =	vadd.bf16 v17, v15;
	v14 =	vmul.bf16 v14, v27  }
0x47a: {  	v17 =	vunpack.i.u.bf16.f32 v19;
	v18 =	vunpack.i.l.bf16.f32 v19  }
0x47b: {  	v11 =	vadd.bf16 v12, v11;
	v13 =	vmul.bf16 v13, v16;
	v12 =	vadd.bf16 v14, v15  }
0x47c: {  	v9 =	vadd.f32 v17, v9;
	v10 =	vadd.f32 v18, v10  }
0x47d: {  	v14 =	vunpack.i.u.bf16.f32 v11;
	v11 =	vunpack.i.l.bf16.f32 v11;
	v12 =	vadd.bf16 v13, v12  }
0x47e: {  	v9 =	vadd.f32 v14, v9;
	v10 =	vadd.f32 v11, v10  }
0x47f: {  	v11 =	vunpack.i.u.bf16.f32 v12;
	v12 =	vunpack.i.l.bf16.f32 v12  }
0x480: {  	v9 =	vadd.f32 v11, v9;
	v10 =	vadd.f32 v12, v10;
	_ =	sdelay $0x1  }
0x481: {  	v9 =	vadd.f32 v9, v10;
	_ =	sdelay $0x1  }
0x482: {  	v9 =	vsub.f32 $0.0e+00, v9;
	_ =	sdelay $0x1  }
0x483: {  	v9 =	vmul.f32 $1.442695020e+00, v9;
	_ =	sdelay $0x1  }
0x484: {  	(erf) = vpow2.f32 v9;
	_ =	sdelay $0x8  }
0x485: {  	v9 =	vpop (erf)  }
0x486: {  	v9 =	vadd.f32 $1.000000000e+00, v9;
	_ =	sdelay $0x1  }
0x487: {  	(erf) = vrcp.f32 v9;
	_ =	sdelay $0x3  }
0x488: {  	v9 =	vimm.s32 $0x0  }
0x489: {  	v10 =	vxor.u32 v0, v9  }
0x48a: {  	v10 =	vadd.s32 v8, v10  }
0x48b: {  	v11 =	vxor.u32 v2, v9  }
0x48c: {  	v11 =	vadd.s32 v8, v11  }
0x48d: {  	v13 =	vxor.u32 v3, v9;
	v12 =	vpop (erf)  }
0x48e: {  	[tilespmem:s19+$0x18B80] =	vst v12;
	v12 =	vadd.s32 v8, v13  }
0x48f: {  	v14 =	vld.idx.msk [tilespmem:v10+s24+$0x0], $0xffff  }
0x490: {  	v15 =	vadd.s32 $0x4, v9;
	v13 =	vxor.u32 v4, v9;
	v9 =	vld.idx.msk [tilespmem:v10+s26+$0x0], $0xffff  }
0x491: {  	v13 =	vadd.s32 v8, v13;
	v16 =	vld.idx.msk [tilespmem:v11+s24+$0x0], $0xffff  }
0x492: {  	v10 =	vxor.u32 v0, v15;
	v17 =	vld.idx.msk [tilespmem:v11+s26+$0x0], $0xffff  }
0x493: {  	v10 =	vadd.s32 v8, v10;
	v18 =	vld.idx.msk [tilespmem:v12+s24+$0x0], $0xffff  }
0x494: {  	v11 =	vxor.u32 v2, v15;
	v20 =	vld.idx.msk [tilespmem:v12+s26+$0x0], $0xffff  }
0x495: {  	v19 =	vadd.s32 v8, v11  }
0x496: {  	v11 =	vxor.u32 v3, v15;
	v22 =	vld.idx.msk [tilespmem:v13+s24+$0x0], $0xffff  }
0x497: {  	v21 =	vadd.s32 v8, v11;
	v23 =	vld.idx.msk [tilespmem:v13+s26+$0x0], $0xffff  }
0x498: {  	v13 =	vadd.s32 $0x4, v15;
	v17 =	vmul.bf16 v17, v16;
	v15 =	vxor.u32 v4, v15;
	v12 =	vld.idx.msk [tilespmem:v10+s24+$0x0], $0xffff  }
0x499: {  	v11 =	vld.idx.msk [tilespmem:v10+s26+$0x0], $0xffff;
	v10 =	vmul.bf16 v9, v14;
	v63 =	vmul.bf16 v20, v18;
	v18 =	vadd.s32 v8, v15  }
0x49a: {  	v62 =	vxor.u32 v0, v13;
	v14 =	vld.idx.msk [tilespmem:v19+s24+$0x0], $0xffff  }
0x49b: {  	v16 =	vld.idx.msk [tilespmem:v19+s26+$0x0], $0xffff;
	v10 =	vadd.bf16 v17, v10;
	v17 =	vxor.u32 v2, v13;
	v20 =	vadd.s32 v8, v62  }
0x49c: {  	v9 =	vimm.f32 $0.0e+00;
	v15 =	vld.idx.msk [tilespmem:v21+s24+$0x0], $0xffff;
	v19 =	vadd.s32 v8, v17  }
0x49d: {  	s21 =	simm.s32 $0xD;
	v17 =	vld.idx.msk [tilespmem:v21+s26+$0x0], $0xffff;
	v22 =	vmul.bf16 v23, v22;
	v21 =	vadd.bf16 v63, v10;
	v10 =	vimm.f32 $0.0e+00  }
.LBB2_41:
0x49e: {  	p2 =	sne.s32 s21, $0x1;
	v23 =	vxor.u32 v3, v13;
	v24 =	vld.idx.msk [tilespmem:v18+s24+$0x0], $0xffff;
	v25 =	vmov v12  }
0x49f: {  	v26 =	vxor.u32 v4, v13;
	v23 =	vadd.s32 v8, v23;
	v27 =	vld.idx.msk [tilespmem:v18+s26+$0x0], $0xffff;
	v21 =	vadd.bf16 v22, v21  }
0x4a0: {  	v13 =	vadd.s32 $0x4, v13;
	v18 =	vadd.s32 v8, v26;
	v12 =	vld.idx.msk [tilespmem:v20+s24+$0x0], $0xffff  }
.Ltmp19:
0x4a1: {  	v22 =	vmul.bf16 v11, v25;
	v25 =	vmul.bf16 v16, v14;
	v11 =	vld.idx.msk [tilespmem:v20+s26+$0x0], $0xffff;
	v16 =	vunpack.i.u.bf16.f32 v21;
	(pc) =	sbr.rel @p2 .LBB2_41-.Ltmp19, $4  }
0x4a2: {  	v20 =	vxor.u32 v0, v13;
	v21 =	vunpack.i.l.bf16.f32 v21;
	v14 =	vld.idx.msk [tilespmem:v19+s24+$0x0], $0xffff;
	v9 =	vadd.f32 v16, v9  }
0x4a3: {  	v20 =	vadd.s32 v8, v20;
	v22 =	vadd.bf16 v25, v22;
	v25 =	vmul.bf16 v17, v15;
	v16 =	vld.idx.msk [tilespmem:v19+s26+$0x0], $0xffff  }
0x4a4: {  	v17 =	vxor.u32 v2, v13;
	v10 =	vadd.f32 v21, v10;
	v15 =	vld.idx.msk [tilespmem:v23+s24+$0x0], $0xffff  }
0x4a5: {  	s21 =	sadd.s32 $0xFFFFFFFF, s21;
	v19 =	vadd.s32 v8, v17;
	v21 =	vadd.bf16 v25, v22;
	v22 =	vmul.bf16 v27, v24;
	v17 =	vld.idx.msk [tilespmem:v23+s26+$0x0], $0xffff  }
0x4a6: {  	_ =	sdelay $0x3  }
0x4a7: {  	v23 =	vxor.u32 v3, v13;
	v24 =	vld.idx.msk [tilespmem:v18+s24+$0x0], $0xffff  }
0x4a8: {  	v48 =	vld.idx.msk [tilespmem:v18+s26+$0x0], $0xffff;
	v23 =	vadd.s32 v8, v23  }
0x4a9: {  	v49 =	vxor.u32 v4, v13;
	v25 =	vld.idx.msk [tilespmem:v20+s24+$0x0], $0xffff  }
0x4aa: {  	v50 =	vld.idx.msk [tilespmem:v20+s26+$0x0], $0xffff;
	v13 =	vadd.s32 v8, v49  }
0x4ab: {  	v26 =	vld.idx.msk [tilespmem:v19+s24+$0x0], $0xffff  }
0x4ac: {  	v51 =	vld.idx.msk [tilespmem:v19+s26+$0x0], $0xffff  }
0x4ad: {  	v27 =	vld.idx.msk [tilespmem:v23+s24+$0x0], $0xffff  }
0x4ae: {  	v53 =	vld.idx.msk [tilespmem:v23+s26+$0x0], $0xffff  }
0x4af: {  	v11 =	vmul.bf16 v11, v12;
	v52 =	vmul.bf16 v16, v14;
	v54 =	vld.idx.msk [tilespmem:v13+s24+$0x0], $0xffff  }
0x4b0: {  	v55 =	vmul.bf16 v17, v15;
	v13 =	vld.idx.msk [tilespmem:v13+s26+$0x0], $0xffff  }
0x4b1: {  	v11 =	vadd.bf16 v52, v11;
	v56 =	vmul.bf16 v50, v25;
	v57 =	vmul.bf16 v51, v26  }
0x4b2: {  	v58 =	vadd.bf16 v22, v21;
	v59 =	vmul.bf16 v48, v24  }
0x4b3: {  	v11 =	vadd.bf16 v55, v11;
	v15 =	vadd.bf16 v57, v56;
	v14 =	vmul.bf16 v53, v27  }
0x4b4: {  	v60 =	vunpack.i.u.bf16.f32 v58;
	v61 =	vunpack.i.l.bf16.f32 v58  }
0x4b5: {  	v11 =	vadd.bf16 v59, v11;
	v13 =	vmul.bf16 v13, v54;
	v62 =	vadd.bf16 v14, v15  }
0x4b6: {  	v9 =	vadd.f32 v60, v9;
	v10 =	vadd.f32 v61, v10  }
0x4b7: {  	v63 =	vunpack.i.u.bf16.f32 v11;
	v11 =	vunpack.i.l.bf16.f32 v11;
	v12 =	vadd.bf16 v13, v62  }
0x4b8: {  	v9 =	vadd.f32 v63, v9;
	v10 =	vadd.f32 v11, v10  }
0x4b9: {  	v11 =	vunpack.i.u.bf16.f32 v12;
	v12 =	vunpack.i.l.bf16.f32 v12  }
0x4ba: {  	v9 =	vadd.f32 v11, v9;
	v10 =	vadd.f32 v12, v10;
	_ =	sdelay $0x1  }
0x4bb: {  	v9 =	vadd.f32 v9, v10;
	_ =	sdelay $0x1  }
0x4bc: {  	v9 =	vsub.f32 $0.0e+00, v9;
	_ =	sdelay $0x1  }
0x4bd: {  	v9 =	vmul.f32 $1.442695020e+00, v9;
	_ =	sdelay $0x1  }
0x4be: {  	(erf) = vpow2.f32 v9;
	_ =	sdelay $0x8  }
0x4bf: {  	v9 =	vpop (erf)  }
0x4c0: {  	v9 =	vadd.f32 $1.000000000e+00, v9;
	_ =	sdelay $0x1  }
0x4c1: {  	(erf) = vrcp.f32 v9;
	_ =	sdelay $0x5  }
.Ltmp20:
0x4c2: {  	_ = 	snop;
	(pc) =	sbr.rel @p1 .LBB2_44-.Ltmp20, $3  }
0x4c3: {  	_ =	sdelay $0x1  }
0x4c4: {  	v9 =	vpop (erf)  }
0x4c5: {  	[tilespmem:s19+$0x18B90] =	vst v9  }
.Ltmp21:
0x4c6: {  	(pc) =	sbr.rel .LBB2_2-.Ltmp21, $4  }
0x4c7: {  	s21 =	sadd.s32 $0x9E70, s19  }
0x4c8: {  	[tilespmem:s24], [sflag:$0x4] =	stream.indirect.gather [spmem:s2], $0x40, s21, s12, $0xb8;
	[tilespmem:$0x1B170] =	vst v63  }
0x4c9: {  	s25 =	sadd.s32 $0xC580, s19;
	s17 =	sadd.s32 $0x1, s17  }
0x4ca: {  	[tilespmem:s26], [sflag:$0x4] =	stream.indirect.gather [spmem:s2], $0x40, s25, s12, $0xb8;
	[tilespmem:$0x1B170] =	vst v63  }
.LBB2_44:
0x4cb: {  	v9 =	vimm.s32 $0x0  }
0x4cc: {  	_ =	swait.ge [sflag:s28], $0x1400;
	v10 =	vxor.u32 v0, v9  }
0x4cd: {  	[sflag:s28] =	ssyncset.done $0x0;
	v10 =	vadd.s32 v1, v10  }
0x4ce: {  	v11 =	vxor.u32 v2, v9;
	[sflag:s28] =	ssyncadd.s32 $0xFFFFEC00  }
0x4cf: {  	v11 =	vadd.s32 v1, v11;
	_ =	swait.ge [sflag:s28], $0x1400  }
0x4d0: {  	v12 =	vxor.u32 v3, v9;
	[sflag:s28] =	ssyncset.done $0x0  }
0x4d1: {  	v12 =	vadd.s32 v1, v12;
	[sflag:s28] =	ssyncadd.s32 $0xFFFFEC00  }
0x4d2: {  	v14 =	vld.idx.msk [tilespmem:v10+s13+$0x0], $0xffff  }
0x4d3: {  	v13 =	vxor.u32 v4, v9;
	v15 =	vadd.s32 $0x4, v9;
	v9 =	vld.idx.msk [tilespmem:v10+s14+$0x0], $0xffff  }
0x4d4: {  	v13 =	vadd.s32 v1, v13;
	v16 =	vld.idx.msk [tilespmem:v11+s13+$0x0], $0xffff  }
0x4d5: {  	v10 =	vxor.u32 v0, v15;
	v17 =	vld.idx.msk [tilespmem:v11+s14+$0x0], $0xffff  }
0x4d6: {  	v18 =	vld.idx.msk [tilespmem:v12+s13+$0x0], $0xffff;
	v10 =	vadd.s32 v1, v10  }
0x4d7: {  	v11 =	vxor.u32 v2, v15;
	v20 =	vld.idx.msk [tilespmem:v12+s14+$0x0], $0xffff  }
0x4d8: {  	v19 =	vadd.s32 v1, v11  }
0x4d9: {  	v22 =	vld.idx.msk [tilespmem:v13+s13+$0x0], $0xffff;
	v11 =	vxor.u32 v3, v15  }
0x4da: {  	v23 =	vld.idx.msk [tilespmem:v13+s14+$0x0], $0xffff;
	v21 =	vadd.s32 v1, v11  }
0x4db: {  	v13 =	vadd.s32 $0x4, v15;
	v15 =	vxor.u32 v4, v15;
	v17 =	vmul.bf16 v17, v16;
	v12 =	vld.idx.msk [tilespmem:v10+s13+$0x0], $0xffff  }
0x4dc: {  	v25 =	vmul.bf16 v20, v18;
	v18 =	vadd.s32 v1, v15;
	v11 =	vld.idx.msk [tilespmem:v10+s14+$0x0], $0xffff;
	v10 =	vmul.bf16 v9, v14  }
0x4dd: {  	v24 =	vxor.u32 v0, v13;
	v14 =	vld.idx.msk [tilespmem:v19+s13+$0x0], $0xffff  }
0x4de: {  	v20 =	vadd.s32 v1, v24;
	v16 =	vld.idx.msk [tilespmem:v19+s14+$0x0], $0xffff;
	v10 =	vadd.bf16 v17, v10  }
0x4df: {  	v22 =	vmul.bf16 v23, v22;
	v9 =	vimm.f32 $0.0e+00;
	v15 =	vld.idx.msk [tilespmem:v21+s13+$0x0], $0xffff;
	v17 =	vxor.u32 v2, v13  }
0x4e0: {  	s17 =	simm.s32 $0xD;
	v19 =	vadd.s32 v1, v17;
	v17 =	vld.idx.msk [tilespmem:v21+s14+$0x0], $0xffff;
	v21 =	vadd.bf16 v25, v10;
	v10 =	vimm.f32 $0.0e+00  }
.LBB2_45:
0x4e1: {  	p1 =	sne.s32 s17, $0x1;
	v23 =	vxor.u32 v3, v13;
	v24 =	vld.idx.msk [tilespmem:v18+s13+$0x0], $0xffff;
	v25 =	vmov v12  }
0x4e2: {  	v26 =	vxor.u32 v4, v13;
	v23 =	vadd.s32 v1, v23;
	v27 =	vld.idx.msk [tilespmem:v18+s14+$0x0], $0xffff;
	v21 =	vadd.bf16 v22, v21  }
0x4e3: {  	v13 =	vadd.s32 $0x4, v13;
	v18 =	vadd.s32 v1, v26;
	v12 =	vld.idx.msk [tilespmem:v20+s13+$0x0], $0xffff  }
.Ltmp22:
0x4e4: {  	v22 =	vmul.bf16 v11, v25;
	v25 =	vmul.bf16 v16, v14;
	v11 =	vld.idx.msk [tilespmem:v20+s14+$0x0], $0xffff;
	v16 =	vunpack.i.u.bf16.f32 v21;
	(pc) =	sbr.rel @p1 .LBB2_45-.Ltmp22, $4  }
0x4e5: {  	v20 =	vxor.u32 v0, v13;
	v21 =	vunpack.i.l.bf16.f32 v21;
	v14 =	vld.idx.msk [tilespmem:v19+s13+$0x0], $0xffff;
	v9 =	vadd.f32 v16, v9  }
0x4e6: {  	v20 =	vadd.s32 v1, v20;
	v22 =	vadd.bf16 v25, v22;
	v25 =	vmul.bf16 v17, v15;
	v16 =	vld.idx.msk [tilespmem:v19+s14+$0x0], $0xffff  }
0x4e7: {  	v17 =	vxor.u32 v2, v13;
	v10 =	vadd.f32 v21, v10;
	v15 =	vld.idx.msk [tilespmem:v23+s13+$0x0], $0xffff  }
0x4e8: {  	s17 =	sadd.s32 $0xFFFFFFFF, s17;
	v19 =	vadd.s32 v1, v17;
	v21 =	vadd.bf16 v25, v22;
	v22 =	vmul.bf16 v27, v24;
	v17 =	vld.idx.msk [tilespmem:v23+s14+$0x0], $0xffff  }
0x4e9: {  	_ =	sdelay $0x3  }
0x4ea: {  	v23 =	vxor.u32 v3, v13;
	v24 =	vld.idx.msk [tilespmem:v18+s13+$0x0], $0xffff  }
0x4eb: {  	v18 =	vld.idx.msk [tilespmem:v18+s14+$0x0], $0xffff;
	v23 =	vadd.s32 v1, v23  }
0x4ec: {  	v13 =	vxor.u32 v4, v13;
	v25 =	vld.idx.msk [tilespmem:v20+s13+$0x0], $0xffff  }
0x4ed: {  	v20 =	vld.idx.msk [tilespmem:v20+s14+$0x0], $0xffff;
	v13 =	vadd.s32 v1, v13  }
0x4ee: {  	v26 =	vld.idx.msk [tilespmem:v19+s13+$0x0], $0xffff  }
0x4ef: {  	v19 =	vld.idx.msk [tilespmem:v19+s14+$0x0], $0xffff  }
0x4f0: {  	v27 =	vld.idx.msk [tilespmem:v23+s13+$0x0], $0xffff  }
0x4f1: {  	v11 =	vmul.bf16 v11, v12;
	v12 =	vmul.bf16 v16, v14;
	v14 =	vld.idx.msk [tilespmem:v23+s14+$0x0], $0xffff  }
0x4f2: {  	v16 =	vld.idx.msk [tilespmem:v13+s13+$0x0], $0xffff  }
0x4f3: {  	v11 =	vadd.bf16 v12, v11;
	v12 =	vmul.bf16 v17, v15;
	v13 =	vld.idx.msk [tilespmem:v13+s14+$0x0], $0xffff  }
0x4f4: {  	v15 =	vmul.bf16 v20, v25;
	v17 =	vmul.bf16 v19, v26  }
0x4f5: {  	v19 =	vadd.bf16 v22, v21;
	v11 =	vadd.bf16 v12, v11  }
0x4f6: {  	v12 =	vmul.bf16 v18, v24;
	v15 =	vadd.bf16 v17, v15;
	v14 =	vmul.bf16 v14, v27  }
0x4f7: {  	v17 =	vunpack.i.u.bf16.f32 v19;
	v18 =	vunpack.i.l.bf16.f32 v19  }
0x4f8: {  	v11 =	vadd.bf16 v12, v11;
	v13 =	vmul.bf16 v13, v16;
	v12 =	vadd.bf16 v14, v15  }
0x4f9: {  	v9 =	vadd.f32 v17, v9;
	v10 =	vadd.f32 v18, v10  }
0x4fa: {  	v14 =	vunpack.i.u.bf16.f32 v11;
	v11 =	vunpack.i.l.bf16.f32 v11;
	v12 =	vadd.bf16 v13, v12  }
0x4fb: {  	v9 =	vadd.f32 v14, v9;
	v10 =	vadd.f32 v11, v10  }
0x4fc: {  	v11 =	vunpack.i.u.bf16.f32 v12;
	v12 =	vunpack.i.l.bf16.f32 v12  }
0x4fd: {  	v9 =	vadd.f32 v11, v9;
	v10 =	vadd.f32 v12, v10;
	_ =	sdelay $0x1  }
0x4fe: {  	v9 =	vadd.f32 v9, v10;
	_ =	sdelay $0x1  }
0x4ff: {  	v9 =	vsub.f32 $0.0e+00, v9;
	_ =	sdelay $0x1  }
0x500: {  	v9 =	vmul.f32 $1.442695020e+00, v9;
	_ =	sdelay $0x1  }
0x501: {  	(erf) = vpow2.f32 v9;
	_ =	sdelay $0x8  }
0x502: {  	v9 =	vpop (erf)  }
0x503: {  	v9 =	vadd.f32 $1.000000000e+00, v9;
	_ =	sdelay $0x1  }
0x504: {  	(erf) = vrcp.f32 v9;
	_ =	sdelay $0x3  }
0x505: {  	v9 =	vimm.s32 $0x0  }
0x506: {  	v10 =	vxor.u32 v0, v9  }
0x507: {  	v10 =	vadd.s32 v5, v10  }
0x508: {  	v11 =	vxor.u32 v2, v9  }
0x509: {  	v11 =	vadd.s32 v5, v11  }
0x50a: {  	v13 =	vxor.u32 v3, v9;
	v12 =	vpop (erf)  }
0x50b: {  	[tilespmem:$0x1B120] =	vst v12;
	v12 =	vadd.s32 v5, v13  }
0x50c: {  	v14 =	vld.idx.msk [tilespmem:v10+s13+$0x0], $0xffff  }
0x50d: {  	v15 =	vadd.s32 $0x4, v9;
	v13 =	vxor.u32 v4, v9;
	v9 =	vld.idx.msk [tilespmem:v10+s14+$0x0], $0xffff  }
0x50e: {  	v13 =	vadd.s32 v5, v13;
	v16 =	vld.idx.msk [tilespmem:v11+s13+$0x0], $0xffff  }
0x50f: {  	v10 =	vxor.u32 v0, v15;
	v17 =	vld.idx.msk [tilespmem:v11+s14+$0x0], $0xffff  }
0x510: {  	v10 =	vadd.s32 v5, v10;
	v18 =	vld.idx.msk [tilespmem:v12+s13+$0x0], $0xffff  }
0x511: {  	v11 =	vxor.u32 v2, v15;
	v20 =	vld.idx.msk [tilespmem:v12+s14+$0x0], $0xffff  }
0x512: {  	v19 =	vadd.s32 v5, v11  }
0x513: {  	v11 =	vxor.u32 v3, v15;
	v22 =	vld.idx.msk [tilespmem:v13+s13+$0x0], $0xffff  }
0x514: {  	v21 =	vadd.s32 v5, v11;
	v23 =	vld.idx.msk [tilespmem:v13+s14+$0x0], $0xffff  }
0x515: {  	v13 =	vadd.s32 $0x4, v15;
	v17 =	vmul.bf16 v17, v16;
	v15 =	vxor.u32 v4, v15;
	v12 =	vld.idx.msk [tilespmem:v10+s13+$0x0], $0xffff  }
0x516: {  	v11 =	vld.idx.msk [tilespmem:v10+s14+$0x0], $0xffff;
	v10 =	vmul.bf16 v9, v14;
	v63 =	vmul.bf16 v20, v18;
	v18 =	vadd.s32 v5, v15  }
0x517: {  	v62 =	vxor.u32 v0, v13;
	v14 =	vld.idx.msk [tilespmem:v19+s13+$0x0], $0xffff  }
0x518: {  	v16 =	vld.idx.msk [tilespmem:v19+s14+$0x0], $0xffff;
	v10 =	vadd.bf16 v17, v10;
	v17 =	vxor.u32 v2, v13;
	v20 =	vadd.s32 v5, v62  }
0x519: {  	v9 =	vimm.f32 $0.0e+00;
	v15 =	vld.idx.msk [tilespmem:v21+s13+$0x0], $0xffff;
	v19 =	vadd.s32 v5, v17  }
0x51a: {  	s17 =	simm.s32 $0xD;
	v17 =	vld.idx.msk [tilespmem:v21+s14+$0x0], $0xffff;
	v22 =	vmul.bf16 v23, v22;
	v21 =	vadd.bf16 v63, v10;
	v10 =	vimm.f32 $0.0e+00  }
.LBB2_47:
0x51b: {  	p1 =	sne.s32 s17, $0x1;
	v23 =	vxor.u32 v3, v13;
	v24 =	vld.idx.msk [tilespmem:v18+s13+$0x0], $0xffff;
	v25 =	vmov v12  }
0x51c: {  	v26 =	vxor.u32 v4, v13;
	v23 =	vadd.s32 v5, v23;
	v27 =	vld.idx.msk [tilespmem:v18+s14+$0x0], $0xffff;
	v21 =	vadd.bf16 v22, v21  }
0x51d: {  	v13 =	vadd.s32 $0x4, v13;
	v18 =	vadd.s32 v5, v26;
	v12 =	vld.idx.msk [tilespmem:v20+s13+$0x0], $0xffff  }
.Ltmp23:
0x51e: {  	v22 =	vmul.bf16 v11, v25;
	v25 =	vmul.bf16 v16, v14;
	v11 =	vld.idx.msk [tilespmem:v20+s14+$0x0], $0xffff;
	v16 =	vunpack.i.u.bf16.f32 v21;
	(pc) =	sbr.rel @p1 .LBB2_47-.Ltmp23, $4  }
0x51f: {  	v20 =	vxor.u32 v0, v13;
	v21 =	vunpack.i.l.bf16.f32 v21;
	v14 =	vld.idx.msk [tilespmem:v19+s13+$0x0], $0xffff;
	v9 =	vadd.f32 v16, v9  }
0x520: {  	v20 =	vadd.s32 v5, v20;
	v22 =	vadd.bf16 v25, v22;
	v25 =	vmul.bf16 v17, v15;
	v16 =	vld.idx.msk [tilespmem:v19+s14+$0x0], $0xffff  }
0x521: {  	v17 =	vxor.u32 v2, v13;
	v10 =	vadd.f32 v21, v10;
	v15 =	vld.idx.msk [tilespmem:v23+s13+$0x0], $0xffff  }
0x522: {  	s17 =	sadd.s32 $0xFFFFFFFF, s17;
	v19 =	vadd.s32 v5, v17;
	v21 =	vadd.bf16 v25, v22;
	v22 =	vmul.bf16 v27, v24;
	v17 =	vld.idx.msk [tilespmem:v23+s14+$0x0], $0xffff  }
0x523: {  	_ =	sdelay $0x3  }
0x524: {  	v23 =	vxor.u32 v3, v13;
	v24 =	vld.idx.msk [tilespmem:v18+s13+$0x0], $0xffff  }
0x525: {  	v18 =	vld.idx.msk [tilespmem:v18+s14+$0x0], $0xffff;
	v23 =	vadd.s32 v5, v23  }
0x526: {  	v13 =	vxor.u32 v4, v13;
	v25 =	vld.idx.msk [tilespmem:v20+s13+$0x0], $0xffff  }
0x527: {  	v20 =	vld.idx.msk [tilespmem:v20+s14+$0x0], $0xffff;
	v13 =	vadd.s32 v5, v13  }
0x528: {  	v26 =	vld.idx.msk [tilespmem:v19+s13+$0x0], $0xffff  }
0x529: {  	v19 =	vld.idx.msk [tilespmem:v19+s14+$0x0], $0xffff  }
0x52a: {  	v27 =	vld.idx.msk [tilespmem:v23+s13+$0x0], $0xffff  }
0x52b: {  	v11 =	vmul.bf16 v11, v12;
	v12 =	vmul.bf16 v16, v14;
	v14 =	vld.idx.msk [tilespmem:v23+s14+$0x0], $0xffff  }
0x52c: {  	v16 =	vld.idx.msk [tilespmem:v13+s13+$0x0], $0xffff  }
0x52d: {  	v11 =	vadd.bf16 v12, v11;
	v12 =	vmul.bf16 v17, v15;
	v13 =	vld.idx.msk [tilespmem:v13+s14+$0x0], $0xffff  }
0x52e: {  	v15 =	vmul.bf16 v20, v25;
	v17 =	vmul.bf16 v19, v26  }
0x52f: {  	v19 =	vadd.bf16 v22, v21;
	v11 =	vadd.bf16 v12, v11  }
0x530: {  	v12 =	vmul.bf16 v18, v24;
	v15 =	vadd.bf16 v17, v15;
	v14 =	vmul.bf16 v14, v27  }
0x531: {  	v17 =	vunpack.i.u.bf16.f32 v19;
	v18 =	vunpack.i.l.bf16.f32 v19  }
0x532: {  	v11 =	vadd.bf16 v12, v11;
	v13 =	vmul.bf16 v13, v16;
	v12 =	vadd.bf16 v14, v15  }
0x533: {  	v9 =	vadd.f32 v17, v9;
	v10 =	vadd.f32 v18, v10  }
0x534: {  	v14 =	vunpack.i.u.bf16.f32 v11;
	v11 =	vunpack.i.l.bf16.f32 v11;
	v12 =	vadd.bf16 v13, v12  }
0x535: {  	v9 =	vadd.f32 v14, v9;
	v10 =	vadd.f32 v11, v10  }
0x536: {  	v11 =	vunpack.i.u.bf16.f32 v12;
	v12 =	vunpack.i.l.bf16.f32 v12  }
0x537: {  	v9 =	vadd.f32 v11, v9;
	v10 =	vadd.f32 v12, v10;
	_ =	sdelay $0x1  }
0x538: {  	v9 =	vadd.f32 v9, v10;
	_ =	sdelay $0x1  }
0x539: {  	v9 =	vsub.f32 $0.0e+00, v9;
	_ =	sdelay $0x1  }
0x53a: {  	v9 =	vmul.f32 $1.442695020e+00, v9;
	_ =	sdelay $0x1  }
0x53b: {  	(erf) = vpow2.f32 v9;
	_ =	sdelay $0x8  }
0x53c: {  	v9 =	vpop (erf)  }
0x53d: {  	v9 =	vadd.f32 $1.000000000e+00, v9;
	_ =	sdelay $0x1  }
0x53e: {  	(erf) = vrcp.f32 v9;
	_ =	sdelay $0x3  }
0x53f: {  	v9 =	vimm.s32 $0x0  }
0x540: {  	v10 =	vxor.u32 v0, v9  }
0x541: {  	v10 =	vadd.s32 v6, v10  }
0x542: {  	v11 =	vxor.u32 v2, v9  }
0x543: {  	v11 =	vadd.s32 v6, v11  }
0x544: {  	v13 =	vxor.u32 v3, v9;
	v12 =	vpop (erf)  }
0x545: {  	[tilespmem:$0x1B130] =	vst v12;
	v12 =	vadd.s32 v6, v13  }
0x546: {  	v14 =	vld.idx.msk [tilespmem:v10+s13+$0x0], $0xffff  }
0x547: {  	v15 =	vadd.s32 $0x4, v9;
	v13 =	vxor.u32 v4, v9;
	v9 =	vld.idx.msk [tilespmem:v10+s14+$0x0], $0xffff  }
0x548: {  	v13 =	vadd.s32 v6, v13;
	v16 =	vld.idx.msk [tilespmem:v11+s13+$0x0], $0xffff  }
0x549: {  	v10 =	vxor.u32 v0, v15;
	v17 =	vld.idx.msk [tilespmem:v11+s14+$0x0], $0xffff  }
0x54a: {  	v10 =	vadd.s32 v6, v10;
	v18 =	vld.idx.msk [tilespmem:v12+s13+$0x0], $0xffff  }
0x54b: {  	v11 =	vxor.u32 v2, v15;
	v20 =	vld.idx.msk [tilespmem:v12+s14+$0x0], $0xffff  }
0x54c: {  	v19 =	vadd.s32 v6, v11  }
0x54d: {  	v11 =	vxor.u32 v3, v15;
	v22 =	vld.idx.msk [tilespmem:v13+s13+$0x0], $0xffff  }
0x54e: {  	v21 =	vadd.s32 v6, v11;
	v23 =	vld.idx.msk [tilespmem:v13+s14+$0x0], $0xffff  }
0x54f: {  	v13 =	vadd.s32 $0x4, v15;
	v17 =	vmul.bf16 v17, v16;
	v15 =	vxor.u32 v4, v15;
	v12 =	vld.idx.msk [tilespmem:v10+s13+$0x0], $0xffff  }
0x550: {  	v11 =	vld.idx.msk [tilespmem:v10+s14+$0x0], $0xffff;
	v10 =	vmul.bf16 v9, v14;
	v63 =	vmul.bf16 v20, v18;
	v18 =	vadd.s32 v6, v15  }
0x551: {  	v62 =	vxor.u32 v0, v13;
	v14 =	vld.idx.msk [tilespmem:v19+s13+$0x0], $0xffff  }
0x552: {  	v16 =	vld.idx.msk [tilespmem:v19+s14+$0x0], $0xffff;
	v10 =	vadd.bf16 v17, v10;
	v17 =	vxor.u32 v2, v13;
	v20 =	vadd.s32 v6, v62  }
0x553: {  	v9 =	vimm.f32 $0.0e+00;
	v15 =	vld.idx.msk [tilespmem:v21+s13+$0x0], $0xffff;
	v19 =	vadd.s32 v6, v17  }
0x554: {  	s17 =	simm.s32 $0xD;
	v17 =	vld.idx.msk [tilespmem:v21+s14+$0x0], $0xffff;
	v22 =	vmul.bf16 v23, v22;
	v21 =	vadd.bf16 v63, v10;
	v10 =	vimm.f32 $0.0e+00  }
.LBB2_49:
0x555: {  	p1 =	sne.s32 s17, $0x1;
	v23 =	vxor.u32 v3, v13;
	v24 =	vld.idx.msk [tilespmem:v18+s13+$0x0], $0xffff;
	v25 =	vmov v12  }
0x556: {  	v26 =	vxor.u32 v4, v13;
	v23 =	vadd.s32 v6, v23;
	v27 =	vld.idx.msk [tilespmem:v18+s14+$0x0], $0xffff;
	v21 =	vadd.bf16 v22, v21  }
0x557: {  	v13 =	vadd.s32 $0x4, v13;
	v18 =	vadd.s32 v6, v26;
	v12 =	vld.idx.msk [tilespmem:v20+s13+$0x0], $0xffff  }
.Ltmp24:
0x558: {  	v22 =	vmul.bf16 v11, v25;
	v25 =	vmul.bf16 v16, v14;
	v11 =	vld.idx.msk [tilespmem:v20+s14+$0x0], $0xffff;
	v16 =	vunpack.i.u.bf16.f32 v21;
	(pc) =	sbr.rel @p1 .LBB2_49-.Ltmp24, $4  }
0x559: {  	v20 =	vxor.u32 v0, v13;
	v21 =	vunpack.i.l.bf16.f32 v21;
	v14 =	vld.idx.msk [tilespmem:v19+s13+$0x0], $0xffff;
	v9 =	vadd.f32 v16, v9  }
0x55a: {  	v20 =	vadd.s32 v6, v20;
	v22 =	vadd.bf16 v25, v22;
	v25 =	vmul.bf16 v17, v15;
	v16 =	vld.idx.msk [tilespmem:v19+s14+$0x0], $0xffff  }
0x55b: {  	v17 =	vxor.u32 v2, v13;
	v10 =	vadd.f32 v21, v10;
	v15 =	vld.idx.msk [tilespmem:v23+s13+$0x0], $0xffff  }
0x55c: {  	s17 =	sadd.s32 $0xFFFFFFFF, s17;
	v19 =	vadd.s32 v6, v17;
	v21 =	vadd.bf16 v25, v22;
	v22 =	vmul.bf16 v27, v24;
	v17 =	vld.idx.msk [tilespmem:v23+s14+$0x0], $0xffff  }
0x55d: {  	_ =	sdelay $0x3  }
0x55e: {  	v23 =	vxor.u32 v3, v13;
	v24 =	vld.idx.msk [tilespmem:v18+s13+$0x0], $0xffff  }
0x55f: {  	v18 =	vld.idx.msk [tilespmem:v18+s14+$0x0], $0xffff;
	v23 =	vadd.s32 v6, v23  }
0x560: {  	v13 =	vxor.u32 v4, v13;
	v25 =	vld.idx.msk [tilespmem:v20+s13+$0x0], $0xffff  }
0x561: {  	v20 =	vld.idx.msk [tilespmem:v20+s14+$0x0], $0xffff;
	v13 =	vadd.s32 v6, v13  }
0x562: {  	v26 =	vld.idx.msk [tilespmem:v19+s13+$0x0], $0xffff  }
0x563: {  	v19 =	vld.idx.msk [tilespmem:v19+s14+$0x0], $0xffff  }
0x564: {  	v27 =	vld.idx.msk [tilespmem:v23+s13+$0x0], $0xffff  }
0x565: {  	v11 =	vmul.bf16 v11, v12;
	v12 =	vmul.bf16 v16, v14;
	v14 =	vld.idx.msk [tilespmem:v23+s14+$0x0], $0xffff  }
0x566: {  	v16 =	vld.idx.msk [tilespmem:v13+s13+$0x0], $0xffff  }
0x567: {  	v11 =	vadd.bf16 v12, v11;
	v12 =	vmul.bf16 v17, v15;
	v13 =	vld.idx.msk [tilespmem:v13+s14+$0x0], $0xffff  }
0x568: {  	v15 =	vmul.bf16 v20, v25;
	v17 =	vmul.bf16 v19, v26  }
0x569: {  	v19 =	vadd.bf16 v22, v21;
	v11 =	vadd.bf16 v12, v11  }
0x56a: {  	v12 =	vmul.bf16 v18, v24;
	v15 =	vadd.bf16 v17, v15;
	v14 =	vmul.bf16 v14, v27  }
0x56b: {  	v17 =	vunpack.i.u.bf16.f32 v19;
	v18 =	vunpack.i.l.bf16.f32 v19  }
0x56c: {  	v11 =	vadd.bf16 v12, v11;
	v13 =	vmul.bf16 v13, v16;
	v12 =	vadd.bf16 v14, v15  }
0x56d: {  	v9 =	vadd.f32 v17, v9;
	v10 =	vadd.f32 v18, v10  }
0x56e: {  	v14 =	vunpack.i.u.bf16.f32 v11;
	v11 =	vunpack.i.l.bf16.f32 v11;
	v12 =	vadd.bf16 v13, v12  }
0x56f: {  	v9 =	vadd.f32 v14, v9;
	v10 =	vadd.f32 v11, v10  }
0x570: {  	v11 =	vunpack.i.u.bf16.f32 v12;
	v12 =	vunpack.i.l.bf16.f32 v12  }
0x571: {  	v9 =	vadd.f32 v11, v9;
	v10 =	vadd.f32 v12, v10;
	_ =	sdelay $0x1  }
0x572: {  	v9 =	vadd.f32 v9, v10;
	_ =	sdelay $0x1  }
0x573: {  	v9 =	vsub.f32 $0.0e+00, v9;
	_ =	sdelay $0x1  }
0x574: {  	v9 =	vmul.f32 $1.442695020e+00, v9;
	_ =	sdelay $0x1  }
0x575: {  	(erf) = vpow2.f32 v9;
	_ =	sdelay $0x8  }
0x576: {  	v9 =	vpop (erf)  }
0x577: {  	v9 =	vadd.f32 $1.000000000e+00, v9;
	_ =	sdelay $0x1  }
0x578: {  	(erf) = vrcp.f32 v9;
	_ =	sdelay $0x3  }
0x579: {  	v9 =	vimm.s32 $0x0  }
0x57a: {  	v10 =	vxor.u32 v0, v9  }
0x57b: {  	v10 =	vadd.s32 v7, v10  }
0x57c: {  	v11 =	vxor.u32 v2, v9  }
0x57d: {  	v11 =	vadd.s32 v7, v11  }
0x57e: {  	v13 =	vxor.u32 v3, v9;
	v12 =	vpop (erf)  }
0x57f: {  	[tilespmem:$0x1B140] =	vst v12;
	v12 =	vadd.s32 v7, v13  }
0x580: {  	v14 =	vld.idx.msk [tilespmem:v10+s13+$0x0], $0xffff  }
0x581: {  	v15 =	vadd.s32 $0x4, v9;
	v13 =	vxor.u32 v4, v9;
	v9 =	vld.idx.msk [tilespmem:v10+s14+$0x0], $0xffff  }
0x582: {  	v13 =	vadd.s32 v7, v13;
	v16 =	vld.idx.msk [tilespmem:v11+s13+$0x0], $0xffff  }
0x583: {  	v10 =	vxor.u32 v0, v15;
	v17 =	vld.idx.msk [tilespmem:v11+s14+$0x0], $0xffff  }
0x584: {  	v10 =	vadd.s32 v7, v10;
	v18 =	vld.idx.msk [tilespmem:v12+s13+$0x0], $0xffff  }
0x585: {  	v11 =	vxor.u32 v2, v15;
	v20 =	vld.idx.msk [tilespmem:v12+s14+$0x0], $0xffff  }
0x586: {  	v19 =	vadd.s32 v7, v11  }
0x587: {  	v11 =	vxor.u32 v3, v15;
	v22 =	vld.idx.msk [tilespmem:v13+s13+$0x0], $0xffff  }
0x588: {  	v21 =	vadd.s32 v7, v11;
	v23 =	vld.idx.msk [tilespmem:v13+s14+$0x0], $0xffff  }
0x589: {  	v13 =	vadd.s32 $0x4, v15;
	v17 =	vmul.bf16 v17, v16;
	v15 =	vxor.u32 v4, v15;
	v12 =	vld.idx.msk [tilespmem:v10+s13+$0x0], $0xffff  }
0x58a: {  	v11 =	vld.idx.msk [tilespmem:v10+s14+$0x0], $0xffff;
	v10 =	vmul.bf16 v9, v14;
	v63 =	vmul.bf16 v20, v18;
	v18 =	vadd.s32 v7, v15  }
0x58b: {  	v62 =	vxor.u32 v0, v13;
	v14 =	vld.idx.msk [tilespmem:v19+s13+$0x0], $0xffff  }
0x58c: {  	v16 =	vld.idx.msk [tilespmem:v19+s14+$0x0], $0xffff;
	v10 =	vadd.bf16 v17, v10;
	v17 =	vxor.u32 v2, v13;
	v20 =	vadd.s32 v7, v62  }
0x58d: {  	v9 =	vimm.f32 $0.0e+00;
	v15 =	vld.idx.msk [tilespmem:v21+s13+$0x0], $0xffff;
	v19 =	vadd.s32 v7, v17  }
0x58e: {  	s17 =	simm.s32 $0xD;
	v17 =	vld.idx.msk [tilespmem:v21+s14+$0x0], $0xffff;
	v22 =	vmul.bf16 v23, v22;
	v21 =	vadd.bf16 v63, v10;
	v10 =	vimm.f32 $0.0e+00  }
.LBB2_51:
0x58f: {  	p1 =	sne.s32 s17, $0x1;
	v23 =	vxor.u32 v3, v13;
	v24 =	vld.idx.msk [tilespmem:v18+s13+$0x0], $0xffff;
	v25 =	vmov v12  }
0x590: {  	v26 =	vxor.u32 v4, v13;
	v23 =	vadd.s32 v7, v23;
	v27 =	vld.idx.msk [tilespmem:v18+s14+$0x0], $0xffff;
	v21 =	vadd.bf16 v22, v21  }
0x591: {  	v13 =	vadd.s32 $0x4, v13;
	v18 =	vadd.s32 v7, v26;
	v12 =	vld.idx.msk [tilespmem:v20+s13+$0x0], $0xffff  }
.Ltmp25:
0x592: {  	v22 =	vmul.bf16 v11, v25;
	v25 =	vmul.bf16 v16, v14;
	v11 =	vld.idx.msk [tilespmem:v20+s14+$0x0], $0xffff;
	v16 =	vunpack.i.u.bf16.f32 v21;
	(pc) =	sbr.rel @p1 .LBB2_51-.Ltmp25, $4  }
0x593: {  	v20 =	vxor.u32 v0, v13;
	v21 =	vunpack.i.l.bf16.f32 v21;
	v14 =	vld.idx.msk [tilespmem:v19+s13+$0x0], $0xffff;
	v9 =	vadd.f32 v16, v9  }
0x594: {  	v20 =	vadd.s32 v7, v20;
	v22 =	vadd.bf16 v25, v22;
	v25 =	vmul.bf16 v17, v15;
	v16 =	vld.idx.msk [tilespmem:v19+s14+$0x0], $0xffff  }
0x595: {  	v17 =	vxor.u32 v2, v13;
	v10 =	vadd.f32 v21, v10;
	v15 =	vld.idx.msk [tilespmem:v23+s13+$0x0], $0xffff  }
0x596: {  	s17 =	sadd.s32 $0xFFFFFFFF, s17;
	v19 =	vadd.s32 v7, v17;
	v21 =	vadd.bf16 v25, v22;
	v22 =	vmul.bf16 v27, v24;
	v17 =	vld.idx.msk [tilespmem:v23+s14+$0x0], $0xffff  }
0x597: {  	_ =	sdelay $0x3  }
0x598: {  	v23 =	vxor.u32 v3, v13;
	v24 =	vld.idx.msk [tilespmem:v18+s13+$0x0], $0xffff  }
0x599: {  	v18 =	vld.idx.msk [tilespmem:v18+s14+$0x0], $0xffff;
	v23 =	vadd.s32 v7, v23  }
0x59a: {  	v13 =	vxor.u32 v4, v13;
	v25 =	vld.idx.msk [tilespmem:v20+s13+$0x0], $0xffff  }
0x59b: {  	v20 =	vld.idx.msk [tilespmem:v20+s14+$0x0], $0xffff;
	v13 =	vadd.s32 v7, v13  }
0x59c: {  	v26 =	vld.idx.msk [tilespmem:v19+s13+$0x0], $0xffff  }
0x59d: {  	v19 =	vld.idx.msk [tilespmem:v19+s14+$0x0], $0xffff  }
0x59e: {  	v27 =	vld.idx.msk [tilespmem:v23+s13+$0x0], $0xffff  }
0x59f: {  	v11 =	vmul.bf16 v11, v12;
	v12 =	vmul.bf16 v16, v14;
	v14 =	vld.idx.msk [tilespmem:v23+s14+$0x0], $0xffff  }
0x5a0: {  	v16 =	vld.idx.msk [tilespmem:v13+s13+$0x0], $0xffff  }
0x5a1: {  	v11 =	vadd.bf16 v12, v11;
	v12 =	vmul.bf16 v17, v15;
	v13 =	vld.idx.msk [tilespmem:v13+s14+$0x0], $0xffff  }
0x5a2: {  	v15 =	vmul.bf16 v20, v25;
	v17 =	vmul.bf16 v19, v26  }
0x5a3: {  	v19 =	vadd.bf16 v22, v21;
	v11 =	vadd.bf16 v12, v11  }
0x5a4: {  	v12 =	vmul.bf16 v18, v24;
	v15 =	vadd.bf16 v17, v15;
	v14 =	vmul.bf16 v14, v27  }
0x5a5: {  	v17 =	vunpack.i.u.bf16.f32 v19;
	v18 =	vunpack.i.l.bf16.f32 v19  }
0x5a6: {  	v11 =	vadd.bf16 v12, v11;
	v13 =	vmul.bf16 v13, v16;
	v12 =	vadd.bf16 v14, v15  }
0x5a7: {  	v9 =	vadd.f32 v17, v9;
	v10 =	vadd.f32 v18, v10  }
0x5a8: {  	v14 =	vunpack.i.u.bf16.f32 v11;
	v11 =	vunpack.i.l.bf16.f32 v11;
	v12 =	vadd.bf16 v13, v12  }
0x5a9: {  	v9 =	vadd.f32 v14, v9;
	v10 =	vadd.f32 v11, v10  }
0x5aa: {  	v11 =	vunpack.i.u.bf16.f32 v12;
	v12 =	vunpack.i.l.bf16.f32 v12  }
0x5ab: {  	v9 =	vadd.f32 v11, v9;
	v10 =	vadd.f32 v12, v10;
	_ =	sdelay $0x1  }
0x5ac: {  	v9 =	vadd.f32 v9, v10;
	_ =	sdelay $0x1  }
0x5ad: {  	v9 =	vsub.f32 $0.0e+00, v9;
	_ =	sdelay $0x1  }
0x5ae: {  	v9 =	vmul.f32 $1.442695020e+00, v9;
	_ =	sdelay $0x1  }
0x5af: {  	(erf) = vpow2.f32 v9;
	_ =	sdelay $0x8  }
0x5b0: {  	v9 =	vpop (erf)  }
0x5b1: {  	v9 =	vadd.f32 $1.000000000e+00, v9;
	_ =	sdelay $0x1  }
0x5b2: {  	(erf) = vrcp.f32 v9;
	_ =	sdelay $0x3  }
0x5b3: {  	v9 =	vimm.s32 $0x0  }
0x5b4: {  	v10 =	vxor.u32 v0, v9  }
0x5b5: {  	v10 =	vadd.s32 v8, v10  }
0x5b6: {  	v11 =	vxor.u32 v2, v9  }
0x5b7: {  	v11 =	vadd.s32 v8, v11  }
0x5b8: {  	v13 =	vxor.u32 v3, v9;
	v12 =	vpop (erf)  }
0x5b9: {  	[tilespmem:$0x1B150] =	vst v12;
	v12 =	vadd.s32 v8, v13  }
0x5ba: {  	v14 =	vld.idx.msk [tilespmem:v10+s13+$0x0], $0xffff  }
0x5bb: {  	v15 =	vadd.s32 $0x4, v9;
	v13 =	vxor.u32 v4, v9;
	v9 =	vld.idx.msk [tilespmem:v10+s14+$0x0], $0xffff  }
0x5bc: {  	v13 =	vadd.s32 v8, v13;
	v16 =	vld.idx.msk [tilespmem:v11+s13+$0x0], $0xffff  }
0x5bd: {  	v10 =	vxor.u32 v0, v15;
	v17 =	vld.idx.msk [tilespmem:v11+s14+$0x0], $0xffff  }
0x5be: {  	v10 =	vadd.s32 v8, v10;
	v18 =	vld.idx.msk [tilespmem:v12+s13+$0x0], $0xffff  }
0x5bf: {  	v11 =	vxor.u32 v2, v15;
	v20 =	vld.idx.msk [tilespmem:v12+s14+$0x0], $0xffff  }
0x5c0: {  	v19 =	vadd.s32 v8, v11  }
0x5c1: {  	v11 =	vxor.u32 v3, v15;
	v22 =	vld.idx.msk [tilespmem:v13+s13+$0x0], $0xffff  }
0x5c2: {  	v21 =	vadd.s32 v8, v11;
	v23 =	vld.idx.msk [tilespmem:v13+s14+$0x0], $0xffff  }
0x5c3: {  	v13 =	vadd.s32 $0x4, v15;
	v17 =	vmul.bf16 v17, v16;
	v15 =	vxor.u32 v4, v15;
	v12 =	vld.idx.msk [tilespmem:v10+s13+$0x0], $0xffff  }
0x5c4: {  	v11 =	vld.idx.msk [tilespmem:v10+s14+$0x0], $0xffff;
	v10 =	vmul.bf16 v9, v14;
	v63 =	vmul.bf16 v20, v18;
	v18 =	vadd.s32 v8, v15  }
0x5c5: {  	v62 =	vxor.u32 v0, v13;
	v14 =	vld.idx.msk [tilespmem:v19+s13+$0x0], $0xffff  }
0x5c6: {  	v16 =	vld.idx.msk [tilespmem:v19+s14+$0x0], $0xffff;
	v10 =	vadd.bf16 v17, v10;
	v17 =	vxor.u32 v2, v13;
	v20 =	vadd.s32 v8, v62  }
0x5c7: {  	v9 =	vimm.f32 $0.0e+00;
	v15 =	vld.idx.msk [tilespmem:v21+s13+$0x0], $0xffff;
	v19 =	vadd.s32 v8, v17  }
0x5c8: {  	s17 =	simm.s32 $0xD;
	v17 =	vld.idx.msk [tilespmem:v21+s14+$0x0], $0xffff;
	v22 =	vmul.bf16 v23, v22;
	v21 =	vadd.bf16 v63, v10;
	v10 =	vimm.f32 $0.0e+00  }
.LBB2_53:
0x5c9: {  	p1 =	sne.s32 s17, $0x1;
	v23 =	vxor.u32 v3, v13;
	v24 =	vld.idx.msk [tilespmem:v18+s13+$0x0], $0xffff;
	v25 =	vmov v12  }
0x5ca: {  	v26 =	vxor.u32 v4, v13;
	v23 =	vadd.s32 v8, v23;
	v27 =	vld.idx.msk [tilespmem:v18+s14+$0x0], $0xffff;
	v21 =	vadd.bf16 v22, v21  }
0x5cb: {  	v13 =	vadd.s32 $0x4, v13;
	v18 =	vadd.s32 v8, v26;
	v12 =	vld.idx.msk [tilespmem:v20+s13+$0x0], $0xffff  }
.Ltmp26:
0x5cc: {  	v22 =	vmul.bf16 v11, v25;
	v25 =	vmul.bf16 v16, v14;
	v11 =	vld.idx.msk [tilespmem:v20+s14+$0x0], $0xffff;
	v16 =	vunpack.i.u.bf16.f32 v21;
	(pc) =	sbr.rel @p1 .LBB2_53-.Ltmp26, $4  }
0x5cd: {  	v20 =	vxor.u32 v0, v13;
	v21 =	vunpack.i.l.bf16.f32 v21;
	v14 =	vld.idx.msk [tilespmem:v19+s13+$0x0], $0xffff;
	v9 =	vadd.f32 v16, v9  }
0x5ce: {  	v20 =	vadd.s32 v8, v20;
	v22 =	vadd.bf16 v25, v22;
	v25 =	vmul.bf16 v17, v15;
	v16 =	vld.idx.msk [tilespmem:v19+s14+$0x0], $0xffff  }
0x5cf: {  	v17 =	vxor.u32 v2, v13;
	v10 =	vadd.f32 v21, v10;
	v15 =	vld.idx.msk [tilespmem:v23+s13+$0x0], $0xffff  }
0x5d0: {  	s17 =	sadd.s32 $0xFFFFFFFF, s17;
	v19 =	vadd.s32 v8, v17;
	v21 =	vadd.bf16 v25, v22;
	v22 =	vmul.bf16 v27, v24;
	v17 =	vld.idx.msk [tilespmem:v23+s14+$0x0], $0xffff  }
0x5d1: {  	_ =	sdelay $0x3  }
0x5d2: {  	v23 =	vxor.u32 v3, v13;
	v24 =	vld.idx.msk [tilespmem:v18+s13+$0x0], $0xffff  }
0x5d3: {  	v48 =	vld.idx.msk [tilespmem:v18+s14+$0x0], $0xffff;
	v23 =	vadd.s32 v8, v23  }
0x5d4: {  	v49 =	vxor.u32 v4, v13;
	v25 =	vld.idx.msk [tilespmem:v20+s13+$0x0], $0xffff  }
0x5d5: {  	v50 =	vld.idx.msk [tilespmem:v20+s14+$0x0], $0xffff;
	v13 =	vadd.s32 v8, v49  }
0x5d6: {  	v26 =	vld.idx.msk [tilespmem:v19+s13+$0x0], $0xffff  }
0x5d7: {  	v51 =	vld.idx.msk [tilespmem:v19+s14+$0x0], $0xffff  }
0x5d8: {  	v27 =	vld.idx.msk [tilespmem:v23+s13+$0x0], $0xffff  }
0x5d9: {  	v53 =	vld.idx.msk [tilespmem:v23+s14+$0x0], $0xffff  }
0x5da: {  	v11 =	vmul.bf16 v11, v12;
	v52 =	vmul.bf16 v16, v14;
	v54 =	vld.idx.msk [tilespmem:v13+s13+$0x0], $0xffff  }
0x5db: {  	v55 =	vmul.bf16 v17, v15;
	v13 =	vld.idx.msk [tilespmem:v13+s14+$0x0], $0xffff  }
0x5dc: {  	v11 =	vadd.bf16 v52, v11;
	v56 =	vmul.bf16 v50, v25;
	v57 =	vmul.bf16 v51, v26  }
0x5dd: {  	v58 =	vadd.bf16 v22, v21;
	v59 =	vmul.bf16 v48, v24  }
0x5de: {  	v11 =	vadd.bf16 v55, v11;
	v15 =	vadd.bf16 v57, v56;
	v14 =	vmul.bf16 v53, v27  }
0x5df: {  	v60 =	vunpack.i.u.bf16.f32 v58;
	v61 =	vunpack.i.l.bf16.f32 v58  }
0x5e0: {  	v11 =	vadd.bf16 v59, v11;
	v13 =	vmul.bf16 v13, v54;
	v62 =	vadd.bf16 v14, v15  }
0x5e1: {  	v9 =	vadd.f32 v60, v9;
	v10 =	vadd.f32 v61, v10  }
0x5e2: {  	v63 =	vunpack.i.u.bf16.f32 v11;
	v11 =	vunpack.i.l.bf16.f32 v11;
	v12 =	vadd.bf16 v13, v62  }
0x5e3: {  	v9 =	vadd.f32 v63, v9;
	v10 =	vadd.f32 v11, v10  }
0x5e4: {  	v11 =	vunpack.i.u.bf16.f32 v12;
	v12 =	vunpack.i.l.bf16.f32 v12  }
0x5e5: {  	v9 =	vadd.f32 v11, v9;
	v10 =	vadd.f32 v12, v10;
	_ =	sdelay $0x1  }
0x5e6: {  	v9 =	vadd.f32 v9, v10;
	_ =	sdelay $0x1  }
0x5e7: {  	v9 =	vsub.f32 $0.0e+00, v9;
	_ =	sdelay $0x1  }
0x5e8: {  	v9 =	vmul.f32 $1.442695020e+00, v9;
	_ =	sdelay $0x1  }
0x5e9: {  	(erf) = vpow2.f32 v9;
	_ =	sdelay $0x8  }
0x5ea: {  	v9 =	vpop (erf)  }
0x5eb: {  	v9 =	vadd.f32 $1.000000000e+00, v9;
	_ =	sdelay $0x1  }
0x5ec: {  	(erf) = vrcp.f32 v9;
	_ =	sdelay $0x7  }
0x5ed: {  	s15 =	sadd.s32 $0x1, s15  }
0x5ee: {  	p1 =	sne.s32 s15, s7;
	v9 =	vpop (erf)  }
.Ltmp27:
0x5ef: {  	[tilespmem:$0x1B160] =	vst v9;
	(pc) =	sbr.rel @p1 .LBB2_1-.Ltmp27, $4  }
0x5f0: {  	[hbm4b:s6+s3] =	stream.linear.scatter [tilespmem:s1], [sflag:$0x5], $0x2710, $0x38;
	[tilespmem:$0x1B170] =	vst v63  }
0x5f1: {  	_ =	swait.ge [sflag:s10], $0x2710  }
0x5f2: {  	[sflag:s10] =	ssyncset.done $0x0  }
0x5f3: {  	[sflag:s10] =	ssyncadd.s32 $0xFFFFD8F0  }
0x5f4: {  	_ =	sfence.sel $0x180000  }
0x5f5: {  	[bflag:$0x0] =	sbarrier.arrive $0xFFFF  }
0x5f6: {  	_ =	strace $0x90000047  }
0x5f7: {  	[bflag:$0x2] =	sbarrier.arrive $0xFFFF  }
0x5f8: {  	s0 =	rddreg [dreg:$0x3]  }
0x5f9: {  	s0 =	sadd.s32 @!p0 $0x100000, s0  }
0x5fa: {  	[sflag:s0] =	ssyncadd.tile.s32 @!p0 $0x1;
	_ =	shalt  }
.Lfunc_end2:
_tile_overlayer_lowered:
.L_overlay_start_2:
0x5fb: {  	(tag) =	ssettag $0x2  }
0x5fc: {  	s0 =	rddreg [dreg:$0x0];
	s2 =	stileid.u32  }
0x5fd: {  	s1 =	rddreg [dreg:$0x1];
	p0 =	sne.s32 s2, $0x0  }
0x5fe: {  	s3 =	rddreg [dreg:$0x2];
	[bflag:$0x3] =	sbarrier.arrive $0xFFFF;
	s2 =	simm.s32 @!p0 $0x1C05  }
0x5ff: {  	[timem:s3], [sflag:s2] =	dma.local @!p0 [hbm:s0], s1  }
0x600: {  	s0 =	simm.s32 @!p0 $0x5  }
0x601: {  	_ =	swait.ge @!p0 [sflag:s0], s1  }
0x602: {  	s1 =	ssub.s32 @!p0 $0x0, s1;
	[sflag:s0] =	ssyncset.done @!p0 $0x0  }
0x603: {  	[sflag:s0] =	ssyncadd.s32 @!p0 s1  }
0x604: {  	[bflag:$0x3] =	sbarrier.arrive $0xFFFF  }
0x605: {  	_ =	shalt  }

</sc_bundles>
